<compile_context>
chip_gen: v7x
topology: tpu7x:2x2x1
jax: 0.10.2.dev20260603
libtpu: 0.0.44.dev20260713+nightly
codegen_flags: <defaults>
</compile_context>

<pallas_src>
import functools
import jax
import jax.numpy as jnp
from jax import lax
from jax.experimental import pallas as pl
from jax.experimental.pallas import tpu as pltpu
from jax.experimental.pallas import tpu_sc as plsc

_NC = 2
_NS = 16
_NW = _NC * _NS
_CH = 80
_G = 64

_f32 = jnp.float32


def _sc_mesh():
  return plsc.VectorSubcoreMesh(
      core_axis_name="c", subcore_axis_name="s",
      num_cores=_NC, num_subcores=_NS)


def _zero_1d(ref, n):
  def body(i, carry):
    ref[pl.ds(i * 16, 16)] = jnp.zeros((16,), ref.dtype)
    return carry
  lax.fori_loop(0, n // 16, body, 0)


def _fill_1d(ref, n, val):
  def body(i, carry):
    ref[pl.ds(i * 16, 16)] = jnp.full((16,), val, ref.dtype)
    return carry
  lax.fori_loop(0, n // 16, body, 0)
  if n % 16:
    ref[pl.ds(n - 16, 16)] = jnp.full((16,), val, ref.dtype)


def _zero_2d(ref, rows):
  def body(i, carry):
    for k in range(8):
      ref[i, pl.ds(k * 16, 16)] = jnp.zeros((16,), ref.dtype)
    return carry
  lax.fori_loop(0, rows, body, 0)


def _make_deg_kernel(n, kc):
  @functools.partial(
      pl.kernel,
      out_type=(jax.ShapeDtypeStruct((n,), _f32),
                jax.ShapeDtypeStruct((n,), _f32)),
      mesh=_sc_mesh(),
      scratch_types=[
          pltpu.VMEM_SHARED((n,), _f32),
          pltpu.VMEM((kc, _CH), jnp.int32),
          pltpu.VMEM((640,), _f32),
          pltpu.VMEM((_CH,), _f32),
          [pltpu.SemaphoreType.DMA] * 4,
      ],
  )
  def deg_kernel(dst3, out0, out1, deg_sp, dst_v, zbuf, ones, u):
    c = lax.axis_index("c")
    s = lax.axis_index("s")
    wid = s * _NC + c
    _zero_1d(zbuf, 640)
    _fill_1d(ones, _CH, 1.0)
    start = jnp.minimum(s * 640, n - 640)
    pltpu.sync_copy(zbuf, deg_sp.at[pl.ds(start, 640)])
    pltpu.sync_copy(dst3.at[wid], dst_v)
    plsc.subcore_barrier()

    def sadd(j, sem):
      return pltpu.make_async_copy(ones, deg_sp.at[dst_v.at[j]], sem)

    for j in range(3):
      sadd(j, u[j]).start(add=True)

    def chunk(o, carry):
      for b in range(4):
        j = 4 * o + b
        sadd(j + 3, u[(b + 3) % 4]).start(add=True)
        sadd(j, u[b]).wait()
      return carry
    nr = (kc - 5) // 4
    lax.fori_loop(0, nr, chunk, 0)
    for jj in range(4 * nr, kc):
      if jj + 3 < kc:
        sadd(jj + 3, u[(jj + 3) % 4]).start(add=True)
      sadd(jj, u[jj % 4]).wait()
    plsc.subcore_barrier()

    pltpu.sync_copy(deg_sp.at[pl.ds(start, 640)], zbuf)

    @pl.when(c == 0)
    def _():
      pltpu.sync_copy(zbuf, out0.at[pl.ds(start, 640)])

    @pl.when(c == 1)
    def _():
      pltpu.sync_copy(zbuf, out1.at[pl.ds(start, 640)])

  return deg_kernel


def _make_scatter_kernel(n, d, kc):
  nck = 8
  rck = _CH

  @functools.partial(
      pl.kernel,
      out_type=jax.ShapeDtypeStruct((_NC, n, d), _f32),
      mesh=_sc_mesh(),
      scratch_types=[
          pltpu.VMEM_SHARED((n, d), _f32),
          pltpu.VMEM((kc * _CH,), jnp.int32),
          [pltpu.VMEM((_CH, d), _f32)] * 3,
          [pltpu.VMEM((_CH,), jnp.int32)] * 3,
          [pltpu.SemaphoreType.DMA] * 3,
          [pltpu.SemaphoreType.DMA] * 3,
          [pltpu.SemaphoreType.DMA] * 3,
      ],
  )
  def scatter_kernel(hws, src1, dst1, out, acc_sp, src_v,
                     rows, dc, g, sc, t):
    c = lax.axis_index("c")
    s = lax.axis_index("s")
    wid = s * _NC + c
    ew = kc * _CH
    srcload = lambda: pltpu.make_async_copy(
        src1.at[pl.ds(wid * ew, ew)], src_v, g[0])
    srcload().start()
    _zero_2d(rows[0], rck)
    r0 = jnp.minimum(s * (nck * rck), n - nck * rck)

    def zinit(k):
      return pltpu.make_async_copy(
          rows[0], acc_sp.at[pl.ds(r0 + k * rck, rck)], sc[k % 3])
    for k in range(nck):
      zinit(k).start()
    for k in range(nck):
      zinit(k).wait()
    srcload().wait()

    def gath(j, buf, sem):
      return pltpu.make_async_copy(
          hws.at[src_v.at[pl.ds(j * _CH, _CH)]], buf, sem)

    def stg(j, dcb, sem):
      return pltpu.make_async_copy(
          dst1.at[pl.ds(wid * ew + j * _CH, _CH)], dcb, sem)

    def scat(buf, dcb, sem):
      return pltpu.make_async_copy(buf, acc_sp.at[dcb], sem)

    for b in range(3):
      stg(b, dc[b], t[b]).start()
      gath(b, rows[b], g[b]).start()
    plsc.subcore_barrier()

    def body(o, carry):
      for b in range(3):
        j = 3 * o + b
        gath(j, rows[b], g[b]).wait()
        stg(j, dc[b], t[b]).wait()
        scat(rows[b], dc[b], sc[b]).start(add=True)
        scat(rows[b], dc[b], sc[b]).wait()
        stg(j + 3, dc[b], t[b]).start()
        gath(j + 3, rows[b], g[b]).start()
      return carry
    lax.fori_loop(0, kc // 3 - 1, body, 0)
    for jj in range(3 * (kc // 3 - 1), kc):
      b = jj % 3
      gath(jj, rows[b], g[b]).wait()
      stg(jj, dc[b], t[b]).wait()
      scat(rows[b], dc[b], sc[b]).start(add=True)
      scat(rows[b], dc[b], sc[b]).wait()
      if jj + 3 < kc:
        stg(jj + 3, dc[b], t[b]).start()
        gath(jj + 3, rows[b], g[b]).start()
    plsc.subcore_barrier()

    def cp_in(k, b):
      return pltpu.make_async_copy(
          acc_sp.at[pl.ds(r0 + k * rck, rck)], rows[b], g[b])

    def cp_out(k, b):
      return pltpu.make_async_copy(
          rows[b], out.at[c, pl.ds(r0 + k * rck, rck)], sc[b])

    for k in range(nck):
      b = k % 2
      if k >= 2:
        cp_out(k - 2, b).wait()
      cp_in(k, b).start()
      cp_in(k, b).wait()
      cp_out(k, b).start()
    for k in range(nck - 2, nck):
      cp_out(k, k % 2).wait()

  return scatter_kernel


_PREC = lax.Precision.DEFAULT


def _dinv(c0_ref, c1_ref):
  return lax.rsqrt(c0_ref[...][:, 0] + c1_ref[...][:, 0] + 1.0)


def _mm_scale_body(x_ref, w_ref, c0_ref, c1_ref, hws_ref):
  dinv = _dinv(c0_ref, c1_ref)
  hw = jnp.dot(x_ref[...], w_ref[...],
               preferred_element_type=_f32, precision=_PREC)
  hws_ref[...] = hw * dinv[:, None]


def _mid_body(acc_ref, hws_ref, c0_ref, c1_ref, b_ref, w_ref, out_ref):
  dinv = _dinv(c0_ref, c1_ref)[:, None]
  acc = acc_ref[0] + acc_ref[1]
  h = jnp.maximum(dinv * (acc + hws_ref[...]) + b_ref[...], 0.0)
  hw = jnp.dot(h, w_ref[...], preferred_element_type=_f32, precision=_PREC)
  out_ref[...] = hw * dinv


def _final_body(acc_ref, hws_ref, c0_ref, c1_ref, b_ref, batch_ref, wl_ref,
                bl_ref, out_ref, sums_sc, cnts_sc):
  i = pl.program_id(0)
  dinv = _dinv(c0_ref, c1_ref)[:, None]
  acc = acc_ref[0] + acc_ref[1]
  h = dinv * (acc + hws_ref[...]) + b_ref[...]
  rb = h.shape[0]
  oneh = (batch_ref[...] ==
          lax.broadcasted_iota(jnp.int32, (rb, _G), 1)).astype(_f32)
  dn = (((0,), (0,)), ((), ()))
  part = lax.dot_general(oneh, h, dn, preferred_element_type=_f32,
                         precision=_PREC)
  partc = lax.dot_general(oneh, jnp.ones((rb, h.shape[1]), _f32), dn,
                          preferred_element_type=_f32, precision=_PREC)

  @pl.when(i == 0)
  def _():
    sums_sc[...] = jnp.zeros_like(sums_sc)
    cnts_sc[...] = jnp.zeros_like(cnts_sc)

  sums_sc[...] += part
  cnts_sc[...] += partc

  @pl.when(i == pl.num_programs(0) - 1)
  def _():
    pooled = jnp.maximum(sums_sc[...] / jnp.maximum(cnts_sc[...], 1.0), 0.0)
    out_ref[...] = jnp.dot(pooled, wl_ref[...],
                           preferred_element_type=_f32,
                           precision=_PREC) + bl_ref[...]


def kernel(x, edge_index, batch, W1, b1, W2, b2, Wl, bl):
  n, d = x.shape
  e = edge_index.shape[1]
  h2 = W2.shape[1]
  o = Wl.shape[1]
  ew = e // _NW
  kc = ew // _CH
  assert ew * _NW == e and kc * _CH == ew and n % _NS == 0

  src1 = edge_index[0]
  dst1 = edge_index[1]
  dst3 = dst1.reshape(_NW, kc, _CH)
  batch2d = batch.reshape(n, 1)
  b1r = b1.reshape(1, d)
  b2r = b2.reshape(1, h2)
  blr = bl.reshape(1, o)

  c0, c1 = _make_deg_kernel(n, kc)(dst3)
  c0 = c0.reshape(n, 1)
  c1 = c1.reshape(n, 1)
  scatter = _make_scatter_kernel(n, d, kc)

  rb = 5000
  grid = (n // rb,)
  row_spec = pl.BlockSpec((rb, d), lambda i: (i, 0))
  cnt_spec = pl.BlockSpec((rb, 1), lambda i: (i, 0))
  acc_spec = pl.BlockSpec((_NC, rb, d), lambda i: (0, i, 0))
  w_spec = pl.BlockSpec((d, d), lambda i: (0, 0))
  b_spec = pl.BlockSpec((1, d), lambda i: (0, 0))

  hws1 = pl.pallas_call(
      _mm_scale_body, grid=grid,
      in_specs=[row_spec, w_spec, cnt_spec, cnt_spec],
      out_specs=row_spec,
      out_shape=jax.ShapeDtypeStruct((n, d), _f32),
  )(x, W1, c0, c1)

  acc1 = scatter(hws1, src1, dst1)

  hws2 = pl.pallas_call(
      _mid_body, grid=grid,
      in_specs=[acc_spec, row_spec, cnt_spec, cnt_spec, b_spec, w_spec],
      out_specs=row_spec,
      out_shape=jax.ShapeDtypeStruct((n, h2), _f32),
  )(acc1, hws1, c0, c1, b1r, W2)

  acc2 = scatter(hws2, src1, dst1)

  out = pl.pallas_call(
      _final_body, grid=grid,
      in_specs=[acc_spec, row_spec, cnt_spec, cnt_spec, b_spec,
                pl.BlockSpec((rb, 1), lambda i: (i, 0)),
                pl.BlockSpec((d, o), lambda i: (0, 0)),
                pl.BlockSpec((1, o), lambda i: (0, 0))],
      out_specs=pl.BlockSpec((_G, o), lambda i: (0, 0)),
      out_shape=jax.ShapeDtypeStruct((_G, o), _f32),
      scratch_shapes=[pltpu.VMEM((_G, d), _f32),
                      pltpu.VMEM((_G, d), _f32)],
  )(acc2, hws2, c0, c1, b2r, batch2d, Wl, blr)

  return out

# --- scband reference (transcript-rebuilt; emitter-appended) ---
"""Pipeline reference for scband-simple-gcn-77876347011160 (READ-ONLY COPY).

The authoritative reference and input builder live on the scoring server;
editing this copy changes nothing except your own understanding.
"""

import jax, jax.numpy as jnp
import numpy as np

N = 10000
E = 320000
D = 128
H1 = 128
H2 = 128
OUT = 10
G = 64


def setup_inputs(seed: int = 0) -> dict:
    key = jax.random.key(seed)
    ks = jax.random.split(key, 10)
    x = jax.random.normal(ks[0], (N, D), dtype=jnp.float32)
    edge_index = jax.random.randint(ks[1], (2, E), 0, N, dtype=jnp.int32)
    batch = jnp.sort(jax.random.randint(ks[2], (N,), 0, G, dtype=jnp.int32))
    W1 = jax.random.normal(ks[3], (D, H1), dtype=jnp.float32) * 0.05
    b1 = jnp.zeros((H1,), dtype=jnp.float32)
    W2 = jax.random.normal(ks[4], (H1, H2), dtype=jnp.float32) * 0.05
    b2 = jnp.zeros((H2,), dtype=jnp.float32)
    Wl = jax.random.normal(ks[5], (H2, OUT), dtype=jnp.float32) * 0.05
    bl = jnp.zeros((OUT,), dtype=jnp.float32)
    return {"x": x, "edge_index": edge_index, "batch": batch,
            "W1": W1, "b1": b1, "W2": W2, "b2": b2, "Wl": Wl, "bl": bl}


def _gcn_conv(h, W, b, src, dst, n):
    # GCNConv with default add_self_loops=True and symmetric normalization
    loop = jnp.arange(n, dtype=src.dtype)
    s = jnp.concatenate([src, loop])
    d = jnp.concatenate([dst, loop])
    deg = jnp.zeros((n,), h.dtype).at[d].add(1.0)
    dinv = jnp.where(deg > 0, jax.lax.rsqrt(deg), 0.0)
    norm = dinv[s] * dinv[d]
    hw = h @ W
    msg = hw[s] * norm[:, None]
    out = jnp.zeros((n, W.shape[1]), h.dtype).at[d].add(msg)
    return out + b


def reference(x, edge_index, batch, W1, b1, W2, b2, Wl, bl):
    n = x.shape[0]
    src = edge_index[0]
    dst = edge_index[1]
    h = _gcn_conv(x, W1, b1, src, dst, n)
    h = jax.nn.relu(h)
    h = _gcn_conv(h, W2, b2, src, dst, n)
    # global_mean_pool over batch ids
    sums = jax.ops.segment_sum(h, batch, num_segments=G)
    cnt = jax.ops.segment_sum(jnp.ones((n,), h.dtype), batch, num_segments=G)
    pooled = sums / jnp.maximum(cnt, 1.0)[:, None]
    pooled = jax.nn.relu(pooled)
    return pooled @ Wl + bl

if __name__ == "__main__":
    import jax
    _d = setup_inputs()
    print(jax.jit(kernel)(*tuple(_d.values())))

</pallas_src>

<mosaic_0001>
#map = affine_map<(d0, d1) -> (0, 0)>
#map1 = affine_map<(d0, d1) -> (0)>
#map2 = affine_map<(d0, d1) -> (0, 0, 0)>
module attributes {stable_mosaic.version = 14 : i64} {
  func.func @scatter_kernel(%arg0: i32, %arg1: i32, %arg2: memref<10000x128xf32, #tpu.memory_space<hbm>>, %arg3: memref<320000xi32, #tpu.memory_space<hbm>>, %arg4: memref<320000xi32, #tpu.memory_space<hbm>>, %arg5: memref<2x10000x128xf32, #tpu.memory_space<hbm>>, %arg6: memref<10000x128xf32, #tpu.memory_space<vmem_shared>>, %arg7: memref<10000xi32, #tpu.memory_space<vmem>>, %arg8: memref<80x128xf32, #tpu.memory_space<vmem>>, %arg9: memref<80x128xf32, #tpu.memory_space<vmem>>, %arg10: memref<80x128xf32, #tpu.memory_space<vmem>>, %arg11: memref<80xi32, #tpu.memory_space<vmem>>, %arg12: memref<80xi32, #tpu.memory_space<vmem>>, %arg13: memref<80xi32, #tpu.memory_space<vmem>>, %arg14: memref<!tpu.dma_semaphore, #tpu.memory_space<semaphore_mem>>, %arg15: memref<!tpu.dma_semaphore, #tpu.memory_space<semaphore_mem>>, %arg16: memref<!tpu.dma_semaphore, #tpu.memory_space<semaphore_mem>>, %arg17: memref<!tpu.dma_semaphore, #tpu.memory_space<semaphore_mem>>, %arg18: memref<!tpu.dma_semaphore, #tpu.memory_space<semaphore_mem>>, %arg19: memref<!tpu.dma_semaphore, #tpu.memory_space<semaphore_mem>>, %arg20: memref<!tpu.dma_semaphore, #tpu.memory_space<semaphore_mem>>, %arg21: memref<!tpu.dma_semaphore, #tpu.memory_space<semaphore_mem>>, %arg22: memref<!tpu.dma_semaphore, #tpu.memory_space<semaphore_mem>>) attributes {dimension_semantics = [#tpu.dimension_semantics<core_parallel>, #tpu.dimension_semantics<subcore_parallel>], iteration_bounds = array<i64: 2, 16>, scalar_prefetch = 0 : i64, scratch_operands = 17 : i64, tpu.core_type = #tpu.core_type<sc_vector_subcore>, window_params = [{transform_indices = #map}, {transform_indices = #map1}, {transform_indices = #map1}, {transform_indices = #map2}]} {
    %mul3A = arith.constant 2 : i32
    %mul3A_0 = arith.muli %arg1, %mul3A : i32
    %add3A = arith.addi %mul3A_0, %arg0 : i32
    %mul3A_1 = arith.constant 10000 : i32
    %mul3A_2 = arith.muli %add3A, %mul3A_1 : i32
    %dma_start3A = tpu.memref_slice %arg3[%mul3A_2] : memref<320000xi32, #tpu.memory_space<hbm>> -> memref<10000xi32, #tpu.memory_space<hbm>>
    %dma_start3A_3 = tpu.memref_slice %arg3[%mul3A_2] : memref<320000xi32, #tpu.memory_space<hbm>> -> memref<10000xi32, #tpu.memory_space<hbm>>
    tpu.enqueue_dma source(%dma_start3A_3 : memref<10000xi32, #tpu.memory_space<hbm>>) target(%arg7 : memref<10000xi32, #tpu.memory_space<vmem>>) target_semaphore(%arg14 : memref<!tpu.dma_semaphore, #tpu.memory_space<semaphore_mem>>)
    %scan3A = arith.constant 0 : i32
    %scan3A_4 = arith.constant 0 : i32
    %scan3A_5 = arith.constant 80 : i32
    %scan3A_6 = arith.addi %scan3A_4, %scan3A_5 : i32
    %scan3A_7 = arith.constant 1 : i32
    scf.for %scan3A_482 = %scan3A_4 to %scan3A_6 step %scan3A_7  : i32 {
      %broadcast_in_dim3A = arith.constant 0.000000e+00 : f32
      %broadcast_in_dim3A_483 = vector.broadcast %broadcast_in_dim3A : f32 to vector<16xf32>
      %swap3A = arith.index_cast %scan3A_482 : i32 to index
      %swap3A_484 = arith.constant 0 : index
      %swap3A_485 = tpu.vector_load %arg8[%swap3A, %swap3A_484] {strides = array<i32>} : memref<80x128xf32, #tpu.memory_space<vmem>>, vector<1x16xf32>,
      %swap3A_486 = vector.shape_cast %swap3A_485 : vector<1x16xf32> to vector<16xf32>
      %swap3A_487 = vector.shape_cast %broadcast_in_dim3A_483 : vector<16xf32> to vector<1x16xf32>
      tpu.vector_store %arg8[%swap3A, %swap3A_484], %swap3A_487 {strides = array<i32>} : memref<80x128xf32, #tpu.memory_space<vmem>>, vector<1x16xf32>,
      %broadcast_in_dim3A_488 = arith.constant 0.000000e+00 : f32
      %broadcast_in_dim3A_489 = vector.broadcast %broadcast_in_dim3A_488 : f32 to vector<16xf32>
      %swap3A_490 = arith.index_cast %scan3A_482 : i32 to index
      %swap3A_491 = arith.constant 16 : index
      %swap3A_492 = tpu.vector_load %arg8[%swap3A_490, %swap3A_491] {strides = array<i32>} : memref<80x128xf32, #tpu.memory_space<vmem>>, vector<1x16xf32>,
      %swap3A_493 = vector.shape_cast %swap3A_492 : vector<1x16xf32> to vector<16xf32>
      %swap3A_494 = vector.shape_cast %broadcast_in_dim3A_489 : vector<16xf32> to vector<1x16xf32>
      tpu.vector_store %arg8[%swap3A_490, %swap3A_491], %swap3A_494 {strides = array<i32>} : memref<80x128xf32, #tpu.memory_space<vmem>>, vector<1x16xf32>,
      %broadcast_in_dim3A_495 = arith.constant 0.000000e+00 : f32
      %broadcast_in_dim3A_496 = vector.broadcast %broadcast_in_dim3A_495 : f32 to vector<16xf32>
      %swap3A_497 = arith.index_cast %scan3A_482 : i32 to index
      %swap3A_498 = arith.constant 32 : index
      %swap3A_499 = tpu.vector_load %arg8[%swap3A_497, %swap3A_498] {strides = array<i32>} : memref<80x128xf32, #tpu.memory_space<vmem>>, vector<1x16xf32>,
      %swap3A_500 = vector.shape_cast %swap3A_499 : vector<1x16xf32> to vector<16xf32>
      %swap3A_501 = vector.shape_cast %broadcast_in_dim3A_496 : vector<16xf32> to vector<1x16xf32>
      tpu.vector_store %arg8[%swap3A_497, %swap3A_498], %swap3A_501 {strides = array<i32>} : memref<80x128xf32, #tpu.memory_space<vmem>>, vector<1x16xf32>,
      %broadcast_in_dim3A_502 = arith.constant 0.000000e+00 : f32
      %broadcast_in_dim3A_503 = vector.broadcast %broadcast_in_dim3A_502 : f32 to vector<16xf32>
      %swap3A_504 = arith.index_cast %scan3A_482 : i32 to index
      %swap3A_505 = arith.constant 48 : index
      %swap3A_506 = tpu.vector_load %arg8[%swap3A_504, %swap3A_505] {strides = array<i32>} : memref<80x128xf32, #tpu.memory_space<vmem>>, vector<1x16xf32>,
      %swap3A_507 = vector.shape_cast %swap3A_506 : vector<1x16xf32> to vector<16xf32>
      %swap3A_508 = vector.shape_cast %broadcast_in_dim3A_503 : vector<16xf32> to vector<1x16xf32>
      tpu.vector_store %arg8[%swap3A_504, %swap3A_505], %swap3A_508 {strides = array<i32>} : memref<80x128xf32, #tpu.memory_space<vmem>>, vector<1x16xf32>,
      %broadcast_in_dim3A_509 = arith.constant 0.000000e+00 : f32
      %broadcast_in_dim3A_510 = vector.broadcast %broadcast_in_dim3A_509 : f32 to vector<16xf32>
      %swap3A_511 = arith.index_cast %scan3A_482 : i32 to index
      %swap3A_512 = arith.constant 64 : index
      %swap3A_513 = tpu.vector_load %arg8[%swap3A_511, %swap3A_512] {strides = array<i32>} : memref<80x128xf32, #tpu.memory_space<vmem>>, vector<1x16xf32>,
      %swap3A_514 = vector.shape_cast %swap3A_513 : vector<1x16xf32> to vector<16xf32>
      %swap3A_515 = vector.shape_cast %broadcast_in_dim3A_510 : vector<16xf32> to vector<1x16xf32>
      tpu.vector_store %arg8[%swap3A_511, %swap3A_512], %swap3A_515 {strides = array<i32>} : memref<80x128xf32, #tpu.memory_space<vmem>>, vector<1x16xf32>,
      %broadcast_in_dim3A_516 = arith.constant 0.000000e+00 : f32
      %broadcast_in_dim3A_517 = vector.broadcast %broadcast_in_dim3A_516 : f32 to vector<16xf32>
      %swap3A_518 = arith.index_cast %scan3A_482 : i32 to index
      %swap3A_519 = arith.constant 80 : index
      %swap3A_520 = tpu.vector_load %arg8[%swap3A_518, %swap3A_519] {strides = array<i32>} : memref<80x128xf32, #tpu.memory_space<vmem>>, vector<1x16xf32>,
      %swap3A_521 = vector.shape_cast %swap3A_520 : vector<1x16xf32> to vector<16xf32>
      %swap3A_522 = vector.shape_cast %broadcast_in_dim3A_517 : vector<16xf32> to vector<1x16xf32>
      tpu.vector_store %arg8[%swap3A_518, %swap3A_519], %swap3A_522 {strides = array<i32>} : memref<80x128xf32, #tpu.memory_space<vmem>>, vector<1x16xf32>,
      %broadcast_in_dim3A_523 = arith.constant 0.000000e+00 : f32
      %broadcast_in_dim3A_524 = vector.broadcast %broadcast_in_dim3A_523 : f32 to vector<16xf32>
      %swap3A_525 = arith.index_cast %scan3A_482 : i32 to index
      %swap3A_526 = arith.constant 96 : index
      %swap3A_527 = tpu.vector_load %arg8[%swap3A_525, %swap3A_526] {strides = array<i32>} : memref<80x128xf32, #tpu.memory_space<vmem>>, vector<1x16xf32>,
      %swap3A_528 = vector.shape_cast %swap3A_527 : vector<1x16xf32> to vector<16xf32>
      %swap3A_529 = vector.shape_cast %broadcast_in_dim3A_524 : vector<16xf32> to vector<1x16xf32>
      tpu.vector_store %arg8[%swap3A_525, %swap3A_526], %swap3A_529 {strides = array<i32>} : memref<80x128xf32, #tpu.memory_space<vmem>>, vector<1x16xf32>,
      %broadcast_in_dim3A_530 = arith.constant 0.000000e+00 : f32
      %broadcast_in_dim3A_531 = vector.broadcast %broadcast_in_dim3A_530 : f32 to vector<16xf32>
      %swap3A_532 = arith.index_cast %scan3A_482 : i32 to index
      %swap3A_533 = arith.constant 112 : index
      %swap3A_534 = tpu.vector_load %arg8[%swap3A_532, %swap3A_533] {strides = array<i32>} : memref<80x128xf32, #tpu.memory_space<vmem>>, vector<1x16xf32>,
      %swap3A_535 = vector.shape_cast %swap3A_534 : vector<1x16xf32> to vector<16xf32>
      %swap3A_536 = vector.shape_cast %broadcast_in_dim3A_531 : vector<16xf32> to vector<1x16xf32>
      tpu.vector_store %arg8[%swap3A_532, %swap3A_533], %swap3A_536 {strides = array<i32>} : memref<80x128xf32, #tpu.memory_space<vmem>>, vector<1x16xf32>,
    }
    %scan3A_8 = arith.constant 80 : i32
    %mul3A_9 = arith.constant 640 : i32
    %mul3A_10 = arith.muli %arg1, %mul3A_9 : i32
    %min3A = arith.constant 9360 : i32
    %min3A_11 = arith.minsi %mul3A_10, %min3A : i32
    %add3A_12 = arith.constant 0 : i32
    %add3A_13 = arith.addi %min3A_11, %add3A_12 : i32
    %dma_start3A_14 = arith.constant 0 : i32
    %dma_start3A_15 = tpu.memref_slice %arg6[%add3A_13, %dma_start3A_14] : memref<10000x128xf32, #tpu.memory_space<vmem_shared>> -> memref<80x128xf32, #tpu.memory_space<vmem_shared>>
    %dma_start3A_16 = arith.constant 0 : i32
    %dma_start3A_17 = tpu.memref_slice %arg6[%add3A_13, %dma_start3A_16] : memref<10000x128xf32, #tpu.memory_space<vmem_shared>> -> memref<80x128xf32, #tpu.memory_space<vmem_shared>>
    tpu.enqueue_dma source(%arg8 : memref<80x128xf32, #tpu.memory_space<vmem>>) target(%dma_start3A_17 : memref<80x128xf32, #tpu.memory_space<vmem_shared>>) target_semaphore(%arg17 : memref<!tpu.dma_semaphore, #tpu.memory_space<semaphore_mem>>)
    %add3A_18 = arith.constant 80 : i32
    %add3A_19 = arith.addi %min3A_11, %add3A_18 : i32
    %dma_start3A_20 = arith.constant 0 : i32
    %dma_start3A_21 = tpu.memref_slice %arg6[%add3A_19, %dma_start3A_20] : memref<10000x128xf32, #tpu.memory_space<vmem_shared>> -> memref<80x128xf32, #tpu.memory_space<vmem_shared>>
    %dma_start3A_22 = arith.constant 0 : i32
    %dma_start3A_23 = tpu.memref_slice %arg6[%add3A_19, %dma_start3A_22] : memref<10000x128xf32, #tpu.memory_space<vmem_shared>> -> memref<80x128xf32, #tpu.memory_space<vmem_shared>>
    tpu.enqueue_dma source(%arg8 : memref<80x128xf32, #tpu.memory_space<vmem>>) target(%dma_start3A_23 : memref<80x128xf32, #tpu.memory_space<vmem_shared>>) target_semaphore(%arg18 : memref<!tpu.dma_semaphore, #tpu.memory_space<semaphore_mem>>)
    %add3A_24 = arith.constant 160 : i32
    %add3A_25 = arith.addi %min3A_11, %add3A_24 : i32
    %dma_start3A_26 = arith.constant 0 : i32
    %dma_start3A_27 = tpu.memref_slice %arg6[%add3A_25, %dma_start3A_26] : memref<10000x128xf32, #tpu.memory_space<vmem_shared>> -> memref<80x128xf32, #tpu.memory_space<vmem_shared>>
    %dma_start3A_28 = arith.constant 0 : i32
    %dma_start3A_29 = tpu.memref_slice %arg6[%add3A_25, %dma_start3A_28] : memref<10000x128xf32, #tpu.memory_space<vmem_shared>> -> memref<80x128xf32, #tpu.memory_space<vmem_shared>>
    tpu.enqueue_dma source(%arg8 : memref<80x128xf32, #tpu.memory_space<vmem>>) target(%dma_start3A_29 : memref<80x128xf32, #tpu.memory_space<vmem_shared>>) target_semaphore(%arg19 : memref<!tpu.dma_semaphore, #tpu.memory_space<semaphore_mem>>)
    %add3A_30 = arith.constant 240 : i32
    %add3A_31 = arith.addi %min3A_11, %add3A_30 : i32
    %dma_start3A_32 = arith.constant 0 : i32
    %dma_start3A_33 = tpu.memref_slice %arg6[%add3A_31, %dma_start3A_32] : memref<10000x128xf32, #tpu.memory_space<vmem_shared>> -> memref<80x128xf32, #tpu.memory_space<vmem_shared>>
    %dma_start3A_34 = arith.constant 0 : i32
    %dma_start3A_35 = tpu.memref_slice %arg6[%add3A_31, %dma_start3A_34] : memref<10000x128xf32, #tpu.memory_space<vmem_shared>> -> memref<80x128xf32, #tpu.memory_space<vmem_shared>>
    tpu.enqueue_dma source(%arg8 : memref<80x128xf32, #tpu.memory_space<vmem>>) target(%dma_start3A_35 : memref<80x128xf32, #tpu.memory_space<vmem_shared>>) target_semaphore(%arg17 : memref<!tpu.dma_semaphore, #tpu.memory_space<semaphore_mem>>)
    %add3A_36 = arith.constant 320 : i32
    %add3A_37 = arith.addi %min3A_11, %add3A_36 : i32
    %dma_start3A_38 = arith.constant 0 : i32
    %dma_start3A_39 = tpu.memref_slice %arg6[%add3A_37, %dma_start3A_38] : memref<10000x128xf32, #tpu.memory_space<vmem_shared>> -> memref<80x128xf32, #tpu.memory_space<vmem_shared>>
    %dma_start3A_40 = arith.constant 0 : i32
    %dma_start3A_41 = tpu.memref_slice %arg6[%add3A_37, %dma_start3A_40] : memref<10000x128xf32, #tpu.memory_space<vmem_shared>> -> memref<80x128xf32, #tpu.memory_space<vmem_shared>>
    tpu.enqueue_dma source(%arg8 : memref<80x128xf32, #tpu.memory_space<vmem>>) target(%dma_start3A_41 : memref<80x128xf32, #tpu.memory_space<vmem_shared>>) target_semaphore(%arg18 : memref<!tpu.dma_semaphore, #tpu.memory_space<semaphore_mem>>)
    %add3A_42 = arith.constant 400 : i32
    %add3A_43 = arith.addi %min3A_11, %add3A_42 : i32
    %dma_start3A_44 = arith.constant 0 : i32
    %dma_start3A_45 = tpu.memref_slice %arg6[%add3A_43, %dma_start3A_44] : memref<10000x128xf32, #tpu.memory_space<vmem_shared>> -> memref<80x128xf32, #tpu.memory_space<vmem_shared>>
    %dma_start3A_46 = arith.constant 0 : i32
    %dma_start3A_47 = tpu.memref_slice %arg6[%add3A_43, %dma_start3A_46] : memref<10000x128xf32, #tpu.memory_space<vmem_shared>> -> memref<80x128xf32, #tpu.memory_space<vmem_shared>>
    tpu.enqueue_dma source(%arg8 : memref<80x128xf32, #tpu.memory_space<vmem>>) target(%dma_start3A_47 : memref<80x128xf32, #tpu.memory_space<vmem_shared>>) target_semaphore(%arg19 : memref<!tpu.dma_semaphore, #tpu.memory_space<semaphore_mem>>)
    %add3A_48 = arith.constant 480 : i32
    %add3A_49 = arith.addi %min3A_11, %add3A_48 : i32
    %dma_start3A_50 = arith.constant 0 : i32
    %dma_start3A_51 = tpu.memref_slice %arg6[%add3A_49, %dma_start3A_50] : memref<10000x128xf32, #tpu.memory_space<vmem_shared>> -> memref<80x128xf32, #tpu.memory_space<vmem_shared>>
    %dma_start3A_52 = arith.constant 0 : i32
    %dma_start3A_53 = tpu.memref_slice %arg6[%add3A_49, %dma_start3A_52] : memref<10000x128xf32, #tpu.memory_space<vmem_shared>> -> memref<80x128xf32, #tpu.memory_space<vmem_shared>>
    tpu.enqueue_dma source(%arg8 : memref<80x128xf32, #tpu.memory_space<vmem>>) target(%dma_start3A_53 : memref<80x128xf32, #tpu.memory_space<vmem_shared>>) target_semaphore(%arg17 : memref<!tpu.dma_semaphore, #tpu.memory_space<semaphore_mem>>)
    %add3A_54 = arith.constant 560 : i32
    %add3A_55 = arith.addi %min3A_11, %add3A_54 : i32
    %dma_start3A_56 = arith.constant 0 : i32
    %dma_start3A_57 = tpu.memref_slice %arg6[%add3A_55, %dma_start3A_56] : memref<10000x128xf32, #tpu.memory_space<vmem_shared>> -> memref<80x128xf32, #tpu.memory_space<vmem_shared>>
    %dma_start3A_58 = arith.constant 0 : i32
    %dma_start3A_59 = tpu.memref_slice %arg6[%add3A_55, %dma_start3A_58] : memref<10000x128xf32, #tpu.memory_space<vmem_shared>> -> memref<80x128xf32, #tpu.memory_space<vmem_shared>>
    tpu.enqueue_dma source(%arg8 : memref<80x128xf32, #tpu.memory_space<vmem>>) target(%dma_start3A_59 : memref<80x128xf32, #tpu.memory_space<vmem_shared>>) target_semaphore(%arg18 : memref<!tpu.dma_semaphore, #tpu.memory_space<semaphore_mem>>)
    %add3A_60 = arith.constant 0 : i32
    %add3A_61 = arith.addi %min3A_11, %add3A_60 : i32
    %dma_wait3A = arith.constant 0 : i32
    %dma_wait3A_62 = tpu.memref_slice %arg6[%add3A_61, %dma_wait3A] : memref<10000x128xf32, #tpu.memory_space<vmem_shared>> -> memref<80x128xf32, #tpu.memory_space<vmem_shared>>
    %dma_wait3A_63 = arith.constant 0 : i32
    %dma_wait3A_64 = tpu.memref_slice %arg6[%add3A_61, %dma_wait3A_63] : memref<10000x128xf32, #tpu.memory_space<vmem_shared>> -> memref<80x128xf32, #tpu.memory_space<vmem_shared>>
    tpu.wait_dma2 semaphore(%arg17 : memref<!tpu.dma_semaphore, #tpu.memory_space<semaphore_mem>>) src(%arg8 : memref<80x128xf32, #tpu.memory_space<vmem>>) dst(%dma_wait3A_64 : memref<80x128xf32, #tpu.memory_space<vmem_shared>>)
    %add3A_65 = arith.constant 80 : i32
    %add3A_66 = arith.addi %min3A_11, %add3A_65 : i32
    %dma_wait3A_67 = arith.constant 0 : i32
    %dma_wait3A_68 = tpu.memref_slice %arg6[%add3A_66, %dma_wait3A_67] : memref<10000x128xf32, #tpu.memory_space<vmem_shared>> -> memref<80x128xf32, #tpu.memory_space<vmem_shared>>
    %dma_wait3A_69 = arith.constant 0 : i32
    %dma_wait3A_70 = tpu.memref_slice %arg6[%add3A_66, %dma_wait3A_69] : memref<10000x128xf32, #tpu.memory_space<vmem_shared>> -> memref<80x128xf32, #tpu.memory_space<vmem_shared>>
    tpu.wait_dma2 semaphore(%arg18 : memref<!tpu.dma_semaphore, #tpu.memory_space<semaphore_mem>>) src(%arg8 : memref<80x128xf32, #tpu.memory_space<vmem>>) dst(%dma_wait3A_70 : memref<80x128xf32, #tpu.memory_space<vmem_shared>>)
    %add3A_71 = arith.constant 160 : i32
    %add3A_72 = arith.addi %min3A_11, %add3A_71 : i32
    %dma_wait3A_73 = arith.constant 0 : i32
    %dma_wait3A_74 = tpu.memref_slice %arg6[%add3A_72, %dma_wait3A_73] : memref<10000x128xf32, #tpu.memory_space<vmem_shared>> -> memref<80x128xf32, #tpu.memory_space<vmem_shared>>
    %dma_wait3A_75 = arith.constant 0 : i32
    %dma_wait3A_76 = tpu.memref_slice %arg6[%add3A_72, %dma_wait3A_75] : memref<10000x128xf32, #tpu.memory_space<vmem_shared>> -> memref<80x128xf32, #tpu.memory_space<vmem_shared>>
    tpu.wait_dma2 semaphore(%arg19 : memref<!tpu.dma_semaphore, #tpu.memory_space<semaphore_mem>>) src(%arg8 : memref<80x128xf32, #tpu.memory_space<vmem>>) dst(%dma_wait3A_76 : memref<80x128xf32, #tpu.memory_space<vmem_shared>>)
    %add3A_77 = arith.constant 240 : i32
    %add3A_78 = arith.addi %min3A_11, %add3A_77 : i32
    %dma_wait3A_79 = arith.constant 0 : i32
    %dma_wait3A_80 = tpu.memref_slice %arg6[%add3A_78, %dma_wait3A_79] : memref<10000x128xf32, #tpu.memory_space<vmem_shared>> -> memref<80x128xf32, #tpu.memory_space<vmem_shared>>
    %dma_wait3A_81 = arith.constant 0 : i32
    %dma_wait3A_82 = tpu.memref_slice %arg6[%add3A_78, %dma_wait3A_81] : memref<10000x128xf32, #tpu.memory_space<vmem_shared>> -> memref<80x128xf32, #tpu.memory_space<vmem_shared>>
    tpu.wait_dma2 semaphore(%arg17 : memref<!tpu.dma_semaphore, #tpu.memory_space<semaphore_mem>>) src(%arg8 : memref<80x128xf32, #tpu.memory_space<vmem>>) dst(%dma_wait3A_82 : memref<80x128xf32, #tpu.memory_space<vmem_shared>>)
    %add3A_83 = arith.constant 320 : i32
    %add3A_84 = arith.addi %min3A_11, %add3A_83 : i32
    %dma_wait3A_85 = arith.constant 0 : i32
    %dma_wait3A_86 = tpu.memref_slice %arg6[%add3A_84, %dma_wait3A_85] : memref<10000x128xf32, #tpu.memory_space<vmem_shared>> -> memref<80x128xf32, #tpu.memory_space<vmem_shared>>
    %dma_wait3A_87 = arith.constant 0 : i32
    %dma_wait3A_88 = tpu.memref_slice %arg6[%add3A_84, %dma_wait3A_87] : memref<10000x128xf32, #tpu.memory_space<vmem_shared>> -> memref<80x128xf32, #tpu.memory_space<vmem_shared>>
    tpu.wait_dma2 semaphore(%arg18 : memref<!tpu.dma_semaphore, #tpu.memory_space<semaphore_mem>>) src(%arg8 : memref<80x128xf32, #tpu.memory_space<vmem>>) dst(%dma_wait3A_88 : memref<80x128xf32, #tpu.memory_space<vmem_shared>>)
    %add3A_89 = arith.constant 400 : i32
    %add3A_90 = arith.addi %min3A_11, %add3A_89 : i32
    %dma_wait3A_91 = arith.constant 0 : i32
    %dma_wait3A_92 = tpu.memref_slice %arg6[%add3A_90, %dma_wait3A_91] : memref<10000x128xf32, #tpu.memory_space<vmem_shared>> -> memref<80x128xf32, #tpu.memory_space<vmem_shared>>
    %dma_wait3A_93 = arith.constant 0 : i32
    %dma_wait3A_94 = tpu.memref_slice %arg6[%add3A_90, %dma_wait3A_93] : memref<10000x128xf32, #tpu.memory_space<vmem_shared>> -> memref<80x128xf32, #tpu.memory_space<vmem_shared>>
    tpu.wait_dma2 semaphore(%arg19 : memref<!tpu.dma_semaphore, #tpu.memory_space<semaphore_mem>>) src(%arg8 : memref<80x128xf32, #tpu.memory_space<vmem>>) dst(%dma_wait3A_94 : memref<80x128xf32, #tpu.memory_space<vmem_shared>>)
    %add3A_95 = arith.constant 480 : i32
    %add3A_96 = arith.addi %min3A_11, %add3A_95 : i32
    %dma_wait3A_97 = arith.constant 0 : i32
    %dma_wait3A_98 = tpu.memref_slice %arg6[%add3A_96, %dma_wait3A_97] : memref<10000x128xf32, #tpu.memory_space<vmem_shared>> -> memref<80x128xf32, #tpu.memory_space<vmem_shared>>
    %dma_wait3A_99 = arith.constant 0 : i32
    %dma_wait3A_100 = tpu.memref_slice %arg6[%add3A_96, %dma_wait3A_99] : memref<10000x128xf32, #tpu.memory_space<vmem_shared>> -> memref<80x128xf32, #tpu.memory_space<vmem_shared>>
    tpu.wait_dma2 semaphore(%arg17 : memref<!tpu.dma_semaphore, #tpu.memory_space<semaphore_mem>>) src(%arg8 : memref<80x128xf32, #tpu.memory_space<vmem>>) dst(%dma_wait3A_100 : memref<80x128xf32, #tpu.memory_space<vmem_shared>>)
    %add3A_101 = arith.constant 560 : i32
    %add3A_102 = arith.addi %min3A_11, %add3A_101 : i32
    %dma_wait3A_103 = arith.constant 0 : i32
    %dma_wait3A_104 = tpu.memref_slice %arg6[%add3A_102, %dma_wait3A_103] : memref<10000x128xf32, #tpu.memory_space<vmem_shared>> -> memref<80x128xf32, #tpu.memory_space<vmem_shared>>
    %dma_wait3A_105 = arith.constant 0 : i32
    %dma_wait3A_106 = tpu.memref_slice %arg6[%add3A_102, %dma_wait3A_105] : memref<10000x128xf32, #tpu.memory_space<vmem_shared>> -> memref<80x128xf32, #tpu.memory_space<vmem_shared>>
    tpu.wait_dma2 semaphore(%arg18 : memref<!tpu.dma_semaphore, #tpu.memory_space<semaphore_mem>>) src(%arg8 : memref<80x128xf32, #tpu.memory_space<vmem>>) dst(%dma_wait3A_106 : memref<80x128xf32, #tpu.memory_space<vmem_shared>>)
    %mul3A_107 = arith.constant 10000 : i32
    %mul3A_108 = arith.muli %add3A, %mul3A_107 : i32
    %dma_wait3A_109 = tpu.memref_slice %arg3[%mul3A_108] : memref<320000xi32, #tpu.memory_space<hbm>> -> memref<10000xi32, #tpu.memory_space<hbm>>
    %dma_wait3A_110 = tpu.memref_slice %arg3[%mul3A_108] : memref<320000xi32, #tpu.memory_space<hbm>> -> memref<10000xi32, #tpu.memory_space<hbm>>
    tpu.wait_dma2 semaphore(%arg14 : memref<!tpu.dma_semaphore, #tpu.memory_space<semaphore_mem>>) src(%dma_wait3A_110 : memref<10000xi32, #tpu.memory_space<hbm>>) dst(%arg7 : memref<10000xi32, #tpu.memory_space<vmem>>)
    %mul3A_111 = arith.constant 10000 : i32
    %mul3A_112 = arith.muli %add3A, %mul3A_111 : i32
    %add3A_113 = arith.constant 0 : i32
    %add3A_114 = arith.addi %mul3A_112, %add3A_113 : i32
    %dma_start3A_115 = tpu.memref_slice %arg4[%add3A_114] : memref<320000xi32, #tpu.memory_space<hbm>> -> memref<80xi32, #tpu.memory_space<hbm>>
    %dma_start3A_116 = tpu.memref_slice %arg4[%add3A_114] : memref<320000xi32, #tpu.memory_space<hbm>> -> memref<80xi32, #tpu.memory_space<hbm>>
    tpu.enqueue_dma source(%dma_start3A_116 : memref<80xi32, #tpu.memory_space<hbm>>) target(%arg11 : memref<80xi32, #tpu.memory_space<vmem>>) target_semaphore(%arg20 : memref<!tpu.dma_semaphore, #tpu.memory_space<semaphore_mem>>)
    %dma_start3A_117 = arith.constant 0 : i32
    %dma_start3A_118 = tpu.memref_slice %arg7[%dma_start3A_117] : memref<10000xi32, #tpu.memory_space<vmem>> -> memref<80xi32, #tpu.memory_space<vmem>>
    %dma_start3A_119 = arith.constant 0 : i32
    %dma_start3A_120 = arith.constant 0 : i32
    %dma_start3A_121 = tpu.memref_slice %arg2[%dma_start3A_119, %dma_start3A_120] : memref<10000x128xf32, #tpu.memory_space<hbm>> -> memref<10000x128xf32, #tpu.memory_space<hbm>>
    tpu.enqueue_indirect_dma source(%dma_start3A_121 : memref<10000x128xf32, #tpu.memory_space<hbm>>) target(%arg8 : memref<80x128xf32, #tpu.memory_space<vmem>>) offsets(%dma_start3A_118 : memref<80xi32, #tpu.memory_space<vmem>>) semaphore(%arg14 : memref<!tpu.dma_semaphore, #tpu.memory_space<semaphore_mem>>)
    %mul3A_122 = arith.constant 10000 : i32
    %mul3A_123 = arith.muli %add3A, %mul3A_122 : i32
    %add3A_124 = arith.constant 80 : i32
    %add3A_125 = arith.addi %mul3A_123, %add3A_124 : i32
    %dma_start3A_126 = tpu.memref_slice %arg4[%add3A_125] : memref<320000xi32, #tpu.memory_space<hbm>> -> memref<80xi32, #tpu.memory_space<hbm>>
    %dma_start3A_127 = tpu.memref_slice %arg4[%add3A_125] : memref<320000xi32, #tpu.memory_space<hbm>> -> memref<80xi32, #tpu.memory_space<hbm>>
    tpu.enqueue_dma source(%dma_start3A_127 : memref<80xi32, #tpu.memory_space<hbm>>) target(%arg12 : memref<80xi32, #tpu.memory_space<vmem>>) target_semaphore(%arg21 : memref<!tpu.dma_semaphore, #tpu.memory_space<semaphore_mem>>)
    %dma_start3A_128 = arith.constant 80 : i32
    %dma_start3A_129 = tpu.memref_slice %arg7[%dma_start3A_128] : memref<10000xi32, #tpu.memory_space<vmem>> -> memref<80xi32, #tpu.memory_space<vmem>>
    %dma_start3A_130 = arith.constant 0 : i32
    %dma_start3A_131 = arith.constant 0 : i32
    %dma_start3A_132 = tpu.memref_slice %arg2[%dma_start3A_130, %dma_start3A_131] : memref<10000x128xf32, #tpu.memory_space<hbm>> -> memref<10000x128xf32, #tpu.memory_space<hbm>>
    tpu.enqueue_indirect_dma source(%dma_start3A_132 : memref<10000x128xf32, #tpu.memory_space<hbm>>) target(%arg9 : memref<80x128xf32, #tpu.memory_space<vmem>>) offsets(%dma_start3A_129 : memref<80xi32, #tpu.memory_space<vmem>>) semaphore(%arg15 : memref<!tpu.dma_semaphore, #tpu.memory_space<semaphore_mem>>)
    %mul3A_133 = arith.constant 10000 : i32
    %mul3A_134 = arith.muli %add3A, %mul3A_133 : i32
    %add3A_135 = arith.constant 160 : i32
    %add3A_136 = arith.addi %mul3A_134, %add3A_135 : i32
    %dma_start3A_137 = tpu.memref_slice %arg4[%add3A_136] : memref<320000xi32, #tpu.memory_space<hbm>> -> memref<80xi32, #tpu.memory_space<hbm>>
    %dma_start3A_138 = tpu.memref_slice %arg4[%add3A_136] : memref<320000xi32, #tpu.memory_space<hbm>> -> memref<80xi32, #tpu.memory_space<hbm>>
    tpu.enqueue_dma source(%dma_start3A_138 : memref<80xi32, #tpu.memory_space<hbm>>) target(%arg13 : memref<80xi32, #tpu.memory_space<vmem>>) target_semaphore(%arg22 : memref<!tpu.dma_semaphore, #tpu.memory_space<semaphore_mem>>)
    %dma_start3A_139 = arith.constant 160 : i32
    %dma_start3A_140 = tpu.memref_slice %arg7[%dma_start3A_139] : memref<10000xi32, #tpu.memory_space<vmem>> -> memref<80xi32, #tpu.memory_space<vmem>>
    %dma_start3A_141 = arith.constant 0 : i32
    %dma_start3A_142 = arith.constant 0 : i32
    %dma_start3A_143 = tpu.memref_slice %arg2[%dma_start3A_141, %dma_start3A_142] : memref<10000x128xf32, #tpu.memory_space<hbm>> -> memref<10000x128xf32, #tpu.memory_space<hbm>>
    tpu.enqueue_indirect_dma source(%dma_start3A_143 : memref<10000x128xf32, #tpu.memory_space<hbm>>) target(%arg10 : memref<80x128xf32, #tpu.memory_space<vmem>>) offsets(%dma_start3A_140 : memref<80xi32, #tpu.memory_space<vmem>>) semaphore(%arg16 : memref<!tpu.dma_semaphore, #tpu.memory_space<semaphore_mem>>)
    %barrier3A = arith.constant 0 : index
    tpu.barrier barrier_id(%barrier3A)
    %scan3A_144 = arith.constant 0 : i32
    %scan3A_145 = arith.constant 0 : i32
    %scan3A_146 = arith.constant 40 : i32
    %scan3A_147 = arith.addi %scan3A_145, %scan3A_146 : i32
    %scan3A_148 = arith.constant 1 : i32
    scf.for %scan3A_482 = %scan3A_145 to %scan3A_147 step %scan3A_148  : i32 {
      %mul3A_483 = arith.constant 3 : i32
      %mul3A_484 = arith.muli %mul3A_483, %scan3A_482 : i32
      %add3A_485 = arith.constant 0 : i32
      %add3A_486 = arith.addi %mul3A_484, %add3A_485 : i32
      %mul3A_487 = arith.constant 80 : i32
      %mul3A_488 = arith.muli %add3A_486, %mul3A_487 : i32
      %dma_wait3A_489 = tpu.memref_slice %arg7[%mul3A_488] : memref<10000xi32, #tpu.memory_space<vmem>> -> memref<80xi32, #tpu.memory_space<vmem>>
      %dma_wait3A_490 = arith.constant 0 : i32
      %dma_wait3A_491 = arith.constant 0 : i32
      %dma_wait3A_492 = tpu.memref_slice %arg2[%dma_wait3A_490, %dma_wait3A_491] : memref<10000x128xf32, #tpu.memory_space<hbm>> -> memref<10000x128xf32, #tpu.memory_space<hbm>>
      tpu.wait_indirect_dma semaphore(%arg14 : memref<!tpu.dma_semaphore, #tpu.memory_space<semaphore_mem>>) src(%dma_wait3A_492 : memref<10000x128xf32, #tpu.memory_space<hbm>>) dst(%arg8 : memref<80x128xf32, #tpu.memory_space<vmem>>)
      %mul3A_493 = arith.constant 10000 : i32
      %mul3A_494 = arith.muli %add3A, %mul3A_493 : i32
      %mul3A_495 = arith.constant 80 : i32
      %mul3A_496 = arith.muli %add3A_486, %mul3A_495 : i32
      %add3A_497 = arith.addi %mul3A_494, %mul3A_496 : i32
      %dma_wait3A_498 = tpu.memref_slice %arg4[%add3A_497] : memref<320000xi32, #tpu.memory_space<hbm>> -> memref<80xi32, #tpu.memory_space<hbm>>
      %dma_wait3A_499 = tpu.memref_slice %arg4[%add3A_497] : memref<320000xi32, #tpu.memory_space<hbm>> -> memref<80xi32, #tpu.memory_space<hbm>>
      tpu.wait_dma2 semaphore(%arg20 : memref<!tpu.dma_semaphore, #tpu.memory_space<semaphore_mem>>) src(%dma_wait3A_499 : memref<80xi32, #tpu.memory_space<hbm>>) dst(%arg11 : memref<80xi32, #tpu.memory_space<vmem>>)
      %dma_start3A_500 = arith.constant 0 : i32
      %dma_start3A_501 = arith.constant 0 : i32
      %dma_start3A_502 = tpu.memref_slice %arg6[%dma_start3A_500, %dma_start3A_501] : memref<10000x128xf32, #tpu.memory_space<vmem_shared>> -> memref<10000x128xf32, #tpu.memory_space<vmem_shared>>
      tpu.enqueue_indirect_dma source(%arg8 : memref<80x128xf32, #tpu.memory_space<vmem>>) target(%dma_start3A_502 : memref<10000x128xf32, #tpu.memory_space<vmem_shared>>) offsets(%arg11 : memref<80xi32, #tpu.memory_space<vmem>>) semaphore(%arg17 : memref<!tpu.dma_semaphore, #tpu.memory_space<semaphore_mem>>) {add = true}
      %dma_wait3A_503 = arith.constant 0 : i32
      %dma_wait3A_504 = arith.constant 0 : i32
      %dma_wait3A_505 = tpu.memref_slice %arg6[%dma_wait3A_503, %dma_wait3A_504] : memref<10000x128xf32, #tpu.memory_space<vmem_shared>> -> memref<10000x128xf32, #tpu.memory_space<vmem_shared>>
      tpu.wait_indirect_dma semaphore(%arg17 : memref<!tpu.dma_semaphore, #tpu.memory_space<semaphore_mem>>) src(%arg8 : memref<80x128xf32, #tpu.memory_space<vmem>>) dst(%dma_wait3A_505 : memref<10000x128xf32, #tpu.memory_space<vmem_shared>>)
      %add3A_506 = arith.constant 3 : i32
      %add3A_507 = arith.addi %add3A_486, %add3A_506 : i32
      %mul3A_508 = arith.constant 10000 : i32
      %mul3A_509 = arith.muli %add3A, %mul3A_508 : i32
      %mul3A_510 = arith.constant 80 : i32
      %mul3A_511 = arith.muli %add3A_507, %mul3A_510 : i32
      %add3A_512 = arith.addi %mul3A_509, %mul3A_511 : i32
      %dma_start3A_513 = tpu.memref_slice %arg4[%add3A_512] : memref<320000xi32, #tpu.memory_space<hbm>> -> memref<80xi32, #tpu.memory_space<hbm>>
      %dma_start3A_514 = tpu.memref_slice %arg4[%add3A_512] : memref<320000xi32, #tpu.memory_space<hbm>> -> memref<80xi32, #tpu.memory_space<hbm>>
      tpu.enqueue_dma source(%dma_start3A_514 : memref<80xi32, #tpu.memory_space<hbm>>) target(%arg11 : memref<80xi32, #tpu.memory_space<vmem>>) target_semaphore(%arg20 : memref<!tpu.dma_semaphore, #tpu.memory_space<semaphore_mem>>)
      %add3A_515 = arith.constant 3 : i32
      %add3A_516 = arith.addi %add3A_486, %add3A_515 : i32
      %mul3A_517 = arith.constant 80 : i32
      %mul3A_518 = arith.muli %add3A_516, %mul3A_517 : i32
      %dma_start3A_519 = tpu.memref_slice %arg7[%mul3A_518] : memref<10000xi32, #tpu.memory_space<vmem>> -> memref<80xi32, #tpu.memory_space<vmem>>
      %dma_start3A_520 = arith.constant 0 : i32
      %dma_start3A_521 = arith.constant 0 : i32
      %dma_start3A_522 = tpu.memref_slice %arg2[%dma_start3A_520, %dma_start3A_521] : memref<10000x128xf32, #tpu.memory_space<hbm>> -> memref<10000x128xf32, #tpu.memory_space<hbm>>
      tpu.enqueue_indirect_dma source(%dma_start3A_522 : memref<10000x128xf32, #tpu.memory_space<hbm>>) target(%arg8 : memref<80x128xf32, #tpu.memory_space<vmem>>) offsets(%dma_start3A_519 : memref<80xi32, #tpu.memory_space<vmem>>) semaphore(%arg14 : memref<!tpu.dma_semaphore, #tpu.memory_space<semaphore_mem>>)
      %mul3A_523 = arith.constant 3 : i32
      %mul3A_524 = arith.muli %mul3A_523, %scan3A_482 : i32
      %add3A_525 = arith.constant 1 : i32
      %add3A_526 = arith.addi %mul3A_524, %add3A_525 : i32
      %mul3A_527 = arith.constant 80 : i32
      %mul3A_528 = arith.muli %add3A_526, %mul3A_527 : i32
      %dma_wait3A_529 = tpu.memref_slice %arg7[%mul3A_528] : memref<10000xi32, #tpu.memory_space<vmem>> -> memref<80xi32, #tpu.memory_space<vmem>>
      %dma_wait3A_530 = arith.constant 0 : i32
      %dma_wait3A_531 = arith.constant 0 : i32
      %dma_wait3A_532 = tpu.memref_slice %arg2[%dma_wait3A_530, %dma_wait3A_531] : memref<10000x128xf32, #tpu.memory_space<hbm>> -> memref<10000x128xf32, #tpu.memory_space<hbm>>
      tpu.wait_indirect_dma semaphore(%arg15 : memref<!tpu.dma_semaphore, #tpu.memory_space<semaphore_mem>>) src(%dma_wait3A_532 : memref<10000x128xf32, #tpu.memory_space<hbm>>) dst(%arg9 : memref<80x128xf32, #tpu.memory_space<vmem>>)
      %mul3A_533 = arith.constant 10000 : i32
      %mul3A_534 = arith.muli %add3A, %mul3A_533 : i32
      %mul3A_535 = arith.constant 80 : i32
      %mul3A_536 = arith.muli %add3A_526, %mul3A_535 : i32
      %add3A_537 = arith.addi %mul3A_534, %mul3A_536 : i32
      %dma_wait3A_538 = tpu.memref_slice %arg4[%add3A_537] : memref<320000xi32, #tpu.memory_space<hbm>> -> memref<80xi32, #tpu.memory_space<hbm>>
      %dma_wait3A_539 = tpu.memref_slice %arg4[%add3A_537] : memref<320000xi32, #tpu.memory_space<hbm>> -> memref<80xi32, #tpu.memory_space<hbm>>
      tpu.wait_dma2 semaphore(%arg21 : memref<!tpu.dma_semaphore, #tpu.memory_space<semaphore_mem>>) src(%dma_wait3A_539 : memref<80xi32, #tpu.memory_space<hbm>>) dst(%arg12 : memref<80xi32, #tpu.memory_space<vmem>>)
      %dma_start3A_540 = arith.constant 0 : i32
      %dma_start3A_541 = arith.constant 0 : i32
      %dma_start3A_542 = tpu.memref_slice %arg6[%dma_start3A_540, %dma_start3A_541] : memref<10000x128xf32, #tpu.memory_space<vmem_shared>> -> memref<10000x128xf32, #tpu.memory_space<vmem_shared>>
      tpu.enqueue_indirect_dma source(%arg9 : memref<80x128xf32, #tpu.memory_space<vmem>>) target(%dma_start3A_542 : memref<10000x128xf32, #tpu.memory_space<vmem_shared>>) offsets(%arg12 : memref<80xi32, #tpu.memory_space<vmem>>) semaphore(%arg18 : memref<!tpu.dma_semaphore, #tpu.memory_space<semaphore_mem>>) {add = true}
      %dma_wait3A_543 = arith.constant 0 : i32
      %dma_wait3A_544 = arith.constant 0 : i32
      %dma_wait3A_545 = tpu.memref_slice %arg6[%dma_wait3A_543, %dma_wait3A_544] : memref<10000x128xf32, #tpu.memory_space<vmem_shared>> -> memref<10000x128xf32, #tpu.memory_space<vmem_shared>>
      tpu.wait_indirect_dma semaphore(%arg18 : memref<!tpu.dma_semaphore, #tpu.memory_space<semaphore_mem>>) src(%arg9 : memref<80x128xf32, #tpu.memory_space<vmem>>) dst(%dma_wait3A_545 : memref<10000x128xf32, #tpu.memory_space<vmem_shared>>)
      %add3A_546 = arith.constant 3 : i32
      %add3A_547 = arith.addi %add3A_526, %add3A_546 : i32
      %mul3A_548 = arith.constant 10000 : i32
      %mul3A_549 = arith.muli %add3A, %mul3A_548 : i32
      %mul3A_550 = arith.constant 80 : i32
      %mul3A_551 = arith.muli %add3A_547, %mul3A_550 : i32
      %add3A_552 = arith.addi %mul3A_549, %mul3A_551 : i32
      %dma_start3A_553 = tpu.memref_slice %arg4[%add3A_552] : memref<320000xi32, #tpu.memory_space<hbm>> -> memref<80xi32, #tpu.memory_space<hbm>>
      %dma_start3A_554 = tpu.memref_slice %arg4[%add3A_552] : memref<320000xi32, #tpu.memory_space<hbm>> -> memref<80xi32, #tpu.memory_space<hbm>>
      tpu.enqueue_dma source(%dma_start3A_554 : memref<80xi32, #tpu.memory_space<hbm>>) target(%arg12 : memref<80xi32, #tpu.memory_space<vmem>>) target_semaphore(%arg21 : memref<!tpu.dma_semaphore, #tpu.memory_space<semaphore_mem>>)
      %add3A_555 = arith.constant 3 : i32
      %add3A_556 = arith.addi %add3A_526, %add3A_555 : i32
      %mul3A_557 = arith.constant 80 : i32
      %mul3A_558 = arith.muli %add3A_556, %mul3A_557 : i32
      %dma_start3A_559 = tpu.memref_slice %arg7[%mul3A_558] : memref<10000xi32, #tpu.memory_space<vmem>> -> memref<80xi32, #tpu.memory_space<vmem>>
      %dma_start3A_560 = arith.constant 0 : i32
      %dma_start3A_561 = arith.constant 0 : i32
      %dma_start3A_562 = tpu.memref_slice %arg2[%dma_start3A_560, %dma_start3A_561] : memref<10000x128xf32, #tpu.memory_space<hbm>> -> memref<10000x128xf32, #tpu.memory_space<hbm>>
      tpu.enqueue_indirect_dma source(%dma_start3A_562 : memref<10000x128xf32, #tpu.memory_space<hbm>>) target(%arg9 : memref<80x128xf32, #tpu.memory_space<vmem>>) offsets(%dma_start3A_559 : memref<80xi32, #tpu.memory_space<vmem>>) semaphore(%arg15 : memref<!tpu.dma_semaphore, #tpu.memory_space<semaphore_mem>>)
      %mul3A_563 = arith.constant 3 : i32
      %mul3A_564 = arith.muli %mul3A_563, %scan3A_482 : i32
      %add3A_565 = arith.constant 2 : i32
      %add3A_566 = arith.addi %mul3A_564, %add3A_565 : i32
      %mul3A_567 = arith.constant 80 : i32
      %mul3A_568 = arith.muli %add3A_566, %mul3A_567 : i32
      %dma_wait3A_569 = tpu.memref_slice %arg7[%mul3A_568] : memref<10000xi32, #tpu.memory_space<vmem>> -> memref<80xi32, #tpu.memory_space<vmem>>
      %dma_wait3A_570 = arith.constant 0 : i32
      %dma_wait3A_571 = arith.constant 0 : i32
      %dma_wait3A_572 = tpu.memref_slice %arg2[%dma_wait3A_570, %dma_wait3A_571] : memref<10000x128xf32, #tpu.memory_space<hbm>> -> memref<10000x128xf32, #tpu.memory_space<hbm>>
      tpu.wait_indirect_dma semaphore(%arg16 : memref<!tpu.dma_semaphore, #tpu.memory_space<semaphore_mem>>) src(%dma_wait3A_572 : memref<10000x128xf32, #tpu.memory_space<hbm>>) dst(%arg10 : memref<80x128xf32, #tpu.memory_space<vmem>>)
      %mul3A_573 = arith.constant 10000 : i32
      %mul3A_574 = arith.muli %add3A, %mul3A_573 : i32
      %mul3A_575 = arith.constant 80 : i32
      %mul3A_576 = arith.muli %add3A_566, %mul3A_575 : i32
      %add3A_577 = arith.addi %mul3A_574, %mul3A_576 : i32
      %dma_wait3A_578 = tpu.memref_slice %arg4[%add3A_577] : memref<320000xi32, #tpu.memory_space<hbm>> -> memref<80xi32, #tpu.memory_space<hbm>>
      %dma_wait3A_579 = tpu.memref_slice %arg4[%add3A_577] : memref<320000xi32, #tpu.memory_space<hbm>> -> memref<80xi32, #tpu.memory_space<hbm>>
      tpu.wait_dma2 semaphore(%arg22 : memref<!tpu.dma_semaphore, #tpu.memory_space<semaphore_mem>>) src(%dma_wait3A_579 : memref<80xi32, #tpu.memory_space<hbm>>) dst(%arg13 : memref<80xi32, #tpu.memory_space<vmem>>)
      %dma_start3A_580 = arith.constant 0 : i32
      %dma_start3A_581 = arith.constant 0 : i32
      %dma_start3A_582 = tpu.memref_slice %arg6[%dma_start3A_580, %dma_start3A_581] : memref<10000x128xf32, #tpu.memory_space<vmem_shared>> -> memref<10000x128xf32, #tpu.memory_space<vmem_shared>>
      tpu.enqueue_indirect_dma source(%arg10 : memref<80x128xf32, #tpu.memory_space<vmem>>) target(%dma_start3A_582 : memref<10000x128xf32, #tpu.memory_space<vmem_shared>>) offsets(%arg13 : memref<80xi32, #tpu.memory_space<vmem>>) semaphore(%arg19 : memref<!tpu.dma_semaphore, #tpu.memory_space<semaphore_mem>>) {add = true}
      %dma_wait3A_583 = arith.constant 0 : i32
      %dma_wait3A_584 = arith.constant 0 : i32
      %dma_wait3A_585 = tpu.memref_slice %arg6[%dma_wait3A_583, %dma_wait3A_584] : memref<10000x128xf32, #tpu.memory_space<vmem_shared>> -> memref<10000x128xf32, #tpu.memory_space<vmem_shared>>
      tpu.wait_indirect_dma semaphore(%arg19 : memref<!tpu.dma_semaphore, #tpu.memory_space<semaphore_mem>>) src(%arg10 : memref<80x128xf32, #tpu.memory_space<vmem>>) dst(%dma_wait3A_585 : memref<10000x128xf32, #tpu.memory_space<vmem_shared>>)
      %add3A_586 = arith.constant 3 : i32
      %add3A_587 = arith.addi %add3A_566, %add3A_586 : i32
      %mul3A_588 = arith.constant 10000 : i32
      %mul3A_589 = arith.muli %add3A, %mul3A_588 : i32
      %mul3A_590 = arith.constant 80 : i32
      %mul3A_591 = arith.muli %add3A_587, %mul3A_590 : i32
      %add3A_592 = arith.addi %mul3A_589, %mul3A_591 : i32
      %dma_start3A_593 = tpu.memref_slice %arg4[%add3A_592] : memref<320000xi32, #tpu.memory_space<hbm>> -> memref<80xi32, #tpu.memory_space<hbm>>
      %dma_start3A_594 = tpu.memref_slice %arg4[%add3A_592] : memref<320000xi32, #tpu.memory_space<hbm>> -> memref<80xi32, #tpu.memory_space<hbm>>
      tpu.enqueue_dma source(%dma_start3A_594 : memref<80xi32, #tpu.memory_space<hbm>>) target(%arg13 : memref<80xi32, #tpu.memory_space<vmem>>) target_semaphore(%arg22 : memref<!tpu.dma_semaphore, #tpu.memory_space<semaphore_mem>>)
      %add3A_595 = arith.constant 3 : i32
      %add3A_596 = arith.addi %add3A_566, %add3A_595 : i32
      %mul3A_597 = arith.constant 80 : i32
      %mul3A_598 = arith.muli %add3A_596, %mul3A_597 : i32
      %dma_start3A_599 = tpu.memref_slice %arg7[%mul3A_598] : memref<10000xi32, #tpu.memory_space<vmem>> -> memref<80xi32, #tpu.memory_space<vmem>>
      %dma_start3A_600 = arith.constant 0 : i32
      %dma_start3A_601 = arith.constant 0 : i32
      %dma_start3A_602 = tpu.memref_slice %arg2[%dma_start3A_600, %dma_start3A_601] : memref<10000x128xf32, #tpu.memory_space<hbm>> -> memref<10000x128xf32, #tpu.memory_space<hbm>>
      tpu.enqueue_indirect_dma source(%dma_start3A_602 : memref<10000x128xf32, #tpu.memory_space<hbm>>) target(%arg10 : memref<80x128xf32, #tpu.memory_space<vmem>>) offsets(%dma_start3A_599 : memref<80xi32, #tpu.memory_space<vmem>>) semaphore(%arg16 : memref<!tpu.dma_semaphore, #tpu.memory_space<semaphore_mem>>)
    }
    %scan3A_149 = arith.constant 40 : i32
    %dma_wait3A_150 = arith.constant 9600 : i32
    %dma_wait3A_151 = tpu.memref_slice %arg7[%dma_wait3A_150] : memref<10000xi32, #tpu.memory_space<vmem>> -> memref<80xi32, #tpu.memory_space<vmem>>
    %dma_wait3A_152 = arith.constant 0 : i32
    %dma_wait3A_153 = arith.constant 0 : i32
    %dma_wait3A_154 = tpu.memref_slice %arg2[%dma_wait3A_152, %dma_wait3A_153] : memref<10000x128xf32, #tpu.memory_space<hbm>> -> memref<10000x128xf32, #tpu.memory_space<hbm>>
    tpu.wait_indirect_dma semaphore(%arg14 : memref<!tpu.dma_semaphore, #tpu.memory_space<semaphore_mem>>) src(%dma_wait3A_154 : memref<10000x128xf32, #tpu.memory_space<hbm>>) dst(%arg8 : memref<80x128xf32, #tpu.memory_space<vmem>>)
    %mul3A_155 = arith.constant 10000 : i32
    %mul3A_156 = arith.muli %add3A, %mul3A_155 : i32
    %add3A_157 = arith.constant 9600 : i32
    %add3A_158 = arith.addi %mul3A_156, %add3A_157 : i32
    %dma_wait3A_159 = tpu.memref_slice %arg4[%add3A_158] : memref<320000xi32, #tpu.memory_space<hbm>> -> memref<80xi32, #tpu.memory_space<hbm>>
    %dma_wait3A_160 = tpu.memref_slice %arg4[%add3A_158] : memref<320000xi32, #tpu.memory_space<hbm>> -> memref<80xi32, #tpu.memory_space<hbm>>
    tpu.wait_dma2 semaphore(%arg20 : memref<!tpu.dma_semaphore, #tpu.memory_space<semaphore_mem>>) src(%dma_wait3A_160 : memref<80xi32, #tpu.memory_space<hbm>>) dst(%arg11 : memref<80xi32, #tpu.memory_space<vmem>>)
    %dma_start3A_161 = arith.constant 0 : i32
    %dma_start3A_162 = arith.constant 0 : i32
    %dma_start3A_163 = tpu.memref_slice %arg6[%dma_start3A_161, %dma_start3A_162] : memref<10000x128xf32, #tpu.memory_space<vmem_shared>> -> memref<10000x128xf32, #tpu.memory_space<vmem_shared>>
    tpu.enqueue_indirect_dma source(%arg8 : memref<80x128xf32, #tpu.memory_space<vmem>>) target(%dma_start3A_163 : memref<10000x128xf32, #tpu.memory_space<vmem_shared>>) offsets(%arg11 : memref<80xi32, #tpu.memory_space<vmem>>) semaphore(%arg17 : memref<!tpu.dma_semaphore, #tpu.memory_space<semaphore_mem>>) {add = true}
    %dma_wait3A_164 = arith.constant 0 : i32
    %dma_wait3A_165 = arith.constant 0 : i32
    %dma_wait3A_166 = tpu.memref_slice %arg6[%dma_wait3A_164, %dma_wait3A_165] : memref<10000x128xf32, #tpu.memory_space<vmem_shared>> -> memref<10000x128xf32, #tpu.memory_space<vmem_shared>>
    tpu.wait_indirect_dma semaphore(%arg17 : memref<!tpu.dma_semaphore, #tpu.memory_space<semaphore_mem>>) src(%arg8 : memref<80x128xf32, #tpu.memory_space<vmem>>) dst(%dma_wait3A_166 : memref<10000x128xf32, #tpu.memory_space<vmem_shared>>)
    %mul3A_167 = arith.constant 10000 : i32
    %mul3A_168 = arith.muli %add3A, %mul3A_167 : i32
    %add3A_169 = arith.constant 9840 : i32
    %add3A_170 = arith.addi %mul3A_168, %add3A_169 : i32
    %dma_start3A_171 = tpu.memref_slice %arg4[%add3A_170] : memref<320000xi32, #tpu.memory_space<hbm>> -> memref<80xi32, #tpu.memory_space<hbm>>
    %dma_start3A_172 = tpu.memref_slice %arg4[%add3A_170] : memref<320000xi32, #tpu.memory_space<hbm>> -> memref<80xi32, #tpu.memory_space<hbm>>
    tpu.enqueue_dma source(%dma_start3A_172 : memref<80xi32, #tpu.memory_space<hbm>>) target(%arg11 : memref<80xi32, #tpu.memory_space<vmem>>) target_semaphore(%arg20 : memref<!tpu.dma_semaphore, #tpu.memory_space<semaphore_mem>>)
    %dma_start3A_173 = arith.constant 9840 : i32
    %dma_start3A_174 = tpu.memref_slice %arg7[%dma_start3A_173] : memref<10000xi32, #tpu.memory_space<vmem>> -> memref<80xi32, #tpu.memory_space<vmem>>
    %dma_start3A_175 = arith.constant 0 : i32
    %dma_start3A_176 = arith.constant 0 : i32
    %dma_start3A_177 = tpu.memref_slice %arg2[%dma_start3A_175, %dma_start3A_176] : memref<10000x128xf32, #tpu.memory_space<hbm>> -> memref<10000x128xf32, #tpu.memory_space<hbm>>
    tpu.enqueue_indirect_dma source(%dma_start3A_177 : memref<10000x128xf32, #tpu.memory_space<hbm>>) target(%arg8 : memref<80x128xf32, #tpu.memory_space<vmem>>) offsets(%dma_start3A_174 : memref<80xi32, #tpu.memory_space<vmem>>) semaphore(%arg14 : memref<!tpu.dma_semaphore, #tpu.memory_space<semaphore_mem>>)
    %dma_wait3A_178 = arith.constant 9680 : i32
    %dma_wait3A_179 = tpu.memref_slice %arg7[%dma_wait3A_178] : memref<10000xi32, #tpu.memory_space<vmem>> -> memref<80xi32, #tpu.memory_space<vmem>>
    %dma_wait3A_180 = arith.constant 0 : i32
    %dma_wait3A_181 = arith.constant 0 : i32
    %dma_wait3A_182 = tpu.memref_slice %arg2[%dma_wait3A_180, %dma_wait3A_181] : memref<10000x128xf32, #tpu.memory_space<hbm>> -> memref<10000x128xf32, #tpu.memory_space<hbm>>
    tpu.wait_indirect_dma semaphore(%arg15 : memref<!tpu.dma_semaphore, #tpu.memory_space<semaphore_mem>>) src(%dma_wait3A_182 : memref<10000x128xf32, #tpu.memory_space<hbm>>) dst(%arg9 : memref<80x128xf32, #tpu.memory_space<vmem>>)
    %mul3A_183 = arith.constant 10000 : i32
    %mul3A_184 = arith.muli %add3A, %mul3A_183 : i32
    %add3A_185 = arith.constant 9680 : i32
    %add3A_186 = arith.addi %mul3A_184, %add3A_185 : i32
    %dma_wait3A_187 = tpu.memref_slice %arg4[%add3A_186] : memref<320000xi32, #tpu.memory_space<hbm>> -> memref<80xi32, #tpu.memory_space<hbm>>
    %dma_wait3A_188 = tpu.memref_slice %arg4[%add3A_186] : memref<320000xi32, #tpu.memory_space<hbm>> -> memref<80xi32, #tpu.memory_space<hbm>>
    tpu.wait_dma2 semaphore(%arg21 : memref<!tpu.dma_semaphore, #tpu.memory_space<semaphore_mem>>) src(%dma_wait3A_188 : memref<80xi32, #tpu.memory_space<hbm>>) dst(%arg12 : memref<80xi32, #tpu.memory_space<vmem>>)
    %dma_start3A_189 = arith.constant 0 : i32
    %dma_start3A_190 = arith.constant 0 : i32
    %dma_start3A_191 = tpu.memref_slice %arg6[%dma_start3A_189, %dma_start3A_190] : memref<10000x128xf32, #tpu.memory_space<vmem_shared>> -> memref<10000x128xf32, #tpu.memory_space<vmem_shared>>
    tpu.enqueue_indirect_dma source(%arg9 : memref<80x128xf32, #tpu.memory_space<vmem>>) target(%dma_start3A_191 : memref<10000x128xf32, #tpu.memory_space<vmem_shared>>) offsets(%arg12 : memref<80xi32, #tpu.memory_space<vmem>>) semaphore(%arg18 : memref<!tpu.dma_semaphore, #tpu.memory_space<semaphore_mem>>) {add = true}
    %dma_wait3A_192 = arith.constant 0 : i32
    %dma_wait3A_193 = arith.constant 0 : i32
    %dma_wait3A_194 = tpu.memref_slice %arg6[%dma_wait3A_192, %dma_wait3A_193] : memref<10000x128xf32, #tpu.memory_space<vmem_shared>> -> memref<10000x128xf32, #tpu.memory_space<vmem_shared>>
    tpu.wait_indirect_dma semaphore(%arg18 : memref<!tpu.dma_semaphore, #tpu.memory_space<semaphore_mem>>) src(%arg9 : memref<80x128xf32, #tpu.memory_space<vmem>>) dst(%dma_wait3A_194 : memref<10000x128xf32, #tpu.memory_space<vmem_shared>>)
    %mul3A_195 = arith.constant 10000 : i32
    %mul3A_196 = arith.muli %add3A, %mul3A_195 : i32
    %add3A_197 = arith.constant 9920 : i32
    %add3A_198 = arith.addi %mul3A_196, %add3A_197 : i32
    %dma_start3A_199 = tpu.memref_slice %arg4[%add3A_198] : memref<320000xi32, #tpu.memory_space<hbm>> -> memref<80xi32, #tpu.memory_space<hbm>>
    %dma_start3A_200 = tpu.memref_slice %arg4[%add3A_198] : memref<320000xi32, #tpu.memory_space<hbm>> -> memref<80xi32, #tpu.memory_space<hbm>>
    tpu.enqueue_dma source(%dma_start3A_200 : memref<80xi32, #tpu.memory_space<hbm>>) target(%arg12 : memref<80xi32, #tpu.memory_space<vmem>>) target_semaphore(%arg21 : memref<!tpu.dma_semaphore, #tpu.memory_space<semaphore_mem>>)
    %dma_start3A_201 = arith.constant 9920 : i32
    %dma_start3A_202 = tpu.memref_slice %arg7[%dma_start3A_201] : memref<10000xi32, #tpu.memory_space<vmem>> -> memref<80xi32, #tpu.memory_space<vmem>>
    %dma_start3A_203 = arith.constant 0 : i32
    %dma_start3A_204 = arith.constant 0 : i32
    %dma_start3A_205 = tpu.memref_slice %arg2[%dma_start3A_203, %dma_start3A_204] : memref<10000x128xf32, #tpu.memory_space<hbm>> -> memref<10000x128xf32, #tpu.memory_space<hbm>>
    tpu.enqueue_indirect_dma source(%dma_start3A_205 : memref<10000x128xf32, #tpu.memory_space<hbm>>) target(%arg9 : memref<80x128xf32, #tpu.memory_space<vmem>>) offsets(%dma_start3A_202 : memref<80xi32, #tpu.memory_space<vmem>>) semaphore(%arg15 : memref<!tpu.dma_semaphore, #tpu.memory_space<semaphore_mem>>)
    %dma_wait3A_206 = arith.constant 9760 : i32
    %dma_wait3A_207 = tpu.memref_slice %arg7[%dma_wait3A_206] : memref<10000xi32, #tpu.memory_space<vmem>> -> memref<80xi32, #tpu.memory_space<vmem>>
    %dma_wait3A_208 = arith.constant 0 : i32
    %dma_wait3A_209 = arith.constant 0 : i32
    %dma_wait3A_210 = tpu.memref_slice %arg2[%dma_wait3A_208, %dma_wait3A_209] : memref<10000x128xf32, #tpu.memory_space<hbm>> -> memref<10000x128xf32, #tpu.memory_space<hbm>>
    tpu.wait_indirect_dma semaphore(%arg16 : memref<!tpu.dma_semaphore, #tpu.memory_space<semaphore_mem>>) src(%dma_wait3A_210 : memref<10000x128xf32, #tpu.memory_space<hbm>>) dst(%arg10 : memref<80x128xf32, #tpu.memory_space<vmem>>)
    %mul3A_211 = arith.constant 10000 : i32
    %mul3A_212 = arith.muli %add3A, %mul3A_211 : i32
    %add3A_213 = arith.constant 9760 : i32
    %add3A_214 = arith.addi %mul3A_212, %add3A_213 : i32
    %dma_wait3A_215 = tpu.memref_slice %arg4[%add3A_214] : memref<320000xi32, #tpu.memory_space<hbm>> -> memref<80xi32, #tpu.memory_space<hbm>>
    %dma_wait3A_216 = tpu.memref_slice %arg4[%add3A_214] : memref<320000xi32, #tpu.memory_space<hbm>> -> memref<80xi32, #tpu.memory_space<hbm>>
    tpu.wait_dma2 semaphore(%arg22 : memref<!tpu.dma_semaphore, #tpu.memory_space<semaphore_mem>>) src(%dma_wait3A_216 : memref<80xi32, #tpu.memory_space<hbm>>) dst(%arg13 : memref<80xi32, #tpu.memory_space<vmem>>)
    %dma_start3A_217 = arith.constant 0 : i32
    %dma_start3A_218 = arith.constant 0 : i32
    %dma_start3A_219 = tpu.memref_slice %arg6[%dma_start3A_217, %dma_start3A_218] : memref<10000x128xf32, #tpu.memory_space<vmem_shared>> -> memref<10000x128xf32, #tpu.memory_space<vmem_shared>>
    tpu.enqueue_indirect_dma source(%arg10 : memref<80x128xf32, #tpu.memory_space<vmem>>) target(%dma_start3A_219 : memref<10000x128xf32, #tpu.memory_space<vmem_shared>>) offsets(%arg13 : memref<80xi32, #tpu.memory_space<vmem>>) semaphore(%arg19 : memref<!tpu.dma_semaphore, #tpu.memory_space<semaphore_mem>>) {add = true}
    %dma_wait3A_220 = arith.constant 0 : i32
    %dma_wait3A_221 = arith.constant 0 : i32
    %dma_wait3A_222 = tpu.memref_slice %arg6[%dma_wait3A_220, %dma_wait3A_221] : memref<10000x128xf32, #tpu.memory_space<vmem_shared>> -> memref<10000x128xf32, #tpu.memory_space<vmem_shared>>
    tpu.wait_indirect_dma semaphore(%arg19 : memref<!tpu.dma_semaphore, #tpu.memory_space<semaphore_mem>>) src(%arg10 : memref<80x128xf32, #tpu.memory_space<vmem>>) dst(%dma_wait3A_222 : memref<10000x128xf32, #tpu.memory_space<vmem_shared>>)
    %dma_wait3A_223 = arith.constant 9840 : i32
    %dma_wait3A_224 = tpu.memref_slice %arg7[%dma_wait3A_223] : memref<10000xi32, #tpu.memory_space<vmem>> -> memref<80xi32, #tpu.memory_space<vmem>>
    %dma_wait3A_225 = arith.constant 0 : i32
    %dma_wait3A_226 = arith.constant 0 : i32
    %dma_wait3A_227 = tpu.memref_slice %arg2[%dma_wait3A_225, %dma_wait3A_226] : memref<10000x128xf32, #tpu.memory_space<hbm>> -> memref<10000x128xf32, #tpu.memory_space<hbm>>
    tpu.wait_indirect_dma semaphore(%arg14 : memref<!tpu.dma_semaphore, #tpu.memory_space<semaphore_mem>>) src(%dma_wait3A_227 : memref<10000x128xf32, #tpu.memory_space<hbm>>) dst(%arg8 : memref<80x128xf32, #tpu.memory_space<vmem>>)
    %mul3A_228 = arith.constant 10000 : i32
    %mul3A_229 = arith.muli %add3A, %mul3A_228 : i32
    %add3A_230 = arith.constant 9840 : i32
    %add3A_231 = arith.addi %mul3A_229, %add3A_230 : i32
    %dma_wait3A_232 = tpu.memref_slice %arg4[%add3A_231] : memref<320000xi32, #tpu.memory_space<hbm>> -> memref<80xi32, #tpu.memory_space<hbm>>
    %dma_wait3A_233 = tpu.memref_slice %arg4[%add3A_231] : memref<320000xi32, #tpu.memory_space<hbm>> -> memref<80xi32, #tpu.memory_space<hbm>>
    tpu.wait_dma2 semaphore(%arg20 : memref<!tpu.dma_semaphore, #tpu.memory_space<semaphore_mem>>) src(%dma_wait3A_233 : memref<80xi32, #tpu.memory_space<hbm>>) dst(%arg11 : memref<80xi32, #tpu.memory_space<vmem>>)
    %dma_start3A_234 = arith.constant 0 : i32
    %dma_start3A_235 = arith.constant 0 : i32
    %dma_start3A_236 = tpu.memref_slice %arg6[%dma_start3A_234, %dma_start3A_235] : memref<10000x128xf32, #tpu.memory_space<vmem_shared>> -> memref<10000x128xf32, #tpu.memory_space<vmem_shared>>
    tpu.enqueue_indirect_dma source(%arg8 : memref<80x128xf32, #tpu.memory_space<vmem>>) target(%dma_start3A_236 : memref<10000x128xf32, #tpu.memory_space<vmem_shared>>) offsets(%arg11 : memref<80xi32, #tpu.memory_space<vmem>>) semaphore(%arg17 : memref<!tpu.dma_semaphore, #tpu.memory_space<semaphore_mem>>) {add = true}
    %dma_wait3A_237 = arith.constant 0 : i32
    %dma_wait3A_238 = arith.constant 0 : i32
    %dma_wait3A_239 = tpu.memref_slice %arg6[%dma_wait3A_237, %dma_wait3A_238] : memref<10000x128xf32, #tpu.memory_space<vmem_shared>> -> memref<10000x128xf32, #tpu.memory_space<vmem_shared>>
    tpu.wait_indirect_dma semaphore(%arg17 : memref<!tpu.dma_semaphore, #tpu.memory_space<semaphore_mem>>) src(%arg8 : memref<80x128xf32, #tpu.memory_space<vmem>>) dst(%dma_wait3A_239 : memref<10000x128xf32, #tpu.memory_space<vmem_shared>>)
    %dma_wait3A_240 = arith.constant 9920 : i32
    %dma_wait3A_241 = tpu.memref_slice %arg7[%dma_wait3A_240] : memref<10000xi32, #tpu.memory_space<vmem>> -> memref<80xi32, #tpu.memory_space<vmem>>
    %dma_wait3A_242 = arith.constant 0 : i32
    %dma_wait3A_243 = arith.constant 0 : i32
    %dma_wait3A_244 = tpu.memref_slice %arg2[%dma_wait3A_242, %dma_wait3A_243] : memref<10000x128xf32, #tpu.memory_space<hbm>> -> memref<10000x128xf32, #tpu.memory_space<hbm>>
    tpu.wait_indirect_dma semaphore(%arg15 : memref<!tpu.dma_semaphore, #tpu.memory_space<semaphore_mem>>) src(%dma_wait3A_244 : memref<10000x128xf32, #tpu.memory_space<hbm>>) dst(%arg9 : memref<80x128xf32, #tpu.memory_space<vmem>>)
    %mul3A_245 = arith.constant 10000 : i32
    %mul3A_246 = arith.muli %add3A, %mul3A_245 : i32
    %add3A_247 = arith.constant 9920 : i32
    %add3A_248 = arith.addi %mul3A_246, %add3A_247 : i32
    %dma_wait3A_249 = tpu.memref_slice %arg4[%add3A_248] : memref<320000xi32, #tpu.memory_space<hbm>> -> memref<80xi32, #tpu.memory_space<hbm>>
    %dma_wait3A_250 = tpu.memref_slice %arg4[%add3A_248] : memref<320000xi32, #tpu.memory_space<hbm>> -> memref<80xi32, #tpu.memory_space<hbm>>
    tpu.wait_dma2 semaphore(%arg21 : memref<!tpu.dma_semaphore, #tpu.memory_space<semaphore_mem>>) src(%dma_wait3A_250 : memref<80xi32, #tpu.memory_space<hbm>>) dst(%arg12 : memref<80xi32, #tpu.memory_space<vmem>>)
    %dma_start3A_251 = arith.constant 0 : i32
    %dma_start3A_252 = arith.constant 0 : i32
    %dma_start3A_253 = tpu.memref_slice %arg6[%dma_start3A_251, %dma_start3A_252] : memref<10000x128xf32, #tpu.memory_space<vmem_shared>> -> memref<10000x128xf32, #tpu.memory_space<vmem_shared>>
    tpu.enqueue_indirect_dma source(%arg9 : memref<80x128xf32, #tpu.memory_space<vmem>>) target(%dma_start3A_253 : memref<10000x128xf32, #tpu.memory_space<vmem_shared>>) offsets(%arg12 : memref<80xi32, #tpu.memory_space<vmem>>) semaphore(%arg18 : memref<!tpu.dma_semaphore, #tpu.memory_space<semaphore_mem>>) {add = true}
    %dma_wait3A_254 = arith.constant 0 : i32
    %dma_wait3A_255 = arith.constant 0 : i32
    %dma_wait3A_256 = tpu.memref_slice %arg6[%dma_wait3A_254, %dma_wait3A_255] : memref<10000x128xf32, #tpu.memory_space<vmem_shared>> -> memref<10000x128xf32, #tpu.memory_space<vmem_shared>>
    tpu.wait_indirect_dma semaphore(%arg18 : memref<!tpu.dma_semaphore, #tpu.memory_space<semaphore_mem>>) src(%arg9 : memref<80x128xf32, #tpu.memory_space<vmem>>) dst(%dma_wait3A_256 : memref<10000x128xf32, #tpu.memory_space<vmem_shared>>)
    %barrier3A_257 = arith.constant 0 : index
    tpu.barrier barrier_id(%barrier3A_257)
    %add3A_258 = arith.constant 0 : i32
    %add3A_259 = arith.addi %min3A_11, %add3A_258 : i32
    %dma_start3A_260 = arith.constant 0 : i32
    %dma_start3A_261 = tpu.memref_slice %arg6[%add3A_259, %dma_start3A_260] : memref<10000x128xf32, #tpu.memory_space<vmem_shared>> -> memref<80x128xf32, #tpu.memory_space<vmem_shared>>
    %dma_start3A_262 = arith.constant 0 : i32
    %dma_start3A_263 = tpu.memref_slice %arg6[%add3A_259, %dma_start3A_262] : memref<10000x128xf32, #tpu.memory_space<vmem_shared>> -> memref<80x128xf32, #tpu.memory_space<vmem_shared>>
    tpu.enqueue_dma source(%dma_start3A_263 : memref<80x128xf32, #tpu.memory_space<vmem_shared>>) target(%arg8 : memref<80x128xf32, #tpu.memory_space<vmem>>) target_semaphore(%arg14 : memref<!tpu.dma_semaphore, #tpu.memory_space<semaphore_mem>>)
    %add3A_264 = arith.constant 0 : i32
    %add3A_265 = arith.addi %min3A_11, %add3A_264 : i32
    %dma_wait3A_266 = arith.constant 0 : i32
    %dma_wait3A_267 = tpu.memref_slice %arg6[%add3A_265, %dma_wait3A_266] : memref<10000x128xf32, #tpu.memory_space<vmem_shared>> -> memref<80x128xf32, #tpu.memory_space<vmem_shared>>
    %dma_wait3A_268 = arith.constant 0 : i32
    %dma_wait3A_269 = tpu.memref_slice %arg6[%add3A_265, %dma_wait3A_268] : memref<10000x128xf32, #tpu.memory_space<vmem_shared>> -> memref<80x128xf32, #tpu.memory_space<vmem_shared>>
    tpu.wait_dma2 semaphore(%arg14 : memref<!tpu.dma_semaphore, #tpu.memory_space<semaphore_mem>>) src(%dma_wait3A_269 : memref<80x128xf32, #tpu.memory_space<vmem_shared>>) dst(%arg8 : memref<80x128xf32, #tpu.memory_space<vmem>>)
    %add3A_270 = arith.constant 0 : i32
    %add3A_271 = arith.addi %min3A_11, %add3A_270 : i32
    %dma_start3A_272 = arith.constant 0 : i32
    %dma_start3A_273 = tpu.memref_slice %arg5[%arg0, %add3A_271, %dma_start3A_272] : memref<2x10000x128xf32, #tpu.memory_space<hbm>> -> memref<1x80x128xf32, #tpu.memory_space<hbm>>
    %dma_start3A_274 = tpu.memref_squeeze %dma_start3A_273 : memref<1x80x128xf32, #tpu.memory_space<hbm>> -> memref<80x128xf32, #tpu.memory_space<hbm>>
    %dma_start3A_275 = arith.constant 0 : i32
    %dma_start3A_276 = tpu.memref_slice %arg5[%arg0, %add3A_271, %dma_start3A_275] : memref<2x10000x128xf32, #tpu.memory_space<hbm>> -> memref<1x80x128xf32, #tpu.memory_space<hbm>>
    %dma_start3A_277 = tpu.memref_squeeze %dma_start3A_276 : memref<1x80x128xf32, #tpu.memory_space<hbm>> -> memref<80x128xf32, #tpu.memory_space<hbm>>
    tpu.enqueue_dma source(%arg8 : memref<80x128xf32, #tpu.memory_space<vmem>>) target(%dma_start3A_277 : memref<80x128xf32, #tpu.memory_space<hbm>>) target_semaphore(%arg17 : memref<!tpu.dma_semaphore, #tpu.memory_space<semaphore_mem>>)
    %add3A_278 = arith.constant 80 : i32
    %add3A_279 = arith.addi %min3A_11, %add3A_278 : i32
    %dma_start3A_280 = arith.constant 0 : i32
    %dma_start3A_281 = tpu.memref_slice %arg6[%add3A_279, %dma_start3A_280] : memref<10000x128xf32, #tpu.memory_space<vmem_shared>> -> memref<80x128xf32, #tpu.memory_space<vmem_shared>>
    %dma_start3A_282 = arith.constant 0 : i32
    %dma_start3A_283 = tpu.memref_slice %arg6[%add3A_279, %dma_start3A_282] : memref<10000x128xf32, #tpu.memory_space<vmem_shared>> -> memref<80x128xf32, #tpu.memory_space<vmem_shared>>
    tpu.enqueue_dma source(%dma_start3A_283 : memref<80x128xf32, #tpu.memory_space<vmem_shared>>) target(%arg9 : memref<80x128xf32, #tpu.memory_space<vmem>>) target_semaphore(%arg15 : memref<!tpu.dma_semaphore, #tpu.memory_space<semaphore_mem>>)
    %add3A_284 = arith.constant 80 : i32
    %add3A_285 = arith.addi %min3A_11, %add3A_284 : i32
    %dma_wait3A_286 = arith.constant 0 : i32
    %dma_wait3A_287 = tpu.memref_slice %arg6[%add3A_285, %dma_wait3A_286] : memref<10000x128xf32, #tpu.memory_space<vmem_shared>> -> memref<80x128xf32, #tpu.memory_space<vmem_shared>>
    %dma_wait3A_288 = arith.constant 0 : i32
    %dma_wait3A_289 = tpu.memref_slice %arg6[%add3A_285, %dma_wait3A_288] : memref<10000x128xf32, #tpu.memory_space<vmem_shared>> -> memref<80x128xf32, #tpu.memory_space<vmem_shared>>
    tpu.wait_dma2 semaphore(%arg15 : memref<!tpu.dma_semaphore, #tpu.memory_space<semaphore_mem>>) src(%dma_wait3A_289 : memref<80x128xf32, #tpu.memory_space<vmem_shared>>) dst(%arg9 : memref<80x128xf32, #tpu.memory_space<vmem>>)
    %add3A_290 = arith.constant 80 : i32
    %add3A_291 = arith.addi %min3A_11, %add3A_290 : i32
    %dma_start3A_292 = arith.constant 0 : i32
    %dma_start3A_293 = tpu.memref_slice %arg5[%arg0, %add3A_291, %dma_start3A_292] : memref<2x10000x128xf32, #tpu.memory_space<hbm>> -> memref<1x80x128xf32, #tpu.memory_space<hbm>>
    %dma_start3A_294 = tpu.memref_squeeze %dma_start3A_293 : memref<1x80x128xf32, #tpu.memory_space<hbm>> -> memref<80x128xf32, #tpu.memory_space<hbm>>
    %dma_start3A_295 = arith.constant 0 : i32
    %dma_start3A_296 = tpu.memref_slice %arg5[%arg0, %add3A_291, %dma_start3A_295] : memref<2x10000x128xf32, #tpu.memory_space<hbm>> -> memref<1x80x128xf32, #tpu.memory_space<hbm>>
    %dma_start3A_297 = tpu.memref_squeeze %dma_start3A_296 : memref<1x80x128xf32, #tpu.memory_space<hbm>> -> memref<80x128xf32, #tpu.memory_space<hbm>>
    tpu.enqueue_dma source(%arg9 : memref<80x128xf32, #tpu.memory_space<vmem>>) target(%dma_start3A_297 : memref<80x128xf32, #tpu.memory_space<hbm>>) target_semaphore(%arg18 : memref<!tpu.dma_semaphore, #tpu.memory_space<semaphore_mem>>)
    %add3A_298 = arith.constant 0 : i32
    %add3A_299 = arith.addi %min3A_11, %add3A_298 : i32
    %dma_wait3A_300 = arith.constant 0 : i32
    %dma_wait3A_301 = tpu.memref_slice %arg5[%arg0, %add3A_299, %dma_wait3A_300] : memref<2x10000x128xf32, #tpu.memory_space<hbm>> -> memref<1x80x128xf32, #tpu.memory_space<hbm>>
    %dma_wait3A_302 = tpu.memref_squeeze %dma_wait3A_301 : memref<1x80x128xf32, #tpu.memory_space<hbm>> -> memref<80x128xf32, #tpu.memory_space<hbm>>
    %dma_wait3A_303 = arith.constant 0 : i32
    %dma_wait3A_304 = tpu.memref_slice %arg5[%arg0, %add3A_299, %dma_wait3A_303] : memref<2x10000x128xf32, #tpu.memory_space<hbm>> -> memref<1x80x128xf32, #tpu.memory_space<hbm>>
    %dma_wait3A_305 = tpu.memref_squeeze %dma_wait3A_304 : memref<1x80x128xf32, #tpu.memory_space<hbm>> -> memref<80x128xf32, #tpu.memory_space<hbm>>
    tpu.wait_dma2 semaphore(%arg17 : memref<!tpu.dma_semaphore, #tpu.memory_space<semaphore_mem>>) src(%arg8 : memref<80x128xf32, #tpu.memory_space<vmem>>) dst(%dma_wait3A_305 : memref<80x128xf32, #tpu.memory_space<hbm>>)
    %add3A_306 = arith.constant 160 : i32
    %add3A_307 = arith.addi %min3A_11, %add3A_306 : i32
    %dma_start3A_308 = arith.constant 0 : i32
    %dma_start3A_309 = tpu.memref_slice %arg6[%add3A_307, %dma_start3A_308] : memref<10000x128xf32, #tpu.memory_space<vmem_shared>> -> memref<80x128xf32, #tpu.memory_space<vmem_shared>>
    %dma_start3A_310 = arith.constant 0 : i32
    %dma_start3A_311 = tpu.memref_slice %arg6[%add3A_307, %dma_start3A_310] : memref<10000x128xf32, #tpu.memory_space<vmem_shared>> -> memref<80x128xf32, #tpu.memory_space<vmem_shared>>
    tpu.enqueue_dma source(%dma_start3A_311 : memref<80x128xf32, #tpu.memory_space<vmem_shared>>) target(%arg8 : memref<80x128xf32, #tpu.memory_space<vmem>>) target_semaphore(%arg14 : memref<!tpu.dma_semaphore, #tpu.memory_space<semaphore_mem>>)
    %add3A_312 = arith.constant 160 : i32
    %add3A_313 = arith.addi %min3A_11, %add3A_312 : i32
    %dma_wait3A_314 = arith.constant 0 : i32
    %dma_wait3A_315 = tpu.memref_slice %arg6[%add3A_313, %dma_wait3A_314] : memref<10000x128xf32, #tpu.memory_space<vmem_shared>> -> memref<80x128xf32, #tpu.memory_space<vmem_shared>>
    %dma_wait3A_316 = arith.constant 0 : i32
    %dma_wait3A_317 = tpu.memref_slice %arg6[%add3A_313, %dma_wait3A_316] : memref<10000x128xf32, #tpu.memory_space<vmem_shared>> -> memref<80x128xf32, #tpu.memory_space<vmem_shared>>
    tpu.wait_dma2 semaphore(%arg14 : memref<!tpu.dma_semaphore, #tpu.memory_space<semaphore_mem>>) src(%dma_wait3A_317 : memref<80x128xf32, #tpu.memory_space<vmem_shared>>) dst(%arg8 : memref<80x128xf32, #tpu.memory_space<vmem>>)
    %add3A_318 = arith.constant 160 : i32
    %add3A_319 = arith.addi %min3A_11, %add3A_318 : i32
    %dma_start3A_320 = arith.constant 0 : i32
    %dma_start3A_321 = tpu.memref_slice %arg5[%arg0, %add3A_319, %dma_start3A_320] : memref<2x10000x128xf32, #tpu.memory_space<hbm>> -> memref<1x80x128xf32, #tpu.memory_space<hbm>>
    %dma_start3A_322 = tpu.memref_squeeze %dma_start3A_321 : memref<1x80x128xf32, #tpu.memory_space<hbm>> -> memref<80x128xf32, #tpu.memory_space<hbm>>
    %dma_start3A_323 = arith.constant 0 : i32
    %dma_start3A_324 = tpu.memref_slice %arg5[%arg0, %add3A_319, %dma_start3A_323] : memref<2x10000x128xf32, #tpu.memory_space<hbm>> -> memref<1x80x128xf32, #tpu.memory_space<hbm>>
    %dma_start3A_325 = tpu.memref_squeeze %dma_start3A_324 : memref<1x80x128xf32, #tpu.memory_space<hbm>> -> memref<80x128xf32, #tpu.memory_space<hbm>>
    tpu.enqueue_dma source(%arg8 : memref<80x128xf32, #tpu.memory_space<vmem>>) target(%dma_start3A_325 : memref<80x128xf32, #tpu.memory_space<hbm>>) target_semaphore(%arg17 : memref<!tpu.dma_semaphore, #tpu.memory_space<semaphore_mem>>)
    %add3A_326 = arith.constant 80 : i32
    %add3A_327 = arith.addi %min3A_11, %add3A_326 : i32
    %dma_wait3A_328 = arith.constant 0 : i32
    %dma_wait3A_329 = tpu.memref_slice %arg5[%arg0, %add3A_327, %dma_wait3A_328] : memref<2x10000x128xf32, #tpu.memory_space<hbm>> -> memref<1x80x128xf32, #tpu.memory_space<hbm>>
    %dma_wait3A_330 = tpu.memref_squeeze %dma_wait3A_329 : memref<1x80x128xf32, #tpu.memory_space<hbm>> -> memref<80x128xf32, #tpu.memory_space<hbm>>
    %dma_wait3A_331 = arith.constant 0 : i32
    %dma_wait3A_332 = tpu.memref_slice %arg5[%arg0, %add3A_327, %dma_wait3A_331] : memref<2x10000x128xf32, #tpu.memory_space<hbm>> -> memref<1x80x128xf32, #tpu.memory_space<hbm>>
    %dma_wait3A_333 = tpu.memref_squeeze %dma_wait3A_332 : memref<1x80x128xf32, #tpu.memory_space<hbm>> -> memref<80x128xf32, #tpu.memory_space<hbm>>
    tpu.wait_dma2 semaphore(%arg18 : memref<!tpu.dma_semaphore, #tpu.memory_space<semaphore_mem>>) src(%arg9 : memref<80x128xf32, #tpu.memory_space<vmem>>) dst(%dma_wait3A_333 : memref<80x128xf32, #tpu.memory_space<hbm>>)
    %add3A_334 = arith.constant 240 : i32
    %add3A_335 = arith.addi %min3A_11, %add3A_334 : i32
    %dma_start3A_336 = arith.constant 0 : i32
    %dma_start3A_337 = tpu.memref_slice %arg6[%add3A_335, %dma_start3A_336] : memref<10000x128xf32, #tpu.memory_space<vmem_shared>> -> memref<80x128xf32, #tpu.memory_space<vmem_shared>>
    %dma_start3A_338 = arith.constant 0 : i32
    %dma_start3A_339 = tpu.memref_slice %arg6[%add3A_335, %dma_start3A_338] : memref<10000x128xf32, #tpu.memory_space<vmem_shared>> -> memref<80x128xf32, #tpu.memory_space<vmem_shared>>
    tpu.enqueue_dma source(%dma_start3A_339 : memref<80x128xf32, #tpu.memory_space<vmem_shared>>) target(%arg9 : memref<80x128xf32, #tpu.memory_space<vmem>>) target_semaphore(%arg15 : memref<!tpu.dma_semaphore, #tpu.memory_space<semaphore_mem>>)
    %add3A_340 = arith.constant 240 : i32
    %add3A_341 = arith.addi %min3A_11, %add3A_340 : i32
    %dma_wait3A_342 = arith.constant 0 : i32
    %dma_wait3A_343 = tpu.memref_slice %arg6[%add3A_341, %dma_wait3A_342] : memref<10000x128xf32, #tpu.memory_space<vmem_shared>> -> memref<80x128xf32, #tpu.memory_space<vmem_shared>>
    %dma_wait3A_344 = arith.constant 0 : i32
    %dma_wait3A_345 = tpu.memref_slice %arg6[%add3A_341, %dma_wait3A_344] : memref<10000x128xf32, #tpu.memory_space<vmem_shared>> -> memref<80x128xf32, #tpu.memory_space<vmem_shared>>
    tpu.wait_dma2 semaphore(%arg15 : memref<!tpu.dma_semaphore, #tpu.memory_space<semaphore_mem>>) src(%dma_wait3A_345 : memref<80x128xf32, #tpu.memory_space<vmem_shared>>) dst(%arg9 : memref<80x128xf32, #tpu.memory_space<vmem>>)
    %add3A_346 = arith.constant 240 : i32
    %add3A_347 = arith.addi %min3A_11, %add3A_346 : i32
    %dma_start3A_348 = arith.constant 0 : i32
    %dma_start3A_349 = tpu.memref_slice %arg5[%arg0, %add3A_347, %dma_start3A_348] : memref<2x10000x128xf32, #tpu.memory_space<hbm>> -> memref<1x80x128xf32, #tpu.memory_space<hbm>>
    %dma_start3A_350 = tpu.memref_squeeze %dma_start3A_349 : memref<1x80x128xf32, #tpu.memory_space<hbm>> -> memref<80x128xf32, #tpu.memory_space<hbm>>
    %dma_start3A_351 = arith.constant 0 : i32
    %dma_start3A_352 = tpu.memref_slice %arg5[%arg0, %add3A_347, %dma_start3A_351] : memref<2x10000x128xf32, #tpu.memory_space<hbm>> -> memref<1x80x128xf32, #tpu.memory_space<hbm>>
    %dma_start3A_353 = tpu.memref_squeeze %dma_start3A_352 : memref<1x80x128xf32, #tpu.memory_space<hbm>> -> memref<80x128xf32, #tpu.memory_space<hbm>>
    tpu.enqueue_dma source(%arg9 : memref<80x128xf32, #tpu.memory_space<vmem>>) target(%dma_start3A_353 : memref<80x128xf32, #tpu.memory_space<hbm>>) target_semaphore(%arg18 : memref<!tpu.dma_semaphore, #tpu.memory_space<semaphore_mem>>)
    %add3A_354 = arith.constant 160 : i32
    %add3A_355 = arith.addi %min3A_11, %add3A_354 : i32
    %dma_wait3A_356 = arith.constant 0 : i32
    %dma_wait3A_357 = tpu.memref_slice %arg5[%arg0, %add3A_355, %dma_wait3A_356] : memref<2x10000x128xf32, #tpu.memory_space<hbm>> -> memref<1x80x128xf32, #tpu.memory_space<hbm>>
    %dma_wait3A_358 = tpu.memref_squeeze %dma_wait3A_357 : memref<1x80x128xf32, #tpu.memory_space<hbm>> -> memref<80x128xf32, #tpu.memory_space<hbm>>
    %dma_wait3A_359 = arith.constant 0 : i32
    %dma_wait3A_360 = tpu.memref_slice %arg5[%arg0, %add3A_355, %dma_wait3A_359] : memref<2x10000x128xf32, #tpu.memory_space<hbm>> -> memref<1x80x128xf32, #tpu.memory_space<hbm>>
    %dma_wait3A_361 = tpu.memref_squeeze %dma_wait3A_360 : memref<1x80x128xf32, #tpu.memory_space<hbm>> -> memref<80x128xf32, #tpu.memory_space<hbm>>
    tpu.wait_dma2 semaphore(%arg17 : memref<!tpu.dma_semaphore, #tpu.memory_space<semaphore_mem>>) src(%arg8 : memref<80x128xf32, #tpu.memory_space<vmem>>) dst(%dma_wait3A_361 : memref<80x128xf32, #tpu.memory_space<hbm>>)
    %add3A_362 = arith.constant 320 : i32
    %add3A_363 = arith.addi %min3A_11, %add3A_362 : i32
    %dma_start3A_364 = arith.constant 0 : i32
    %dma_start3A_365 = tpu.memref_slice %arg6[%add3A_363, %dma_start3A_364] : memref<10000x128xf32, #tpu.memory_space<vmem_shared>> -> memref<80x128xf32, #tpu.memory_space<vmem_shared>>
    %dma_start3A_366 = arith.constant 0 : i32
    %dma_start3A_367 = tpu.memref_slice %arg6[%add3A_363, %dma_start3A_366] : memref<10000x128xf32, #tpu.memory_space<vmem_shared>> -> memref<80x128xf32, #tpu.memory_space<vmem_shared>>
    tpu.enqueue_dma source(%dma_start3A_367 : memref<80x128xf32, #tpu.memory_space<vmem_shared>>) target(%arg8 : memref<80x128xf32, #tpu.memory_space<vmem>>) target_semaphore(%arg14 : memref<!tpu.dma_semaphore, #tpu.memory_space<semaphore_mem>>)
    %add3A_368 = arith.constant 320 : i32
    %add3A_369 = arith.addi %min3A_11, %add3A_368 : i32
    %dma_wait3A_370 = arith.constant 0 : i32
    %dma_wait3A_371 = tpu.memref_slice %arg6[%add3A_369, %dma_wait3A_370] : memref<10000x128xf32, #tpu.memory_space<vmem_shared>> -> memref<80x128xf32, #tpu.memory_space<vmem_shared>>
    %dma_wait3A_372 = arith.constant 0 : i32
    %dma_wait3A_373 = tpu.memref_slice %arg6[%add3A_369, %dma_wait3A_372] : memref<10000x128xf32, #tpu.memory_space<vmem_shared>> -> memref<80x128xf32, #tpu.memory_space<vmem_shared>>
    tpu.wait_dma2 semaphore(%arg14 : memref<!tpu.dma_semaphore, #tpu.memory_space<semaphore_mem>>) src(%dma_wait3A_373 : memref<80x128xf32, #tpu.memory_space<vmem_shared>>) dst(%arg8 : memref<80x128xf32, #tpu.memory_space<vmem>>)
    %add3A_374 = arith.constant 320 : i32
    %add3A_375 = arith.addi %min3A_11, %add3A_374 : i32
    %dma_start3A_376 = arith.constant 0 : i32
    %dma_start3A_377 = tpu.memref_slice %arg5[%arg0, %add3A_375, %dma_start3A_376] : memref<2x10000x128xf32, #tpu.memory_space<hbm>> -> memref<1x80x128xf32, #tpu.memory_space<hbm>>
    %dma_start3A_378 = tpu.memref_squeeze %dma_start3A_377 : memref<1x80x128xf32, #tpu.memory_space<hbm>> -> memref<80x128xf32, #tpu.memory_space<hbm>>
    %dma_start3A_379 = arith.constant 0 : i32
    %dma_start3A_380 = tpu.memref_slice %arg5[%arg0, %add3A_375, %dma_start3A_379] : memref<2x10000x128xf32, #tpu.memory_space<hbm>> -> memref<1x80x128xf32, #tpu.memory_space<hbm>>
    %dma_start3A_381 = tpu.memref_squeeze %dma_start3A_380 : memref<1x80x128xf32, #tpu.memory_space<hbm>> -> memref<80x128xf32, #tpu.memory_space<hbm>>
    tpu.enqueue_dma source(%arg8 : memref<80x128xf32, #tpu.memory_space<vmem>>) target(%dma_start3A_381 : memref<80x128xf32, #tpu.memory_space<hbm>>) target_semaphore(%arg17 : memref<!tpu.dma_semaphore, #tpu.memory_space<semaphore_mem>>)
    %add3A_382 = arith.constant 240 : i32
    %add3A_383 = arith.addi %min3A_11, %add3A_382 : i32
    %dma_wait3A_384 = arith.constant 0 : i32
    %dma_wait3A_385 = tpu.memref_slice %arg5[%arg0, %add3A_383, %dma_wait3A_384] : memref<2x10000x128xf32, #tpu.memory_space<hbm>> -> memref<1x80x128xf32, #tpu.memory_space<hbm>>
    %dma_wait3A_386 = tpu.memref_squeeze %dma_wait3A_385 : memref<1x80x128xf32, #tpu.memory_space<hbm>> -> memref<80x128xf32, #tpu.memory_space<hbm>>
    %dma_wait3A_387 = arith.constant 0 : i32
    %dma_wait3A_388 = tpu.memref_slice %arg5[%arg0, %add3A_383, %dma_wait3A_387] : memref<2x10000x128xf32, #tpu.memory_space<hbm>> -> memref<1x80x128xf32, #tpu.memory_space<hbm>>
    %dma_wait3A_389 = tpu.memref_squeeze %dma_wait3A_388 : memref<1x80x128xf32, #tpu.memory_space<hbm>> -> memref<80x128xf32, #tpu.memory_space<hbm>>
    tpu.wait_dma2 semaphore(%arg18 : memref<!tpu.dma_semaphore, #tpu.memory_space<semaphore_mem>>) src(%arg9 : memref<80x128xf32, #tpu.memory_space<vmem>>) dst(%dma_wait3A_389 : memref<80x128xf32, #tpu.memory_space<hbm>>)
    %add3A_390 = arith.constant 400 : i32
    %add3A_391 = arith.addi %min3A_11, %add3A_390 : i32
    %dma_start3A_392 = arith.constant 0 : i32
    %dma_start3A_393 = tpu.memref_slice %arg6[%add3A_391, %dma_start3A_392] : memref<10000x128xf32, #tpu.memory_space<vmem_shared>> -> memref<80x128xf32, #tpu.memory_space<vmem_shared>>
    %dma_start3A_394 = arith.constant 0 : i32
    %dma_start3A_395 = tpu.memref_slice %arg6[%add3A_391, %dma_start3A_394] : memref<10000x128xf32, #tpu.memory_space<vmem_shared>> -> memref<80x128xf32, #tpu.memory_space<vmem_shared>>
    tpu.enqueue_dma source(%dma_start3A_395 : memref<80x128xf32, #tpu.memory_space<vmem_shared>>) target(%arg9 : memref<80x128xf32, #tpu.memory_space<vmem>>) target_semaphore(%arg15 : memref<!tpu.dma_semaphore, #tpu.memory_space<semaphore_mem>>)
    %add3A_396 = arith.constant 400 : i32
    %add3A_397 = arith.addi %min3A_11, %add3A_396 : i32
    %dma_wait3A_398 = arith.constant 0 : i32
    %dma_wait3A_399 = tpu.memref_slice %arg6[%add3A_397, %dma_wait3A_398] : memref<10000x128xf32, #tpu.memory_space<vmem_shared>> -> memref<80x128xf32, #tpu.memory_space<vmem_shared>>
    %dma_wait3A_400 = arith.constant 0 : i32
    %dma_wait3A_401 = tpu.memref_slice %arg6[%add3A_397, %dma_wait3A_400] : memref<10000x128xf32, #tpu.memory_space<vmem_shared>> -> memref<80x128xf32, #tpu.memory_space<vmem_shared>>
    tpu.wait_dma2 semaphore(%arg15 : memref<!tpu.dma_semaphore, #tpu.memory_space<semaphore_mem>>) src(%dma_wait3A_401 : memref<80x128xf32, #tpu.memory_space<vmem_shared>>) dst(%arg9 : memref<80x128xf32, #tpu.memory_space<vmem>>)
    %add3A_402 = arith.constant 400 : i32
    %add3A_403 = arith.addi %min3A_11, %add3A_402 : i32
    %dma_start3A_404 = arith.constant 0 : i32
    %dma_start3A_405 = tpu.memref_slice %arg5[%arg0, %add3A_403, %dma_start3A_404] : memref<2x10000x128xf32, #tpu.memory_space<hbm>> -> memref<1x80x128xf32, #tpu.memory_space<hbm>>
    %dma_start3A_406 = tpu.memref_squeeze %dma_start3A_405 : memref<1x80x128xf32, #tpu.memory_space<hbm>> -> memref<80x128xf32, #tpu.memory_space<hbm>>
    %dma_start3A_407 = arith.constant 0 : i32
    %dma_start3A_408 = tpu.memref_slice %arg5[%arg0, %add3A_403, %dma_start3A_407] : memref<2x10000x128xf32, #tpu.memory_space<hbm>> -> memref<1x80x128xf32, #tpu.memory_space<hbm>>
    %dma_start3A_409 = tpu.memref_squeeze %dma_start3A_408 : memref<1x80x128xf32, #tpu.memory_space<hbm>> -> memref<80x128xf32, #tpu.memory_space<hbm>>
    tpu.enqueue_dma source(%arg9 : memref<80x128xf32, #tpu.memory_space<vmem>>) target(%dma_start3A_409 : memref<80x128xf32, #tpu.memory_space<hbm>>) target_semaphore(%arg18 : memref<!tpu.dma_semaphore, #tpu.memory_space<semaphore_mem>>)
    %add3A_410 = arith.constant 320 : i32
    %add3A_411 = arith.addi %min3A_11, %add3A_410 : i32
    %dma_wait3A_412 = arith.constant 0 : i32
    %dma_wait3A_413 = tpu.memref_slice %arg5[%arg0, %add3A_411, %dma_wait3A_412] : memref<2x10000x128xf32, #tpu.memory_space<hbm>> -> memref<1x80x128xf32, #tpu.memory_space<hbm>>
    %dma_wait3A_414 = tpu.memref_squeeze %dma_wait3A_413 : memref<1x80x128xf32, #tpu.memory_space<hbm>> -> memref<80x128xf32, #tpu.memory_space<hbm>>
    %dma_wait3A_415 = arith.constant 0 : i32
    %dma_wait3A_416 = tpu.memref_slice %arg5[%arg0, %add3A_411, %dma_wait3A_415] : memref<2x10000x128xf32, #tpu.memory_space<hbm>> -> memref<1x80x128xf32, #tpu.memory_space<hbm>>
    %dma_wait3A_417 = tpu.memref_squeeze %dma_wait3A_416 : memref<1x80x128xf32, #tpu.memory_space<hbm>> -> memref<80x128xf32, #tpu.memory_space<hbm>>
    tpu.wait_dma2 semaphore(%arg17 : memref<!tpu.dma_semaphore, #tpu.memory_space<semaphore_mem>>) src(%arg8 : memref<80x128xf32, #tpu.memory_space<vmem>>) dst(%dma_wait3A_417 : memref<80x128xf32, #tpu.memory_space<hbm>>)
    %add3A_418 = arith.constant 480 : i32
    %add3A_419 = arith.addi %min3A_11, %add3A_418 : i32
    %dma_start3A_420 = arith.constant 0 : i32
    %dma_start3A_421 = tpu.memref_slice %arg6[%add3A_419, %dma_start3A_420] : memref<10000x128xf32, #tpu.memory_space<vmem_shared>> -> memref<80x128xf32, #tpu.memory_space<vmem_shared>>
    %dma_start3A_422 = arith.constant 0 : i32
    %dma_start3A_423 = tpu.memref_slice %arg6[%add3A_419, %dma_start3A_422] : memref<10000x128xf32, #tpu.memory_space<vmem_shared>> -> memref<80x128xf32, #tpu.memory_space<vmem_shared>>
    tpu.enqueue_dma source(%dma_start3A_423 : memref<80x128xf32, #tpu.memory_space<vmem_shared>>) target(%arg8 : memref<80x128xf32, #tpu.memory_space<vmem>>) target_semaphore(%arg14 : memref<!tpu.dma_semaphore, #tpu.memory_space<semaphore_mem>>)
    %add3A_424 = arith.constant 480 : i32
    %add3A_425 = arith.addi %min3A_11, %add3A_424 : i32
    %dma_wait3A_426 = arith.constant 0 : i32
    %dma_wait3A_427 = tpu.memref_slice %arg6[%add3A_425, %dma_wait3A_426] : memref<10000x128xf32, #tpu.memory_space<vmem_shared>> -> memref<80x128xf32, #tpu.memory_space<vmem_shared>>
    %dma_wait3A_428 = arith.constant 0 : i32
    %dma_wait3A_429 = tpu.memref_slice %arg6[%add3A_425, %dma_wait3A_428] : memref<10000x128xf32, #tpu.memory_space<vmem_shared>> -> memref<80x128xf32, #tpu.memory_space<vmem_shared>>
    tpu.wait_dma2 semaphore(%arg14 : memref<!tpu.dma_semaphore, #tpu.memory_space<semaphore_mem>>) src(%dma_wait3A_429 : memref<80x128xf32, #tpu.memory_space<vmem_shared>>) dst(%arg8 : memref<80x128xf32, #tpu.memory_space<vmem>>)
    %add3A_430 = arith.constant 480 : i32
    %add3A_431 = arith.addi %min3A_11, %add3A_430 : i32
    %dma_start3A_432 = arith.constant 0 : i32
    %dma_start3A_433 = tpu.memref_slice %arg5[%arg0, %add3A_431, %dma_start3A_432] : memref<2x10000x128xf32, #tpu.memory_space<hbm>> -> memref<1x80x128xf32, #tpu.memory_space<hbm>>
    %dma_start3A_434 = tpu.memref_squeeze %dma_start3A_433 : memref<1x80x128xf32, #tpu.memory_space<hbm>> -> memref<80x128xf32, #tpu.memory_space<hbm>>
    %dma_start3A_435 = arith.constant 0 : i32
    %dma_start3A_436 = tpu.memref_slice %arg5[%arg0, %add3A_431, %dma_start3A_435] : memref<2x10000x128xf32, #tpu.memory_space<hbm>> -> memref<1x80x128xf32, #tpu.memory_space<hbm>>
    %dma_start3A_437 = tpu.memref_squeeze %dma_start3A_436 : memref<1x80x128xf32, #tpu.memory_space<hbm>> -> memref<80x128xf32, #tpu.memory_space<hbm>>
    tpu.enqueue_dma source(%arg8 : memref<80x128xf32, #tpu.memory_space<vmem>>) target(%dma_start3A_437 : memref<80x128xf32, #tpu.memory_space<hbm>>) target_semaphore(%arg17 : memref<!tpu.dma_semaphore, #tpu.memory_space<semaphore_mem>>)
    %add3A_438 = arith.constant 400 : i32
    %add3A_439 = arith.addi %min3A_11, %add3A_438 : i32
    %dma_wait3A_440 = arith.constant 0 : i32
    %dma_wait3A_441 = tpu.memref_slice %arg5[%arg0, %add3A_439, %dma_wait3A_440] : memref<2x10000x128xf32, #tpu.memory_space<hbm>> -> memref<1x80x128xf32, #tpu.memory_space<hbm>>
    %dma_wait3A_442 = tpu.memref_squeeze %dma_wait3A_441 : memref<1x80x128xf32, #tpu.memory_space<hbm>> -> memref<80x128xf32, #tpu.memory_space<hbm>>
    %dma_wait3A_443 = arith.constant 0 : i32
    %dma_wait3A_444 = tpu.memref_slice %arg5[%arg0, %add3A_439, %dma_wait3A_443] : memref<2x10000x128xf32, #tpu.memory_space<hbm>> -> memref<1x80x128xf32, #tpu.memory_space<hbm>>
    %dma_wait3A_445 = tpu.memref_squeeze %dma_wait3A_444 : memref<1x80x128xf32, #tpu.memory_space<hbm>> -> memref<80x128xf32, #tpu.memory_space<hbm>>
    tpu.wait_dma2 semaphore(%arg18 : memref<!tpu.dma_semaphore, #tpu.memory_space<semaphore_mem>>) src(%arg9 : memref<80x128xf32, #tpu.memory_space<vmem>>) dst(%dma_wait3A_445 : memref<80x128xf32, #tpu.memory_space<hbm>>)
    %add3A_446 = arith.constant 560 : i32
    %add3A_447 = arith.addi %min3A_11, %add3A_446 : i32
    %dma_start3A_448 = arith.constant 0 : i32
    %dma_start3A_449 = tpu.memref_slice %arg6[%add3A_447, %dma_start3A_448] : memref<10000x128xf32, #tpu.memory_space<vmem_shared>> -> memref<80x128xf32, #tpu.memory_space<vmem_shared>>
    %dma_start3A_450 = arith.constant 0 : i32
    %dma_start3A_451 = tpu.memref_slice %arg6[%add3A_447, %dma_start3A_450] : memref<10000x128xf32, #tpu.memory_space<vmem_shared>> -> memref<80x128xf32, #tpu.memory_space<vmem_shared>>
    tpu.enqueue_dma source(%dma_start3A_451 : memref<80x128xf32, #tpu.memory_space<vmem_shared>>) target(%arg9 : memref<80x128xf32, #tpu.memory_space<vmem>>) target_semaphore(%arg15 : memref<!tpu.dma_semaphore, #tpu.memory_space<semaphore_mem>>)
    %add3A_452 = arith.constant 560 : i32
    %add3A_453 = arith.addi %min3A_11, %add3A_452 : i32
    %dma_wait3A_454 = arith.constant 0 : i32
    %dma_wait3A_455 = tpu.memref_slice %arg6[%add3A_453, %dma_wait3A_454] : memref<10000x128xf32, #tpu.memory_space<vmem_shared>> -> memref<80x128xf32, #tpu.memory_space<vmem_shared>>
    %dma_wait3A_456 = arith.constant 0 : i32
    %dma_wait3A_457 = tpu.memref_slice %arg6[%add3A_453, %dma_wait3A_456] : memref<10000x128xf32, #tpu.memory_space<vmem_shared>> -> memref<80x128xf32, #tpu.memory_space<vmem_shared>>
    tpu.wait_dma2 semaphore(%arg15 : memref<!tpu.dma_semaphore, #tpu.memory_space<semaphore_mem>>) src(%dma_wait3A_457 : memref<80x128xf32, #tpu.memory_space<vmem_shared>>) dst(%arg9 : memref<80x128xf32, #tpu.memory_space<vmem>>)
    %add3A_458 = arith.constant 560 : i32
    %add3A_459 = arith.addi %min3A_11, %add3A_458 : i32
    %dma_start3A_460 = arith.constant 0 : i32
    %dma_start3A_461 = tpu.memref_slice %arg5[%arg0, %add3A_459, %dma_start3A_460] : memref<2x10000x128xf32, #tpu.memory_space<hbm>> -> memref<1x80x128xf32, #tpu.memory_space<hbm>>
    %dma_start3A_462 = tpu.memref_squeeze %dma_start3A_461 : memref<1x80x128xf32, #tpu.memory_space<hbm>> -> memref<80x128xf32, #tpu.memory_space<hbm>>
    %dma_start3A_463 = arith.constant 0 : i32
    %dma_start3A_464 = tpu.memref_slice %arg5[%arg0, %add3A_459, %dma_start3A_463] : memref<2x10000x128xf32, #tpu.memory_space<hbm>> -> memref<1x80x128xf32, #tpu.memory_space<hbm>>
    %dma_start3A_465 = tpu.memref_squeeze %dma_start3A_464 : memref<1x80x128xf32, #tpu.memory_space<hbm>> -> memref<80x128xf32, #tpu.memory_space<hbm>>
    tpu.enqueue_dma source(%arg9 : memref<80x128xf32, #tpu.memory_space<vmem>>) target(%dma_start3A_465 : memref<80x128xf32, #tpu.memory_space<hbm>>) target_semaphore(%arg18 : memref<!tpu.dma_semaphore, #tpu.memory_space<semaphore_mem>>)
    %add3A_466 = arith.constant 480 : i32
    %add3A_467 = arith.addi %min3A_11, %add3A_466 : i32
    %dma_wait3A_468 = arith.constant 0 : i32
    %dma_wait3A_469 = tpu.memref_slice %arg5[%arg0, %add3A_467, %dma_wait3A_468] : memref<2x10000x128xf32, #tpu.memory_space<hbm>> -> memref<1x80x128xf32, #tpu.memory_space<hbm>>
    %dma_wait3A_470 = tpu.memref_squeeze %dma_wait3A_469 : memref<1x80x128xf32, #tpu.memory_space<hbm>> -> memref<80x128xf32, #tpu.memory_space<hbm>>
    %dma_wait3A_471 = arith.constant 0 : i32
    %dma_wait3A_472 = tpu.memref_slice %arg5[%arg0, %add3A_467, %dma_wait3A_471] : memref<2x10000x128xf32, #tpu.memory_space<hbm>> -> memref<1x80x128xf32, #tpu.memory_space<hbm>>
    %dma_wait3A_473 = tpu.memref_squeeze %dma_wait3A_472 : memref<1x80x128xf32, #tpu.memory_space<hbm>> -> memref<80x128xf32, #tpu.memory_space<hbm>>
    tpu.wait_dma2 semaphore(%arg17 : memref<!tpu.dma_semaphore, #tpu.memory_space<semaphore_mem>>) src(%arg8 : memref<80x128xf32, #tpu.memory_space<vmem>>) dst(%dma_wait3A_473 : memref<80x128xf32, #tpu.memory_space<hbm>>)
    %add3A_474 = arith.constant 560 : i32
    %add3A_475 = arith.addi %min3A_11, %add3A_474 : i32
    %dma_wait3A_476 = arith.constant 0 : i32
    %dma_wait3A_477 = tpu.memref_slice %arg5[%arg0, %add3A_475, %dma_wait3A_476] : memref<2x10000x128xf32, #tpu.memory_space<hbm>> -> memref<1x80x128xf32, #tpu.memory_space<hbm>>
    %dma_wait3A_478 = tpu.memref_squeeze %dma_wait3A_477 : memref<1x80x128xf32, #tpu.memory_space<hbm>> -> memref<80x128xf32, #tpu.memory_space<hbm>>
    %dma_wait3A_479 = arith.constant 0 : i32
    %dma_wait3A_480 = tpu.memref_slice %arg5[%arg0, %add3A_475, %dma_wait3A_479] : memref<2x10000x128xf32, #tpu.memory_space<hbm>> -> memref<1x80x128xf32, #tpu.memory_space<hbm>>
    %dma_wait3A_481 = tpu.memref_squeeze %dma_wait3A_480 : memref<1x80x128xf32, #tpu.memory_space<hbm>> -> memref<80x128xf32, #tpu.memory_space<hbm>>
    tpu.wait_dma2 semaphore(%arg18 : memref<!tpu.dma_semaphore, #tpu.memory_space<semaphore_mem>>) src(%arg9 : memref<80x128xf32, #tpu.memory_space<vmem>>) dst(%dma_wait3A_481 : memref<80x128xf32, #tpu.memory_space<hbm>>)
    return
  }
}

#map = affine_map<(d0, d1) -> (0, 0, 0)>
#map1 = affine_map<(d0, d1) -> (0)>
module attributes {stable_mosaic.version = 14 : i64} {
  func.func @deg_kernel(%arg0: i32, %arg1: i32, %arg2: memref<32x125x80xi32, #tpu.memory_space<hbm>>, %arg3: memref<10000xf32, #tpu.memory_space<hbm>>, %arg4: memref<10000xf32, #tpu.memory_space<hbm>>, %arg5: memref<10000xf32, #tpu.memory_space<vmem_shared>>, %arg6: memref<125x80xi32, #tpu.memory_space<vmem>>, %arg7: memref<640xf32, #tpu.memory_space<vmem>>, %arg8: memref<80xf32, #tpu.memory_space<vmem>>, %arg9: memref<!tpu.dma_semaphore, #tpu.memory_space<semaphore_mem>>, %arg10: memref<!tpu.dma_semaphore, #tpu.memory_space<semaphore_mem>>, %arg11: memref<!tpu.dma_semaphore, #tpu.memory_space<semaphore_mem>>, %arg12: memref<!tpu.dma_semaphore, #tpu.memory_space<semaphore_mem>>) attributes {dimension_semantics = [#tpu.dimension_semantics<core_parallel>, #tpu.dimension_semantics<subcore_parallel>], iteration_bounds = array<i64: 2, 16>, scalar_prefetch = 0 : i64, scratch_operands = 8 : i64, tpu.core_type = #tpu.core_type<sc_vector_subcore>, window_params = [{transform_indices = #map}, {transform_indices = #map1}, {transform_indices = #map1}]} {
    %mul3A = arith.constant 2 : i32
    %mul3A_0 = arith.muli %arg1, %mul3A : i32
    %add3A = arith.addi %mul3A_0, %arg0 : i32
    %scan3A = arith.constant 0 : i32
    %scan3A_1 = arith.constant 0 : i32
    %scan3A_2 = arith.constant 40 : i32
    %scan3A_3 = arith.addi %scan3A_1, %scan3A_2 : i32
    %scan3A_4 = arith.constant 1 : i32
    scf.for %scan3A_87 = %scan3A_1 to %scan3A_3 step %scan3A_4  : i32 {
      %broadcast_in_dim3A = arith.constant 0.000000e+00 : f32
      %broadcast_in_dim3A_88 = vector.broadcast %broadcast_in_dim3A : f32 to vector<16xf32>
      %mul3A_89 = arith.constant 16 : i32
      %mul3A_90 = arith.muli %scan3A_87, %mul3A_89 : i32
      %swap3A = arith.index_cast %mul3A_90 : i32 to index
      %swap3A_91 = tpu.vector_load %arg7[%swap3A] {strides = array<i32>} : memref<640xf32, #tpu.memory_space<vmem>>, vector<16xf32>,
      %swap3A_92 = vector.shape_cast %swap3A_91 : vector<16xf32> to vector<16xf32>
      %swap3A_93 = vector.shape_cast %broadcast_in_dim3A_88 : vector<16xf32> to vector<16xf32>
      tpu.vector_store %arg7[%swap3A], %swap3A_93 {strides = array<i32>} : memref<640xf32, #tpu.memory_space<vmem>>, vector<16xf32>,
    }
    %scan3A_5 = arith.constant 40 : i32
    %scan3A_6 = arith.constant 0 : i32
    %scan3A_7 = arith.constant 0 : i32
    %scan3A_8 = arith.constant 5 : i32
    %scan3A_9 = arith.addi %scan3A_7, %scan3A_8 : i32
    %scan3A_10 = arith.constant 1 : i32
    scf.for %scan3A_87 = %scan3A_7 to %scan3A_9 step %scan3A_10  : i32 {
      %broadcast_in_dim3A = arith.constant 1.000000e+00 : f32
      %broadcast_in_dim3A_88 = vector.broadcast %broadcast_in_dim3A : f32 to vector<16xf32>
      %mul3A_89 = arith.constant 16 : i32
      %mul3A_90 = arith.muli %scan3A_87, %mul3A_89 : i32
      %swap3A = arith.index_cast %mul3A_90 : i32 to index
      %swap3A_91 = tpu.vector_load %arg8[%swap3A] {strides = array<i32>} : memref<80xf32, #tpu.memory_space<vmem>>, vector<16xf32>,
      %swap3A_92 = vector.shape_cast %swap3A_91 : vector<16xf32> to vector<16xf32>
      %swap3A_93 = vector.shape_cast %broadcast_in_dim3A_88 : vector<16xf32> to vector<16xf32>
      tpu.vector_store %arg8[%swap3A], %swap3A_93 {strides = array<i32>} : memref<80xf32, #tpu.memory_space<vmem>>, vector<16xf32>,
    }
    %scan3A_11 = arith.constant 5 : i32
    %mul3A_12 = arith.constant 640 : i32
    %mul3A_13 = arith.muli %arg1, %mul3A_12 : i32
    %min3A = arith.constant 9360 : i32
    %min3A_14 = arith.minsi %mul3A_13, %min3A : i32
    "tpu.region"() ({
      %run_scoped3A = tpu.sem_alloc : memref<!tpu.dma_semaphore, #tpu.memory_space<semaphore_mem>>
      %dma_start3A_87 = tpu.memref_slice %arg5[%min3A_14] : memref<10000xf32, #tpu.memory_space<vmem_shared>> -> memref<640xf32, #tpu.memory_space<vmem_shared>>
      %dma_start3A_88 = tpu.memref_slice %arg5[%min3A_14] : memref<10000xf32, #tpu.memory_space<vmem_shared>> -> memref<640xf32, #tpu.memory_space<vmem_shared>>
      tpu.enqueue_dma source(%arg7 : memref<640xf32, #tpu.memory_space<vmem>>) target(%dma_start3A_88 : memref<640xf32, #tpu.memory_space<vmem_shared>>) target_semaphore(%run_scoped3A : memref<!tpu.dma_semaphore, #tpu.memory_space<semaphore_mem>>)
      %dma_wait3A_89 = tpu.memref_slice %arg5[%min3A_14] : memref<10000xf32, #tpu.memory_space<vmem_shared>> -> memref<640xf32, #tpu.memory_space<vmem_shared>>
      %dma_wait3A_90 = tpu.memref_slice %arg5[%min3A_14] : memref<10000xf32, #tpu.memory_space<vmem_shared>> -> memref<640xf32, #tpu.memory_space<vmem_shared>>
      tpu.wait_dma2 semaphore(%run_scoped3A : memref<!tpu.dma_semaphore, #tpu.memory_space<semaphore_mem>>) src(%arg7 : memref<640xf32, #tpu.memory_space<vmem>>) dst(%dma_wait3A_90 : memref<640xf32, #tpu.memory_space<vmem_shared>>)
      tpu.yield
    }) : () -> ()
    "tpu.region"() ({
      %run_scoped3A = tpu.sem_alloc : memref<!tpu.dma_semaphore, #tpu.memory_space<semaphore_mem>>
      %dma_start3A_87 = arith.constant 0 : i32
      %dma_start3A_88 = arith.constant 0 : i32
      %dma_start3A_89 = tpu.memref_slice %arg2[%add3A, %dma_start3A_87, %dma_start3A_88] : memref<32x125x80xi32, #tpu.memory_space<hbm>> -> memref<1x125x80xi32, #tpu.memory_space<hbm>>
      %dma_start3A_90 = tpu.memref_squeeze %dma_start3A_89 : memref<1x125x80xi32, #tpu.memory_space<hbm>> -> memref<125x80xi32, #tpu.memory_space<hbm>>
      %dma_start3A_91 = arith.constant 0 : i32
      %dma_start3A_92 = arith.constant 0 : i32
      %dma_start3A_93 = tpu.memref_slice %arg2[%add3A, %dma_start3A_91, %dma_start3A_92] : memref<32x125x80xi32, #tpu.memory_space<hbm>> -> memref<1x125x80xi32, #tpu.memory_space<hbm>>
      %dma_start3A_94 = tpu.memref_squeeze %dma_start3A_93 : memref<1x125x80xi32, #tpu.memory_space<hbm>> -> memref<125x80xi32, #tpu.memory_space<hbm>>
      tpu.enqueue_dma source(%dma_start3A_94 : memref<125x80xi32, #tpu.memory_space<hbm>>) target(%arg6 : memref<125x80xi32, #tpu.memory_space<vmem>>) target_semaphore(%run_scoped3A : memref<!tpu.dma_semaphore, #tpu.memory_space<semaphore_mem>>)
      %dma_wait3A_95 = arith.constant 0 : i32
      %dma_wait3A_96 = arith.constant 0 : i32
      %dma_wait3A_97 = tpu.memref_slice %arg2[%add3A, %dma_wait3A_95, %dma_wait3A_96] : memref<32x125x80xi32, #tpu.memory_space<hbm>> -> memref<1x125x80xi32, #tpu.memory_space<hbm>>
      %dma_wait3A_98 = tpu.memref_squeeze %dma_wait3A_97 : memref<1x125x80xi32, #tpu.memory_space<hbm>> -> memref<125x80xi32, #tpu.memory_space<hbm>>
      %dma_wait3A_99 = arith.constant 0 : i32
      %dma_wait3A_100 = arith.constant 0 : i32
      %dma_wait3A_101 = tpu.memref_slice %arg2[%add3A, %dma_wait3A_99, %dma_wait3A_100] : memref<32x125x80xi32, #tpu.memory_space<hbm>> -> memref<1x125x80xi32, #tpu.memory_space<hbm>>
      %dma_wait3A_102 = tpu.memref_squeeze %dma_wait3A_101 : memref<1x125x80xi32, #tpu.memory_space<hbm>> -> memref<125x80xi32, #tpu.memory_space<hbm>>
      tpu.wait_dma2 semaphore(%run_scoped3A : memref<!tpu.dma_semaphore, #tpu.memory_space<semaphore_mem>>) src(%dma_wait3A_102 : memref<125x80xi32, #tpu.memory_space<hbm>>) dst(%arg6 : memref<125x80xi32, #tpu.memory_space<vmem>>)
      tpu.yield
    }) : () -> ()
    %barrier3A = arith.constant 0 : index
    tpu.barrier barrier_id(%barrier3A)
    %dma_start3A = arith.constant 0 : i32
    %dma_start3A_15 = arith.constant 0 : i32
    %dma_start3A_16 = tpu.memref_slice %arg6[%dma_start3A, %dma_start3A_15] : memref<125x80xi32, #tpu.memory_space<vmem>> -> memref<1x80xi32, #tpu.memory_space<vmem>>
    %dma_start3A_17 = tpu.memref_squeeze %dma_start3A_16 : memref<1x80xi32, #tpu.memory_space<vmem>> -> memref<80xi32, #tpu.memory_space<vmem>>
    %dma_start3A_18 = arith.constant 0 : i32
    %dma_start3A_19 = tpu.memref_slice %arg5[%dma_start3A_18] : memref<10000xf32, #tpu.memory_space<vmem_shared>> -> memref<10000xf32, #tpu.memory_space<vmem_shared>>
    tpu.enqueue_indirect_dma source(%arg8 : memref<80xf32, #tpu.memory_space<vmem>>) target(%dma_start3A_19 : memref<10000xf32, #tpu.memory_space<vmem_shared>>) offsets(%dma_start3A_17 : memref<80xi32, #tpu.memory_space<vmem>>) semaphore(%arg9 : memref<!tpu.dma_semaphore, #tpu.memory_space<semaphore_mem>>) {add = true}
    %dma_start3A_20 = arith.constant 1 : i32
    %dma_start3A_21 = arith.constant 0 : i32
    %dma_start3A_22 = tpu.memref_slice %arg6[%dma_start3A_20, %dma_start3A_21] : memref<125x80xi32, #tpu.memory_space<vmem>> -> memref<1x80xi32, #tpu.memory_space<vmem>>
    %dma_start3A_23 = tpu.memref_squeeze %dma_start3A_22 : memref<1x80xi32, #tpu.memory_space<vmem>> -> memref<80xi32, #tpu.memory_space<vmem>>
    %dma_start3A_24 = arith.constant 0 : i32
    %dma_start3A_25 = tpu.memref_slice %arg5[%dma_start3A_24] : memref<10000xf32, #tpu.memory_space<vmem_shared>> -> memref<10000xf32, #tpu.memory_space<vmem_shared>>
    tpu.enqueue_indirect_dma source(%arg8 : memref<80xf32, #tpu.memory_space<vmem>>) target(%dma_start3A_25 : memref<10000xf32, #tpu.memory_space<vmem_shared>>) offsets(%dma_start3A_23 : memref<80xi32, #tpu.memory_space<vmem>>) semaphore(%arg10 : memref<!tpu.dma_semaphore, #tpu.memory_space<semaphore_mem>>) {add = true}
    %dma_start3A_26 = arith.constant 2 : i32
    %dma_start3A_27 = arith.constant 0 : i32
    %dma_start3A_28 = tpu.memref_slice %arg6[%dma_start3A_26, %dma_start3A_27] : memref<125x80xi32, #tpu.memory_space<vmem>> -> memref<1x80xi32, #tpu.memory_space<vmem>>
    %dma_start3A_29 = tpu.memref_squeeze %dma_start3A_28 : memref<1x80xi32, #tpu.memory_space<vmem>> -> memref<80xi32, #tpu.memory_space<vmem>>
    %dma_start3A_30 = arith.constant 0 : i32
    %dma_start3A_31 = tpu.memref_slice %arg5[%dma_start3A_30] : memref<10000xf32, #tpu.memory_space<vmem_shared>> -> memref<10000xf32, #tpu.memory_space<vmem_shared>>
    tpu.enqueue_indirect_dma source(%arg8 : memref<80xf32, #tpu.memory_space<vmem>>) target(%dma_start3A_31 : memref<10000xf32, #tpu.memory_space<vmem_shared>>) offsets(%dma_start3A_29 : memref<80xi32, #tpu.memory_space<vmem>>) semaphore(%arg11 : memref<!tpu.dma_semaphore, #tpu.memory_space<semaphore_mem>>) {add = true}
    %scan3A_32 = arith.constant 0 : i32
    %scan3A_33 = arith.constant 0 : i32
    %scan3A_34 = arith.constant 30 : i32
    %scan3A_35 = arith.addi %scan3A_33, %scan3A_34 : i32
    %scan3A_36 = arith.constant 1 : i32
    scf.for %scan3A_87 = %scan3A_33 to %scan3A_35 step %scan3A_36  : i32 {
      %mul3A_88 = arith.constant 4 : i32
      %mul3A_89 = arith.muli %mul3A_88, %scan3A_87 : i32
      %add3A_90 = arith.constant 0 : i32
      %add3A_91 = arith.addi %mul3A_89, %add3A_90 : i32
      %add3A_92 = arith.constant 3 : i32
      %add3A_93 = arith.addi %add3A_91, %add3A_92 : i32
      %dma_start3A_94 = arith.constant 0 : i32
      %dma_start3A_95 = tpu.memref_slice %arg6[%add3A_93, %dma_start3A_94] : memref<125x80xi32, #tpu.memory_space<vmem>> -> memref<1x80xi32, #tpu.memory_space<vmem>>
      %dma_start3A_96 = tpu.memref_squeeze %dma_start3A_95 : memref<1x80xi32, #tpu.memory_space<vmem>> -> memref<80xi32, #tpu.memory_space<vmem>>
      %dma_start3A_97 = arith.constant 0 : i32
      %dma_start3A_98 = tpu.memref_slice %arg5[%dma_start3A_97] : memref<10000xf32, #tpu.memory_space<vmem_shared>> -> memref<10000xf32, #tpu.memory_space<vmem_shared>>
      tpu.enqueue_indirect_dma source(%arg8 : memref<80xf32, #tpu.memory_space<vmem>>) target(%dma_start3A_98 : memref<10000xf32, #tpu.memory_space<vmem_shared>>) offsets(%dma_start3A_96 : memref<80xi32, #tpu.memory_space<vmem>>) semaphore(%arg12 : memref<!tpu.dma_semaphore, #tpu.memory_space<semaphore_mem>>) {add = true}
      %dma_wait3A_99 = arith.constant 0 : i32
      %dma_wait3A_100 = tpu.memref_slice %arg6[%add3A_91, %dma_wait3A_99] : memref<125x80xi32, #tpu.memory_space<vmem>> -> memref<1x80xi32, #tpu.memory_space<vmem>>
      %dma_wait3A_101 = tpu.memref_squeeze %dma_wait3A_100 : memref<1x80xi32, #tpu.memory_space<vmem>> -> memref<80xi32, #tpu.memory_space<vmem>>
      %dma_wait3A_102 = arith.constant 0 : i32
      %dma_wait3A_103 = tpu.memref_slice %arg5[%dma_wait3A_102] : memref<10000xf32, #tpu.memory_space<vmem_shared>> -> memref<10000xf32, #tpu.memory_space<vmem_shared>>
      tpu.wait_indirect_dma semaphore(%arg9 : memref<!tpu.dma_semaphore, #tpu.memory_space<semaphore_mem>>) src(%arg8 : memref<80xf32, #tpu.memory_space<vmem>>) dst(%dma_wait3A_103 : memref<10000xf32, #tpu.memory_space<vmem_shared>>)
      %mul3A_104 = arith.constant 4 : i32
      %mul3A_105 = arith.muli %mul3A_104, %scan3A_87 : i32
      %add3A_106 = arith.constant 1 : i32
      %add3A_107 = arith.addi %mul3A_105, %add3A_106 : i32
      %add3A_108 = arith.constant 3 : i32
      %add3A_109 = arith.addi %add3A_107, %add3A_108 : i32
      %dma_start3A_110 = arith.constant 0 : i32
      %dma_start3A_111 = tpu.memref_slice %arg6[%add3A_109, %dma_start3A_110] : memref<125x80xi32, #tpu.memory_space<vmem>> -> memref<1x80xi32, #tpu.memory_space<vmem>>
      %dma_start3A_112 = tpu.memref_squeeze %dma_start3A_111 : memref<1x80xi32, #tpu.memory_space<vmem>> -> memref<80xi32, #tpu.memory_space<vmem>>
      %dma_start3A_113 = arith.constant 0 : i32
      %dma_start3A_114 = tpu.memref_slice %arg5[%dma_start3A_113] : memref<10000xf32, #tpu.memory_space<vmem_shared>> -> memref<10000xf32, #tpu.memory_space<vmem_shared>>
      tpu.enqueue_indirect_dma source(%arg8 : memref<80xf32, #tpu.memory_space<vmem>>) target(%dma_start3A_114 : memref<10000xf32, #tpu.memory_space<vmem_shared>>) offsets(%dma_start3A_112 : memref<80xi32, #tpu.memory_space<vmem>>) semaphore(%arg9 : memref<!tpu.dma_semaphore, #tpu.memory_space<semaphore_mem>>) {add = true}
      %dma_wait3A_115 = arith.constant 0 : i32
      %dma_wait3A_116 = tpu.memref_slice %arg6[%add3A_107, %dma_wait3A_115] : memref<125x80xi32, #tpu.memory_space<vmem>> -> memref<1x80xi32, #tpu.memory_space<vmem>>
      %dma_wait3A_117 = tpu.memref_squeeze %dma_wait3A_116 : memref<1x80xi32, #tpu.memory_space<vmem>> -> memref<80xi32, #tpu.memory_space<vmem>>
      %dma_wait3A_118 = arith.constant 0 : i32
      %dma_wait3A_119 = tpu.memref_slice %arg5[%dma_wait3A_118] : memref<10000xf32, #tpu.memory_space<vmem_shared>> -> memref<10000xf32, #tpu.memory_space<vmem_shared>>
      tpu.wait_indirect_dma semaphore(%arg10 : memref<!tpu.dma_semaphore, #tpu.memory_space<semaphore_mem>>) src(%arg8 : memref<80xf32, #tpu.memory_space<vmem>>) dst(%dma_wait3A_119 : memref<10000xf32, #tpu.memory_space<vmem_shared>>)
      %mul3A_120 = arith.constant 4 : i32
      %mul3A_121 = arith.muli %mul3A_120, %scan3A_87 : i32
      %add3A_122 = arith.constant 2 : i32
      %add3A_123 = arith.addi %mul3A_121, %add3A_122 : i32
      %add3A_124 = arith.constant 3 : i32
      %add3A_125 = arith.addi %add3A_123, %add3A_124 : i32
      %dma_start3A_126 = arith.constant 0 : i32
      %dma_start3A_127 = tpu.memref_slice %arg6[%add3A_125, %dma_start3A_126] : memref<125x80xi32, #tpu.memory_space<vmem>> -> memref<1x80xi32, #tpu.memory_space<vmem>>
      %dma_start3A_128 = tpu.memref_squeeze %dma_start3A_127 : memref<1x80xi32, #tpu.memory_space<vmem>> -> memref<80xi32, #tpu.memory_space<vmem>>
      %dma_start3A_129 = arith.constant 0 : i32
      %dma_start3A_130 = tpu.memref_slice %arg5[%dma_start3A_129] : memref<10000xf32, #tpu.memory_space<vmem_shared>> -> memref<10000xf32, #tpu.memory_space<vmem_shared>>
      tpu.enqueue_indirect_dma source(%arg8 : memref<80xf32, #tpu.memory_space<vmem>>) target(%dma_start3A_130 : memref<10000xf32, #tpu.memory_space<vmem_shared>>) offsets(%dma_start3A_128 : memref<80xi32, #tpu.memory_space<vmem>>) semaphore(%arg10 : memref<!tpu.dma_semaphore, #tpu.memory_space<semaphore_mem>>) {add = true}
      %dma_wait3A_131 = arith.constant 0 : i32
      %dma_wait3A_132 = tpu.memref_slice %arg6[%add3A_123, %dma_wait3A_131] : memref<125x80xi32, #tpu.memory_space<vmem>> -> memref<1x80xi32, #tpu.memory_space<vmem>>
      %dma_wait3A_133 = tpu.memref_squeeze %dma_wait3A_132 : memref<1x80xi32, #tpu.memory_space<vmem>> -> memref<80xi32, #tpu.memory_space<vmem>>
      %dma_wait3A_134 = arith.constant 0 : i32
      %dma_wait3A_135 = tpu.memref_slice %arg5[%dma_wait3A_134] : memref<10000xf32, #tpu.memory_space<vmem_shared>> -> memref<10000xf32, #tpu.memory_space<vmem_shared>>
      tpu.wait_indirect_dma semaphore(%arg11 : memref<!tpu.dma_semaphore, #tpu.memory_space<semaphore_mem>>) src(%arg8 : memref<80xf32, #tpu.memory_space<vmem>>) dst(%dma_wait3A_135 : memref<10000xf32, #tpu.memory_space<vmem_shared>>)
      %mul3A_136 = arith.constant 4 : i32
      %mul3A_137 = arith.muli %mul3A_136, %scan3A_87 : i32
      %add3A_138 = arith.constant 3 : i32
      %add3A_139 = arith.addi %mul3A_137, %add3A_138 : i32
      %add3A_140 = arith.constant 3 : i32
      %add3A_141 = arith.addi %add3A_139, %add3A_140 : i32
      %dma_start3A_142 = arith.constant 0 : i32
      %dma_start3A_143 = tpu.memref_slice %arg6[%add3A_141, %dma_start3A_142] : memref<125x80xi32, #tpu.memory_space<vmem>> -> memref<1x80xi32, #tpu.memory_space<vmem>>
      %dma_start3A_144 = tpu.memref_squeeze %dma_start3A_143 : memref<1x80xi32, #tpu.memory_space<vmem>> -> memref<80xi32, #tpu.memory_space<vmem>>
      %dma_start3A_145 = arith.constant 0 : i32
      %dma_start3A_146 = tpu.memref_slice %arg5[%dma_start3A_145] : memref<10000xf32, #tpu.memory_space<vmem_shared>> -> memref<10000xf32, #tpu.memory_space<vmem_shared>>
      tpu.enqueue_indirect_dma source(%arg8 : memref<80xf32, #tpu.memory_space<vmem>>) target(%dma_start3A_146 : memref<10000xf32, #tpu.memory_space<vmem_shared>>) offsets(%dma_start3A_144 : memref<80xi32, #tpu.memory_space<vmem>>) semaphore(%arg11 : memref<!tpu.dma_semaphore, #tpu.memory_space<semaphore_mem>>) {add = true}
      %dma_wait3A_147 = arith.constant 0 : i32
      %dma_wait3A_148 = tpu.memref_slice %arg6[%add3A_139, %dma_wait3A_147] : memref<125x80xi32, #tpu.memory_space<vmem>> -> memref<1x80xi32, #tpu.memory_space<vmem>>
      %dma_wait3A_149 = tpu.memref_squeeze %dma_wait3A_148 : memref<1x80xi32, #tpu.memory_space<vmem>> -> memref<80xi32, #tpu.memory_space<vmem>>
      %dma_wait3A_150 = arith.constant 0 : i32
      %dma_wait3A_151 = tpu.memref_slice %arg5[%dma_wait3A_150] : memref<10000xf32, #tpu.memory_space<vmem_shared>> -> memref<10000xf32, #tpu.memory_space<vmem_shared>>
      tpu.wait_indirect_dma semaphore(%arg12 : memref<!tpu.dma_semaphore, #tpu.memory_space<semaphore_mem>>) src(%arg8 : memref<80xf32, #tpu.memory_space<vmem>>) dst(%dma_wait3A_151 : memref<10000xf32, #tpu.memory_space<vmem_shared>>)
    }
    %scan3A_37 = arith.constant 30 : i32
    %dma_start3A_38 = arith.constant 123 : i32
    %dma_start3A_39 = arith.constant 0 : i32
    %dma_start3A_40 = tpu.memref_slice %arg6[%dma_start3A_38, %dma_start3A_39] : memref<125x80xi32, #tpu.memory_space<vmem>> -> memref<1x80xi32, #tpu.memory_space<vmem>>
    %dma_start3A_41 = tpu.memref_squeeze %dma_start3A_40 : memref<1x80xi32, #tpu.memory_space<vmem>> -> memref<80xi32, #tpu.memory_space<vmem>>
    %dma_start3A_42 = arith.constant 0 : i32
    %dma_start3A_43 = tpu.memref_slice %arg5[%dma_start3A_42] : memref<10000xf32, #tpu.memory_space<vmem_shared>> -> memref<10000xf32, #tpu.memory_space<vmem_shared>>
    tpu.enqueue_indirect_dma source(%arg8 : memref<80xf32, #tpu.memory_space<vmem>>) target(%dma_start3A_43 : memref<10000xf32, #tpu.memory_space<vmem_shared>>) offsets(%dma_start3A_41 : memref<80xi32, #tpu.memory_space<vmem>>) semaphore(%arg12 : memref<!tpu.dma_semaphore, #tpu.memory_space<semaphore_mem>>) {add = true}
    %dma_wait3A = arith.constant 120 : i32
    %dma_wait3A_44 = arith.constant 0 : i32
    %dma_wait3A_45 = tpu.memref_slice %arg6[%dma_wait3A, %dma_wait3A_44] : memref<125x80xi32, #tpu.memory_space<vmem>> -> memref<1x80xi32, #tpu.memory_space<vmem>>
    %dma_wait3A_46 = tpu.memref_squeeze %dma_wait3A_45 : memref<1x80xi32, #tpu.memory_space<vmem>> -> memref<80xi32, #tpu.memory_space<vmem>>
    %dma_wait3A_47 = arith.constant 0 : i32
    %dma_wait3A_48 = tpu.memref_slice %arg5[%dma_wait3A_47] : memref<10000xf32, #tpu.memory_space<vmem_shared>> -> memref<10000xf32, #tpu.memory_space<vmem_shared>>
    tpu.wait_indirect_dma semaphore(%arg9 : memref<!tpu.dma_semaphore, #tpu.memory_space<semaphore_mem>>) src(%arg8 : memref<80xf32, #tpu.memory_space<vmem>>) dst(%dma_wait3A_48 : memref<10000xf32, #tpu.memory_space<vmem_shared>>)
    %dma_start3A_49 = arith.constant 124 : i32
    %dma_start3A_50 = arith.constant 0 : i32
    %dma_start3A_51 = tpu.memref_slice %arg6[%dma_start3A_49, %dma_start3A_50] : memref<125x80xi32, #tpu.memory_space<vmem>> -> memref<1x80xi32, #tpu.memory_space<vmem>>
    %dma_start3A_52 = tpu.memref_squeeze %dma_start3A_51 : memref<1x80xi32, #tpu.memory_space<vmem>> -> memref<80xi32, #tpu.memory_space<vmem>>
    %dma_start3A_53 = arith.constant 0 : i32
    %dma_start3A_54 = tpu.memref_slice %arg5[%dma_start3A_53] : memref<10000xf32, #tpu.memory_space<vmem_shared>> -> memref<10000xf32, #tpu.memory_space<vmem_shared>>
    tpu.enqueue_indirect_dma source(%arg8 : memref<80xf32, #tpu.memory_space<vmem>>) target(%dma_start3A_54 : memref<10000xf32, #tpu.memory_space<vmem_shared>>) offsets(%dma_start3A_52 : memref<80xi32, #tpu.memory_space<vmem>>) semaphore(%arg9 : memref<!tpu.dma_semaphore, #tpu.memory_space<semaphore_mem>>) {add = true}
    %dma_wait3A_55 = arith.constant 121 : i32
    %dma_wait3A_56 = arith.constant 0 : i32
    %dma_wait3A_57 = tpu.memref_slice %arg6[%dma_wait3A_55, %dma_wait3A_56] : memref<125x80xi32, #tpu.memory_space<vmem>> -> memref<1x80xi32, #tpu.memory_space<vmem>>
    %dma_wait3A_58 = tpu.memref_squeeze %dma_wait3A_57 : memref<1x80xi32, #tpu.memory_space<vmem>> -> memref<80xi32, #tpu.memory_space<vmem>>
    %dma_wait3A_59 = arith.constant 0 : i32
    %dma_wait3A_60 = tpu.memref_slice %arg5[%dma_wait3A_59] : memref<10000xf32, #tpu.memory_space<vmem_shared>> -> memref<10000xf32, #tpu.memory_space<vmem_shared>>
    tpu.wait_indirect_dma semaphore(%arg10 : memref<!tpu.dma_semaphore, #tpu.memory_space<semaphore_mem>>) src(%arg8 : memref<80xf32, #tpu.memory_space<vmem>>) dst(%dma_wait3A_60 : memref<10000xf32, #tpu.memory_space<vmem_shared>>)
    %dma_wait3A_61 = arith.constant 122 : i32
    %dma_wait3A_62 = arith.constant 0 : i32
    %dma_wait3A_63 = tpu.memref_slice %arg6[%dma_wait3A_61, %dma_wait3A_62] : memref<125x80xi32, #tpu.memory_space<vmem>> -> memref<1x80xi32, #tpu.memory_space<vmem>>
    %dma_wait3A_64 = tpu.memref_squeeze %dma_wait3A_63 : memref<1x80xi32, #tpu.memory_space<vmem>> -> memref<80xi32, #tpu.memory_space<vmem>>
    %dma_wait3A_65 = arith.constant 0 : i32
    %dma_wait3A_66 = tpu.memref_slice %arg5[%dma_wait3A_65] : memref<10000xf32, #tpu.memory_space<vmem_shared>> -> memref<10000xf32, #tpu.memory_space<vmem_shared>>
    tpu.wait_indirect_dma semaphore(%arg11 : memref<!tpu.dma_semaphore, #tpu.memory_space<semaphore_mem>>) src(%arg8 : memref<80xf32, #tpu.memory_space<vmem>>) dst(%dma_wait3A_66 : memref<10000xf32, #tpu.memory_space<vmem_shared>>)
    %dma_wait3A_67 = arith.constant 123 : i32
    %dma_wait3A_68 = arith.constant 0 : i32
    %dma_wait3A_69 = tpu.memref_slice %arg6[%dma_wait3A_67, %dma_wait3A_68] : memref<125x80xi32, #tpu.memory_space<vmem>> -> memref<1x80xi32, #tpu.memory_space<vmem>>
    %dma_wait3A_70 = tpu.memref_squeeze %dma_wait3A_69 : memref<1x80xi32, #tpu.memory_space<vmem>> -> memref<80xi32, #tpu.memory_space<vmem>>
    %dma_wait3A_71 = arith.constant 0 : i32
    %dma_wait3A_72 = tpu.memref_slice %arg5[%dma_wait3A_71] : memref<10000xf32, #tpu.memory_space<vmem_shared>> -> memref<10000xf32, #tpu.memory_space<vmem_shared>>
    tpu.wait_indirect_dma semaphore(%arg12 : memref<!tpu.dma_semaphore, #tpu.memory_space<semaphore_mem>>) src(%arg8 : memref<80xf32, #tpu.memory_space<vmem>>) dst(%dma_wait3A_72 : memref<10000xf32, #tpu.memory_space<vmem_shared>>)
    %dma_wait3A_73 = arith.constant 124 : i32
    %dma_wait3A_74 = arith.constant 0 : i32
    %dma_wait3A_75 = tpu.memref_slice %arg6[%dma_wait3A_73, %dma_wait3A_74] : memref<125x80xi32, #tpu.memory_space<vmem>> -> memref<1x80xi32, #tpu.memory_space<vmem>>
    %dma_wait3A_76 = tpu.memref_squeeze %dma_wait3A_75 : memref<1x80xi32, #tpu.memory_space<vmem>> -> memref<80xi32, #tpu.memory_space<vmem>>
    %dma_wait3A_77 = arith.constant 0 : i32
    %dma_wait3A_78 = tpu.memref_slice %arg5[%dma_wait3A_77] : memref<10000xf32, #tpu.memory_space<vmem_shared>> -> memref<10000xf32, #tpu.memory_space<vmem_shared>>
    tpu.wait_indirect_dma semaphore(%arg9 : memref<!tpu.dma_semaphore, #tpu.memory_space<semaphore_mem>>) src(%arg8 : memref<80xf32, #tpu.memory_space<vmem>>) dst(%dma_wait3A_78 : memref<10000xf32, #tpu.memory_space<vmem_shared>>)
    %barrier3A_79 = arith.constant 0 : index
    tpu.barrier barrier_id(%barrier3A_79)
    "tpu.region"() ({
      %run_scoped3A = tpu.sem_alloc : memref<!tpu.dma_semaphore, #tpu.memory_space<semaphore_mem>>
      %dma_start3A_87 = tpu.memref_slice %arg5[%min3A_14] : memref<10000xf32, #tpu.memory_space<vmem_shared>> -> memref<640xf32, #tpu.memory_space<vmem_shared>>
      %dma_start3A_88 = tpu.memref_slice %arg5[%min3A_14] : memref<10000xf32, #tpu.memory_space<vmem_shared>> -> memref<640xf32, #tpu.memory_space<vmem_shared>>
      tpu.enqueue_dma source(%dma_start3A_88 : memref<640xf32, #tpu.memory_space<vmem_shared>>) target(%arg7 : memref<640xf32, #tpu.memory_space<vmem>>) target_semaphore(%run_scoped3A : memref<!tpu.dma_semaphore, #tpu.memory_space<semaphore_mem>>)
      %dma_wait3A_89 = tpu.memref_slice %arg5[%min3A_14] : memref<10000xf32, #tpu.memory_space<vmem_shared>> -> memref<640xf32, #tpu.memory_space<vmem_shared>>
      %dma_wait3A_90 = tpu.memref_slice %arg5[%min3A_14] : memref<10000xf32, #tpu.memory_space<vmem_shared>> -> memref<640xf32, #tpu.memory_space<vmem_shared>>
      tpu.wait_dma2 semaphore(%run_scoped3A : memref<!tpu.dma_semaphore, #tpu.memory_space<semaphore_mem>>) src(%dma_wait3A_90 : memref<640xf32, #tpu.memory_space<vmem_shared>>) dst(%arg7 : memref<640xf32, #tpu.memory_space<vmem>>)
      tpu.yield
    }) : () -> ()
    %eq3A = arith.constant 0 : i32
    %eq3A_80 = arith.cmpi eq, %arg0, %eq3A : i32
    %convert_element_type3A = arith.extui %eq3A_80 : i1 to i32
    %cond3A = arith.constant 0 : i32
    %cond3A_81 = arith.cmpi ne, %convert_element_type3A, %cond3A : i32
    scf.if %cond3A_81 {
      "tpu.region"() ({
        %run_scoped3A = tpu.sem_alloc : memref<!tpu.dma_semaphore, #tpu.memory_space<semaphore_mem>>
        %dma_start3A_87 = tpu.memref_slice %arg3[%min3A_14] : memref<10000xf32, #tpu.memory_space<hbm>> -> memref<640xf32, #tpu.memory_space<hbm>>
        %dma_start3A_88 = tpu.memref_slice %arg3[%min3A_14] : memref<10000xf32, #tpu.memory_space<hbm>> -> memref<640xf32, #tpu.memory_space<hbm>>
        tpu.enqueue_dma source(%arg7 : memref<640xf32, #tpu.memory_space<vmem>>) target(%dma_start3A_88 : memref<640xf32, #tpu.memory_space<hbm>>) target_semaphore(%run_scoped3A : memref<!tpu.dma_semaphore, #tpu.memory_space<semaphore_mem>>)
        %dma_wait3A_89 = tpu.memref_slice %arg3[%min3A_14] : memref<10000xf32, #tpu.memory_space<hbm>> -> memref<640xf32, #tpu.memory_space<hbm>>
        %dma_wait3A_90 = tpu.memref_slice %arg3[%min3A_14] : memref<10000xf32, #tpu.memory_space<hbm>> -> memref<640xf32, #tpu.memory_space<hbm>>
        tpu.wait_dma2 semaphore(%run_scoped3A : memref<!tpu.dma_semaphore, #tpu.memory_space<semaphore_mem>>) src(%arg7 : memref<640xf32, #tpu.memory_space<vmem>>) dst(%dma_wait3A_90 : memref<640xf32, #tpu.memory_space<hbm>>)
        tpu.yield
      }) : () -> ()
    } else {
    }
    %eq3A_82 = arith.constant 1 : i32
    %eq3A_83 = arith.cmpi eq, %arg0, %eq3A_82 : i32
    %convert_element_type3A_84 = arith.extui %eq3A_83 : i1 to i32
    %cond3A_85 = arith.constant 0 : i32
    %cond3A_86 = arith.cmpi ne, %convert_element_type3A_84, %cond3A_85 : i32
    scf.if %cond3A_86 {
      "tpu.region"() ({
        %run_scoped3A = tpu.sem_alloc : memref<!tpu.dma_semaphore, #tpu.memory_space<semaphore_mem>>
        %dma_start3A_87 = tpu.memref_slice %arg4[%min3A_14] : memref<10000xf32, #tpu.memory_space<hbm>> -> memref<640xf32, #tpu.memory_space<hbm>>
        %dma_start3A_88 = tpu.memref_slice %arg4[%min3A_14] : memref<10000xf32, #tpu.memory_space<hbm>> -> memref<640xf32, #tpu.memory_space<hbm>>
        tpu.enqueue_dma source(%arg7 : memref<640xf32, #tpu.memory_space<vmem>>) target(%dma_start3A_88 : memref<640xf32, #tpu.memory_space<hbm>>) target_semaphore(%run_scoped3A : memref<!tpu.dma_semaphore, #tpu.memory_space<semaphore_mem>>)
        %dma_wait3A_89 = tpu.memref_slice %arg4[%min3A_14] : memref<10000xf32, #tpu.memory_space<hbm>> -> memref<640xf32, #tpu.memory_space<hbm>>
        %dma_wait3A_90 = tpu.memref_slice %arg4[%min3A_14] : memref<10000xf32, #tpu.memory_space<hbm>> -> memref<640xf32, #tpu.memory_space<hbm>>
        tpu.wait_dma2 semaphore(%run_scoped3A : memref<!tpu.dma_semaphore, #tpu.memory_space<semaphore_mem>>) src(%arg7 : memref<640xf32, #tpu.memory_space<vmem>>) dst(%dma_wait3A_90 : memref<640xf32, #tpu.memory_space<hbm>>)
        tpu.yield
      }) : () -> ()
    } else {
    }
    return
  }
}

#map = affine_map<(d0, d1) -> (0, 0)>
#map1 = affine_map<(d0, d1) -> (0)>
#map2 = affine_map<(d0, d1) -> (0, 0, 0)>
module attributes {stable_mosaic.version = 14 : i64} {
  func.func @scatter_kernel(%arg0: i32, %arg1: i32, %arg2: memref<10000x128xf32, #tpu.memory_space<hbm>>, %arg3: memref<320000xi32, #tpu.memory_space<hbm>>, %arg4: memref<320000xi32, #tpu.memory_space<hbm>>, %arg5: memref<2x10000x128xf32, #tpu.memory_space<hbm>>, %arg6: memref<10000x128xf32, #tpu.memory_space<vmem_shared>>, %arg7: memref<10000xi32, #tpu.memory_space<vmem>>, %arg8: memref<80x128xf32, #tpu.memory_space<vmem>>, %arg9: memref<80x128xf32, #tpu.memory_space<vmem>>, %arg10: memref<80x128xf32, #tpu.memory_space<vmem>>, %arg11: memref<80xi32, #tpu.memory_space<vmem>>, %arg12: memref<80xi32, #tpu.memory_space<vmem>>, %arg13: memref<80xi32, #tpu.memory_space<vmem>>, %arg14: memref<!tpu.dma_semaphore, #tpu.memory_space<semaphore_mem>>, %arg15: memref<!tpu.dma_semaphore, #tpu.memory_space<semaphore_mem>>, %arg16: memref<!tpu.dma_semaphore, #tpu.memory_space<semaphore_mem>>, %arg17: memref<!tpu.dma_semaphore, #tpu.memory_space<semaphore_mem>>, %arg18: memref<!tpu.dma_semaphore, #tpu.memory_space<semaphore_mem>>, %arg19: memref<!tpu.dma_semaphore, #tpu.memory_space<semaphore_mem>>, %arg20: memref<!tpu.dma_semaphore, #tpu.memory_space<semaphore_mem>>, %arg21: memref<!tpu.dma_semaphore, #tpu.memory_space<semaphore_mem>>, %arg22: memref<!tpu.dma_semaphore, #tpu.memory_space<semaphore_mem>>) attributes {dimension_semantics = [#tpu.dimension_semantics<core_parallel>, #tpu.dimension_semantics<subcore_parallel>], iteration_bounds = array<i64: 2, 16>, scalar_prefetch = 0 : i64, scratch_operands = 17 : i64, tpu.core_type = #tpu.core_type<sc_vector_subcore>, window_params = [{transform_indices = #map}, {transform_indices = #map1}, {transform_indices = #map1}, {transform_indices = #map2}]} {
    %mul3A = arith.constant 2 : i32
    %mul3A_0 = arith.muli %arg1, %mul3A : i32
    %add3A = arith.addi %mul3A_0, %arg0 : i32
    %mul3A_1 = arith.constant 10000 : i32
    %mul3A_2 = arith.muli %add3A, %mul3A_1 : i32
    %dma_start3A = tpu.memref_slice %arg3[%mul3A_2] : memref<320000xi32, #tpu.memory_space<hbm>> -> memref<10000xi32, #tpu.memory_space<hbm>>
    %dma_start3A_3 = tpu.memref_slice %arg3[%mul3A_2] : memref<320000xi32, #tpu.memory_space<hbm>> -> memref<10000xi32, #tpu.memory_space<hbm>>
    tpu.enqueue_dma source(%dma_start3A_3 : memref<10000xi32, #tpu.memory_space<hbm>>) target(%arg7 : memref<10000xi32, #tpu.memory_space<vmem>>) target_semaphore(%arg14 : memref<!tpu.dma_semaphore, #tpu.memory_space<semaphore_mem>>)
    %scan3A = arith.constant 0 : i32
    %scan3A_4 = arith.constant 0 : i32
    %scan3A_5 = arith.constant 80 : i32
    %scan3A_6 = arith.addi %scan3A_4, %scan3A_5 : i32
    %scan3A_7 = arith.constant 1 : i32
    scf.for %scan3A_482 = %scan3A_4 to %scan3A_6 step %scan3A_7  : i32 {
      %broadcast_in_dim3A = arith.constant 0.000000e+00 : f32
      %broadcast_in_dim3A_483 = vector.broadcast %broadcast_in_dim3A : f32 to vector<16xf32>
      %swap3A = arith.index_cast %scan3A_482 : i32 to index
      %swap3A_484 = arith.constant 0 : index
      %swap3A_485 = tpu.vector_load %arg8[%swap3A, %swap3A_484] {strides = array<i32>} : memref<80x128xf32, #tpu.memory_space<vmem>>, vector<1x16xf32>,
      %swap3A_486 = vector.shape_cast %swap3A_485 : vector<1x16xf32> to vector<16xf32>
      %swap3A_487 = vector.shape_cast %broadcast_in_dim3A_483 : vector<16xf32> to vector<1x16xf32>
      tpu.vector_store %arg8[%swap3A, %swap3A_484], %swap3A_487 {strides = array<i32>} : memref<80x128xf32, #tpu.memory_space<vmem>>, vector<1x16xf32>,
      %broadcast_in_dim3A_488 = arith.constant 0.000000e+00 : f32
      %broadcast_in_dim3A_489 = vector.broadcast %broadcast_in_dim3A_488 : f32 to vector<16xf32>
      %swap3A_490 = arith.index_cast %scan3A_482 : i32 to index
      %swap3A_491 = arith.constant 16 : index
      %swap3A_492 = tpu.vector_load %arg8[%swap3A_490, %swap3A_491] {strides = array<i32>} : memref<80x128xf32, #tpu.memory_space<vmem>>, vector<1x16xf32>,
      %swap3A_493 = vector.shape_cast %swap3A_492 : vector<1x16xf32> to vector<16xf32>
      %swap3A_494 = vector.shape_cast %broadcast_in_dim3A_489 : vector<16xf32> to vector<1x16xf32>
      tpu.vector_store %arg8[%swap3A_490, %swap3A_491], %swap3A_494 {strides = array<i32>} : memref<80x128xf32, #tpu.memory_space<vmem>>, vector<1x16xf32>,
      %broadcast_in_dim3A_495 = arith.constant 0.000000e+00 : f32
      %broadcast_in_dim3A_496 = vector.broadcast %broadcast_in_dim3A_495 : f32 to vector<16xf32>
      %swap3A_497 = arith.index_cast %scan3A_482 : i32 to index
      %swap3A_498 = arith.constant 32 : index
      %swap3A_499 = tpu.vector_load %arg8[%swap3A_497, %swap3A_498] {strides = array<i32>} : memref<80x128xf32, #tpu.memory_space<vmem>>, vector<1x16xf32>,
      %swap3A_500 = vector.shape_cast %swap3A_499 : vector<1x16xf32> to vector<16xf32>
      %swap3A_501 = vector.shape_cast %broadcast_in_dim3A_496 : vector<16xf32> to vector<1x16xf32>
      tpu.vector_store %arg8[%swap3A_497, %swap3A_498], %swap3A_501 {strides = array<i32>} : memref<80x128xf32, #tpu.memory_space<vmem>>, vector<1x16xf32>,
      %broadcast_in_dim3A_502 = arith.constant 0.000000e+00 : f32
      %broadcast_in_dim3A_503 = vector.broadcast %broadcast_in_dim3A_502 : f32 to vector<16xf32>
      %swap3A_504 = arith.index_cast %scan3A_482 : i32 to index
      %swap3A_505 = arith.constant 48 : index
      %swap3A_506 = tpu.vector_load %arg8[%swap3A_504, %swap3A_505] {strides = array<i32>} : memref<80x128xf32, #tpu.memory_space<vmem>>, vector<1x16xf32>,
      %swap3A_507 = vector.shape_cast %swap3A_506 : vector<1x16xf32> to vector<16xf32>
      %swap3A_508 = vector.shape_cast %broadcast_in_dim3A_503 : vector<16xf32> to vector<1x16xf32>
      tpu.vector_store %arg8[%swap3A_504, %swap3A_505], %swap3A_508 {strides = array<i32>} : memref<80x128xf32, #tpu.memory_space<vmem>>, vector<1x16xf32>,
      %broadcast_in_dim3A_509 = arith.constant 0.000000e+00 : f32
      %broadcast_in_dim3A_510 = vector.broadcast %broadcast_in_dim3A_509 : f32 to vector<16xf32>
      %swap3A_511 = arith.index_cast %scan3A_482 : i32 to index
      %swap3A_512 = arith.constant 64 : index
      %swap3A_513 = tpu.vector_load %arg8[%swap3A_511, %swap3A_512] {strides = array<i32>} : memref<80x128xf32, #tpu.memory_space<vmem>>, vector<1x16xf32>,
      %swap3A_514 = vector.shape_cast %swap3A_513 : vector<1x16xf32> to vector<16xf32>
      %swap3A_515 = vector.shape_cast %broadcast_in_dim3A_510 : vector<16xf32> to vector<1x16xf32>
      tpu.vector_store %arg8[%swap3A_511, %swap3A_512], %swap3A_515 {strides = array<i32>} : memref<80x128xf32, #tpu.memory_space<vmem>>, vector<1x16xf32>,
      %broadcast_in_dim3A_516 = arith.constant 0.000000e+00 : f32
      %broadcast_in_dim3A_517 = vector.broadcast %broadcast_in_dim3A_516 : f32 to vector<16xf32>
      %swap3A_518 = arith.index_cast %scan3A_482 : i32 to index
      %swap3A_519 = arith.constant 80 : index
      %swap3A_520 = tpu.vector_load %arg8[%swap3A_518, %swap3A_519] {strides = array<i32>} : memref<80x128xf32, #tpu.memory_space<vmem>>, vector<1x16xf32>,
      %swap3A_521 = vector.shape_cast %swap3A_520 : vector<1x16xf32> to vector<16xf32>
      %swap3A_522 = vector.shape_cast %broadcast_in_dim3A_517 : vector<16xf32> to vector<1x16xf32>
      tpu.vector_store %arg8[%swap3A_518, %swap3A_519], %swap3A_522 {strides = array<i32>} : memref<80x128xf32, #tpu.memory_space<vmem>>, vector<1x16xf32>,
      %broadcast_in_dim3A_523 = arith.constant 0.000000e+00 : f32
      %broadcast_in_dim3A_524 = vector.broadcast %broadcast_in_dim3A_523 : f32 to vector<16xf32>
      %swap3A_525 = arith.index_cast %scan3A_482 : i32 to index
      %swap3A_526 = arith.constant 96 : index
      %swap3A_527 = tpu.vector_load %arg8[%swap3A_525, %swap3A_526] {strides = array<i32>} : memref<80x128xf32, #tpu.memory_space<vmem>>, vector<1x16xf32>,
      %swap3A_528 = vector.shape_cast %swap3A_527 : vector<1x16xf32> to vector<16xf32>
      %swap3A_529 = vector.shape_cast %broadcast_in_dim3A_524 : vector<16xf32> to vector<1x16xf32>
      tpu.vector_store %arg8[%swap3A_525, %swap3A_526], %swap3A_529 {strides = array<i32>} : memref<80x128xf32, #tpu.memory_space<vmem>>, vector<1x16xf32>,
      %broadcast_in_dim3A_530 = arith.constant 0.000000e+00 : f32
      %broadcast_in_dim3A_531 = vector.broadcast %broadcast_in_dim3A_530 : f32 to vector<16xf32>
      %swap3A_532 = arith.index_cast %scan3A_482 : i32 to index
      %swap3A_533 = arith.constant 112 : index
      %swap3A_534 = tpu.vector_load %arg8[%swap3A_532, %swap3A_533] {strides = array<i32>} : memref<80x128xf32, #tpu.memory_space<vmem>>, vector<1x16xf32>,
      %swap3A_535 = vector.shape_cast %swap3A_534 : vector<1x16xf32> to vector<16xf32>
      %swap3A_536 = vector.shape_cast %broadcast_in_dim3A_531 : vector<16xf32> to vector<1x16xf32>
      tpu.vector_store %arg8[%swap3A_532, %swap3A_533], %swap3A_536 {strides = array<i32>} : memref<80x128xf32, #tpu.memory_space<vmem>>, vector<1x16xf32>,
    }
    %scan3A_8 = arith.constant 80 : i32
    %mul3A_9 = arith.constant 640 : i32
    %mul3A_10 = arith.muli %arg1, %mul3A_9 : i32
    %min3A = arith.constant 9360 : i32
    %min3A_11 = arith.minsi %mul3A_10, %min3A : i32
    %add3A_12 = arith.constant 0 : i32
    %add3A_13 = arith.addi %min3A_11, %add3A_12 : i32
    %dma_start3A_14 = arith.constant 0 : i32
    %dma_start3A_15 = tpu.memref_slice %arg6[%add3A_13, %dma_start3A_14] : memref<10000x128xf32, #tpu.memory_space<vmem_shared>> -> memref<80x128xf32, #tpu.memory_space<vmem_shared>>
    %dma_start3A_16 = arith.constant 0 : i32
    %dma_start3A_17 = tpu.memref_slice %arg6[%add3A_13, %dma_start3A_16] : memref<10000x128xf32, #tpu.memory_space<vmem_shared>> -> memref<80x128xf32, #tpu.memory_space<vmem_shared>>
    tpu.enqueue_dma source(%arg8 : memref<80x128xf32, #tpu.memory_space<vmem>>) target(%dma_start3A_17 : memref<80x128xf32, #tpu.memory_space<vmem_shared>>) target_semaphore(%arg17 : memref<!tpu.dma_semaphore, #tpu.memory_space<semaphore_mem>>)
    %add3A_18 = arith.constant 80 : i32
    %add3A_19 = arith.addi %min3A_11, %add3A_18 : i32
    %dma_start3A_20 = arith.constant 0 : i32
    %dma_start3A_21 = tpu.memref_slice %arg6[%add3A_19, %dma_start3A_20] : memref<10000x128xf32, #tpu.memory_space<vmem_shared>> -> memref<80x128xf32, #tpu.memory_space<vmem_shared>>
    %dma_start3A_22 = arith.constant 0 : i32
    %dma_start3A_23 = tpu.memref_slice %arg6[%add3A_19, %dma_start3A_22] : memref<10000x128xf32, #tpu.memory_space<vmem_shared>> -> memref<80x128xf32, #tpu.memory_space<vmem_shared>>
    tpu.enqueue_dma source(%arg8 : memref<80x128xf32, #tpu.memory_space<vmem>>) target(%dma_start3A_23 : memref<80x128xf32, #tpu.memory_space<vmem_shared>>) target_semaphore(%arg18 : memref<!tpu.dma_semaphore, #tpu.memory_space<semaphore_mem>>)
    %add3A_24 = arith.constant 160 : i32
    %add3A_25 = arith.addi %min3A_11, %add3A_24 : i32
    %dma_start3A_26 = arith.constant 0 : i32
    %dma_start3A_27 = tpu.memref_slice %arg6[%add3A_25, %dma_start3A_26] : memref<10000x128xf32, #tpu.memory_space<vmem_shared>> -> memref<80x128xf32, #tpu.memory_space<vmem_shared>>
    %dma_start3A_28 = arith.constant 0 : i32
    %dma_start3A_29 = tpu.memref_slice %arg6[%add3A_25, %dma_start3A_28] : memref<10000x128xf32, #tpu.memory_space<vmem_shared>> -> memref<80x128xf32, #tpu.memory_space<vmem_shared>>
    tpu.enqueue_dma source(%arg8 : memref<80x128xf32, #tpu.memory_space<vmem>>) target(%dma_start3A_29 : memref<80x128xf32, #tpu.memory_space<vmem_shared>>) target_semaphore(%arg19 : memref<!tpu.dma_semaphore, #tpu.memory_space<semaphore_mem>>)
    %add3A_30 = arith.constant 240 : i32
    %add3A_31 = arith.addi %min3A_11, %add3A_30 : i32
    %dma_start3A_32 = arith.constant 0 : i32
    %dma_start3A_33 = tpu.memref_slice %arg6[%add3A_31, %dma_start3A_32] : memref<10000x128xf32, #tpu.memory_space<vmem_shared>> -> memref<80x128xf32, #tpu.memory_space<vmem_shared>>
    %dma_start3A_34 = arith.constant 0 : i32
    %dma_start3A_35 = tpu.memref_slice %arg6[%add3A_31, %dma_start3A_34] : memref<10000x128xf32, #tpu.memory_space<vmem_shared>> -> memref<80x128xf32, #tpu.memory_space<vmem_shared>>
    tpu.enqueue_dma source(%arg8 : memref<80x128xf32, #tpu.memory_space<vmem>>) target(%dma_start3A_35 : memref<80x128xf32, #tpu.memory_space<vmem_shared>>) target_semaphore(%arg17 : memref<!tpu.dma_semaphore, #tpu.memory_space<semaphore_mem>>)
    %add3A_36 = arith.constant 320 : i32
    %add3A_37 = arith.addi %min3A_11, %add3A_36 : i32
    %dma_start3A_38 = arith.constant 0 : i32
    %dma_start3A_39 = tpu.memref_slice %arg6[%add3A_37, %dma_start3A_38] : memref<10000x128xf32, #tpu.memory_space<vmem_shared>> -> memref<80x128xf32, #tpu.memory_space<vmem_shared>>
    %dma_start3A_40 = arith.constant 0 : i32
    %dma_start3A_41 = tpu.memref_slice %arg6[%add3A_37, %dma_start3A_40] : memref<10000x128xf32, #tpu.memory_space<vmem_shared>> -> memref<80x128xf32, #tpu.memory_space<vmem_shared>>
    tpu.enqueue_dma source(%arg8 : memref<80x128xf32, #tpu.memory_space<vmem>>) target(%dma_start3A_41 : memref<80x128xf32, #tpu.memory_space<vmem_shared>>) target_semaphore(%arg18 : memref<!tpu.dma_semaphore, #tpu.memory_space<semaphore_mem>>)
    %add3A_42 = arith.constant 400 : i32
    %add3A_43 = arith.addi %min3A_11, %add3A_42 : i32
    %dma_start3A_44 = arith.constant 0 : i32
    %dma_start3A_45 = tpu.memref_slice %arg6[%add3A_43, %dma_start3A_44] : memref<10000x128xf32, #tpu.memory_space<vmem_shared>> -> memref<80x128xf32, #tpu.memory_space<vmem_shared>>
    %dma_start3A_46 = arith.constant 0 : i32
    %dma_start3A_47 = tpu.memref_slice %arg6[%add3A_43, %dma_start3A_46] : memref<10000x128xf32, #tpu.memory_space<vmem_shared>> -> memref<80x128xf32, #tpu.memory_space<vmem_shared>>
    tpu.enqueue_dma source(%arg8 : memref<80x128xf32, #tpu.memory_space<vmem>>) target(%dma_start3A_47 : memref<80x128xf32, #tpu.memory_space<vmem_shared>>) target_semaphore(%arg19 : memref<!tpu.dma_semaphore, #tpu.memory_space<semaphore_mem>>)
    %add3A_48 = arith.constant 480 : i32
    %add3A_49 = arith.addi %min3A_11, %add3A_48 : i32
    %dma_start3A_50 = arith.constant 0 : i32
    %dma_start3A_51 = tpu.memref_slice %arg6[%add3A_49, %dma_start3A_50] : memref<10000x128xf32, #tpu.memory_space<vmem_shared>> -> memref<80x128xf32, #tpu.memory_space<vmem_shared>>
    %dma_start3A_52 = arith.constant 0 : i32
    %dma_start3A_53 = tpu.memref_slice %arg6[%add3A_49, %dma_start3A_52] : memref<10000x128xf32, #tpu.memory_space<vmem_shared>> -> memref<80x128xf32, #tpu.memory_space<vmem_shared>>
    tpu.enqueue_dma source(%arg8 : memref<80x128xf32, #tpu.memory_space<vmem>>) target(%dma_start3A_53 : memref<80x128xf32, #tpu.memory_space<vmem_shared>>) target_semaphore(%arg17 : memref<!tpu.dma_semaphore, #tpu.memory_space<semaphore_mem>>)
    %add3A_54 = arith.constant 560 : i32
    %add3A_55 = arith.addi %min3A_11, %add3A_54 : i32
    %dma_start3A_56 = arith.constant 0 : i32
    %dma_start3A_57 = tpu.memref_slice %arg6[%add3A_55, %dma_start3A_56] : memref<10000x128xf32, #tpu.memory_space<vmem_shared>> -> memref<80x128xf32, #tpu.memory_space<vmem_shared>>
    %dma_start3A_58 = arith.constant 0 : i32
    %dma_start3A_59 = tpu.memref_slice %arg6[%add3A_55, %dma_start3A_58] : memref<10000x128xf32, #tpu.memory_space<vmem_shared>> -> memref<80x128xf32, #tpu.memory_space<vmem_shared>>
    tpu.enqueue_dma source(%arg8 : memref<80x128xf32, #tpu.memory_space<vmem>>) target(%dma_start3A_59 : memref<80x128xf32, #tpu.memory_space<vmem_shared>>) target_semaphore(%arg18 : memref<!tpu.dma_semaphore, #tpu.memory_space<semaphore_mem>>)
    %add3A_60 = arith.constant 0 : i32
    %add3A_61 = arith.addi %min3A_11, %add3A_60 : i32
    %dma_wait3A = arith.constant 0 : i32
    %dma_wait3A_62 = tpu.memref_slice %arg6[%add3A_61, %dma_wait3A] : memref<10000x128xf32, #tpu.memory_space<vmem_shared>> -> memref<80x128xf32, #tpu.memory_space<vmem_shared>>
    %dma_wait3A_63 = arith.constant 0 : i32
    %dma_wait3A_64 = tpu.memref_slice %arg6[%add3A_61, %dma_wait3A_63] : memref<10000x128xf32, #tpu.memory_space<vmem_shared>> -> memref<80x128xf32, #tpu.memory_space<vmem_shared>>
    tpu.wait_dma2 semaphore(%arg17 : memref<!tpu.dma_semaphore, #tpu.memory_space<semaphore_mem>>) src(%arg8 : memref<80x128xf32, #tpu.memory_space<vmem>>) dst(%dma_wait3A_64 : memref<80x128xf32, #tpu.memory_space<vmem_shared>>)
    %add3A_65 = arith.constant 80 : i32
    %add3A_66 = arith.addi %min3A_11, %add3A_65 : i32
    %dma_wait3A_67 = arith.constant 0 : i32
    %dma_wait3A_68 = tpu.memref_slice %arg6[%add3A_66, %dma_wait3A_67] : memref<10000x128xf32, #tpu.memory_space<vmem_shared>> -> memref<80x128xf32, #tpu.memory_space<vmem_shared>>
    %dma_wait3A_69 = arith.constant 0 : i32
    %dma_wait3A_70 = tpu.memref_slice %arg6[%add3A_66, %dma_wait3A_69] : memref<10000x128xf32, #tpu.memory_space<vmem_shared>> -> memref<80x128xf32, #tpu.memory_space<vmem_shared>>
    tpu.wait_dma2 semaphore(%arg18 : memref<!tpu.dma_semaphore, #tpu.memory_space<semaphore_mem>>) src(%arg8 : memref<80x128xf32, #tpu.memory_space<vmem>>) dst(%dma_wait3A_70 : memref<80x128xf32, #tpu.memory_space<vmem_shared>>)
    %add3A_71 = arith.constant 160 : i32
    %add3A_72 = arith.addi %min3A_11, %add3A_71 : i32
    %dma_wait3A_73 = arith.constant 0 : i32
    %dma_wait3A_74 = tpu.memref_slice %arg6[%add3A_72, %dma_wait3A_73] : memref<10000x128xf32, #tpu.memory_space<vmem_shared>> -> memref<80x128xf32, #tpu.memory_space<vmem_shared>>
    %dma_wait3A_75 = arith.constant 0 : i32
    %dma_wait3A_76 = tpu.memref_slice %arg6[%add3A_72, %dma_wait3A_75] : memref<10000x128xf32, #tpu.memory_space<vmem_shared>> -> memref<80x128xf32, #tpu.memory_space<vmem_shared>>
    tpu.wait_dma2 semaphore(%arg19 : memref<!tpu.dma_semaphore, #tpu.memory_space<semaphore_mem>>) src(%arg8 : memref<80x128xf32, #tpu.memory_space<vmem>>) dst(%dma_wait3A_76 : memref<80x128xf32, #tpu.memory_space<vmem_shared>>)
    %add3A_77 = arith.constant 240 : i32
    %add3A_78 = arith.addi %min3A_11, %add3A_77 : i32
    %dma_wait3A_79 = arith.constant 0 : i32
    %dma_wait3A_80 = tpu.memref_slice %arg6[%add3A_78, %dma_wait3A_79] : memref<10000x128xf32, #tpu.memory_space<vmem_shared>> -> memref<80x128xf32, #tpu.memory_space<vmem_shared>>
    %dma_wait3A_81 = arith.constant 0 : i32
    %dma_wait3A_82 = tpu.memref_slice %arg6[%add3A_78, %dma_wait3A_81] : memref<10000x128xf32, #tpu.memory_space<vmem_shared>> -> memref<80x128xf32, #tpu.memory_space<vmem_shared>>
    tpu.wait_dma2 semaphore(%arg17 : memref<!tpu.dma_semaphore, #tpu.memory_space<semaphore_mem>>) src(%arg8 : memref<80x128xf32, #tpu.memory_space<vmem>>) dst(%dma_wait3A_82 : memref<80x128xf32, #tpu.memory_space<vmem_shared>>)
    %add3A_83 = arith.constant 320 : i32
    %add3A_84 = arith.addi %min3A_11, %add3A_83 : i32
    %dma_wait3A_85 = arith.constant 0 : i32
    %dma_wait3A_86 = tpu.memref_slice %arg6[%add3A_84, %dma_wait3A_85] : memref<10000x128xf32, #tpu.memory_space<vmem_shared>> -> memref<80x128xf32, #tpu.memory_space<vmem_shared>>
    %dma_wait3A_87 = arith.constant 0 : i32
    %dma_wait3A_88 = tpu.memref_slice %arg6[%add3A_84, %dma_wait3A_87] : memref<10000x128xf32, #tpu.memory_space<vmem_shared>> -> memref<80x128xf32, #tpu.memory_space<vmem_shared>>
    tpu.wait_dma2 semaphore(%arg18 : memref<!tpu.dma_semaphore, #tpu.memory_space<semaphore_mem>>) src(%arg8 : memref<80x128xf32, #tpu.memory_space<vmem>>) dst(%dma_wait3A_88 : memref<80x128xf32, #tpu.memory_space<vmem_shared>>)
    %add3A_89 = arith.constant 400 : i32
    %add3A_90 = arith.addi %min3A_11, %add3A_89 : i32
    %dma_wait3A_91 = arith.constant 0 : i32
    %dma_wait3A_92 = tpu.memref_slice %arg6[%add3A_90, %dma_wait3A_91] : memref<10000x128xf32, #tpu.memory_space<vmem_shared>> -> memref<80x128xf32, #tpu.memory_space<vmem_shared>>
    %dma_wait3A_93 = arith.constant 0 : i32
    %dma_wait3A_94 = tpu.memref_slice %arg6[%add3A_90, %dma_wait3A_93] : memref<10000x128xf32, #tpu.memory_space<vmem_shared>> -> memref<80x128xf32, #tpu.memory_space<vmem_shared>>
    tpu.wait_dma2 semaphore(%arg19 : memref<!tpu.dma_semaphore, #tpu.memory_space<semaphore_mem>>) src(%arg8 : memref<80x128xf32, #tpu.memory_space<vmem>>) dst(%dma_wait3A_94 : memref<80x128xf32, #tpu.memory_space<vmem_shared>>)
    %add3A_95 = arith.constant 480 : i32
    %add3A_96 = arith.addi %min3A_11, %add3A_95 : i32
    %dma_wait3A_97 = arith.constant 0 : i32
    %dma_wait3A_98 = tpu.memref_slice %arg6[%add3A_96, %dma_wait3A_97] : memref<10000x128xf32, #tpu.memory_space<vmem_shared>> -> memref<80x128xf32, #tpu.memory_space<vmem_shared>>
    %dma_wait3A_99 = arith.constant 0 : i32
    %dma_wait3A_100 = tpu.memref_slice %arg6[%add3A_96, %dma_wait3A_99] : memref<10000x128xf32, #tpu.memory_space<vmem_shared>> -> memref<80x128xf32, #tpu.memory_space<vmem_shared>>
    tpu.wait_dma2 semaphore(%arg17 : memref<!tpu.dma_semaphore, #tpu.memory_space<semaphore_mem>>) src(%arg8 : memref<80x128xf32, #tpu.memory_space<vmem>>) dst(%dma_wait3A_100 : memref<80x128xf32, #tpu.memory_space<vmem_shared>>)
    %add3A_101 = arith.constant 560 : i32
    %add3A_102 = arith.addi %min3A_11, %add3A_101 : i32
    %dma_wait3A_103 = arith.constant 0 : i32
    %dma_wait3A_104 = tpu.memref_slice %arg6[%add3A_102, %dma_wait3A_103] : memref<10000x128xf32, #tpu.memory_space<vmem_shared>> -> memref<80x128xf32, #tpu.memory_space<vmem_shared>>
    %dma_wait3A_105 = arith.constant 0 : i32
    %dma_wait3A_106 = tpu.memref_slice %arg6[%add3A_102, %dma_wait3A_105] : memref<10000x128xf32, #tpu.memory_space<vmem_shared>> -> memref<80x128xf32, #tpu.memory_space<vmem_shared>>
    tpu.wait_dma2 semaphore(%arg18 : memref<!tpu.dma_semaphore, #tpu.memory_space<semaphore_mem>>) src(%arg8 : memref<80x128xf32, #tpu.memory_space<vmem>>) dst(%dma_wait3A_106 : memref<80x128xf32, #tpu.memory_space<vmem_shared>>)
    %mul3A_107 = arith.constant 10000 : i32
    %mul3A_108 = arith.muli %add3A, %mul3A_107 : i32
    %dma_wait3A_109 = tpu.memref_slice %arg3[%mul3A_108] : memref<320000xi32, #tpu.memory_space<hbm>> -> memref<10000xi32, #tpu.memory_space<hbm>>
    %dma_wait3A_110 = tpu.memref_slice %arg3[%mul3A_108] : memref<320000xi32, #tpu.memory_space<hbm>> -> memref<10000xi32, #tpu.memory_space<hbm>>
    tpu.wait_dma2 semaphore(%arg14 : memref<!tpu.dma_semaphore, #tpu.memory_space<semaphore_mem>>) src(%dma_wait3A_110 : memref<10000xi32, #tpu.memory_space<hbm>>) dst(%arg7 : memref<10000xi32, #tpu.memory_space<vmem>>)
    %mul3A_111 = arith.constant 10000 : i32
    %mul3A_112 = arith.muli %add3A, %mul3A_111 : i32
    %add3A_113 = arith.constant 0 : i32
    %add3A_114 = arith.addi %mul3A_112, %add3A_113 : i32
    %dma_start3A_115 = tpu.memref_slice %arg4[%add3A_114] : memref<320000xi32, #tpu.memory_space<hbm>> -> memref<80xi32, #tpu.memory_space<hbm>>
    %dma_start3A_116 = tpu.memref_slice %arg4[%add3A_114] : memref<320000xi32, #tpu.memory_space<hbm>> -> memref<80xi32, #tpu.memory_space<hbm>>
    tpu.enqueue_dma source(%dma_start3A_116 : memref<80xi32, #tpu.memory_space<hbm>>) target(%arg11 : memref<80xi32, #tpu.memory_space<vmem>>) target_semaphore(%arg20 : memref<!tpu.dma_semaphore, #tpu.memory_space<semaphore_mem>>)
    %dma_start3A_117 = arith.constant 0 : i32
    %dma_start3A_118 = tpu.memref_slice %arg7[%dma_start3A_117] : memref<10000xi32, #tpu.memory_space<vmem>> -> memref<80xi32, #tpu.memory_space<vmem>>
    %dma_start3A_119 = arith.constant 0 : i32
    %dma_start3A_120 = arith.constant 0 : i32
    %dma_start3A_121 = tpu.memref_slice %arg2[%dma_start3A_119, %dma_start3A_120] : memref<10000x128xf32, #tpu.memory_space<hbm>> -> memref<10000x128xf32, #tpu.memory_space<hbm>>
    tpu.enqueue_indirect_dma source(%dma_start3A_121 : memref<10000x128xf32, #tpu.memory_space<hbm>>) target(%arg8 : memref<80x128xf32, #tpu.memory_space<vmem>>) offsets(%dma_start3A_118 : memref<80xi32, #tpu.memory_space<vmem>>) semaphore(%arg14 : memref<!tpu.dma_semaphore, #tpu.memory_space<semaphore_mem>>)
    %mul3A_122 = arith.constant 10000 : i32
    %mul3A_123 = arith.muli %add3A, %mul3A_122 : i32
    %add3A_124 = arith.constant 80 : i32
    %add3A_125 = arith.addi %mul3A_123, %add3A_124 : i32
    %dma_start3A_126 = tpu.memref_slice %arg4[%add3A_125] : memref<320000xi32, #tpu.memory_space<hbm>> -> memref<80xi32, #tpu.memory_space<hbm>>
    %dma_start3A_127 = tpu.memref_slice %arg4[%add3A_125] : memref<320000xi32, #tpu.memory_space<hbm>> -> memref<80xi32, #tpu.memory_space<hbm>>
    tpu.enqueue_dma source(%dma_start3A_127 : memref<80xi32, #tpu.memory_space<hbm>>) target(%arg12 : memref<80xi32, #tpu.memory_space<vmem>>) target_semaphore(%arg21 : memref<!tpu.dma_semaphore, #tpu.memory_space<semaphore_mem>>)
    %dma_start3A_128 = arith.constant 80 : i32
    %dma_start3A_129 = tpu.memref_slice %arg7[%dma_start3A_128] : memref<10000xi32, #tpu.memory_space<vmem>> -> memref<80xi32, #tpu.memory_space<vmem>>
    %dma_start3A_130 = arith.constant 0 : i32
    %dma_start3A_131 = arith.constant 0 : i32
    %dma_start3A_132 = tpu.memref_slice %arg2[%dma_start3A_130, %dma_start3A_131] : memref<10000x128xf32, #tpu.memory_space<hbm>> -> memref<10000x128xf32, #tpu.memory_space<hbm>>
    tpu.enqueue_indirect_dma source(%dma_start3A_132 : memref<10000x128xf32, #tpu.memory_space<hbm>>) target(%arg9 : memref<80x128xf32, #tpu.memory_space<vmem>>) offsets(%dma_start3A_129 : memref<80xi32, #tpu.memory_space<vmem>>) semaphore(%arg15 : memref<!tpu.dma_semaphore, #tpu.memory_space<semaphore_mem>>)
    %mul3A_133 = arith.constant 10000 : i32
    %mul3A_134 = arith.muli %add3A, %mul3A_133 : i32
    %add3A_135 = arith.constant 160 : i32
    %add3A_136 = arith.addi %mul3A_134, %add3A_135 : i32
    %dma_start3A_137 = tpu.memref_slice %arg4[%add3A_136] : memref<320000xi32, #tpu.memory_space<hbm>> -> memref<80xi32, #tpu.memory_space<hbm>>
    %dma_start3A_138 = tpu.memref_slice %arg4[%add3A_136] : memref<320000xi32, #tpu.memory_space<hbm>> -> memref<80xi32, #tpu.memory_space<hbm>>
    tpu.enqueue_dma source(%dma_start3A_138 : memref<80xi32, #tpu.memory_space<hbm>>) target(%arg13 : memref<80xi32, #tpu.memory_space<vmem>>) target_semaphore(%arg22 : memref<!tpu.dma_semaphore, #tpu.memory_space<semaphore_mem>>)
    %dma_start3A_139 = arith.constant 160 : i32
    %dma_start3A_140 = tpu.memref_slice %arg7[%dma_start3A_139] : memref<10000xi32, #tpu.memory_space<vmem>> -> memref<80xi32, #tpu.memory_space<vmem>>
    %dma_start3A_141 = arith.constant 0 : i32
    %dma_start3A_142 = arith.constant 0 : i32
    %dma_start3A_143 = tpu.memref_slice %arg2[%dma_start3A_141, %dma_start3A_142] : memref<10000x128xf32, #tpu.memory_space<hbm>> -> memref<10000x128xf32, #tpu.memory_space<hbm>>
    tpu.enqueue_indirect_dma source(%dma_start3A_143 : memref<10000x128xf32, #tpu.memory_space<hbm>>) target(%arg10 : memref<80x128xf32, #tpu.memory_space<vmem>>) offsets(%dma_start3A_140 : memref<80xi32, #tpu.memory_space<vmem>>) semaphore(%arg16 : memref<!tpu.dma_semaphore, #tpu.memory_space<semaphore_mem>>)
    %barrier3A = arith.constant 0 : index
    tpu.barrier barrier_id(%barrier3A)
    %scan3A_144 = arith.constant 0 : i32
    %scan3A_145 = arith.constant 0 : i32
    %scan3A_146 = arith.constant 40 : i32
    %scan3A_147 = arith.addi %scan3A_145, %scan3A_146 : i32
    %scan3A_148 = arith.constant 1 : i32
    scf.for %scan3A_482 = %scan3A_145 to %scan3A_147 step %scan3A_148  : i32 {
      %mul3A_483 = arith.constant 3 : i32
      %mul3A_484 = arith.muli %mul3A_483, %scan3A_482 : i32
      %add3A_485 = arith.constant 0 : i32
      %add3A_486 = arith.addi %mul3A_484, %add3A_485 : i32
      %mul3A_487 = arith.constant 80 : i32
      %mul3A_488 = arith.muli %add3A_486, %mul3A_487 : i32
      %dma_wait3A_489 = tpu.memref_slice %arg7[%mul3A_488] : memref<10000xi32, #tpu.memory_space<vmem>> -> memref<80xi32, #tpu.memory_space<vmem>>
      %dma_wait3A_490 = arith.constant 0 : i32
      %dma_wait3A_491 = arith.constant 0 : i32
      %dma_wait3A_492 = tpu.memref_slice %arg2[%dma_wait3A_490, %dma_wait3A_491] : memref<10000x128xf32, #tpu.memory_space<hbm>> -> memref<10000x128xf32, #tpu.memory_space<hbm>>
      tpu.wait_indirect_dma semaphore(%arg14 : memref<!tpu.dma_semaphore, #tpu.memory_space<semaphore_mem>>) src(%dma_wait3A_492 : memref<10000x128xf32, #tpu.memory_space<hbm>>) dst(%arg8 : memref<80x128xf32, #tpu.memory_space<vmem>>)
      %mul3A_493 = arith.constant 10000 : i32
      %mul3A_494 = arith.muli %add3A, %mul3A_493 : i32
      %mul3A_495 = arith.constant 80 : i32
      %mul3A_496 = arith.muli %add3A_486, %mul3A_495 : i32
      %add3A_497 = arith.addi %mul3A_494, %mul3A_496 : i32
      %dma_wait3A_498 = tpu.memref_slice %arg4[%add3A_497] : memref<320000xi32, #tpu.memory_space<hbm>> -> memref<80xi32, #tpu.memory_space<hbm>>
      %dma_wait3A_499 = tpu.memref_slice %arg4[%add3A_497] : memref<320000xi32, #tpu.memory_space<hbm>> -> memref<80xi32, #tpu.memory_space<hbm>>
      tpu.wait_dma2 semaphore(%arg20 : memref<!tpu.dma_semaphore, #tpu.memory_space<semaphore_mem>>) src(%dma_wait3A_499 : memref<80xi32, #tpu.memory_space<hbm>>) dst(%arg11 : memref<80xi32, #tpu.memory_space<vmem>>)
      %dma_start3A_500 = arith.constant 0 : i32
      %dma_start3A_501 = arith.constant 0 : i32
      %dma_start3A_502 = tpu.memref_slice %arg6[%dma_start3A_500, %dma_start3A_501] : memref<10000x128xf32, #tpu.memory_space<vmem_shared>> -> memref<10000x128xf32, #tpu.memory_space<vmem_shared>>
      tpu.enqueue_indirect_dma source(%arg8 : memref<80x128xf32, #tpu.memory_space<vmem>>) target(%dma_start3A_502 : memref<10000x128xf32, #tpu.memory_space<vmem_shared>>) offsets(%arg11 : memref<80xi32, #tpu.memory_space<vmem>>) semaphore(%arg17 : memref<!tpu.dma_semaphore, #tpu.memory_space<semaphore_mem>>) {add = true}
      %dma_wait3A_503 = arith.constant 0 : i32
      %dma_wait3A_504 = arith.constant 0 : i32
      %dma_wait3A_505 = tpu.memref_slice %arg6[%dma_wait3A_503, %dma_wait3A_504] : memref<10000x128xf32, #tpu.memory_space<vmem_shared>> -> memref<10000x128xf32, #tpu.memory_space<vmem_shared>>
      tpu.wait_indirect_dma semaphore(%arg17 : memref<!tpu.dma_semaphore, #tpu.memory_space<semaphore_mem>>) src(%arg8 : memref<80x128xf32, #tpu.memory_space<vmem>>) dst(%dma_wait3A_505 : memref<10000x128xf32, #tpu.memory_space<vmem_shared>>)
      %add3A_506 = arith.constant 3 : i32
      %add3A_507 = arith.addi %add3A_486, %add3A_506 : i32
      %mul3A_508 = arith.constant 10000 : i32
      %mul3A_509 = arith.muli %add3A, %mul3A_508 : i32
      %mul3A_510 = arith.constant 80 : i32
      %mul3A_511 = arith.muli %add3A_507, %mul3A_510 : i32
      %add3A_512 = arith.addi %mul3A_509, %mul3A_511 : i32
      %dma_start3A_513 = tpu.memref_slice %arg4[%add3A_512] : memref<320000xi32, #tpu.memory_space<hbm>> -> memref<80xi32, #tpu.memory_space<hbm>>
      %dma_start3A_514 = tpu.memref_slice %arg4[%add3A_512] : memref<320000xi32, #tpu.memory_space<hbm>> -> memref<80xi32, #tpu.memory_space<hbm>>
      tpu.enqueue_dma source(%dma_start3A_514 : memref<80xi32, #tpu.memory_space<hbm>>) target(%arg11 : memref<80xi32, #tpu.memory_space<vmem>>) target_semaphore(%arg20 : memref<!tpu.dma_semaphore, #tpu.memory_space<semaphore_mem>>)
      %add3A_515 = arith.constant 3 : i32
      %add3A_516 = arith.addi %add3A_486, %add3A_515 : i32
      %mul3A_517 = arith.constant 80 : i32
      %mul3A_518 = arith.muli %add3A_516, %mul3A_517 : i32
      %dma_start3A_519 = tpu.memref_slice %arg7[%mul3A_518] : memref<10000xi32, #tpu.memory_space<vmem>> -> memref<80xi32, #tpu.memory_space<vmem>>
      %dma_start3A_520 = arith.constant 0 : i32
      %dma_start3A_521 = arith.constant 0 : i32
      %dma_start3A_522 = tpu.memref_slice %arg2[%dma_start3A_520, %dma_start3A_521] : memref<10000x128xf32, #tpu.memory_space<hbm>> -> memref<10000x128xf32, #tpu.memory_space<hbm>>
      tpu.enqueue_indirect_dma source(%dma_start3A_522 : memref<10000x128xf32, #tpu.memory_space<hbm>>) target(%arg8 : memref<80x128xf32, #tpu.memory_space<vmem>>) offsets(%dma_start3A_519 : memref<80xi32, #tpu.memory_space<vmem>>) semaphore(%arg14 : memref<!tpu.dma_semaphore, #tpu.memory_space<semaphore_mem>>)
      %mul3A_523 = arith.constant 3 : i32
      %mul3A_524 = arith.muli %mul3A_523, %scan3A_482 : i32
      %add3A_525 = arith.constant 1 : i32
      %add3A_526 = arith.addi %mul3A_524, %add3A_525 : i32
      %mul3A_527 = arith.constant 80 : i32
      %mul3A_528 = arith.muli %add3A_526, %mul3A_527 : i32
      %dma_wait3A_529 = tpu.memref_slice %arg7[%mul3A_528] : memref<10000xi32, #tpu.memory_space<vmem>> -> memref<80xi32, #tpu.memory_space<vmem>>
      %dma_wait3A_530 = arith.constant 0 : i32
      %dma_wait3A_531 = arith.constant 0 : i32
      %dma_wait3A_532 = tpu.memref_slice %arg2[%dma_wait3A_530, %dma_wait3A_531] : memref<10000x128xf32, #tpu.memory_space<hbm>> -> memref<10000x128xf32, #tpu.memory_space<hbm>>
      tpu.wait_indirect_dma semaphore(%arg15 : memref<!tpu.dma_semaphore, #tpu.memory_space<semaphore_mem>>) src(%dma_wait3A_532 : memref<10000x128xf32, #tpu.memory_space<hbm>>) dst(%arg9 : memref<80x128xf32, #tpu.memory_space<vmem>>)
      %mul3A_533 = arith.constant 10000 : i32
      %mul3A_534 = arith.muli %add3A, %mul3A_533 : i32
      %mul3A_535 = arith.constant 80 : i32
      %mul3A_536 = arith.muli %add3A_526, %mul3A_535 : i32
      %add3A_537 = arith.addi %mul3A_534, %mul3A_536 : i32
      %dma_wait3A_538 = tpu.memref_slice %arg4[%add3A_537] : memref<320000xi32, #tpu.memory_space<hbm>> -> memref<80xi32, #tpu.memory_space<hbm>>
      %dma_wait3A_539 = tpu.memref_slice %arg4[%add3A_537] : memref<320000xi32, #tpu.memory_space<hbm>> -> memref<80xi32, #tpu.memory_space<hbm>>
      tpu.wait_dma2 semaphore(%arg21 : memref<!tpu.dma_semaphore, #tpu.memory_space<semaphore_mem>>) src(%dma_wait3A_539 : memref<80xi32, #tpu.memory_space<hbm>>) dst(%arg12 : memref<80xi32, #tpu.memory_space<vmem>>)
      %dma_start3A_540 = arith.constant 0 : i32
      %dma_start3A_541 = arith.constant 0 : i32
      %dma_start3A_542 = tpu.memref_slice %arg6[%dma_start3A_540, %dma_start3A_541] : memref<10000x128xf32, #tpu.memory_space<vmem_shared>> -> memref<10000x128xf32, #tpu.memory_space<vmem_shared>>
      tpu.enqueue_indirect_dma source(%arg9 : memref<80x128xf32, #tpu.memory_space<vmem>>) target(%dma_start3A_542 : memref<10000x128xf32, #tpu.memory_space<vmem_shared>>) offsets(%arg12 : memref<80xi32, #tpu.memory_space<vmem>>) semaphore(%arg18 : memref<!tpu.dma_semaphore, #tpu.memory_space<semaphore_mem>>) {add = true}
      %dma_wait3A_543 = arith.constant 0 : i32
      %dma_wait3A_544 = arith.constant 0 : i32
      %dma_wait3A_545 = tpu.memref_slice %arg6[%dma_wait3A_543, %dma_wait3A_544] : memref<10000x128xf32, #tpu.memory_space<vmem_shared>> -> memref<10000x128xf32, #tpu.memory_space<vmem_shared>>
      tpu.wait_indirect_dma semaphore(%arg18 : memref<!tpu.dma_semaphore, #tpu.memory_space<semaphore_mem>>) src(%arg9 : memref<80x128xf32, #tpu.memory_space<vmem>>) dst(%dma_wait3A_545 : memref<10000x128xf32, #tpu.memory_space<vmem_shared>>)
      %add3A_546 = arith.constant 3 : i32
      %add3A_547 = arith.addi %add3A_526, %add3A_546 : i32
      %mul3A_548 = arith.constant 10000 : i32
      %mul3A_549 = arith.muli %add3A, %mul3A_548 : i32
      %mul3A_550 = arith.constant 80 : i32
      %mul3A_551 = arith.muli %add3A_547, %mul3A_550 : i32
      %add3A_552 = arith.addi %mul3A_549, %mul3A_551 : i32
      %dma_start3A_553 = tpu.memref_slice %arg4[%add3A_552] : memref<320000xi32, #tpu.memory_space<hbm>> -> memref<80xi32, #tpu.memory_space<hbm>>
      %dma_start3A_554 = tpu.memref_slice %arg4[%add3A_552] : memref<320000xi32, #tpu.memory_space<hbm>> -> memref<80xi32, #tpu.memory_space<hbm>>
      tpu.enqueue_dma source(%dma_start3A_554 : memref<80xi32, #tpu.memory_space<hbm>>) target(%arg12 : memref<80xi32, #tpu.memory_space<vmem>>) target_semaphore(%arg21 : memref<!tpu.dma_semaphore, #tpu.memory_space<semaphore_mem>>)
      %add3A_555 = arith.constant 3 : i32
      %add3A_556 = arith.addi %add3A_526, %add3A_555 : i32
      %mul3A_557 = arith.constant 80 : i32
      %mul3A_558 = arith.muli %add3A_556, %mul3A_557 : i32
      %dma_start3A_559 = tpu.memref_slice %arg7[%mul3A_558] : memref<10000xi32, #tpu.memory_space<vmem>> -> memref<80xi32, #tpu.memory_space<vmem>>
      %dma_start3A_560 = arith.constant 0 : i32
      %dma_start3A_561 = arith.constant 0 : i32
      %dma_start3A_562 = tpu.memref_slice %arg2[%dma_start3A_560, %dma_start3A_561] : memref<10000x128xf32, #tpu.memory_space<hbm>> -> memref<10000x128xf32, #tpu.memory_space<hbm>>
      tpu.enqueue_indirect_dma source(%dma_start3A_562 : memref<10000x128xf32, #tpu.memory_space<hbm>>) target(%arg9 : memref<80x128xf32, #tpu.memory_space<vmem>>) offsets(%dma_start3A_559 : memref<80xi32, #tpu.memory_space<vmem>>) semaphore(%arg15 : memref<!tpu.dma_semaphore, #tpu.memory_space<semaphore_mem>>)
      %mul3A_563 = arith.constant 3 : i32
      %mul3A_564 = arith.muli %mul3A_563, %scan3A_482 : i32
      %add3A_565 = arith.constant 2 : i32
      %add3A_566 = arith.addi %mul3A_564, %add3A_565 : i32
      %mul3A_567 = arith.constant 80 : i32
      %mul3A_568 = arith.muli %add3A_566, %mul3A_567 : i32
      %dma_wait3A_569 = tpu.memref_slice %arg7[%mul3A_568] : memref<10000xi32, #tpu.memory_space<vmem>> -> memref<80xi32, #tpu.memory_space<vmem>>
      %dma_wait3A_570 = arith.constant 0 : i32
      %dma_wait3A_571 = arith.constant 0 : i32
      %dma_wait3A_572 = tpu.memref_slice %arg2[%dma_wait3A_570, %dma_wait3A_571] : memref<10000x128xf32, #tpu.memory_space<hbm>> -> memref<10000x128xf32, #tpu.memory_space<hbm>>
      tpu.wait_indirect_dma semaphore(%arg16 : memref<!tpu.dma_semaphore, #tpu.memory_space<semaphore_mem>>) src(%dma_wait3A_572 : memref<10000x128xf32, #tpu.memory_space<hbm>>) dst(%arg10 : memref<80x128xf32, #tpu.memory_space<vmem>>)
      %mul3A_573 = arith.constant 10000 : i32
      %mul3A_574 = arith.muli %add3A, %mul3A_573 : i32
      %mul3A_575 = arith.constant 80 : i32
      %mul3A_576 = arith.muli %add3A_566, %mul3A_575 : i32
      %add3A_577 = arith.addi %mul3A_574, %mul3A_576 : i32
      %dma_wait3A_578 = tpu.memref_slice %arg4[%add3A_577] : memref<320000xi32, #tpu.memory_space<hbm>> -> memref<80xi32, #tpu.memory_space<hbm>>
      %dma_wait3A_579 = tpu.memref_slice %arg4[%add3A_577] : memref<320000xi32, #tpu.memory_space<hbm>> -> memref<80xi32, #tpu.memory_space<hbm>>
      tpu.wait_dma2 semaphore(%arg22 : memref<!tpu.dma_semaphore, #tpu.memory_space<semaphore_mem>>) src(%dma_wait3A_579 : memref<80xi32, #tpu.memory_space<hbm>>) dst(%arg13 : memref<80xi32, #tpu.memory_space<vmem>>)
      %dma_start3A_580 = arith.constant 0 : i32
      %dma_start3A_581 = arith.constant 0 : i32
      %dma_start3A_582 = tpu.memref_slice %arg6[%dma_start3A_580, %dma_start3A_581] : memref<10000x128xf32, #tpu.memory_space<vmem_shared>> -> memref<10000x128xf32, #tpu.memory_space<vmem_shared>>
      tpu.enqueue_indirect_dma source(%arg10 : memref<80x128xf32, #tpu.memory_space<vmem>>) target(%dma_start3A_582 : memref<10000x128xf32, #tpu.memory_space<vmem_shared>>) offsets(%arg13 : memref<80xi32, #tpu.memory_space<vmem>>) semaphore(%arg19 : memref<!tpu.dma_semaphore, #tpu.memory_space<semaphore_mem>>) {add = true}
      %dma_wait3A_583 = arith.constant 0 : i32
      %dma_wait3A_584 = arith.constant 0 : i32
      %dma_wait3A_585 = tpu.memref_slice %arg6[%dma_wait3A_583, %dma_wait3A_584] : memref<10000x128xf32, #tpu.memory_space<vmem_shared>> -> memref<10000x128xf32, #tpu.memory_space<vmem_shared>>
      tpu.wait_indirect_dma semaphore(%arg19 : memref<!tpu.dma_semaphore, #tpu.memory_space<semaphore_mem>>) src(%arg10 : memref<80x128xf32, #tpu.memory_space<vmem>>) dst(%dma_wait3A_585 : memref<10000x128xf32, #tpu.memory_space<vmem_shared>>)
      %add3A_586 = arith.constant 3 : i32
      %add3A_587 = arith.addi %add3A_566, %add3A_586 : i32
      %mul3A_588 = arith.constant 10000 : i32
      %mul3A_589 = arith.muli %add3A, %mul3A_588 : i32
      %mul3A_590 = arith.constant 80 : i32
      %mul3A_591 = arith.muli %add3A_587, %mul3A_590 : i32
      %add3A_592 = arith.addi %mul3A_589, %mul3A_591 : i32
      %dma_start3A_593 = tpu.memref_slice %arg4[%add3A_592] : memref<320000xi32, #tpu.memory_space<hbm>> -> memref<80xi32, #tpu.memory_space<hbm>>
      %dma_start3A_594 = tpu.memref_slice %arg4[%add3A_592] : memref<320000xi32, #tpu.memory_space<hbm>> -> memref<80xi32, #tpu.memory_space<hbm>>
      tpu.enqueue_dma source(%dma_start3A_594 : memref<80xi32, #tpu.memory_space<hbm>>) target(%arg13 : memref<80xi32, #tpu.memory_space<vmem>>) target_semaphore(%arg22 : memref<!tpu.dma_semaphore, #tpu.memory_space<semaphore_mem>>)
      %add3A_595 = arith.constant 3 : i32
      %add3A_596 = arith.addi %add3A_566, %add3A_595 : i32
      %mul3A_597 = arith.constant 80 : i32
      %mul3A_598 = arith.muli %add3A_596, %mul3A_597 : i32
      %dma_start3A_599 = tpu.memref_slice %arg7[%mul3A_598] : memref<10000xi32, #tpu.memory_space<vmem>> -> memref<80xi32, #tpu.memory_space<vmem>>
      %dma_start3A_600 = arith.constant 0 : i32
      %dma_start3A_601 = arith.constant 0 : i32
      %dma_start3A_602 = tpu.memref_slice %arg2[%dma_start3A_600, %dma_start3A_601] : memref<10000x128xf32, #tpu.memory_space<hbm>> -> memref<10000x128xf32, #tpu.memory_space<hbm>>
      tpu.enqueue_indirect_dma source(%dma_start3A_602 : memref<10000x128xf32, #tpu.memory_space<hbm>>) target(%arg10 : memref<80x128xf32, #tpu.memory_space<vmem>>) offsets(%dma_start3A_599 : memref<80xi32, #tpu.memory_space<vmem>>) semaphore(%arg16 : memref<!tpu.dma_semaphore, #tpu.memory_space<semaphore_mem>>)
    }
    %scan3A_149 = arith.constant 40 : i32
    %dma_wait3A_150 = arith.constant 9600 : i32
    %dma_wait3A_151 = tpu.memref_slice %arg7[%dma_wait3A_150] : memref<10000xi32, #tpu.memory_space<vmem>> -> memref<80xi32, #tpu.memory_space<vmem>>
    %dma_wait3A_152 = arith.constant 0 : i32
    %dma_wait3A_153 = arith.constant 0 : i32
    %dma_wait3A_154 = tpu.memref_slice %arg2[%dma_wait3A_152, %dma_wait3A_153] : memref<10000x128xf32, #tpu.memory_space<hbm>> -> memref<10000x128xf32, #tpu.memory_space<hbm>>
    tpu.wait_indirect_dma semaphore(%arg14 : memref<!tpu.dma_semaphore, #tpu.memory_space<semaphore_mem>>) src(%dma_wait3A_154 : memref<10000x128xf32, #tpu.memory_space<hbm>>) dst(%arg8 : memref<80x128xf32, #tpu.memory_space<vmem>>)
    %mul3A_155 = arith.constant 10000 : i32
    %mul3A_156 = arith.muli %add3A, %mul3A_155 : i32
    %add3A_157 = arith.constant 9600 : i32
    %add3A_158 = arith.addi %mul3A_156, %add3A_157 : i32
    %dma_wait3A_159 = tpu.memref_slice %arg4[%add3A_158] : memref<320000xi32, #tpu.memory_space<hbm>> -> memref<80xi32, #tpu.memory_space<hbm>>
    %dma_wait3A_160 = tpu.memref_slice %arg4[%add3A_158] : memref<320000xi32, #tpu.memory_space<hbm>> -> memref<80xi32, #tpu.memory_space<hbm>>
    tpu.wait_dma2 semaphore(%arg20 : memref<!tpu.dma_semaphore, #tpu.memory_space<semaphore_mem>>) src(%dma_wait3A_160 : memref<80xi32, #tpu.memory_space<hbm>>) dst(%arg11 : memref<80xi32, #tpu.memory_space<vmem>>)
    %dma_start3A_161 = arith.constant 0 : i32
    %dma_start3A_162 = arith.constant 0 : i32
    %dma_start3A_163 = tpu.memref_slice %arg6[%dma_start3A_161, %dma_start3A_162] : memref<10000x128xf32, #tpu.memory_space<vmem_shared>> -> memref<10000x128xf32, #tpu.memory_space<vmem_shared>>
    tpu.enqueue_indirect_dma source(%arg8 : memref<80x128xf32, #tpu.memory_space<vmem>>) target(%dma_start3A_163 : memref<10000x128xf32, #tpu.memory_space<vmem_shared>>) offsets(%arg11 : memref<80xi32, #tpu.memory_space<vmem>>) semaphore(%arg17 : memref<!tpu.dma_semaphore, #tpu.memory_space<semaphore_mem>>) {add = true}
    %dma_wait3A_164 = arith.constant 0 : i32
    %dma_wait3A_165 = arith.constant 0 : i32
    %dma_wait3A_166 = tpu.memref_slice %arg6[%dma_wait3A_164, %dma_wait3A_165] : memref<10000x128xf32, #tpu.memory_space<vmem_shared>> -> memref<10000x128xf32, #tpu.memory_space<vmem_shared>>
    tpu.wait_indirect_dma semaphore(%arg17 : memref<!tpu.dma_semaphore, #tpu.memory_space<semaphore_mem>>) src(%arg8 : memref<80x128xf32, #tpu.memory_space<vmem>>) dst(%dma_wait3A_166 : memref<10000x128xf32, #tpu.memory_space<vmem_shared>>)
    %mul3A_167 = arith.constant 10000 : i32
    %mul3A_168 = arith.muli %add3A, %mul3A_167 : i32
    %add3A_169 = arith.constant 9840 : i32
    %add3A_170 = arith.addi %mul3A_168, %add3A_169 : i32
    %dma_start3A_171 = tpu.memref_slice %arg4[%add3A_170] : memref<320000xi32, #tpu.memory_space<hbm>> -> memref<80xi32, #tpu.memory_space<hbm>>
    %dma_start3A_172 = tpu.memref_slice %arg4[%add3A_170] : memref<320000xi32, #tpu.memory_space<hbm>> -> memref<80xi32, #tpu.memory_space<hbm>>
    tpu.enqueue_dma source(%dma_start3A_172 : memref<80xi32, #tpu.memory_space<hbm>>) target(%arg11 : memref<80xi32, #tpu.memory_space<vmem>>) target_semaphore(%arg20 : memref<!tpu.dma_semaphore, #tpu.memory_space<semaphore_mem>>)
    %dma_start3A_173 = arith.constant 9840 : i32
    %dma_start3A_174 = tpu.memref_slice %arg7[%dma_start3A_173] : memref<10000xi32, #tpu.memory_space<vmem>> -> memref<80xi32, #tpu.memory_space<vmem>>
    %dma_start3A_175 = arith.constant 0 : i32
    %dma_start3A_176 = arith.constant 0 : i32
    %dma_start3A_177 = tpu.memref_slice %arg2[%dma_start3A_175, %dma_start3A_176] : memref<10000x128xf32, #tpu.memory_space<hbm>> -> memref<10000x128xf32, #tpu.memory_space<hbm>>
    tpu.enqueue_indirect_dma source(%dma_start3A_177 : memref<10000x128xf32, #tpu.memory_space<hbm>>) target(%arg8 : memref<80x128xf32, #tpu.memory_space<vmem>>) offsets(%dma_start3A_174 : memref<80xi32, #tpu.memory_space<vmem>>) semaphore(%arg14 : memref<!tpu.dma_semaphore, #tpu.memory_space<semaphore_mem>>)
    %dma_wait3A_178 = arith.constant 9680 : i32
    %dma_wait3A_179 = tpu.memref_slice %arg7[%dma_wait3A_178] : memref<10000xi32, #tpu.memory_space<vmem>> -> memref<80xi32, #tpu.memory_space<vmem>>
    %dma_wait3A_180 = arith.constant 0 : i32
    %dma_wait3A_181 = arith.constant 0 : i32
    %dma_wait3A_182 = tpu.memref_slice %arg2[%dma_wait3A_180, %dma_wait3A_181] : memref<10000x128xf32, #tpu.memory_space<hbm>> -> memref<10000x128xf32, #tpu.memory_space<hbm>>
    tpu.wait_indirect_dma semaphore(%arg15 : memref<!tpu.dma_semaphore, #tpu.memory_space<semaphore_mem>>) src(%dma_wait3A_182 : memref<10000x128xf32, #tpu.memory_space<hbm>>) dst(%arg9 : memref<80x128xf32, #tpu.memory_space<vmem>>)
    %mul3A_183 = arith.constant 10000 : i32
    %mul3A_184 = arith.muli %add3A, %mul3A_183 : i32
    %add3A_185 = arith.constant 9680 : i32
    %add3A_186 = arith.addi %mul3A_184, %add3A_185 : i32
    %dma_wait3A_187 = tpu.memref_slice %arg4[%add3A_186] : memref<320000xi32, #tpu.memory_space<hbm>> -> memref<80xi32, #tpu.memory_space<hbm>>
    %dma_wait3A_188 = tpu.memref_slice %arg4[%add3A_186] : memref<320000xi32, #tpu.memory_space<hbm>> -> memref<80xi32, #tpu.memory_space<hbm>>
    tpu.wait_dma2 semaphore(%arg21 : memref<!tpu.dma_semaphore, #tpu.memory_space<semaphore_mem>>) src(%dma_wait3A_188 : memref<80xi32, #tpu.memory_space<hbm>>) dst(%arg12 : memref<80xi32, #tpu.memory_space<vmem>>)
    %dma_start3A_189 = arith.constant 0 : i32
    %dma_start3A_190 = arith.constant 0 : i32
    %dma_start3A_191 = tpu.memref_slice %arg6[%dma_start3A_189, %dma_start3A_190] : memref<10000x128xf32, #tpu.memory_space<vmem_shared>> -> memref<10000x128xf32, #tpu.memory_space<vmem_shared>>
    tpu.enqueue_indirect_dma source(%arg9 : memref<80x128xf32, #tpu.memory_space<vmem>>) target(%dma_start3A_191 : memref<10000x128xf32, #tpu.memory_space<vmem_shared>>) offsets(%arg12 : memref<80xi32, #tpu.memory_space<vmem>>) semaphore(%arg18 : memref<!tpu.dma_semaphore, #tpu.memory_space<semaphore_mem>>) {add = true}
    %dma_wait3A_192 = arith.constant 0 : i32
    %dma_wait3A_193 = arith.constant 0 : i32
    %dma_wait3A_194 = tpu.memref_slice %arg6[%dma_wait3A_192, %dma_wait3A_193] : memref<10000x128xf32, #tpu.memory_space<vmem_shared>> -> memref<10000x128xf32, #tpu.memory_space<vmem_shared>>
    tpu.wait_indirect_dma semaphore(%arg18 : memref<!tpu.dma_semaphore, #tpu.memory_space<semaphore_mem>>) src(%arg9 : memref<80x128xf32, #tpu.memory_space<vmem>>) dst(%dma_wait3A_194 : memref<10000x128xf32, #tpu.memory_space<vmem_shared>>)
    %mul3A_195 = arith.constant 10000 : i32
    %mul3A_196 = arith.muli %add3A, %mul3A_195 : i32
    %add3A_197 = arith.constant 9920 : i32
    %add3A_198 = arith.addi %mul3A_196, %add3A_197 : i32
    %dma_start3A_199 = tpu.memref_slice %arg4[%add3A_198] : memref<320000xi32, #tpu.memory_space<hbm>> -> memref<80xi32, #tpu.memory_space<hbm>>
    %dma_start3A_200 = tpu.memref_slice %arg4[%add3A_198] : memref<320000xi32, #tpu.memory_space<hbm>> -> memref<80xi32, #tpu.memory_space<hbm>>
    tpu.enqueue_dma source(%dma_start3A_200 : memref<80xi32, #tpu.memory_space<hbm>>) target(%arg12 : memref<80xi32, #tpu.memory_space<vmem>>) target_semaphore(%arg21 : memref<!tpu.dma_semaphore, #tpu.memory_space<semaphore_mem>>)
    %dma_start3A_201 = arith.constant 9920 : i32
    %dma_start3A_202 = tpu.memref_slice %arg7[%dma_start3A_201] : memref<10000xi32, #tpu.memory_space<vmem>> -> memref<80xi32, #tpu.memory_space<vmem>>
    %dma_start3A_203 = arith.constant 0 : i32
    %dma_start3A_204 = arith.constant 0 : i32
    %dma_start3A_205 = tpu.memref_slice %arg2[%dma_start3A_203, %dma_start3A_204] : memref<10000x128xf32, #tpu.memory_space<hbm>> -> memref<10000x128xf32, #tpu.memory_space<hbm>>
    tpu.enqueue_indirect_dma source(%dma_start3A_205 : memref<10000x128xf32, #tpu.memory_space<hbm>>) target(%arg9 : memref<80x128xf32, #tpu.memory_space<vmem>>) offsets(%dma_start3A_202 : memref<80xi32, #tpu.memory_space<vmem>>) semaphore(%arg15 : memref<!tpu.dma_semaphore, #tpu.memory_space<semaphore_mem>>)
    %dma_wait3A_206 = arith.constant 9760 : i32
    %dma_wait3A_207 = tpu.memref_slice %arg7[%dma_wait3A_206] : memref<10000xi32, #tpu.memory_space<vmem>> -> memref<80xi32, #tpu.memory_space<vmem>>
    %dma_wait3A_208 = arith.constant 0 : i32
    %dma_wait3A_209 = arith.constant 0 : i32
    %dma_wait3A_210 = tpu.memref_slice %arg2[%dma_wait3A_208, %dma_wait3A_209] : memref<10000x128xf32, #tpu.memory_space<hbm>> -> memref<10000x128xf32, #tpu.memory_space<hbm>>
    tpu.wait_indirect_dma semaphore(%arg16 : memref<!tpu.dma_semaphore, #tpu.memory_space<semaphore_mem>>) src(%dma_wait3A_210 : memref<10000x128xf32, #tpu.memory_space<hbm>>) dst(%arg10 : memref<80x128xf32, #tpu.memory_space<vmem>>)
    %mul3A_211 = arith.constant 10000 : i32
    %mul3A_212 = arith.muli %add3A, %mul3A_211 : i32
    %add3A_213 = arith.constant 9760 : i32
    %add3A_214 = arith.addi %mul3A_212, %add3A_213 : i32
    %dma_wait3A_215 = tpu.memref_slice %arg4[%add3A_214] : memref<320000xi32, #tpu.memory_space<hbm>> -> memref<80xi32, #tpu.memory_space<hbm>>
    %dma_wait3A_216 = tpu.memref_slice %arg4[%add3A_214] : memref<320000xi32, #tpu.memory_space<hbm>> -> memref<80xi32, #tpu.memory_space<hbm>>
    tpu.wait_dma2 semaphore(%arg22 : memref<!tpu.dma_semaphore, #tpu.memory_space<semaphore_mem>>) src(%dma_wait3A_216 : memref<80xi32, #tpu.memory_space<hbm>>) dst(%arg13 : memref<80xi32, #tpu.memory_space<vmem>>)
    %dma_start3A_217 = arith.constant 0 : i32
    %dma_start3A_218 = arith.constant 0 : i32
    %dma_start3A_219 = tpu.memref_slice %arg6[%dma_start3A_217, %dma_start3A_218] : memref<10000x128xf32, #tpu.memory_space<vmem_shared>> -> memref<10000x128xf32, #tpu.memory_space<vmem_shared>>
    tpu.enqueue_indirect_dma source(%arg10 : memref<80x128xf32, #tpu.memory_space<vmem>>) target(%dma_start3A_219 : memref<10000x128xf32, #tpu.memory_space<vmem_shared>>) offsets(%arg13 : memref<80xi32, #tpu.memory_space<vmem>>) semaphore(%arg19 : memref<!tpu.dma_semaphore, #tpu.memory_space<semaphore_mem>>) {add = true}
    %dma_wait3A_220 = arith.constant 0 : i32
    %dma_wait3A_221 = arith.constant 0 : i32
    %dma_wait3A_222 = tpu.memref_slice %arg6[%dma_wait3A_220, %dma_wait3A_221] : memref<10000x128xf32, #tpu.memory_space<vmem_shared>> -> memref<10000x128xf32, #tpu.memory_space<vmem_shared>>
    tpu.wait_indirect_dma semaphore(%arg19 : memref<!tpu.dma_semaphore, #tpu.memory_space<semaphore_mem>>) src(%arg10 : memref<80x128xf32, #tpu.memory_space<vmem>>) dst(%dma_wait3A_222 : memref<10000x128xf32, #tpu.memory_space<vmem_shared>>)
    %dma_wait3A_223 = arith.constant 9840 : i32
    %dma_wait3A_224 = tpu.memref_slice %arg7[%dma_wait3A_223] : memref<10000xi32, #tpu.memory_space<vmem>> -> memref<80xi32, #tpu.memory_space<vmem>>
    %dma_wait3A_225 = arith.constant 0 : i32
    %dma_wait3A_226 = arith.constant 0 : i32
    %dma_wait3A_227 = tpu.memref_slice %arg2[%dma_wait3A_225, %dma_wait3A_226] : memref<10000x128xf32, #tpu.memory_space<hbm>> -> memref<10000x128xf32, #tpu.memory_space<hbm>>
    tpu.wait_indirect_dma semaphore(%arg14 : memref<!tpu.dma_semaphore, #tpu.memory_space<semaphore_mem>>) src(%dma_wait3A_227 : memref<10000x128xf32, #tpu.memory_space<hbm>>) dst(%arg8 : memref<80x128xf32, #tpu.memory_space<vmem>>)
    %mul3A_228 = arith.constant 10000 : i32
    %mul3A_229 = arith.muli %add3A, %mul3A_228 : i32
    %add3A_230 = arith.constant 9840 : i32
    %add3A_231 = arith.addi %mul3A_229, %add3A_230 : i32
    %dma_wait3A_232 = tpu.memref_slice %arg4[%add3A_231] : memref<320000xi32, #tpu.memory_space<hbm>> -> memref<80xi32, #tpu.memory_space<hbm>>
    %dma_wait3A_233 = tpu.memref_slice %arg4[%add3A_231] : memref<320000xi32, #tpu.memory_space<hbm>> -> memref<80xi32, #tpu.memory_space<hbm>>
    tpu.wait_dma2 semaphore(%arg20 : memref<!tpu.dma_semaphore, #tpu.memory_space<semaphore_mem>>) src(%dma_wait3A_233 : memref<80xi32, #tpu.memory_space<hbm>>) dst(%arg11 : memref<80xi32, #tpu.memory_space<vmem>>)
    %dma_start3A_234 = arith.constant 0 : i32
    %dma_start3A_235 = arith.constant 0 : i32
    %dma_start3A_236 = tpu.memref_slice %arg6[%dma_start3A_234, %dma_start3A_235] : memref<10000x128xf32, #tpu.memory_space<vmem_shared>> -> memref<10000x128xf32, #tpu.memory_space<vmem_shared>>
    tpu.enqueue_indirect_dma source(%arg8 : memref<80x128xf32, #tpu.memory_space<vmem>>) target(%dma_start3A_236 : memref<10000x128xf32, #tpu.memory_space<vmem_shared>>) offsets(%arg11 : memref<80xi32, #tpu.memory_space<vmem>>) semaphore(%arg17 : memref<!tpu.dma_semaphore, #tpu.memory_space<semaphore_mem>>) {add = true}
    %dma_wait3A_237 = arith.constant 0 : i32
    %dma_wait3A_238 = arith.constant 0 : i32
    %dma_wait3A_239 = tpu.memref_slice %arg6[%dma_wait3A_237, %dma_wait3A_238] : memref<10000x128xf32, #tpu.memory_space<vmem_shared>> -> memref<10000x128xf32, #tpu.memory_space<vmem_shared>>
    tpu.wait_indirect_dma semaphore(%arg17 : memref<!tpu.dma_semaphore, #tpu.memory_space<semaphore_mem>>) src(%arg8 : memref<80x128xf32, #tpu.memory_space<vmem>>) dst(%dma_wait3A_239 : memref<10000x128xf32, #tpu.memory_space<vmem_shared>>)
    %dma_wait3A_240 = arith.constant 9920 : i32
    %dma_wait3A_241 = tpu.memref_slice %arg7[%dma_wait3A_240] : memref<10000xi32, #tpu.memory_space<vmem>> -> memref<80xi32, #tpu.memory_space<vmem>>
    %dma_wait3A_242 = arith.constant 0 : i32
    %dma_wait3A_243 = arith.constant 0 : i32
    %dma_wait3A_244 = tpu.memref_slice %arg2[%dma_wait3A_242, %dma_wait3A_243] : memref<10000x128xf32, #tpu.memory_space<hbm>> -> memref<10000x128xf32, #tpu.memory_space<hbm>>
    tpu.wait_indirect_dma semaphore(%arg15 : memref<!tpu.dma_semaphore, #tpu.memory_space<semaphore_mem>>) src(%dma_wait3A_244 : memref<10000x128xf32, #tpu.memory_space<hbm>>) dst(%arg9 : memref<80x128xf32, #tpu.memory_space<vmem>>)
    %mul3A_245 = arith.constant 10000 : i32
    %mul3A_246 = arith.muli %add3A, %mul3A_245 : i32
    %add3A_247 = arith.constant 9920 : i32
    %add3A_248 = arith.addi %mul3A_246, %add3A_247 : i32
    %dma_wait3A_249 = tpu.memref_slice %arg4[%add3A_248] : memref<320000xi32, #tpu.memory_space<hbm>> -> memref<80xi32, #tpu.memory_space<hbm>>
    %dma_wait3A_250 = tpu.memref_slice %arg4[%add3A_248] : memref<320000xi32, #tpu.memory_space<hbm>> -> memref<80xi32, #tpu.memory_space<hbm>>
    tpu.wait_dma2 semaphore(%arg21 : memref<!tpu.dma_semaphore, #tpu.memory_space<semaphore_mem>>) src(%dma_wait3A_250 : memref<80xi32, #tpu.memory_space<hbm>>) dst(%arg12 : memref<80xi32, #tpu.memory_space<vmem>>)
    %dma_start3A_251 = arith.constant 0 : i32
    %dma_start3A_252 = arith.constant 0 : i32
    %dma_start3A_253 = tpu.memref_slice %arg6[%dma_start3A_251, %dma_start3A_252] : memref<10000x128xf32, #tpu.memory_space<vmem_shared>> -> memref<10000x128xf32, #tpu.memory_space<vmem_shared>>
    tpu.enqueue_indirect_dma source(%arg9 : memref<80x128xf32, #tpu.memory_space<vmem>>) target(%dma_start3A_253 : memref<10000x128xf32, #tpu.memory_space<vmem_shared>>) offsets(%arg12 : memref<80xi32, #tpu.memory_space<vmem>>) semaphore(%arg18 : memref<!tpu.dma_semaphore, #tpu.memory_space<semaphore_mem>>) {add = true}
    %dma_wait3A_254 = arith.constant 0 : i32
    %dma_wait3A_255 = arith.constant 0 : i32
    %dma_wait3A_256 = tpu.memref_slice %arg6[%dma_wait3A_254, %dma_wait3A_255] : memref<10000x128xf32, #tpu.memory_space<vmem_shared>> -> memref<10000x128xf32, #tpu.memory_space<vmem_shared>>
    tpu.wait_indirect_dma semaphore(%arg18 : memref<!tpu.dma_semaphore, #tpu.memory_space<semaphore_mem>>) src(%arg9 : memref<80x128xf32, #tpu.memory_space<vmem>>) dst(%dma_wait3A_256 : memref<10000x128xf32, #tpu.memory_space<vmem_shared>>)
    %barrier3A_257 = arith.constant 0 : index
    tpu.barrier barrier_id(%barrier3A_257)
    %add3A_258 = arith.constant 0 : i32
    %add3A_259 = arith.addi %min3A_11, %add3A_258 : i32
    %dma_start3A_260 = arith.constant 0 : i32
    %dma_start3A_261 = tpu.memref_slice %arg6[%add3A_259, %dma_start3A_260] : memref<10000x128xf32, #tpu.memory_space<vmem_shared>> -> memref<80x128xf32, #tpu.memory_space<vmem_shared>>
    %dma_start3A_262 = arith.constant 0 : i32
    %dma_start3A_263 = tpu.memref_slice %arg6[%add3A_259, %dma_start3A_262] : memref<10000x128xf32, #tpu.memory_space<vmem_shared>> -> memref<80x128xf32, #tpu.memory_space<vmem_shared>>
    tpu.enqueue_dma source(%dma_start3A_263 : memref<80x128xf32, #tpu.memory_space<vmem_shared>>) target(%arg8 : memref<80x128xf32, #tpu.memory_space<vmem>>) target_semaphore(%arg14 : memref<!tpu.dma_semaphore, #tpu.memory_space<semaphore_mem>>)
    %add3A_264 = arith.constant 0 : i32
    %add3A_265 = arith.addi %min3A_11, %add3A_264 : i32
    %dma_wait3A_266 = arith.constant 0 : i32
    %dma_wait3A_267 = tpu.memref_slice %arg6[%add3A_265, %dma_wait3A_266] : memref<10000x128xf32, #tpu.memory_space<vmem_shared>> -> memref<80x128xf32, #tpu.memory_space<vmem_shared>>
    %dma_wait3A_268 = arith.constant 0 : i32
    %dma_wait3A_269 = tpu.memref_slice %arg6[%add3A_265, %dma_wait3A_268] : memref<10000x128xf32, #tpu.memory_space<vmem_shared>> -> memref<80x128xf32, #tpu.memory_space<vmem_shared>>
    tpu.wait_dma2 semaphore(%arg14 : memref<!tpu.dma_semaphore, #tpu.memory_space<semaphore_mem>>) src(%dma_wait3A_269 : memref<80x128xf32, #tpu.memory_space<vmem_shared>>) dst(%arg8 : memref<80x128xf32, #tpu.memory_space<vmem>>)
    %add3A_270 = arith.constant 0 : i32
    %add3A_271 = arith.addi %min3A_11, %add3A_270 : i32
    %dma_start3A_272 = arith.constant 0 : i32
    %dma_start3A_273 = tpu.memref_slice %arg5[%arg0, %add3A_271, %dma_start3A_272] : memref<2x10000x128xf32, #tpu.memory_space<hbm>> -> memref<1x80x128xf32, #tpu.memory_space<hbm>>
    %dma_start3A_274 = tpu.memref_squeeze %dma_start3A_273 : memref<1x80x128xf32, #tpu.memory_space<hbm>> -> memref<80x128xf32, #tpu.memory_space<hbm>>
    %dma_start3A_275 = arith.constant 0 : i32
    %dma_start3A_276 = tpu.memref_slice %arg5[%arg0, %add3A_271, %dma_start3A_275] : memref<2x10000x128xf32, #tpu.memory_space<hbm>> -> memref<1x80x128xf32, #tpu.memory_space<hbm>>
    %dma_start3A_277 = tpu.memref_squeeze %dma_start3A_276 : memref<1x80x128xf32, #tpu.memory_space<hbm>> -> memref<80x128xf32, #tpu.memory_space<hbm>>
    tpu.enqueue_dma source(%arg8 : memref<80x128xf32, #tpu.memory_space<vmem>>) target(%dma_start3A_277 : memref<80x128xf32, #tpu.memory_space<hbm>>) target_semaphore(%arg17 : memref<!tpu.dma_semaphore, #tpu.memory_space<semaphore_mem>>)
    %add3A_278 = arith.constant 80 : i32
    %add3A_279 = arith.addi %min3A_11, %add3A_278 : i32
    %dma_start3A_280 = arith.constant 0 : i32
    %dma_start3A_281 = tpu.memref_slice %arg6[%add3A_279, %dma_start3A_280] : memref<10000x128xf32, #tpu.memory_space<vmem_shared>> -> memref<80x128xf32, #tpu.memory_space<vmem_shared>>
    %dma_start3A_282 = arith.constant 0 : i32
    %dma_start3A_283 = tpu.memref_slice %arg6[%add3A_279, %dma_start3A_282] : memref<10000x128xf32, #tpu.memory_space<vmem_shared>> -> memref<80x128xf32, #tpu.memory_space<vmem_shared>>
    tpu.enqueue_dma source(%dma_start3A_283 : memref<80x128xf32, #tpu.memory_space<vmem_shared>>) target(%arg9 : memref<80x128xf32, #tpu.memory_space<vmem>>) target_semaphore(%arg15 : memref<!tpu.dma_semaphore, #tpu.memory_space<semaphore_mem>>)
    %add3A_284 = arith.constant 80 : i32
    %add3A_285 = arith.addi %min3A_11, %add3A_284 : i32
    %dma_wait3A_286 = arith.constant 0 : i32
    %dma_wait3A_287 = tpu.memref_slice %arg6[%add3A_285, %dma_wait3A_286] : memref<10000x128xf32, #tpu.memory_space<vmem_shared>> -> memref<80x128xf32, #tpu.memory_space<vmem_shared>>
    %dma_wait3A_288 = arith.constant 0 : i32
    %dma_wait3A_289 = tpu.memref_slice %arg6[%add3A_285, %dma_wait3A_288] : memref<10000x128xf32, #tpu.memory_space<vmem_shared>> -> memref<80x128xf32, #tpu.memory_space<vmem_shared>>
    tpu.wait_dma2 semaphore(%arg15 : memref<!tpu.dma_semaphore, #tpu.memory_space<semaphore_mem>>) src(%dma_wait3A_289 : memref<80x128xf32, #tpu.memory_space<vmem_shared>>) dst(%arg9 : memref<80x128xf32, #tpu.memory_space<vmem>>)
    %add3A_290 = arith.constant 80 : i32
    %add3A_291 = arith.addi %min3A_11, %add3A_290 : i32
    %dma_start3A_292 = arith.constant 0 : i32
    %dma_start3A_293 = tpu.memref_slice %arg5[%arg0, %add3A_291, %dma_start3A_292] : memref<2x10000x128xf32, #tpu.memory_space<hbm>> -> memref<1x80x128xf32, #tpu.memory_space<hbm>>
    %dma_start3A_294 = tpu.memref_squeeze %dma_start3A_293 : memref<1x80x128xf32, #tpu.memory_space<hbm>> -> memref<80x128xf32, #tpu.memory_space<hbm>>
    %dma_start3A_295 = arith.constant 0 : i32
    %dma_start3A_296 = tpu.memref_slice %arg5[%arg0, %add3A_291, %dma_start3A_295] : memref<2x10000x128xf32, #tpu.memory_space<hbm>> -> memref<1x80x128xf32, #tpu.memory_space<hbm>>
    %dma_start3A_297 = tpu.memref_squeeze %dma_start3A_296 : memref<1x80x128xf32, #tpu.memory_space<hbm>> -> memref<80x128xf32, #tpu.memory_space<hbm>>
    tpu.enqueue_dma source(%arg9 : memref<80x128xf32, #tpu.memory_space<vmem>>) target(%dma_start3A_297 : memref<80x128xf32, #tpu.memory_space<hbm>>) target_semaphore(%arg18 : memref<!tpu.dma_semaphore, #tpu.memory_space<semaphore_mem>>)
    %add3A_298 = arith.constant 0 : i32
    %add3A_299 = arith.addi %min3A_11, %add3A_298 : i32
    %dma_wait3A_300 = arith.constant 0 : i32
    %dma_wait3A_301 = tpu.memref_slice %arg5[%arg0, %add3A_299, %dma_wait3A_300] : memref<2x10000x128xf32, #tpu.memory_space<hbm>> -> memref<1x80x128xf32, #tpu.memory_space<hbm>>
    %dma_wait3A_302 = tpu.memref_squeeze %dma_wait3A_301 : memref<1x80x128xf32, #tpu.memory_space<hbm>> -> memref<80x128xf32, #tpu.memory_space<hbm>>
    %dma_wait3A_303 = arith.constant 0 : i32
    %dma_wait3A_304 = tpu.memref_slice %arg5[%arg0, %add3A_299, %dma_wait3A_303] : memref<2x10000x128xf32, #tpu.memory_space<hbm>> -> memref<1x80x128xf32, #tpu.memory_space<hbm>>
    %dma_wait3A_305 = tpu.memref_squeeze %dma_wait3A_304 : memref<1x80x128xf32, #tpu.memory_space<hbm>> -> memref<80x128xf32, #tpu.memory_space<hbm>>
    tpu.wait_dma2 semaphore(%arg17 : memref<!tpu.dma_semaphore, #tpu.memory_space<semaphore_mem>>) src(%arg8 : memref<80x128xf32, #tpu.memory_space<vmem>>) dst(%dma_wait3A_305 : memref<80x128xf32, #tpu.memory_space<hbm>>)
    %add3A_306 = arith.constant 160 : i32
    %add3A_307 = arith.addi %min3A_11, %add3A_306 : i32
    %dma_start3A_308 = arith.constant 0 : i32
    %dma_start3A_309 = tpu.memref_slice %arg6[%add3A_307, %dma_start3A_308] : memref<10000x128xf32, #tpu.memory_space<vmem_shared>> -> memref<80x128xf32, #tpu.memory_space<vmem_shared>>
    %dma_start3A_310 = arith.constant 0 : i32
    %dma_start3A_311 = tpu.memref_slice %arg6[%add3A_307, %dma_start3A_310] : memref<10000x128xf32, #tpu.memory_space<vmem_shared>> -> memref<80x128xf32, #tpu.memory_space<vmem_shared>>
    tpu.enqueue_dma source(%dma_start3A_311 : memref<80x128xf32, #tpu.memory_space<vmem_shared>>) target(%arg8 : memref<80x128xf32, #tpu.memory_space<vmem>>) target_semaphore(%arg14 : memref<!tpu.dma_semaphore, #tpu.memory_space<semaphore_mem>>)
    %add3A_312 = arith.constant 160 : i32
    %add3A_313 = arith.addi %min3A_11, %add3A_312 : i32
    %dma_wait3A_314 = arith.constant 0 : i32
    %dma_wait3A_315 = tpu.memref_slice %arg6[%add3A_313, %dma_wait3A_314] : memref<10000x128xf32, #tpu.memory_space<vmem_shared>> -> memref<80x128xf32, #tpu.memory_space<vmem_shared>>
    %dma_wait3A_316 = arith.constant 0 : i32
    %dma_wait3A_317 = tpu.memref_slice %arg6[%add3A_313, %dma_wait3A_316] : memref<10000x128xf32, #tpu.memory_space<vmem_shared>> -> memref<80x128xf32, #tpu.memory_space<vmem_shared>>
    tpu.wait_dma2 semaphore(%arg14 : memref<!tpu.dma_semaphore, #tpu.memory_space<semaphore_mem>>) src(%dma_wait3A_317 : memref<80x128xf32, #tpu.memory_space<vmem_shared>>) dst(%arg8 : memref<80x128xf32, #tpu.memory_space<vmem>>)
    %add3A_318 = arith.constant 160 : i32
    %add3A_319 = arith.addi %min3A_11, %add3A_318 : i32
    %dma_start3A_320 = arith.constant 0 : i32
    %dma_start3A_321 = tpu.memref_slice %arg5[%arg0, %add3A_319, %dma_start3A_320] : memref<2x10000x128xf32, #tpu.memory_space<hbm>> -> memref<1x80x128xf32, #tpu.memory_space<hbm>>
    %dma_start3A_322 = tpu.memref_squeeze %dma_start3A_321 : memref<1x80x128xf32, #tpu.memory_space<hbm>> -> memref<80x128xf32, #tpu.memory_space<hbm>>
    %dma_start3A_323 = arith.constant 0 : i32
    %dma_start3A_324 = tpu.memref_slice %arg5[%arg0, %add3A_319, %dma_start3A_323] : memref<2x10000x128xf32, #tpu.memory_space<hbm>> -> memref<1x80x128xf32, #tpu.memory_space<hbm>>
    %dma_start3A_325 = tpu.memref_squeeze %dma_start3A_324 : memref<1x80x128xf32, #tpu.memory_space<hbm>> -> memref<80x128xf32, #tpu.memory_space<hbm>>
    tpu.enqueue_dma source(%arg8 : memref<80x128xf32, #tpu.memory_space<vmem>>) target(%dma_start3A_325 : memref<80x128xf32, #tpu.memory_space<hbm>>) target_semaphore(%arg17 : memref<!tpu.dma_semaphore, #tpu.memory_space<semaphore_mem>>)
    %add3A_326 = arith.constant 80 : i32
    %add3A_327 = arith.addi %min3A_11, %add3A_326 : i32
    %dma_wait3A_328 = arith.constant 0 : i32
    %dma_wait3A_329 = tpu.memref_slice %arg5[%arg0, %add3A_327, %dma_wait3A_328] : memref<2x10000x128xf32, #tpu.memory_space<hbm>> -> memref<1x80x128xf32, #tpu.memory_space<hbm>>
    %dma_wait3A_330 = tpu.memref_squeeze %dma_wait3A_329 : memref<1x80x128xf32, #tpu.memory_space<hbm>> -> memref<80x128xf32, #tpu.memory_space<hbm>>
    %dma_wait3A_331 = arith.constant 0 : i32
    %dma_wait3A_332 = tpu.memref_slice %arg5[%arg0, %add3A_327, %dma_wait3A_331] : memref<2x10000x128xf32, #tpu.memory_space<hbm>> -> memref<1x80x128xf32, #tpu.memory_space<hbm>>
    %dma_wait3A_333 = tpu.memref_squeeze %dma_wait3A_332 : memref<1x80x128xf32, #tpu.memory_space<hbm>> -> memref<80x128xf32, #tpu.memory_space<hbm>>
    tpu.wait_dma2 semaphore(%arg18 : memref<!tpu.dma_semaphore, #tpu.memory_space<semaphore_mem>>) src(%arg9 : memref<80x128xf32, #tpu.memory_space<vmem>>) dst(%dma_wait3A_333 : memref<80x128xf32, #tpu.memory_space<hbm>>)
    %add3A_334 = arith.constant 240 : i32
    %add3A_335 = arith.addi %min3A_11, %add3A_334 : i32
    %dma_start3A_336 = arith.constant 0 : i32
    %dma_start3A_337 = tpu.memref_slice %arg6[%add3A_335, %dma_start3A_336] : memref<10000x128xf32, #tpu.memory_space<vmem_shared>> -> memref<80x128xf32, #tpu.memory_space<vmem_shared>>
    %dma_start3A_338 = arith.constant 0 : i32
    %dma_start3A_339 = tpu.memref_slice %arg6[%add3A_335, %dma_start3A_338] : memref<10000x128xf32, #tpu.memory_space<vmem_shared>> -> memref<80x128xf32, #tpu.memory_space<vmem_shared>>
    tpu.enqueue_dma source(%dma_start3A_339 : memref<80x128xf32, #tpu.memory_space<vmem_shared>>) target(%arg9 : memref<80x128xf32, #tpu.memory_space<vmem>>) target_semaphore(%arg15 : memref<!tpu.dma_semaphore, #tpu.memory_space<semaphore_mem>>)
    %add3A_340 = arith.constant 240 : i32
    %add3A_341 = arith.addi %min3A_11, %add3A_340 : i32
    %dma_wait3A_342 = arith.constant 0 : i32
    %dma_wait3A_343 = tpu.memref_slice %arg6[%add3A_341, %dma_wait3A_342] : memref<10000x128xf32, #tpu.memory_space<vmem_shared>> -> memref<80x128xf32, #tpu.memory_space<vmem_shared>>
    %dma_wait3A_344 = arith.constant 0 : i32
    %dma_wait3A_345 = tpu.memref_slice %arg6[%add3A_341, %dma_wait3A_344] : memref<10000x128xf32, #tpu.memory_space<vmem_shared>> -> memref<80x128xf32, #tpu.memory_space<vmem_shared>>
    tpu.wait_dma2 semaphore(%arg15 : memref<!tpu.dma_semaphore, #tpu.memory_space<semaphore_mem>>) src(%dma_wait3A_345 : memref<80x128xf32, #tpu.memory_space<vmem_shared>>) dst(%arg9 : memref<80x128xf32, #tpu.memory_space<vmem>>)
    %add3A_346 = arith.constant 240 : i32
    %add3A_347 = arith.addi %min3A_11, %add3A_346 : i32
    %dma_start3A_348 = arith.constant 0 : i32
    %dma_start3A_349 = tpu.memref_slice %arg5[%arg0, %add3A_347, %dma_start3A_348] : memref<2x10000x128xf32, #tpu.memory_space<hbm>> -> memref<1x80x128xf32, #tpu.memory_space<hbm>>
    %dma_start3A_350 = tpu.memref_squeeze %dma_start3A_349 : memref<1x80x128xf32, #tpu.memory_space<hbm>> -> memref<80x128xf32, #tpu.memory_space<hbm>>
    %dma_start3A_351 = arith.constant 0 : i32
    %dma_start3A_352 = tpu.memref_slice %arg5[%arg0, %add3A_347, %dma_start3A_351] : memref<2x10000x128xf32, #tpu.memory_space<hbm>> -> memref<1x80x128xf32, #tpu.memory_space<hbm>>
    %dma_start3A_353 = tpu.memref_squeeze %dma_start3A_352 : memref<1x80x128xf32, #tpu.memory_space<hbm>> -> memref<80x128xf32, #tpu.memory_space<hbm>>
    tpu.enqueue_dma source(%arg9 : memref<80x128xf32, #tpu.memory_space<vmem>>) target(%dma_start3A_353 : memref<80x128xf32, #tpu.memory_space<hbm>>) target_semaphore(%arg18 : memref<!tpu.dma_semaphore, #tpu.memory_space<semaphore_mem>>)
    %add3A_354 = arith.constant 160 : i32
    %add3A_355 = arith.addi %min3A_11, %add3A_354 : i32
    %dma_wait3A_356 = arith.constant 0 : i32
    %dma_wait3A_357 = tpu.memref_slice %arg5[%arg0, %add3A_355, %dma_wait3A_356] : memref<2x10000x128xf32, #tpu.memory_space<hbm>> -> memref<1x80x128xf32, #tpu.memory_space<hbm>>
    %dma_wait3A_358 = tpu.memref_squeeze %dma_wait3A_357 : memref<1x80x128xf32, #tpu.memory_space<hbm>> -> memref<80x128xf32, #tpu.memory_space<hbm>>
    %dma_wait3A_359 = arith.constant 0 : i32
    %dma_wait3A_360 = tpu.memref_slice %arg5[%arg0, %add3A_355, %dma_wait3A_359] : memref<2x10000x128xf32, #tpu.memory_space<hbm>> -> memref<1x80x128xf32, #tpu.memory_space<hbm>>
    %dma_wait3A_361 = tpu.memref_squeeze %dma_wait3A_360 : memref<1x80x128xf32, #tpu.memory_space<hbm>> -> memref<80x128xf32, #tpu.memory_space<hbm>>
    tpu.wait_dma2 semaphore(%arg17 : memref<!tpu.dma_semaphore, #tpu.memory_space<semaphore_mem>>) src(%arg8 : memref<80x128xf32, #tpu.memory_space<vmem>>) dst(%dma_wait3A_361 : memref<80x128xf32, #tpu.memory_space<hbm>>)
    %add3A_362 = arith.constant 320 : i32
    %add3A_363 = arith.addi %min3A_11, %add3A_362 : i32
    %dma_start3A_364 = arith.constant 0 : i32
    %dma_start3A_365 = tpu.memref_slice %arg6[%add3A_363, %dma_start3A_364] : memref<10000x128xf32, #tpu.memory_space<vmem_shared>> -> memref<80x128xf32, #tpu.memory_space<vmem_shared>>
    %dma_start3A_366 = arith.constant 0 : i32
    %dma_start3A_367 = tpu.memref_slice %arg6[%add3A_363, %dma_start3A_366] : memref<10000x128xf32, #tpu.memory_space<vmem_shared>> -> memref<80x128xf32, #tpu.memory_space<vmem_shared>>
    tpu.enqueue_dma source(%dma_start3A_367 : memref<80x128xf32, #tpu.memory_space<vmem_shared>>) target(%arg8 : memref<80x128xf32, #tpu.memory_space<vmem>>) target_semaphore(%arg14 : memref<!tpu.dma_semaphore, #tpu.memory_space<semaphore_mem>>)
    %add3A_368 = arith.constant 320 : i32
    %add3A_369 = arith.addi %min3A_11, %add3A_368 : i32
    %dma_wait3A_370 = arith.constant 0 : i32
    %dma_wait3A_371 = tpu.memref_slice %arg6[%add3A_369, %dma_wait3A_370] : memref<10000x128xf32, #tpu.memory_space<vmem_shared>> -> memref<80x128xf32, #tpu.memory_space<vmem_shared>>
    %dma_wait3A_372 = arith.constant 0 : i32
    %dma_wait3A_373 = tpu.memref_slice %arg6[%add3A_369, %dma_wait3A_372] : memref<10000x128xf32, #tpu.memory_space<vmem_shared>> -> memref<80x128xf32, #tpu.memory_space<vmem_shared>>
    tpu.wait_dma2 semaphore(%arg14 : memref<!tpu.dma_semaphore, #tpu.memory_space<semaphore_mem>>) src(%dma_wait3A_373 : memref<80x128xf32, #tpu.memory_space<vmem_shared>>) dst(%arg8 : memref<80x128xf32, #tpu.memory_space<vmem>>)
    %add3A_374 = arith.constant 320 : i32
    %add3A_375 = arith.addi %min3A_11, %add3A_374 : i32
    %dma_start3A_376 = arith.constant 0 : i32
    %dma_start3A_377 = tpu.memref_slice %arg5[%arg0, %add3A_375, %dma_start3A_376] : memref<2x10000x128xf32, #tpu.memory_space<hbm>> -> memref<1x80x128xf32, #tpu.memory_space<hbm>>
    %dma_start3A_378 = tpu.memref_squeeze %dma_start3A_377 : memref<1x80x128xf32, #tpu.memory_space<hbm>> -> memref<80x128xf32, #tpu.memory_space<hbm>>
    %dma_start3A_379 = arith.constant 0 : i32
    %dma_start3A_380 = tpu.memref_slice %arg5[%arg0, %add3A_375, %dma_start3A_379] : memref<2x10000x128xf32, #tpu.memory_space<hbm>> -> memref<1x80x128xf32, #tpu.memory_space<hbm>>
    %dma_start3A_381 = tpu.memref_squeeze %dma_start3A_380 : memref<1x80x128xf32, #tpu.memory_space<hbm>> -> memref<80x128xf32, #tpu.memory_space<hbm>>
    tpu.enqueue_dma source(%arg8 : memref<80x128xf32, #tpu.memory_space<vmem>>) target(%dma_start3A_381 : memref<80x128xf32, #tpu.memory_space<hbm>>) target_semaphore(%arg17 : memref<!tpu.dma_semaphore, #tpu.memory_space<semaphore_mem>>)
    %add3A_382 = arith.constant 240 : i32
    %add3A_383 = arith.addi %min3A_11, %add3A_382 : i32
    %dma_wait3A_384 = arith.constant 0 : i32
    %dma_wait3A_385 = tpu.memref_slice %arg5[%arg0, %add3A_383, %dma_wait3A_384] : memref<2x10000x128xf32, #tpu.memory_space<hbm>> -> memref<1x80x128xf32, #tpu.memory_space<hbm>>
    %dma_wait3A_386 = tpu.memref_squeeze %dma_wait3A_385 : memref<1x80x128xf32, #tpu.memory_space<hbm>> -> memref<80x128xf32, #tpu.memory_space<hbm>>
    %dma_wait3A_387 = arith.constant 0 : i32
    %dma_wait3A_388 = tpu.memref_slice %arg5[%arg0, %add3A_383, %dma_wait3A_387] : memref<2x10000x128xf32, #tpu.memory_space<hbm>> -> memref<1x80x128xf32, #tpu.memory_space<hbm>>
    %dma_wait3A_389 = tpu.memref_squeeze %dma_wait3A_388 : memref<1x80x128xf32, #tpu.memory_space<hbm>> -> memref<80x128xf32, #tpu.memory_space<hbm>>
    tpu.wait_dma2 semaphore(%arg18 : memref<!tpu.dma_semaphore, #tpu.memory_space<semaphore_mem>>) src(%arg9 : memref<80x128xf32, #tpu.memory_space<vmem>>) dst(%dma_wait3A_389 : memref<80x128xf32, #tpu.memory_space<hbm>>)
    %add3A_390 = arith.constant 400 : i32
    %add3A_391 = arith.addi %min3A_11, %add3A_390 : i32
    %dma_start3A_392 = arith.constant 0 : i32
    %dma_start3A_393 = tpu.memref_slice %arg6[%add3A_391, %dma_start3A_392] : memref<10000x128xf32, #tpu.memory_space<vmem_shared>> -> memref<80x128xf32, #tpu.memory_space<vmem_shared>>
    %dma_start3A_394 = arith.constant 0 : i32
    %dma_start3A_395 = tpu.memref_slice %arg6[%add3A_391, %dma_start3A_394] : memref<10000x128xf32, #tpu.memory_space<vmem_shared>> -> memref<80x128xf32, #tpu.memory_space<vmem_shared>>
    tpu.enqueue_dma source(%dma_start3A_395 : memref<80x128xf32, #tpu.memory_space<vmem_shared>>) target(%arg9 : memref<80x128xf32, #tpu.memory_space<vmem>>) target_semaphore(%arg15 : memref<!tpu.dma_semaphore, #tpu.memory_space<semaphore_mem>>)
    %add3A_396 = arith.constant 400 : i32
    %add3A_397 = arith.addi %min3A_11, %add3A_396 : i32
    %dma_wait3A_398 = arith.constant 0 : i32
    %dma_wait3A_399 = tpu.memref_slice %arg6[%add3A_397, %dma_wait3A_398] : memref<10000x128xf32, #tpu.memory_space<vmem_shared>> -> memref<80x128xf32, #tpu.memory_space<vmem_shared>>
    %dma_wait3A_400 = arith.constant 0 : i32
    %dma_wait3A_401 = tpu.memref_slice %arg6[%add3A_397, %dma_wait3A_400] : memref<10000x128xf32, #tpu.memory_space<vmem_shared>> -> memref<80x128xf32, #tpu.memory_space<vmem_shared>>
    tpu.wait_dma2 semaphore(%arg15 : memref<!tpu.dma_semaphore, #tpu.memory_space<semaphore_mem>>) src(%dma_wait3A_401 : memref<80x128xf32, #tpu.memory_space<vmem_shared>>) dst(%arg9 : memref<80x128xf32, #tpu.memory_space<vmem>>)
    %add3A_402 = arith.constant 400 : i32
    %add3A_403 = arith.addi %min3A_11, %add3A_402 : i32
    %dma_start3A_404 = arith.constant 0 : i32
    %dma_start3A_405 = tpu.memref_slice %arg5[%arg0, %add3A_403, %dma_start3A_404] : memref<2x10000x128xf32, #tpu.memory_space<hbm>> -> memref<1x80x128xf32, #tpu.memory_space<hbm>>
    %dma_start3A_406 = tpu.memref_squeeze %dma_start3A_405 : memref<1x80x128xf32, #tpu.memory_space<hbm>> -> memref<80x128xf32, #tpu.memory_space<hbm>>
    %dma_start3A_407 = arith.constant 0 : i32
    %dma_start3A_408 = tpu.memref_slice %arg5[%arg0, %add3A_403, %dma_start3A_407] : memref<2x10000x128xf32, #tpu.memory_space<hbm>> -> memref<1x80x128xf32, #tpu.memory_space<hbm>>
    %dma_start3A_409 = tpu.memref_squeeze %dma_start3A_408 : memref<1x80x128xf32, #tpu.memory_space<hbm>> -> memref<80x128xf32, #tpu.memory_space<hbm>>
    tpu.enqueue_dma source(%arg9 : memref<80x128xf32, #tpu.memory_space<vmem>>) target(%dma_start3A_409 : memref<80x128xf32, #tpu.memory_space<hbm>>) target_semaphore(%arg18 : memref<!tpu.dma_semaphore, #tpu.memory_space<semaphore_mem>>)
    %add3A_410 = arith.constant 320 : i32
    %add3A_411 = arith.addi %min3A_11, %add3A_410 : i32
    %dma_wait3A_412 = arith.constant 0 : i32
    %dma_wait3A_413 = tpu.memref_slice %arg5[%arg0, %add3A_411, %dma_wait3A_412] : memref<2x10000x128xf32, #tpu.memory_space<hbm>> -> memref<1x80x128xf32, #tpu.memory_space<hbm>>
    %dma_wait3A_414 = tpu.memref_squeeze %dma_wait3A_413 : memref<1x80x128xf32, #tpu.memory_space<hbm>> -> memref<80x128xf32, #tpu.memory_space<hbm>>
    %dma_wait3A_415 = arith.constant 0 : i32
    %dma_wait3A_416 = tpu.memref_slice %arg5[%arg0, %add3A_411, %dma_wait3A_415] : memref<2x10000x128xf32, #tpu.memory_space<hbm>> -> memref<1x80x128xf32, #tpu.memory_space<hbm>>
    %dma_wait3A_417 = tpu.memref_squeeze %dma_wait3A_416 : memref<1x80x128xf32, #tpu.memory_space<hbm>> -> memref<80x128xf32, #tpu.memory_space<hbm>>
    tpu.wait_dma2 semaphore(%arg17 : memref<!tpu.dma_semaphore, #tpu.memory_space<semaphore_mem>>) src(%arg8 : memref<80x128xf32, #tpu.memory_space<vmem>>) dst(%dma_wait3A_417 : memref<80x128xf32, #tpu.memory_space<hbm>>)
    %add3A_418 = arith.constant 480 : i32
    %add3A_419 = arith.addi %min3A_11, %add3A_418 : i32
    %dma_start3A_420 = arith.constant 0 : i32
    %dma_start3A_421 = tpu.memref_slice %arg6[%add3A_419, %dma_start3A_420] : memref<10000x128xf32, #tpu.memory_space<vmem_shared>> -> memref<80x128xf32, #tpu.memory_space<vmem_shared>>
    %dma_start3A_422 = arith.constant 0 : i32
    %dma_start3A_423 = tpu.memref_slice %arg6[%add3A_419, %dma_start3A_422] : memref<10000x128xf32, #tpu.memory_space<vmem_shared>> -> memref<80x128xf32, #tpu.memory_space<vmem_shared>>
    tpu.enqueue_dma source(%dma_start3A_423 : memref<80x128xf32, #tpu.memory_space<vmem_shared>>) target(%arg8 : memref<80x128xf32, #tpu.memory_space<vmem>>) target_semaphore(%arg14 : memref<!tpu.dma_semaphore, #tpu.memory_space<semaphore_mem>>)
    %add3A_424 = arith.constant 480 : i32
    %add3A_425 = arith.addi %min3A_11, %add3A_424 : i32
    %dma_wait3A_426 = arith.constant 0 : i32
    %dma_wait3A_427 = tpu.memref_slice %arg6[%add3A_425, %dma_wait3A_426] : memref<10000x128xf32, #tpu.memory_space<vmem_shared>> -> memref<80x128xf32, #tpu.memory_space<vmem_shared>>
    %dma_wait3A_428 = arith.constant 0 : i32
    %dma_wait3A_429 = tpu.memref_slice %arg6[%add3A_425, %dma_wait3A_428] : memref<10000x128xf32, #tpu.memory_space<vmem_shared>> -> memref<80x128xf32, #tpu.memory_space<vmem_shared>>
    tpu.wait_dma2 semaphore(%arg14 : memref<!tpu.dma_semaphore, #tpu.memory_space<semaphore_mem>>) src(%dma_wait3A_429 : memref<80x128xf32, #tpu.memory_space<vmem_shared>>) dst(%arg8 : memref<80x128xf32, #tpu.memory_space<vmem>>)
    %add3A_430 = arith.constant 480 : i32
    %add3A_431 = arith.addi %min3A_11, %add3A_430 : i32
    %dma_start3A_432 = arith.constant 0 : i32
    %dma_start3A_433 = tpu.memref_slice %arg5[%arg0, %add3A_431, %dma_start3A_432] : memref<2x10000x128xf32, #tpu.memory_space<hbm>> -> memref<1x80x128xf32, #tpu.memory_space<hbm>>
    %dma_start3A_434 = tpu.memref_squeeze %dma_start3A_433 : memref<1x80x128xf32, #tpu.memory_space<hbm>> -> memref<80x128xf32, #tpu.memory_space<hbm>>
    %dma_start3A_435 = arith.constant 0 : i32
    %dma_start3A_436 = tpu.memref_slice %arg5[%arg0, %add3A_431, %dma_start3A_435] : memref<2x10000x128xf32, #tpu.memory_space<hbm>> -> memref<1x80x128xf32, #tpu.memory_space<hbm>>
    %dma_start3A_437 = tpu.memref_squeeze %dma_start3A_436 : memref<1x80x128xf32, #tpu.memory_space<hbm>> -> memref<80x128xf32, #tpu.memory_space<hbm>>
    tpu.enqueue_dma source(%arg8 : memref<80x128xf32, #tpu.memory_space<vmem>>) target(%dma_start3A_437 : memref<80x128xf32, #tpu.memory_space<hbm>>) target_semaphore(%arg17 : memref<!tpu.dma_semaphore, #tpu.memory_space<semaphore_mem>>)
    %add3A_438 = arith.constant 400 : i32
    %add3A_439 = arith.addi %min3A_11, %add3A_438 : i32
    %dma_wait3A_440 = arith.constant 0 : i32
    %dma_wait3A_441 = tpu.memref_slice %arg5[%arg0, %add3A_439, %dma_wait3A_440] : memref<2x10000x128xf32, #tpu.memory_space<hbm>> -> memref<1x80x128xf32, #tpu.memory_space<hbm>>
    %dma_wait3A_442 = tpu.memref_squeeze %dma_wait3A_441 : memref<1x80x128xf32, #tpu.memory_space<hbm>> -> memref<80x128xf32, #tpu.memory_space<hbm>>
    %dma_wait3A_443 = arith.constant 0 : i32
    %dma_wait3A_444 = tpu.memref_slice %arg5[%arg0, %add3A_439, %dma_wait3A_443] : memref<2x10000x128xf32, #tpu.memory_space<hbm>> -> memref<1x80x128xf32, #tpu.memory_space<hbm>>
    %dma_wait3A_445 = tpu.memref_squeeze %dma_wait3A_444 : memref<1x80x128xf32, #tpu.memory_space<hbm>> -> memref<80x128xf32, #tpu.memory_space<hbm>>
    tpu.wait_dma2 semaphore(%arg18 : memref<!tpu.dma_semaphore, #tpu.memory_space<semaphore_mem>>) src(%arg9 : memref<80x128xf32, #tpu.memory_space<vmem>>) dst(%dma_wait3A_445 : memref<80x128xf32, #tpu.memory_space<hbm>>)
    %add3A_446 = arith.constant 560 : i32
    %add3A_447 = arith.addi %min3A_11, %add3A_446 : i32
    %dma_start3A_448 = arith.constant 0 : i32
    %dma_start3A_449 = tpu.memref_slice %arg6[%add3A_447, %dma_start3A_448] : memref<10000x128xf32, #tpu.memory_space<vmem_shared>> -> memref<80x128xf32, #tpu.memory_space<vmem_shared>>
    %dma_start3A_450 = arith.constant 0 : i32
    %dma_start3A_451 = tpu.memref_slice %arg6[%add3A_447, %dma_start3A_450] : memref<10000x128xf32, #tpu.memory_space<vmem_shared>> -> memref<80x128xf32, #tpu.memory_space<vmem_shared>>
    tpu.enqueue_dma source(%dma_start3A_451 : memref<80x128xf32, #tpu.memory_space<vmem_shared>>) target(%arg9 : memref<80x128xf32, #tpu.memory_space<vmem>>) target_semaphore(%arg15 : memref<!tpu.dma_semaphore, #tpu.memory_space<semaphore_mem>>)
    %add3A_452 = arith.constant 560 : i32
    %add3A_453 = arith.addi %min3A_11, %add3A_452 : i32
    %dma_wait3A_454 = arith.constant 0 : i32
    %dma_wait3A_455 = tpu.memref_slice %arg6[%add3A_453, %dma_wait3A_454] : memref<10000x128xf32, #tpu.memory_space<vmem_shared>> -> memref<80x128xf32, #tpu.memory_space<vmem_shared>>
    %dma_wait3A_456 = arith.constant 0 : i32
    %dma_wait3A_457 = tpu.memref_slice %arg6[%add3A_453, %dma_wait3A_456] : memref<10000x128xf32, #tpu.memory_space<vmem_shared>> -> memref<80x128xf32, #tpu.memory_space<vmem_shared>>
    tpu.wait_dma2 semaphore(%arg15 : memref<!tpu.dma_semaphore, #tpu.memory_space<semaphore_mem>>) src(%dma_wait3A_457 : memref<80x128xf32, #tpu.memory_space<vmem_shared>>) dst(%arg9 : memref<80x128xf32, #tpu.memory_space<vmem>>)
    %add3A_458 = arith.constant 560 : i32
    %add3A_459 = arith.addi %min3A_11, %add3A_458 : i32
    %dma_start3A_460 = arith.constant 0 : i32
    %dma_start3A_461 = tpu.memref_slice %arg5[%arg0, %add3A_459, %dma_start3A_460] : memref<2x10000x128xf32, #tpu.memory_space<hbm>> -> memref<1x80x128xf32, #tpu.memory_space<hbm>>
    %dma_start3A_462 = tpu.memref_squeeze %dma_start3A_461 : memref<1x80x128xf32, #tpu.memory_space<hbm>> -> memref<80x128xf32, #tpu.memory_space<hbm>>
    %dma_start3A_463 = arith.constant 0 : i32
    %dma_start3A_464 = tpu.memref_slice %arg5[%arg0, %add3A_459, %dma_start3A_463] : memref<2x10000x128xf32, #tpu.memory_space<hbm>> -> memref<1x80x128xf32, #tpu.memory_space<hbm>>
    %dma_start3A_465 = tpu.memref_squeeze %dma_start3A_464 : memref<1x80x128xf32, #tpu.memory_space<hbm>> -> memref<80x128xf32, #tpu.memory_space<hbm>>
    tpu.enqueue_dma source(%arg9 : memref<80x128xf32, #tpu.memory_space<vmem>>) target(%dma_start3A_465 : memref<80x128xf32, #tpu.memory_space<hbm>>) target_semaphore(%arg18 : memref<!tpu.dma_semaphore, #tpu.memory_space<semaphore_mem>>)
    %add3A_466 = arith.constant 480 : i32
    %add3A_467 = arith.addi %min3A_11, %add3A_466 : i32
    %dma_wait3A_468 = arith.constant 0 : i32
    %dma_wait3A_469 = tpu.memref_slice %arg5[%arg0, %add3A_467, %dma_wait3A_468] : memref<2x10000x128xf32, #tpu.memory_space<hbm>> -> memref<1x80x128xf32, #tpu.memory_space<hbm>>
    %dma_wait3A_470 = tpu.memref_squeeze %dma_wait3A_469 : memref<1x80x128xf32, #tpu.memory_space<hbm>> -> memref<80x128xf32, #tpu.memory_space<hbm>>
    %dma_wait3A_471 = arith.constant 0 : i32
    %dma_wait3A_472 = tpu.memref_slice %arg5[%arg0, %add3A_467, %dma_wait3A_471] : memref<2x10000x128xf32, #tpu.memory_space<hbm>> -> memref<1x80x128xf32, #tpu.memory_space<hbm>>
    %dma_wait3A_473 = tpu.memref_squeeze %dma_wait3A_472 : memref<1x80x128xf32, #tpu.memory_space<hbm>> -> memref<80x128xf32, #tpu.memory_space<hbm>>
    tpu.wait_dma2 semaphore(%arg17 : memref<!tpu.dma_semaphore, #tpu.memory_space<semaphore_mem>>) src(%arg8 : memref<80x128xf32, #tpu.memory_space<vmem>>) dst(%dma_wait3A_473 : memref<80x128xf32, #tpu.memory_space<hbm>>)
    %add3A_474 = arith.constant 560 : i32
    %add3A_475 = arith.addi %min3A_11, %add3A_474 : i32
    %dma_wait3A_476 = arith.constant 0 : i32
    %dma_wait3A_477 = tpu.memref_slice %arg5[%arg0, %add3A_475, %dma_wait3A_476] : memref<2x10000x128xf32, #tpu.memory_space<hbm>> -> memref<1x80x128xf32, #tpu.memory_space<hbm>>
    %dma_wait3A_478 = tpu.memref_squeeze %dma_wait3A_477 : memref<1x80x128xf32, #tpu.memory_space<hbm>> -> memref<80x128xf32, #tpu.memory_space<hbm>>
    %dma_wait3A_479 = arith.constant 0 : i32
    %dma_wait3A_480 = tpu.memref_slice %arg5[%arg0, %add3A_475, %dma_wait3A_479] : memref<2x10000x128xf32, #tpu.memory_space<hbm>> -> memref<1x80x128xf32, #tpu.memory_space<hbm>>
    %dma_wait3A_481 = tpu.memref_squeeze %dma_wait3A_480 : memref<1x80x128xf32, #tpu.memory_space<hbm>> -> memref<80x128xf32, #tpu.memory_space<hbm>>
    tpu.wait_dma2 semaphore(%arg18 : memref<!tpu.dma_semaphore, #tpu.memory_space<semaphore_mem>>) src(%arg9 : memref<80x128xf32, #tpu.memory_space<vmem>>) dst(%dma_wait3A_481 : memref<80x128xf32, #tpu.memory_space<hbm>>)
    return
  }
}

module attributes {stable_mosaic.version = 14 : i64} {
  func.func @_mm_scale_body(%arg0: i32, %arg1: memref<5000x128xf32, #tpu.memory_space<vmem>>, %arg2: memref<128x128xf32, #tpu.memory_space<vmem>>, %arg3: memref<5000x1xf32, #tpu.memory_space<vmem>>, %arg4: memref<5000x1xf32, #tpu.memory_space<vmem>>, %arg5: memref<5000x128xf32, #tpu.memory_space<vmem>>) attributes {dimension_semantics = [#tpu.dimension_semantics<arbitrary>], iteration_bounds = array<i64: 2>, scalar_prefetch = 0 : i64, scratch_operands = 0 : i64, tpu.core_type = #tpu.core_type<tc>, window_params = [{transform_indices = @transform_0, window_bounds = array<i64: 5000, 128>}, {pipeline_mode = #tpu.pipeline_mode<synchronous>, transform_indices = @transform_1, window_bounds = array<i64: 128, 128>}, {transform_indices = @transform_2, window_bounds = array<i64: 5000, 1>}, {transform_indices = @transform_3, window_bounds = array<i64: 5000, 1>}, {transform_indices = @transform_4, window_bounds = array<i64: 5000, 128>}]} {
    %get3A = arith.constant 0 : index
    %get3A_0 = arith.constant 0 : index
    %get3A_1 = vector.load %arg3[%get3A, %get3A_0] : memref<5000x1xf32, #tpu.memory_space<vmem>>, vector<5000x1xf32>
    %squeeze3A = vector.shape_cast %get3A_1 : vector<5000x1xf32> to vector<5000xf32>
    %get3A_2 = arith.constant 0 : index
    %get3A_3 = arith.constant 0 : index
    %get3A_4 = vector.load %arg4[%get3A_2, %get3A_3] : memref<5000x1xf32, #tpu.memory_space<vmem>>, vector<5000x1xf32>
    %squeeze3A_5 = vector.shape_cast %get3A_4 : vector<5000x1xf32> to vector<5000xf32>
    %add3A = arith.addf %squeeze3A, %squeeze3A_5 : vector<5000xf32>
    %add3A_6 = arith.constant 1.000000e+00 : f32
    %add3A_7 = vector.broadcast %add3A_6 : f32 to vector<5000xf32>
    %add3A_8 = arith.addf %add3A, %add3A_7 : vector<5000xf32>
    %rsqrt3A = math.rsqrt %add3A_8 : vector<5000xf32>
    %get3A_9 = arith.constant 0 : index
    %get3A_10 = arith.constant 0 : index
    %get3A_11 = vector.load %arg1[%get3A_9, %get3A_10] : memref<5000x128xf32, #tpu.memory_space<vmem>>, vector<5000x128xf32>
    %get3A_12 = arith.constant 0 : index
    %get3A_13 = arith.constant 0 : index
    %get3A_14 = vector.load %arg2[%get3A_12, %get3A_13] : memref<128x128xf32, #tpu.memory_space<vmem>>, vector<128x128xf32>
    %dot_general3A = arith.constant dense<0.000000e+00> : vector<5000x128xf32>
    %dot_general3A_15 = tpu.matmul %get3A_11, %get3A_14, %dot_general3A {dimension_numbers = #tpu.dot_dimension_numbers<[1], [0], [0], [1], [0, 0, 1, 1], [], []>, transpose_lhs_hint = false} : vector<5000x128xf32>, vector<128x128xf32>, vector<5000x128xf32> -> vector<5000x128xf32>
    %broadcast_in_dim3A = vector.shape_cast %rsqrt3A : vector<5000xf32> to vector<5000x1xf32>
    %mul3A = vector.broadcast %broadcast_in_dim3A : vector<5000x1xf32> to vector<5000x128xf32>
    %mul3A_16 = arith.mulf %dot_general3A_15, %mul3A : vector<5000x128xf32>
    %swap3A = arith.constant 0 : index
    %swap3A_17 = arith.constant 0 : index
    %swap3A_18 = vector.load %arg5[%swap3A, %swap3A_17] : memref<5000x128xf32, #tpu.memory_space<vmem>>, vector<5000x128xf32>
    tpu.vector_store %arg5[%swap3A, %swap3A_17], %mul3A_16 {strides = array<i32>} : memref<5000x128xf32, #tpu.memory_space<vmem>>, vector<5000x128xf32>,
    return
  }
  func.func @transform_0(%arg0: i32) -> (i32, i32) {
    %c0_i32 = arith.constant 0 : i32
    %c0_i32_0 = arith.constant 0 : i32
    return %arg0, %c0_i32 : i32, i32
  }
  func.func @transform_1(%arg0: i32) -> (i32, i32) {
    %c0_i32 = arith.constant 0 : i32
    %c0_i32_0 = arith.constant 0 : i32
    %c0_i32_1 = arith.constant 0 : i32
    return %c0_i32, %c0_i32_0 : i32, i32
  }
  func.func @transform_2(%arg0: i32) -> (i32, i32) {
    %c0_i32 = arith.constant 0 : i32
    %c0_i32_0 = arith.constant 0 : i32
    return %arg0, %c0_i32 : i32, i32
  }
  func.func @transform_3(%arg0: i32) -> (i32, i32) {
    %c0_i32 = arith.constant 0 : i32
    %c0_i32_0 = arith.constant 0 : i32
    return %arg0, %c0_i32 : i32, i32
  }
  func.func @transform_4(%arg0: i32) -> (i32, i32) {
    %c0_i32 = arith.constant 0 : i32
    %c0_i32_0 = arith.constant 0 : i32
    return %arg0, %c0_i32 : i32, i32
  }
}

module attributes {stable_mosaic.version = 14 : i64} {
  func.func @_mid_body(%arg0: i32, %arg1: memref<2x5000x128xf32, #tpu.memory_space<vmem>>, %arg2: memref<5000x128xf32, #tpu.memory_space<vmem>>, %arg3: memref<5000x1xf32, #tpu.memory_space<vmem>>, %arg4: memref<5000x1xf32, #tpu.memory_space<vmem>>, %arg5: memref<1x128xf32, #tpu.memory_space<vmem>>, %arg6: memref<128x128xf32, #tpu.memory_space<vmem>>, %arg7: memref<5000x128xf32, #tpu.memory_space<vmem>>) attributes {dimension_semantics = [#tpu.dimension_semantics<arbitrary>], iteration_bounds = array<i64: 2>, scalar_prefetch = 0 : i64, scratch_operands = 0 : i64, tpu.core_type = #tpu.core_type<tc>, window_params = [{transform_indices = @transform_0, window_bounds = array<i64: 2, 5000, 128>}, {transform_indices = @transform_1, window_bounds = array<i64: 5000, 128>}, {transform_indices = @transform_2, window_bounds = array<i64: 5000, 1>}, {transform_indices = @transform_3, window_bounds = array<i64: 5000, 1>}, {pipeline_mode = #tpu.pipeline_mode<synchronous>, transform_indices = @transform_4, window_bounds = array<i64: 1, 128>}, {pipeline_mode = #tpu.pipeline_mode<synchronous>, transform_indices = @transform_5, window_bounds = array<i64: 128, 128>}, {transform_indices = @transform_6, window_bounds = array<i64: 5000, 128>}]} {
    %get3A = arith.constant 0 : index
    %get3A_0 = arith.constant 0 : index
    %get3A_1 = vector.load %arg3[%get3A, %get3A_0] : memref<5000x1xf32, #tpu.memory_space<vmem>>, vector<5000x1xf32>
    %squeeze3A = vector.shape_cast %get3A_1 : vector<5000x1xf32> to vector<5000xf32>
    %get3A_2 = arith.constant 0 : index
    %get3A_3 = arith.constant 0 : index
    %get3A_4 = vector.load %arg4[%get3A_2, %get3A_3] : memref<5000x1xf32, #tpu.memory_space<vmem>>, vector<5000x1xf32>
    %squeeze3A_5 = vector.shape_cast %get3A_4 : vector<5000x1xf32> to vector<5000xf32>
    %add3A = arith.addf %squeeze3A, %squeeze3A_5 : vector<5000xf32>
    %add3A_6 = arith.constant 1.000000e+00 : f32
    %add3A_7 = vector.broadcast %add3A_6 : f32 to vector<5000xf32>
    %add3A_8 = arith.addf %add3A, %add3A_7 : vector<5000xf32>
    %rsqrt3A = math.rsqrt %add3A_8 : vector<5000xf32>
    %broadcast_in_dim3A = vector.shape_cast %rsqrt3A : vector<5000xf32> to vector<5000x1xf32>
    %get3A_9 = arith.constant 0 : index
    %get3A_10 = arith.constant 0 : index
    %get3A_11 = arith.constant 0 : index
    %get3A_12 = vector.load %arg1[%get3A_9, %get3A_10, %get3A_11] : memref<2x5000x128xf32, #tpu.memory_space<vmem>>, vector<1x5000x128xf32>
    %get3A_13 = vector.shape_cast %get3A_12 : vector<1x5000x128xf32> to vector<5000x128xf32>
    %get3A_14 = arith.constant 1 : index
    %get3A_15 = arith.constant 0 : index
    %get3A_16 = arith.constant 0 : index
    %get3A_17 = vector.load %arg1[%get3A_14, %get3A_15, %get3A_16] : memref<2x5000x128xf32, #tpu.memory_space<vmem>>, vector<1x5000x128xf32>
    %get3A_18 = vector.shape_cast %get3A_17 : vector<1x5000x128xf32> to vector<5000x128xf32>
    %add3A_19 = arith.addf %get3A_13, %get3A_18 : vector<5000x128xf32>
    %get3A_20 = arith.constant 0 : index
    %get3A_21 = arith.constant 0 : index
    %get3A_22 = vector.load %arg2[%get3A_20, %get3A_21] : memref<5000x128xf32, #tpu.memory_space<vmem>>, vector<5000x128xf32>
    %add3A_23 = arith.addf %add3A_19, %get3A_22 : vector<5000x128xf32>
    %mul3A = vector.broadcast %broadcast_in_dim3A : vector<5000x1xf32> to vector<5000x128xf32>
    %mul3A_24 = arith.mulf %mul3A, %add3A_23 : vector<5000x128xf32>
    %get3A_25 = arith.constant 0 : index
    %get3A_26 = arith.constant 0 : index
    %get3A_27 = vector.load %arg5[%get3A_25, %get3A_26] : memref<1x128xf32, #tpu.memory_space<vmem>>, vector<1x128xf32>
    %add3A_28 = vector.broadcast %get3A_27 : vector<1x128xf32> to vector<5000x128xf32>
    %add3A_29 = arith.addf %mul3A_24, %add3A_28 : vector<5000x128xf32>
    %max3A = arith.constant 0.000000e+00 : f32
    %max3A_30 = vector.broadcast %max3A : f32 to vector<5000x128xf32>
    %max3A_31 = arith.maximumf %add3A_29, %max3A_30 : vector<5000x128xf32>
    %get3A_32 = arith.constant 0 : index
    %get3A_33 = arith.constant 0 : index
    %get3A_34 = vector.load %arg6[%get3A_32, %get3A_33] : memref<128x128xf32, #tpu.memory_space<vmem>>, vector<128x128xf32>
    %dot_general3A = arith.constant dense<0.000000e+00> : vector<5000x128xf32>
    %dot_general3A_35 = tpu.matmul %max3A_31, %get3A_34, %dot_general3A {dimension_numbers = #tpu.dot_dimension_numbers<[1], [0], [0], [1], [0, 0, 1, 1], [], []>, transpose_lhs_hint = false} : vector<5000x128xf32>, vector<128x128xf32>, vector<5000x128xf32> -> vector<5000x128xf32>
    %mul3A_36 = vector.broadcast %broadcast_in_dim3A : vector<5000x1xf32> to vector<5000x128xf32>
    %mul3A_37 = arith.mulf %dot_general3A_35, %mul3A_36 : vector<5000x128xf32>
    %swap3A = arith.constant 0 : index
    %swap3A_38 = arith.constant 0 : index
    %swap3A_39 = vector.load %arg7[%swap3A, %swap3A_38] : memref<5000x128xf32, #tpu.memory_space<vmem>>, vector<5000x128xf32>
    tpu.vector_store %arg7[%swap3A, %swap3A_38], %mul3A_37 {strides = array<i32>} : memref<5000x128xf32, #tpu.memory_space<vmem>>, vector<5000x128xf32>,
    return
  }
  func.func @transform_0(%arg0: i32) -> (i32, i32, i32) {
    %c0_i32 = arith.constant 0 : i32
    %c0_i32_0 = arith.constant 0 : i32
    %c0_i32_1 = arith.constant 0 : i32
    return %c0_i32, %arg0, %c0_i32_0 : i32, i32, i32
  }
  func.func @transform_1(%arg0: i32) -> (i32, i32) {
    %c0_i32 = arith.constant 0 : i32
    %c0_i32_0 = arith.constant 0 : i32
    return %arg0, %c0_i32 : i32, i32
  }
  func.func @transform_2(%arg0: i32) -> (i32, i32) {
    %c0_i32 = arith.constant 0 : i32
    %c0_i32_0 = arith.constant 0 : i32
    return %arg0, %c0_i32 : i32, i32
  }
  func.func @transform_3(%arg0: i32) -> (i32, i32) {
    %c0_i32 = arith.constant 0 : i32
    %c0_i32_0 = arith.constant 0 : i32
    return %arg0, %c0_i32 : i32, i32
  }
  func.func @transform_4(%arg0: i32) -> (i32, i32) {
    %c0_i32 = arith.constant 0 : i32
    %c0_i32_0 = arith.constant 0 : i32
    %c0_i32_1 = arith.constant 0 : i32
    return %c0_i32, %c0_i32_0 : i32, i32
  }
  func.func @transform_5(%arg0: i32) -> (i32, i32) {
    %c0_i32 = arith.constant 0 : i32
    %c0_i32_0 = arith.constant 0 : i32
    %c0_i32_1 = arith.constant 0 : i32
    return %c0_i32, %c0_i32_0 : i32, i32
  }
  func.func @transform_6(%arg0: i32) -> (i32, i32) {
    %c0_i32 = arith.constant 0 : i32
    %c0_i32_0 = arith.constant 0 : i32
    return %arg0, %c0_i32 : i32, i32
  }
}

module attributes {stable_mosaic.version = 14 : i64} {
  func.func @_final_body(%arg0: i32, %arg1: memref<2x5000x128xf32, #tpu.memory_space<vmem>>, %arg2: memref<5000x128xf32, #tpu.memory_space<vmem>>, %arg3: memref<5000x1xf32, #tpu.memory_space<vmem>>, %arg4: memref<5000x1xf32, #tpu.memory_space<vmem>>, %arg5: memref<1x128xf32, #tpu.memory_space<vmem>>, %arg6: memref<5000x1xi32, #tpu.memory_space<vmem>>, %arg7: memref<128x10xf32, #tpu.memory_space<vmem>>, %arg8: memref<1x10xf32, #tpu.memory_space<vmem>>, %arg9: memref<64x10xf32, #tpu.memory_space<vmem>>, %arg10: memref<64x128xf32, #tpu.memory_space<vmem>>, %arg11: memref<64x128xf32, #tpu.memory_space<vmem>>) attributes {dimension_semantics = [#tpu.dimension_semantics<arbitrary>], iteration_bounds = array<i64: 2>, scalar_prefetch = 0 : i64, scratch_operands = 2 : i64, tpu.core_type = #tpu.core_type<tc>, window_params = [{transform_indices = @transform_0, window_bounds = array<i64: 2, 5000, 128>}, {transform_indices = @transform_1, window_bounds = array<i64: 5000, 128>}, {transform_indices = @transform_2, window_bounds = array<i64: 5000, 1>}, {transform_indices = @transform_3, window_bounds = array<i64: 5000, 1>}, {pipeline_mode = #tpu.pipeline_mode<synchronous>, transform_indices = @transform_4, window_bounds = array<i64: 1, 128>}, {transform_indices = @transform_5, window_bounds = array<i64: 5000, 1>}, {pipeline_mode = #tpu.pipeline_mode<synchronous>, transform_indices = @transform_6, window_bounds = array<i64: 128, 10>}, {pipeline_mode = #tpu.pipeline_mode<synchronous>, transform_indices = @transform_7, window_bounds = array<i64: 1, 10>}, {pipeline_mode = #tpu.pipeline_mode<synchronous>, transform_indices = @transform_8, window_bounds = array<i64: 64, 10>}]} {
    %get3A = arith.constant 0 : index
    %get3A_0 = arith.constant 0 : index
    %get3A_1 = vector.load %arg3[%get3A, %get3A_0] : memref<5000x1xf32, #tpu.memory_space<vmem>>, vector<5000x1xf32>
    %squeeze3A = vector.shape_cast %get3A_1 : vector<5000x1xf32> to vector<5000xf32>
    %get3A_2 = arith.constant 0 : index
    %get3A_3 = arith.constant 0 : index
    %get3A_4 = vector.load %arg4[%get3A_2, %get3A_3] : memref<5000x1xf32, #tpu.memory_space<vmem>>, vector<5000x1xf32>
    %squeeze3A_5 = vector.shape_cast %get3A_4 : vector<5000x1xf32> to vector<5000xf32>
    %add3A = arith.addf %squeeze3A, %squeeze3A_5 : vector<5000xf32>
    %add3A_6 = arith.constant 1.000000e+00 : f32
    %add3A_7 = vector.broadcast %add3A_6 : f32 to vector<5000xf32>
    %add3A_8 = arith.addf %add3A, %add3A_7 : vector<5000xf32>
    %rsqrt3A = math.rsqrt %add3A_8 : vector<5000xf32>
    %broadcast_in_dim3A = vector.shape_cast %rsqrt3A : vector<5000xf32> to vector<5000x1xf32>
    %get3A_9 = arith.constant 0 : index
    %get3A_10 = arith.constant 0 : index
    %get3A_11 = arith.constant 0 : index
    %get3A_12 = vector.load %arg1[%get3A_9, %get3A_10, %get3A_11] : memref<2x5000x128xf32, #tpu.memory_space<vmem>>, vector<1x5000x128xf32>
    %get3A_13 = vector.shape_cast %get3A_12 : vector<1x5000x128xf32> to vector<5000x128xf32>
    %get3A_14 = arith.constant 1 : index
    %get3A_15 = arith.constant 0 : index
    %get3A_16 = arith.constant 0 : index
    %get3A_17 = vector.load %arg1[%get3A_14, %get3A_15, %get3A_16] : memref<2x5000x128xf32, #tpu.memory_space<vmem>>, vector<1x5000x128xf32>
    %get3A_18 = vector.shape_cast %get3A_17 : vector<1x5000x128xf32> to vector<5000x128xf32>
    %add3A_19 = arith.addf %get3A_13, %get3A_18 : vector<5000x128xf32>
    %get3A_20 = arith.constant 0 : index
    %get3A_21 = arith.constant 0 : index
    %get3A_22 = vector.load %arg2[%get3A_20, %get3A_21] : memref<5000x128xf32, #tpu.memory_space<vmem>>, vector<5000x128xf32>
    %add3A_23 = arith.addf %add3A_19, %get3A_22 : vector<5000x128xf32>
    %mul3A = vector.broadcast %broadcast_in_dim3A : vector<5000x1xf32> to vector<5000x128xf32>
    %mul3A_24 = arith.mulf %mul3A, %add3A_23 : vector<5000x128xf32>
    %get3A_25 = arith.constant 0 : index
    %get3A_26 = arith.constant 0 : index
    %get3A_27 = vector.load %arg5[%get3A_25, %get3A_26] : memref<1x128xf32, #tpu.memory_space<vmem>>, vector<1x128xf32>
    %add3A_28 = vector.broadcast %get3A_27 : vector<1x128xf32> to vector<5000x128xf32>
    %add3A_29 = arith.addf %mul3A_24, %add3A_28 : vector<5000x128xf32>
    %get3A_30 = arith.constant 0 : index
    %get3A_31 = arith.constant 0 : index
    %get3A_32 = vector.load %arg6[%get3A_30, %get3A_31] : memref<5000x1xi32, #tpu.memory_space<vmem>>, vector<5000x1xi32>
    %iota3A = tpu.iota {dimensions = array<i32: 1>} : vector<5000x64xi32>
    %eq3A = vector.broadcast %get3A_32 : vector<5000x1xi32> to vector<5000x64xi32>
    %eq3A_33 = arith.cmpi eq, %eq3A, %iota3A : vector<5000x64xi32>
    %convert_element_type3A = arith.extui %eq3A_33 : vector<5000x64xi1> to vector<5000x64xi32>
    %convert_element_type3A_34 = arith.sitofp %convert_element_type3A : vector<5000x64xi32> to vector<5000x64xf32>
    %dot_general3A = arith.constant dense<0.000000e+00> : vector<64x128xf32>
    %dot_general3A_35 = tpu.matmul %convert_element_type3A_34, %add3A_29, %dot_general3A {dimension_numbers = #tpu.dot_dimension_numbers<[0], [0], [1], [1], [0, 1, 1, 1], [], []>, transpose_lhs_hint = false} : vector<5000x64xf32>, vector<5000x128xf32>, vector<64x128xf32> -> vector<64x128xf32>
    %broadcast_in_dim3A_36 = arith.constant 1.000000e+00 : f32
    %broadcast_in_dim3A_37 = vector.broadcast %broadcast_in_dim3A_36 : f32 to vector<5000x128xf32>
    %dot_general3A_38 = arith.constant dense<0.000000e+00> : vector<64x128xf32>
    %dot_general3A_39 = tpu.matmul %convert_element_type3A_34, %broadcast_in_dim3A_37, %dot_general3A_38 {dimension_numbers = #tpu.dot_dimension_numbers<[0], [0], [1], [1], [0, 1, 1, 1], [], []>, transpose_lhs_hint = false} : vector<5000x64xf32>, vector<5000x128xf32>, vector<64x128xf32> -> vector<64x128xf32>
    %eq3A_40 = arith.constant 0 : i32
    %eq3A_41 = arith.cmpi eq, %arg0, %eq3A_40 : i32
    %convert_element_type3A_42 = arith.extui %eq3A_41 : i1 to i32
    %cond3A = arith.constant 0 : i32
    %cond3A_43 = arith.cmpi ne, %convert_element_type3A_42, %cond3A : i32
    scf.if %cond3A_43 {
      %broadcast_in_dim3A_62 = arith.constant 0.000000e+00 : f32
      %broadcast_in_dim3A_63 = vector.broadcast %broadcast_in_dim3A_62 : f32 to vector<64x128xf32>
      %swap3A_64 = arith.constant 0 : index
      %swap3A_65 = arith.constant 0 : index
      %swap3A_66 = vector.load %arg10[%swap3A_64, %swap3A_65] : memref<64x128xf32, #tpu.memory_space<vmem>>, vector<64x128xf32>
      tpu.vector_store %arg10[%swap3A_64, %swap3A_65], %broadcast_in_dim3A_63 {strides = array<i32>} : memref<64x128xf32, #tpu.memory_space<vmem>>, vector<64x128xf32>,
      %broadcast_in_dim3A_67 = arith.constant 0.000000e+00 : f32
      %broadcast_in_dim3A_68 = vector.broadcast %broadcast_in_dim3A_67 : f32 to vector<64x128xf32>
      %swap3A_69 = arith.constant 0 : index
      %swap3A_70 = arith.constant 0 : index
      %swap3A_71 = vector.load %arg11[%swap3A_69, %swap3A_70] : memref<64x128xf32, #tpu.memory_space<vmem>>, vector<64x128xf32>
      tpu.vector_store %arg11[%swap3A_69, %swap3A_70], %broadcast_in_dim3A_68 {strides = array<i32>} : memref<64x128xf32, #tpu.memory_space<vmem>>, vector<64x128xf32>,
    } else {
    }
    %get3A_44 = arith.constant 0 : index
    %get3A_45 = arith.constant 0 : index
    %get3A_46 = vector.load %arg10[%get3A_44, %get3A_45] : memref<64x128xf32, #tpu.memory_space<vmem>>, vector<64x128xf32>
    %add3A_47 = arith.addf %get3A_46, %dot_general3A_35 : vector<64x128xf32>
    %swap3A = arith.constant 0 : index
    %swap3A_48 = arith.constant 0 : index
    %swap3A_49 = vector.load %arg10[%swap3A, %swap3A_48] : memref<64x128xf32, #tpu.memory_space<vmem>>, vector<64x128xf32>
    tpu.vector_store %arg10[%swap3A, %swap3A_48], %add3A_47 {strides = array<i32>} : memref<64x128xf32, #tpu.memory_space<vmem>>, vector<64x128xf32>,
    %get3A_50 = arith.constant 0 : index
    %get3A_51 = arith.constant 0 : index
    %get3A_52 = vector.load %arg11[%get3A_50, %get3A_51] : memref<64x128xf32, #tpu.memory_space<vmem>>, vector<64x128xf32>
    %add3A_53 = arith.addf %get3A_52, %dot_general3A_39 : vector<64x128xf32>
    %swap3A_54 = arith.constant 0 : index
    %swap3A_55 = arith.constant 0 : index
    %swap3A_56 = vector.load %arg11[%swap3A_54, %swap3A_55] : memref<64x128xf32, #tpu.memory_space<vmem>>, vector<64x128xf32>
    tpu.vector_store %arg11[%swap3A_54, %swap3A_55], %add3A_53 {strides = array<i32>} : memref<64x128xf32, #tpu.memory_space<vmem>>, vector<64x128xf32>,
    %eq3A_57 = arith.constant 1 : i32
    %eq3A_58 = arith.cmpi eq, %arg0, %eq3A_57 : i32
    %convert_element_type3A_59 = arith.extui %eq3A_58 : i1 to i32
    %cond3A_60 = arith.constant 0 : i32
    %cond3A_61 = arith.cmpi ne, %convert_element_type3A_59, %cond3A_60 : i32
    scf.if %cond3A_61 {
      %get3A_62 = arith.constant 0 : index
      %get3A_63 = arith.constant 0 : index
      %get3A_64 = vector.load %arg10[%get3A_62, %get3A_63] : memref<64x128xf32, #tpu.memory_space<vmem>>, vector<64x128xf32>
      %get3A_65 = arith.constant 0 : index
      %get3A_66 = arith.constant 0 : index
      %get3A_67 = vector.load %arg11[%get3A_65, %get3A_66] : memref<64x128xf32, #tpu.memory_space<vmem>>, vector<64x128xf32>
      %max3A = arith.constant 1.000000e+00 : f32
      %max3A_68 = vector.broadcast %max3A : f32 to vector<64x128xf32>
      %max3A_69 = arith.maximumf %get3A_67, %max3A_68 : vector<64x128xf32>
      %div3A = arith.divf %get3A_64, %max3A_69 : vector<64x128xf32>
      %max3A_70 = arith.constant 0.000000e+00 : f32
      %max3A_71 = vector.broadcast %max3A_70 : f32 to vector<64x128xf32>
      %max3A_72 = arith.maximumf %div3A, %max3A_71 : vector<64x128xf32>
      %get3A_73 = arith.constant 0 : index
      %get3A_74 = arith.constant 0 : index
      %get3A_75 = vector.load %arg7[%get3A_73, %get3A_74] : memref<128x10xf32, #tpu.memory_space<vmem>>, vector<128x10xf32>
      %dot_general3A_76 = arith.constant dense<0.000000e+00> : vector<64x10xf32>
      %dot_general3A_77 = tpu.matmul %max3A_72, %get3A_75, %dot_general3A_76 {dimension_numbers = #tpu.dot_dimension_numbers<[1], [0], [0], [1], [0, 0, 1, 1], [], []>, transpose_lhs_hint = false} : vector<64x128xf32>, vector<128x10xf32>, vector<64x10xf32> -> vector<64x10xf32>
      %get3A_78 = arith.constant 0 : index
      %get3A_79 = arith.constant 0 : index
      %get3A_80 = vector.load %arg8[%get3A_78, %get3A_79] : memref<1x10xf32, #tpu.memory_space<vmem>>, vector<1x10xf32>
      %add3A_81 = vector.broadcast %get3A_80 : vector<1x10xf32> to vector<64x10xf32>
      %add3A_82 = arith.addf %dot_general3A_77, %add3A_81 : vector<64x10xf32>
      %swap3A_83 = arith.constant 0 : index
      %swap3A_84 = arith.constant 0 : index
      %swap3A_85 = vector.load %arg9[%swap3A_83, %swap3A_84] : memref<64x10xf32, #tpu.memory_space<vmem>>, vector<64x10xf32>
      tpu.vector_store %arg9[%swap3A_83, %swap3A_84], %add3A_82 {strides = array<i32>} : memref<64x10xf32, #tpu.memory_space<vmem>>, vector<64x10xf32>,
    } else {
    }
    return
  }
  func.func @transform_0(%arg0: i32) -> (i32, i32, i32) {
    %c0_i32 = arith.constant 0 : i32
    %c0_i32_0 = arith.constant 0 : i32
    %c0_i32_1 = arith.constant 0 : i32
    return %c0_i32, %arg0, %c0_i32_0 : i32, i32, i32
  }
  func.func @transform_1(%arg0: i32) -> (i32, i32) {
    %c0_i32 = arith.constant 0 : i32
    %c0_i32_0 = arith.constant 0 : i32
    return %arg0, %c0_i32 : i32, i32
  }
  func.func @transform_2(%arg0: i32) -> (i32, i32) {
    %c0_i32 = arith.constant 0 : i32
    %c0_i32_0 = arith.constant 0 : i32
    return %arg0, %c0_i32 : i32, i32
  }
  func.func @transform_3(%arg0: i32) -> (i32, i32) {
    %c0_i32 = arith.constant 0 : i32
    %c0_i32_0 = arith.constant 0 : i32
    return %arg0, %c0_i32 : i32, i32
  }
  func.func @transform_4(%arg0: i32) -> (i32, i32) {
    %c0_i32 = arith.constant 0 : i32
    %c0_i32_0 = arith.constant 0 : i32
    %c0_i32_1 = arith.constant 0 : i32
    return %c0_i32, %c0_i32_0 : i32, i32
  }
  func.func @transform_5(%arg0: i32) -> (i32, i32) {
    %c0_i32 = arith.constant 0 : i32
    %c0_i32_0 = arith.constant 0 : i32
    return %arg0, %c0_i32 : i32, i32
  }
  func.func @transform_6(%arg0: i32) -> (i32, i32) {
    %c0_i32 = arith.constant 0 : i32
    %c0_i32_0 = arith.constant 0 : i32
    %c0_i32_1 = arith.constant 0 : i32
    return %c0_i32, %c0_i32_0 : i32, i32
  }
  func.func @transform_7(%arg0: i32) -> (i32, i32) {
    %c0_i32 = arith.constant 0 : i32
    %c0_i32_0 = arith.constant 0 : i32
    %c0_i32_1 = arith.constant 0 : i32
    return %c0_i32, %c0_i32_0 : i32, i32
  }
  func.func @transform_8(%arg0: i32) -> (i32, i32) {
    %c0_i32 = arith.constant 0 : i32
    %c0_i32_0 = arith.constant 0 : i32
    %c0_i32_1 = arith.constant 0 : i32
    return %c0_i32, %c0_i32_0 : i32, i32
  }
}

</mosaic_0001>

<sc_bundles>
// kernel: kernel.11.cloned.1.call-start
scs
__scs_entry_jumppad:
0x0: {  	(pc) =	sbr.rel $0x88, $3  }
0x1: {  	(tag) =	ssettag $0x0;
	lr =	simm.s32 $0x1  }
0x2: {  	[smem:$0x3F98] =	sst lr;
	_ =	strace $0xD0000000  }
0x3: {  	_ = 	snop  }
0x4: {  	_ = 	snop  }
0x5: {  	_ = 	snop  }
0x6: {  	_ = 	snop  }
0x7: {  	_ = 	snop  }
__scs_overlays_trampoline_lowered:
0x8: {  	[smem:$0x3FA7] =	sst s0  }
0x9: {  	[smem:$0x3FA8] =	sst s1  }
0xa: {  	[smem:$0x3FA9] =	sst s2  }
0xb: {  	[smem:$0x3FAA] =	sst s3  }
0xc: {  	[smem:$0x3FAB] =	sst s4  }
0xd: {  	[smem:$0x3FAC] =	sst s5  }
0xe: {  	[smem:$0x3FAD] =	sst s6  }
0xf: {  	[smem:$0x3FAE] =	sst s7  }
0x10: {  	[smem:$0x3FAF] =	sst s8  }
0x11: {  	[smem:$0x3FB0] =	sst s9;
	s0 =	simm.s32 @!p0 $0x0  }
0x12: {  	s1 =	sld [smem:$0x3F96];
	s0 =	simm.s32 @p0 $0x1  }
0x13: {  	[smem:$0x3FB1] =	sst s0;
	s0 =	simm.s32 @!p1 $0x0  }
0x14: {  	s2 =	sld [smem:$0x3F95];
	s0 =	simm.s32 @p1 $0x1  }
0x15: {  	[smem:$0x3FB2] =	sst s0;
	s0 =	simm.s32 @!p2 $0x0  }
0x16: {  	s3 =	sld [smem:$0x3FDB];
	s0 =	simm.s32 @p2 $0x1  }
0x17: {  	s4 =	simm.s32 $0x1BF5;
	[smem:$0x3FB4] =	sst s0  }
0x18: {  	s0 =	sld [smem:$0x3F97];
	_ =	swait.ge [sflag:s4], $0x0  }
0x19: {  	s7 =	sld [smem:$0x3F98]  }
0x1a: {  	s8 =	sadd.s32 $0xFFFFE003, lr  }
0x1b: {  	s9 =	sadd.s32 $0xFFFFFEF7, lr;
	s5 =	simm.s32 $0xFFFFFFFF;
	p2 =	slt.u32 s8, $0xFFFFF086  }
0x1c: {  	p1 =	slt.u32 s9, $0xF7A;
	s5 =	simm.s32 @!p2 $0x0  }
0x1d: {  	s5 =	simm.s32 @p1 $0x1;
	p0 =	seq.s32 s7, s2  }
0x1e: {  	s7 =	smul.u32 @!p0 $0xF7A, s2;
	p2 =	seq.s32 @!p0 s5, $0x0  }
0x1f: {  	s9 =	smul.u32 $0xF7A, s1;
	s8 =	simm.s32 @!p0 $0x1BF5;
	p2 =	por !p2, p0  }
0x20: {  	[sflag:s8] =	ssyncset.s32 @!p0 $0xFFFFF086;
	s6 =	sadd.s32 @!p0 s3, s7;
	s7 =	simm.s32 @!p0 $0x108  }
0x21: {  	s3 =	sadd.s32 s3, s9;
	s6 =	sadd.s32 @!p0 $0x88, s6;
	s7 =	simm.s32 @p2 $0x1082  }
0x22: {  	[simem:s7], [sflag:s8] =	dma.local @!p0 [hbm:s6], $0xF7A  }
0x23: {  	s9 =	sor.u32 $0xD0000000, s2;
	s6 =	simm.s32 $0x108;
	_ =	swait.ge @!p0 [sflag:s8], $0x0  }
0x24: {  	s3 =	sadd.s32 $0x88, s3;
	s6 =	simm.s32 @!p1 $0x1082;
	[sflag:s4] =	ssyncset.s32 $0xFFFFF086  }
0x25: {  	[simem:s6], [sflag:s4] =	dma.local [hbm:s3], $0xF7A  }
0x26: {  	[smem:$0x3F98] =	sst s1;
	(tag) =	ssettag s2;
	_ =	strace s9  }
0x27: {  	s1 =	sld [smem:$0x3FA8]  }
0x28: {  	s2 =	sld [smem:$0x3FA9]  }
0x29: {  	s4 =	sld [smem:$0x3FAB]  }
0x2a: {  	p0 =	seq.s32 s5, $0x0;
	s5 =	sld [smem:$0x3FAC]  }
0x2b: {  	s6 =	sld [smem:$0x3FAD]  }
0x2c: {  	s7 =	sld [smem:$0x3FAE]  }
0x2d: {  	s3 =	simm.s32 $0x108;
	s8 =	sld [smem:$0x3FAF]  }
0x2e: {  	s3 =	simm.s32 @!p0 $0x1082;
	s9 =	sld [smem:$0x3FB0]  }
0x2f: {  	lr =	sadd.s32 s0, s3;
	s0 =	sld [smem:$0x3FA7]  }
0x30: {  	s3 =	sld [smem:$0x3FAA]  }
0x31: {  	[smem:$0x3FB3] =	sst s10  }
0x32: {  	s10 =	sld [smem:$0x3FB1];
	_ =	sdelay $0x3  }
0x33: {  	p0 =	seq.s32 s10, $0x1;
	s10 =	sld [smem:$0x3FB3];
	_ =	sdelay $0x3  }
0x34: {  	[smem:$0x3FB3] =	sst s10  }
0x35: {  	s10 =	sld [smem:$0x3FB2];
	_ =	sdelay $0x3  }
0x36: {  	p1 =	seq.s32 s10, $0x1;
	s10 =	sld [smem:$0x3FB3];
	_ =	sdelay $0x3  }
0x37: {  	[smem:$0x3FB3] =	sst s10  }
0x38: {  	s10 =	sld [smem:$0x3FB4]  }
0x39: {  	_ = 	snop;
	(pc) =	sbr.ind lr, $3  }
0x3a: {  	_ = 	snop  }
0x3b: {  	_ = 	snop  }
0x3c: {  	p2 =	seq.s32 s10, $0x1;
	s10 =	sld [smem:$0x3FB3]  }
0x3d: {  	_ =	shalt  }
0x3e: {  	_ =	shalt  }
0x3f: {  	_ =	shalt  }
0x40: {  	_ =	shalt  }
0x41: {  	_ =	shalt  }
0x42: {  	_ =	shalt  }
0x43: {  	_ =	shalt  }
0x44: {  	_ =	shalt  }
0x45: {  	_ =	shalt  }
0x46: {  	_ =	shalt  }
0x47: {  	_ =	shalt  }
0x48: {  	_ =	shalt  }
0x49: {  	_ =	shalt  }
0x4a: {  	_ =	shalt  }
0x4b: {  	_ =	shalt  }
0x4c: {  	_ =	shalt  }
0x4d: {  	_ =	shalt  }
0x4e: {  	_ =	shalt  }
0x4f: {  	_ =	shalt  }
0x50: {  	_ =	shalt  }
0x51: {  	_ =	shalt  }
0x52: {  	_ =	shalt  }
0x53: {  	_ =	shalt  }
0x54: {  	_ =	shalt  }
0x55: {  	_ =	shalt  }
0x56: {  	_ =	shalt  }
0x57: {  	_ =	shalt  }
0x58: {  	_ =	shalt  }
0x59: {  	_ =	shalt  }
0x5a: {  	_ =	shalt  }
0x5b: {  	_ =	shalt  }
0x5c: {  	_ =	shalt  }
0x5d: {  	_ =	shalt  }
0x5e: {  	_ =	shalt  }
0x5f: {  	_ =	shalt  }
0x60: {  	_ =	shalt  }
0x61: {  	_ =	shalt  }
0x62: {  	_ =	shalt  }
0x63: {  	_ =	shalt  }
0x64: {  	_ =	shalt  }
0x65: {  	_ =	shalt  }
0x66: {  	_ =	shalt  }
0x67: {  	_ =	shalt  }
0x68: {  	_ =	shalt  }
0x69: {  	_ =	shalt  }
0x6a: {  	_ =	shalt  }
0x6b: {  	_ =	shalt  }
0x6c: {  	_ =	shalt  }
0x6d: {  	_ =	shalt  }
0x6e: {  	_ =	shalt  }
0x6f: {  	_ =	shalt  }
0x70: {  	_ =	shalt  }
0x71: {  	_ =	shalt  }
0x72: {  	_ =	shalt  }
0x73: {  	_ =	shalt  }
0x74: {  	_ =	shalt  }
0x75: {  	_ =	shalt  }
0x76: {  	_ =	shalt  }
0x77: {  	_ =	shalt  }
0x78: {  	_ =	shalt  }
0x79: {  	_ =	shalt  }
0x7a: {  	_ =	shalt  }
0x7b: {  	_ =	shalt  }
0x7c: {  	_ =	shalt  }
0x7d: {  	_ =	shalt  }
0x7e: {  	_ =	shalt  }
0x7f: {  	_ =	shalt  }
0x80: {  	_ =	shalt  }
0x81: {  	_ =	shalt  }
0x82: {  	_ =	shalt  }
0x83: {  	_ =	shalt  }
0x84: {  	_ =	shalt  }
0x85: {  	_ =	shalt  }
0x86: {  	_ =	shalt  }
0x87: {  	_ =	shalt  }
.Lfunc_end0:
.L_simem_size_0:
called_computation.1_lowered:
.L_overlay_start_0:
0x88: {  	s2 =	sld [smem:$0x3FD9]  }
0x89: {  	s3 =	sld [smem:$0x3FFE];
	_ =	sdelay $0x1  }
0x8a: {  	s1 =	srdreg.scid  }
0x8b: {  	s0 =	sand.u32 $0x1, s1  }
0x8c: {  	s16 =	sshll.u32 s0, $0xA;
	s2 =	sadd.s32 s3, s2  }
0x8d: {  	s2 =	sadd.s32 s2, s16  }
0x8e: {  	[smem:$0x3FBF] =	sst s2  }
0x8f: {  	_ = 	snop  }
0x90: {  	(tm) =	ssettm $0x1  }
0x91: {  	s17 =	sld [smem:$0x3FFB];
	_ =	sdelay $0x3  }
0x92: {  	_ =	strace s17  }
0x93: {  	s2 =	sld [smem:$0x3FFC];
	_ =	sdelay $0x3  }
0x94: {  	_ =	strace s2  }
0x95: {  	s2 =	sld [smem:$0x3FFD];
	_ =	sdelay $0x3  }
0x96: {  	_ =	strace s2  }
0x97: {  	_ =	strace $0x8FFFFFFF  }
0x98: {  	s18 =	sld [smem:$0x3FDB];
	_ =	sdelay $0x1  }
0x99: {  	s19 =	simm.s32 $_scs_section_size  }
0x9a: {  	s4 =	simm.s32 $_size__tile_overlayer_lowered;
	s5 =	simm.s32 $_tile_overlayer_lowered  }
0x9b: {  	s22 =	simm.s32 $0x1BFF;
	s21 =	sshll.u32 s5, $0x1;
	s2 =	sadd.s32 s19, s18  }
0x9c: {  	s6 =	simm.s32 $0x0;
	s20 =	sshll.u32 s4, $0x1;
	s4 =	sadd.s32 s21, s2  }
0x9d: {  	[timem:s6], [sflag:s22] =	dma.local [hbm:s4], s20  }
0x9e: {  	_ =	swait.ge [sflag:s22], s20  }
0x9f: {  	s3 =	ssub.s32 $0x0, s20;
	[sflag:s22] =	ssyncset.done $0x0  }
0xa0: {  	[sflag:s22] =	ssyncadd.s32 s3;
	_ =	sdelay $0x1  }
0xa1: {  	s23 =	simm.s32 $0x1B8B  }
0xa2: {  	_ =	swait.ge [sflag:s23], $0x1  }
0xa3: {  	[sflag:s23] =	ssyncset.done $0x0  }
0xa4: {  	s25 =	simm.s32 $0x1B8E;
	s24 =	sld [smem:$0x3FFE];
	[sflag:s23] =	ssyncadd.s32 $0xFFFFFFFF  }
0xa5: {  	s26 =	simm.s32 $execute0_lowered;
	[smem:$0x3FD2] =	sst s25  }
0xa6: {  	s4 =	sshll.u32 s26, $0x1;
	_ =	strace $0x80000049;
	[dreg:$0x1] =	wrdreg $0xFFFFFFFF  }
0xa7: {  	s28 =	simm.s32 $_size_execute0_lowered;
	s2 =	sadd.s32 s2, s4;
	[dreg:$0x0] =	wrdreg $0x0  }
0xa8: {  	s4 =	sshll.u32 s28, $0x1;
	[dreg:$0x2] =	wrdreg s2  }
0xa9: {  	[dreg:$0x3] =	wrdreg s4  }
0xaa: {  	[dreg:$0x4] =	wrdreg $0xC0  }
0xab: {  	_ =	task [dreg:s6], $0x5FFFF  }
0xac: {  	[dreg:$0x1] =	wrdreg $0xFFFFFFFF  }
0xad: {  	[dreg:$0x0] =	wrdreg $0x60  }
0xae: {  	[dreg:$0x2] =	wrdreg s24  }
0xaf: {  	[dreg:$0x3] =	wrdreg $0x0  }
0xb0: {  	[dreg:$0x4] =	wrdreg $0x9  }
0xb1: {  	_ =	task.clear_ibuf [dreg:s6], $0x5FFFF;
	_ =	strace $0x90000049  }
0xb2: {  	s29 =	simm.s32 $0x9;
	_ =	strace $0x8000004B  }
0xb3: {  	_ =	swait.ge [sflag:s29], $0x1  }
0xb4: {  	[sflag:s29] =	ssyncadd.s32 $0xFFFFFFFF  }
0xb5: {  	_ =	strace $0x9000004B  }
0xb6: {  	_ =	sfence  }
0xb7: {  	s30 =	sld [smem:$0x0];
	_ =	sdelay $0x2  }
0xb8: {  	s31 =	sshll.u32 s1, $0xD;
	s1 =	sshrl.u32 s1, $0x2  }
0xb9: {  	s3 =	sand.u32 $0x4000, s31;
	s1 =	sadd.s32 s1, s30  }
0xba: {  	s0 =	sor.u32 s3, s0;
	s1 =	sshll.u32 s1, $0x11  }
0xbb: {  	s0 =	sor.u32 s1, s0  }
0xbc: {  	s0 =	sadd.s32 $0x8F2B, s0  }
0xbd: {  	[sflag:s0] =	ssyncadd.remote.s32 $0x1  }
0xbe: {  	_ =	sfence.sel $0xFFFF  }
0xbf: {  	[dreg:$0x0] =	wrdreg $0xFFFFFFFF;
	(pc) =	sbr.abs _section_cstart, $3  }
0xc0: {  	[dreg:$0x1] =	wrdreg $0xFFFFFFFF  }
0xc1: {  	_ =	task.clear_ibuf [dreg:s6], $0x2FFFF;
	_ =	strace $0x9FFFFFFF  }
0xc2: {  	(tm) =	ssettm $0x7FFFFFFF  }
0xc3: {  	_ =	shalt  }
tec
execute0_lowered:
.L_overlay_start_1:
0x0: {  	(tag) =	ssettag $0x1  }
0x1: {  	s0 =	rddreg [dreg:$0x0]  }
0x2: {  	s2 =	rddreg [dreg:$0x1]  }
0x3: {  	s1 =	srdreg.scid;
	s19 =	stileid.u32  }
0x4: {  	s3 =	simm.s32 $0x0;
	s29 =	simm.s32 $0x7;
	s30 =	simm.s32 $0x2  }
0x5: {  	s31 =	simm.s32 $0x8;
	s1 =	sand.u32 $0x1, s1;
	s5 =	smul.u32 $0x280, s19  }
0x6: {  	s4 =	sshll.u32 s19, $0x1;
	[smem:$0x7FF] =	sst s3;
	s24 =	smul.u32 $0x4E20, s19  }
0x7: {  	s8 =	sadd.s32 $0x3DE00, s0;
	s4 =	sor.u32 s1, s4;
	s11 =	smul.u32 $0x138800, s1  }
0x8: {  	_ =	strace $0x8000004A;
	s6 =	ssub.s32 $0x2, s1;
	s1 =	smul.u32 $0x2710, s1  }
0x9: {  	s4 =	smul.u32 $0x2710, s4;
	s5 =	smin.u32 s5, $0x2490;
	s7 =	sshrl.u32 s6, $0x1  }
0xa: {  	s5 =	sshll.u32 s5, $0x7;
	s6 =	ssub.s32 s6, s7;
	s1 =	sadd.s32 s1, s24  }
0xb: {  	s4 =	sshrl.u32 s4, $0x3;
	s7 =	sadd.s32 $0x2800, s5;
	s9 =	sadd.s32 $0x5000, s5  }
0xc: {  	s10 =	sadd.s32 $0x7800, s5;
	s14 =	sadd.s32 $0xA000, s5;
	s15 =	sadd.s32 $0xC800, s5  }
0xd: {  	s16 =	sadd.s32 $0xF000, s5;
	s17 =	sadd.s32 $0x11800, s5;
	s12 =	sadd.s32 s11, s5  }
0xe: {  	s13 =	sadd.s32 s11, s7;
	s12 =	sshrl.u32 s12, $0x3;
	s18 =	sadd.s32 s11, s9  }
0xf: {  	s20 =	sadd.s32 s11, s15;
	s23 =	sadd.s32 s11, s16;
	s19 =	sadd.s32 s7, s2  }
0x10: {  	s7 =	sadd.s32 s14, s2;
	s13 =	sshrl.u32 s13, $0x3;
	s12 =	sadd.s32 s8, s12  }
0x11: {  	s28 =	sshrl.u32 s18, $0x3;
	s18 =	sadd.s32 s11, s14;
	s22 =	sshrl.u32 s20, $0x3  }
0x12: {  	s20 =	sadd.s32 s9, s2;
	[dreg:$0xc] =	wrdreg s7;
	s9 =	sadd.s32 s16, s2  }
0x13: {  	s14 =	sadd.s32 $0x140, s1;
	s7 =	simm.s32 $0x6;
	[dreg:$0x3] =	wrdreg s12  }
0x14: {  	s26 =	sadd.s32 s8, s13;
	s12 =	sadd.s32 s8, s28;
	s13 =	sadd.s32 s11, s10  }
0x15: {  	s11 =	sadd.s32 s11, s17;
	[dreg:$0xe] =	wrdreg s9;
	s16 =	sshrl.u32 s14, $0x3  }
0x16: {  	s9 =	simm.s32 $0x1D800;
	s14 =	simm.s32 $0x18800;
	[dreg:$0x4] =	wrdreg s26  }
0x17: {  	[dreg:$0x5] =	wrdreg s12;
	s12 =	sshrl.u32 s13, $0x3;
	s13 =	sshrl.u32 s18, $0x3  }
0x18: {  	s11 =	sshrl.u32 s11, $0x3;
	s26 =	sadd.s32 s4, s0;
	s12 =	sadd.s32 s8, s12  }
0x19: {  	s18 =	sadd.s32 s5, s2;
	s21 =	sadd.s32 s8, s13;
	[dreg:$0x6] =	wrdreg s12  }
0x1a: {  	s5 =	simm.s32 $0x4;
	s28 =	sadd.s32 $0x3000, s26;
	[dreg:$0x7] =	wrdreg s21  }
0x1b: {  	s13 =	sshrl.u32 s23, $0x3;
	s23 =	sadd.s32 $0xF0, s1;
	[dreg:$0xb] =	wrdreg s28  }
0x1c: {  	s12 =	sadd.s32 s8, s22;
	s25 =	sadd.s32 s8, s13;
	[dreg:$0x14] =	wrdreg s23  }
0x1d: {  	s8 =	sadd.s32 s8, s11;
	s13 =	sadd.s32 $0xCE00, s0;
	[dreg:$0x8] =	wrdreg s12  }
0x1e: {  	s21 =	sadd.s32 s10, s2;
	s10 =	sadd.s32 s17, s2;
	[dreg:$0x9] =	wrdreg s25  }
0x1f: {  	s11 =	sadd.s32 $0x190, s1;
	s17 =	smax.u32 s6, $0x1;
	[dreg:$0xa] =	wrdreg s8  }
0x20: {  	s6 =	simm.s32 $0x5;
	s1 =	simm.s32 $0x1B000;
	[dreg:$0xf] =	wrdreg s10  }
0x21: {  	s23 =	simm.s32 $0x9;
	s8 =	sadd.s32 s15, s2;
	[dreg:$0x11] =	wrdreg s17  }
0x22: {  	s12 =	sadd.s32 $0x16C00, s0;
	s22 =	sadd.s32 s16, s13;
	[dreg:$0xd] =	wrdreg s8  }
0x23: {  	s15 =	sadd.s32 s13, s4;
	s0 =	sshrl.u32 s11, $0x3;
	[dreg:$0x13] =	wrdreg s22  }
0x24: {  	s4 =	simm.s32 $0x16000;
	s0 =	sadd.s32 s0, s13;
	[dreg:$0x10] =	wrdreg s15  }
0x25: {  	s10 =	simm.s32 $0x50;
	s24 =	sadd.s32 $0xA, s15;
	[dreg:$0x12] =	wrdreg s0  }
0x26: {  	s11 =	simm.s32 $0x1D880;
	s25 =	sadd.s32 $0x14, s15;
	[dreg:$0x15] =	wrdreg s24  }
0x27: {  	s26 =	sadd.s32 $0x4CE, s15;
	s28 =	sadd.s32 $0x4D8, s15;
	[dreg:$0x16] =	wrdreg s25  }
0x28: {  	s8 =	simm.s32 $0x1;
	s15 =	simm.s32 $0x0;
	[dreg:$0x17] =	wrdreg s26  }
0x29: {  	v0 =	vimm.f32 $0.0e+00;
	[dreg:$0x18] =	wrdreg s28;
	s24 =	simm.s32 $0x1D900;
	s0 =	simm.s32 $0x3  }
.LBB2_1:
0x2a: {  	s16 =	rddreg [dreg:$0xb];
	s17 =	simm.s32 $0x13880  }
0x2b: {  	[tilespmem:s17], [sflag:$0x1] =	stream.linear.gather [hbm4b:s16+s3], $0x2710, $0x38;
	[tilespmem:$0x1D980] =	vst v63  }
0x2c: {  	s16 =	simm.s32 $0x0;
	s17 =	simm.s32 $0x200  }
.LBB2_2:
0x2d: {  	p0 =	sne.s32 s17, $0x9E00;
	[tilespmem:s16+$0x16070] =	vst v0  }
0x2e: {  	[tilespmem:s16+$0x16000] =	vst v0  }
0x2f: {  	[tilespmem:s16+$0x16010] =	vst v0  }
.Ltmp0:
0x30: {  	[tilespmem:s16+$0x16020] =	vst v0;
	(pc) =	sbr.rel @p0 .LBB2_2-.Ltmp0, $4  }
0x31: {  	[tilespmem:s16+$0x16030] =	vst v0  }
0x32: {  	[tilespmem:s16+$0x16040] =	vst v0  }
0x33: {  	[tilespmem:s16+$0x16050] =	vst v0  }
0x34: {  	[tilespmem:s16+$0x16060] =	vst v0;
	s16 =	sshra.s32 s17, $0x2;
	s17 =	sadd.s32 $0x200, s17  }
0x35: {  	[tilespmem:s16+$0x16070] =	vst v0  }
0x36: {  	[tilespmem:s16+$0x16000] =	vst v0  }
0x37: {  	[tilespmem:s16+$0x16010] =	vst v0  }
0x38: {  	[tilespmem:s16+$0x16020] =	vst v0  }
0x39: {  	[tilespmem:s16+$0x16030] =	vst v0  }
0x3a: {  	[tilespmem:s16+$0x16040] =	vst v0  }
0x3b: {  	[tilespmem:s16+$0x16050] =	vst v0  }
0x3c: {  	[tilespmem:s16+$0x16060] =	vst v0  }
0x3d: {  	[spmem:s18] =	stream.linear.scatter [tilespmem:s4], [sflag:$0x4], $0x2800, $0x38;
	[tilespmem:$0x1D980] =	vst v63  }
0x3e: {  	_ = 	snop  }
0x3f: {  	[spmem:s19] =	stream.linear.scatter [tilespmem:s4], [sflag:$0x5], $0x2800, $0x38;
	[tilespmem:$0x1D980] =	vst v63  }
0x40: {  	_ = 	snop  }
0x41: {  	[spmem:s20] =	stream.linear.scatter [tilespmem:s4], [sflag:$0x6], $0x2800, $0x38;
	[tilespmem:$0x1D980] =	vst v63  }
0x42: {  	_ = 	snop  }
0x43: {  	[spmem:s21] =	stream.linear.scatter [tilespmem:s4], [sflag:$0x4], $0x2800, $0x38;
	[tilespmem:$0x1D980] =	vst v63  }
0x44: {  	s25 =	smov.u32 s19;
	s19 =	rddreg [dreg:$0xc]  }
0x45: {  	[spmem:s19] =	stream.linear.scatter [tilespmem:s4], [sflag:$0x5], $0x2800, $0x38;
	[tilespmem:$0x1D980] =	vst v63  }
0x46: {  	s26 =	smov.u32 s20;
	s20 =	rddreg [dreg:$0xd]  }
0x47: {  	[spmem:s20] =	stream.linear.scatter [tilespmem:s4], [sflag:$0x6], $0x2800, $0x38;
	[tilespmem:$0x1D980] =	vst v63  }
0x48: {  	s28 =	smov.u32 s21;
	s21 =	rddreg [dreg:$0xe]  }
0x49: {  	[spmem:s21] =	stream.linear.scatter [tilespmem:s4], [sflag:$0x4], $0x2800, $0x38;
	[tilespmem:$0x1D980] =	vst v63  }
0x4a: {  	s17 =	rddreg [dreg:$0xf]  }
0x4b: {  	[spmem:s17] =	stream.linear.scatter [tilespmem:s4], [sflag:$0x5], $0x2800, $0x38;
	[tilespmem:$0x1D980] =	vst v63  }
0x4c: {  	_ =	swait.ge [sflag:s5], $0x2800  }
0x4d: {  	[sflag:s5] =	ssyncset.done $0x0  }
0x4e: {  	[sflag:s5] =	ssyncadd.s32 $0xFFFFD800  }
0x4f: {  	_ =	swait.ge [sflag:s6], $0x2800  }
0x50: {  	[sflag:s6] =	ssyncset.done $0x0  }
0x51: {  	[sflag:s6] =	ssyncadd.s32 $0xFFFFD800  }
0x52: {  	_ =	swait.ge [sflag:s7], $0x2800  }
0x53: {  	[sflag:s7] =	ssyncset.done $0x0  }
0x54: {  	[sflag:s7] =	ssyncadd.s32 $0xFFFFD800  }
0x55: {  	_ =	swait.ge [sflag:s5], $0x2800  }
0x56: {  	[sflag:s5] =	ssyncset.done $0x0  }
0x57: {  	[sflag:s5] =	ssyncadd.s32 $0xFFFFD800  }
0x58: {  	_ =	swait.ge [sflag:s6], $0x2800  }
0x59: {  	[sflag:s6] =	ssyncset.done $0x0  }
0x5a: {  	[sflag:s6] =	ssyncadd.s32 $0xFFFFD800  }
0x5b: {  	_ =	swait.ge [sflag:s7], $0x2800  }
0x5c: {  	[sflag:s7] =	ssyncset.done $0x0  }
0x5d: {  	[sflag:s7] =	ssyncadd.s32 $0xFFFFD800  }
0x5e: {  	_ =	swait.ge [sflag:s5], $0x2800  }
0x5f: {  	[sflag:s5] =	ssyncset.done $0x0  }
0x60: {  	[sflag:s5] =	ssyncadd.s32 $0xFFFFD800  }
0x61: {  	_ =	swait.ge [sflag:s6], $0x2800  }
0x62: {  	[sflag:s6] =	ssyncset.done $0x0  }
0x63: {  	[sflag:s6] =	ssyncadd.s32 $0xFFFFD800  }
0x64: {  	_ =	swait.ge [sflag:s8], $0x2710  }
0x65: {  	[sflag:s8] =	ssyncset.done $0x0  }
0x66: {  	s16 =	simm.s32 $0x0;
	s17 =	rddreg [dreg:$0x10];
	[sflag:s8] =	ssyncadd.s32 $0xFFFFD8F0  }
0x67: {  	[tilespmem:s9], [sflag:$0x7] =	stream.linear.gather [hbm4b:s17+s16], $0x50, $0x38;
	[tilespmem:$0x1D980] =	vst v63  }
0x68: {  	s22 =	smov.u32 s18;
	s18 =	simm.s32 $0x13880  }
0x69: {  	[tilespmem:s4], [sflag:$0x1] =	stream.indirect.gather [hbm4b:s12+s10], $0x80, s18, s10, $0xb8;
	[tilespmem:$0x1D980] =	vst v63  }
0x6a: {  	s19 =	rddreg [dreg:$0x15]  }
0x6b: {  	[tilespmem:s11], [sflag:$0x8] =	stream.linear.gather [hbm4b:s19+s16], $0x50, $0x38;
	[tilespmem:$0x1D980] =	vst v63  }
0x6c: {  	s20 =	simm.s32 $0x138D0  }
0x6d: {  	[tilespmem:s14], [sflag:$0x2] =	stream.indirect.gather [hbm4b:s12+s10], $0x80, s20, s10, $0xb8;
	[tilespmem:$0x1D980] =	vst v63  }
0x6e: {  	s21 =	rddreg [dreg:$0x16]  }
0x6f: {  	[tilespmem:s24], [sflag:$0x9] =	stream.linear.gather [hbm4b:s21+s16], $0x50, $0x38;
	[tilespmem:$0x1D980] =	vst v63  }
0x70: {  	s17 =	simm.s32 $0x13920  }
0x71: {  	[tilespmem:s1], [sflag:$0x3] =	stream.indirect.gather [hbm4b:s12+s10], $0x80, s17, s10, $0xb8;
	[tilespmem:$0x1D980] =	vst v63  }
0x72: {  	[bflag:$0x0] =	sbarrier.arrive $0xFFFF  }
0x73: {  	_ =	swait.ge [sflag:s8], $0x2800  }
0x74: {  	[sflag:s8] =	ssyncset.done $0x0  }
0x75: {  	[sflag:s8] =	ssyncadd.s32 $0xFFFFD800  }
0x76: {  	_ =	swait.ge [sflag:s29], $0x50  }
0x77: {  	[sflag:s29] =	ssyncset.done $0x0  }
0x78: {  	[sflag:s29] =	ssyncadd.s32 $0xFFFFFFB0  }
0x79: {  	[spmem:s2] =	stream.indirect.scatter.add.f32 [tilespmem:s4], [sflag:$0x4], $0x80, s9, s10, $0xb8;
	[tilespmem:$0x1D980] =	vst v63  }
0x7a: {  	_ =	swait.ge [sflag:s5], $0x2800  }
0x7b: {  	s17 =	rddreg [dreg:$0x14]  }
0x7c: {  	[sflag:s5] =	ssyncset.done $0x0;
	s18 =	sshrl.u32 s17, $0x3  }
0x7d: {  	[sflag:s5] =	ssyncadd.s32 $0xFFFFD800;
	s16 =	sadd.s32 s13, s18  }
0x7e: {  	[tilespmem:s9], [sflag:$0x7] =	stream.linear.gather [hbm4b:s16+s3], $0x50, $0x38;
	[tilespmem:$0x1D980] =	vst v63  }
0x7f: {  	s19 =	simm.s32 $0x13970  }
0x80: {  	[tilespmem:s4], [sflag:$0x1] =	stream.indirect.gather [hbm4b:s12+s10], $0x80, s19, s10, $0xb8;
	[tilespmem:$0x1D980] =	vst v63  }
0x81: {  	_ =	swait.ge [sflag:s30], $0x2800  }
0x82: {  	[sflag:s30] =	ssyncset.done $0x0  }
0x83: {  	[sflag:s30] =	ssyncadd.s32 $0xFFFFD800  }
0x84: {  	_ =	swait.ge [sflag:s31], $0x50  }
0x85: {  	[sflag:s31] =	ssyncset.done $0x0  }
0x86: {  	[sflag:s31] =	ssyncadd.s32 $0xFFFFFFB0  }
0x87: {  	[spmem:s2] =	stream.indirect.scatter.add.f32 [tilespmem:s14], [sflag:$0x5], $0x80, s11, s10, $0xb8;
	[tilespmem:$0x1D980] =	vst v63  }
0x88: {  	_ =	swait.ge [sflag:s6], $0x2800  }
0x89: {  	[sflag:s6] =	ssyncset.done $0x0  }
0x8a: {  	s19 =	rddreg [dreg:$0x13];
	[sflag:s6] =	ssyncadd.s32 $0xFFFFD800  }
0x8b: {  	[tilespmem:s11], [sflag:$0x8] =	stream.linear.gather [hbm4b:s19+s3], $0x50, $0x38;
	[tilespmem:$0x1D980] =	vst v63  }
0x8c: {  	s20 =	simm.s32 $0x139C0  }
0x8d: {  	[tilespmem:s14], [sflag:$0x2] =	stream.indirect.gather [hbm4b:s12+s10], $0x80, s20, s10, $0xb8;
	[tilespmem:$0x1D980] =	vst v63  }
0x8e: {  	_ =	swait.ge [sflag:s0], $0x2800  }
0x8f: {  	[sflag:s0] =	ssyncset.done $0x0  }
0x90: {  	[sflag:s0] =	ssyncadd.s32 $0xFFFFD800  }
0x91: {  	_ =	swait.ge [sflag:s23], $0x50  }
0x92: {  	[sflag:s23] =	ssyncset.done $0x0  }
0x93: {  	[sflag:s23] =	ssyncadd.s32 $0xFFFFFFB0  }
0x94: {  	[spmem:s2] =	stream.indirect.scatter.add.f32 [tilespmem:s1], [sflag:$0x6], $0x80, s24, s10, $0xb8;
	[tilespmem:$0x1D980] =	vst v63  }
0x95: {  	s17 =	sadd.s32 $0xF0, s17;
	s16 =	simm.s32 $0x3C0;
	_ =	swait.ge [sflag:s7], $0x2800  }
0x96: {  	s19 =	sadd.s32 $0x1E, s19;
	[sflag:s7] =	ssyncset.done $0x0;
	s21 =	rddreg [dreg:$0x12]  }
0x97: {  	s20 =	simm.s32 $0x13A10;
	[sflag:s7] =	ssyncadd.s32 $0xFFFFD800;
	s18 =	sadd.s32 $0x1E, s21  }
0x98: {  	[tilespmem:s24], [sflag:$0x9] =	stream.linear.gather [hbm4b:s21+s3], $0x50, $0x38;
	[tilespmem:$0x1D980] =	vst v63  }
.LBB2_4:
0x99: {  	[tilespmem:s1], [sflag:$0x3] =	stream.indirect.gather [hbm4b:s12+s10], $0x80, s20, s10, $0xb8;
	[tilespmem:$0x1D980] =	vst v63  }
0x9a: {  	s20 =	smov.u32 s16  }
0x9b: {  	p0 =	sne.s32 s16, $0x9240;
	s16 =	sadd.s32 $0x3C0, s16;
	_ =	swait.ge [sflag:s8], $0x2800  }
0x9c: {  	[sflag:s8] =	ssyncset.done $0x0  }
0x9d: {  	[sflag:s8] =	ssyncadd.s32 $0xFFFFD800  }
0x9e: {  	_ =	swait.ge [sflag:s29], $0x50  }
0x9f: {  	[sflag:s29] =	ssyncset.done $0x0  }
0xa0: {  	[sflag:s29] =	ssyncadd.s32 $0xFFFFFFB0  }
0xa1: {  	[spmem:s2] =	stream.indirect.scatter.add.f32 [tilespmem:s4], [sflag:$0x4], $0x80, s9, s10, $0xb8;
	[tilespmem:$0x1D980] =	vst v63  }
0xa2: {  	_ =	swait.ge [sflag:s5], $0x2800  }
0xa3: {  	s21 =	sshrl.u32 s17, $0x3;
	[sflag:s5] =	ssyncset.done $0x0  }
0xa4: {  	s21 =	sadd.s32 s13, s21;
	s20 =	sshra.s32 s20, $0x2;
	[sflag:s5] =	ssyncadd.s32 $0xFFFFD800  }
0xa5: {  	[tilespmem:s9], [sflag:$0x7] =	stream.linear.gather [hbm4b:s21+s3], $0x50, $0x38;
	[tilespmem:$0x1D980] =	vst v63  }
0xa6: {  	s21 =	sadd.s32 $0x13970, s20  }
0xa7: {  	[tilespmem:s4], [sflag:$0x1] =	stream.indirect.gather [hbm4b:s12+s10], $0x80, s21, s10, $0xb8;
	[tilespmem:$0x1D980] =	vst v63  }
0xa8: {  	_ =	swait.ge [sflag:s30], $0x2800  }
0xa9: {  	[sflag:s30] =	ssyncset.done $0x0  }
0xaa: {  	[sflag:s30] =	ssyncadd.s32 $0xFFFFD800  }
0xab: {  	_ =	swait.ge [sflag:s31], $0x50  }
0xac: {  	[sflag:s31] =	ssyncset.done $0x0  }
0xad: {  	[sflag:s31] =	ssyncadd.s32 $0xFFFFFFB0  }
0xae: {  	[spmem:s2] =	stream.indirect.scatter.add.f32 [tilespmem:s14], [sflag:$0x5], $0x80, s11, s10, $0xb8;
	[tilespmem:$0x1D980] =	vst v63  }
0xaf: {  	_ =	swait.ge [sflag:s6], $0x2800  }
0xb0: {  	[sflag:s6] =	ssyncset.done $0x0  }
0xb1: {  	[sflag:s6] =	ssyncadd.s32 $0xFFFFD800  }
0xb2: {  	[tilespmem:s11], [sflag:$0x8] =	stream.linear.gather [hbm4b:s19+s3], $0x50, $0x38;
	[tilespmem:$0x1D980] =	vst v63  }
0xb3: {  	s21 =	sadd.s32 $0x139C0, s20  }
0xb4: {  	[tilespmem:s14], [sflag:$0x2] =	stream.indirect.gather [hbm4b:s12+s10], $0x80, s21, s10, $0xb8;
	[tilespmem:$0x1D980] =	vst v63  }
0xb5: {  	_ =	swait.ge [sflag:s0], $0x2800  }
0xb6: {  	[sflag:s0] =	ssyncset.done $0x0  }
0xb7: {  	[sflag:s0] =	ssyncadd.s32 $0xFFFFD800  }
0xb8: {  	_ =	swait.ge [sflag:s23], $0x50  }
0xb9: {  	[sflag:s23] =	ssyncset.done $0x0  }
0xba: {  	[sflag:s23] =	ssyncadd.s32 $0xFFFFFFB0  }
0xbb: {  	[spmem:s2] =	stream.indirect.scatter.add.f32 [tilespmem:s1], [sflag:$0x6], $0x80, s24, s10, $0xb8;
	[tilespmem:$0x1D980] =	vst v63  }
.Ltmp1:
0xbc: {  	_ =	swait.ge [sflag:s7], $0x2800;
	(pc) =	sbr.rel @p0 .LBB2_4-.Ltmp1, $4  }
0xbd: {  	[sflag:s7] =	ssyncset.done $0x0  }
0xbe: {  	s17 =	sadd.s32 $0xF0, s17;
	[sflag:s7] =	ssyncadd.s32 $0xFFFFD800  }
0xbf: {  	[tilespmem:s24], [sflag:$0x9] =	stream.linear.gather [hbm4b:s18+s3], $0x50, $0x38;
	[tilespmem:$0x1D980] =	vst v63  }
0xc0: {  	s20 =	sadd.s32 $0x13A10, s20;
	s19 =	sadd.s32 $0x1E, s19;
	s18 =	sadd.s32 $0x1E, s18  }
0xc1: {  	[tilespmem:s1], [sflag:$0x3] =	stream.indirect.gather [hbm4b:s12+s10], $0x80, s20, s10, $0xb8;
	[tilespmem:$0x1D980] =	vst v63  }
0xc2: {  	_ =	swait.ge [sflag:s8], $0x2800  }
0xc3: {  	[sflag:s8] =	ssyncset.done $0x0  }
0xc4: {  	[sflag:s8] =	ssyncadd.s32 $0xFFFFD800  }
0xc5: {  	_ =	swait.ge [sflag:s29], $0x50  }
0xc6: {  	[sflag:s29] =	ssyncset.done $0x0  }
0xc7: {  	[sflag:s29] =	ssyncadd.s32 $0xFFFFFFB0  }
0xc8: {  	[spmem:s2] =	stream.indirect.scatter.add.f32 [tilespmem:s4], [sflag:$0x4], $0x80, s9, s10, $0xb8;
	[tilespmem:$0x1D980] =	vst v63  }
0xc9: {  	_ =	swait.ge [sflag:s5], $0x2800  }
0xca: {  	[sflag:s5] =	ssyncset.done $0x0  }
0xcb: {  	s16 =	rddreg [dreg:$0x17];
	[sflag:s5] =	ssyncadd.s32 $0xFFFFD800  }
0xcc: {  	[tilespmem:s9], [sflag:$0x7] =	stream.linear.gather [hbm4b:s16+s3], $0x50, $0x38;
	[tilespmem:$0x1D980] =	vst v63  }
0xcd: {  	s19 =	simm.s32 $0x15EF0  }
0xce: {  	[tilespmem:s4], [sflag:$0x1] =	stream.indirect.gather [hbm4b:s12+s10], $0x80, s19, s10, $0xb8;
	[tilespmem:$0x1D980] =	vst v63  }
0xcf: {  	_ =	swait.ge [sflag:s30], $0x2800  }
0xd0: {  	[sflag:s30] =	ssyncset.done $0x0  }
0xd1: {  	[sflag:s30] =	ssyncadd.s32 $0xFFFFD800  }
0xd2: {  	_ =	swait.ge [sflag:s31], $0x50  }
0xd3: {  	[sflag:s31] =	ssyncset.done $0x0  }
0xd4: {  	[sflag:s31] =	ssyncadd.s32 $0xFFFFFFB0  }
0xd5: {  	[spmem:s2] =	stream.indirect.scatter.add.f32 [tilespmem:s14], [sflag:$0x5], $0x80, s11, s10, $0xb8;
	[tilespmem:$0x1D980] =	vst v63  }
0xd6: {  	_ =	swait.ge [sflag:s6], $0x2800  }
0xd7: {  	[sflag:s6] =	ssyncset.done $0x0  }
0xd8: {  	s20 =	rddreg [dreg:$0x18];
	[sflag:s6] =	ssyncadd.s32 $0xFFFFD800  }
0xd9: {  	[tilespmem:s11], [sflag:$0x8] =	stream.linear.gather [hbm4b:s20+s3], $0x50, $0x38;
	[tilespmem:$0x1D980] =	vst v63  }
0xda: {  	s21 =	simm.s32 $0x15F40  }
0xdb: {  	[tilespmem:s14], [sflag:$0x2] =	stream.indirect.gather [hbm4b:s12+s10], $0x80, s21, s10, $0xb8;
	[tilespmem:$0x1D980] =	vst v63  }
0xdc: {  	_ =	swait.ge [sflag:s0], $0x2800  }
0xdd: {  	[sflag:s0] =	ssyncset.done $0x0  }
0xde: {  	[sflag:s0] =	ssyncadd.s32 $0xFFFFD800  }
0xdf: {  	_ =	swait.ge [sflag:s23], $0x50  }
0xe0: {  	[sflag:s23] =	ssyncset.done $0x0  }
0xe1: {  	[sflag:s23] =	ssyncadd.s32 $0xFFFFFFB0  }
0xe2: {  	[spmem:s2] =	stream.indirect.scatter.add.f32 [tilespmem:s1], [sflag:$0x6], $0x80, s24, s10, $0xb8;
	[tilespmem:$0x1D980] =	vst v63  }
0xe3: {  	_ =	swait.ge [sflag:s7], $0x2800  }
0xe4: {  	[sflag:s7] =	ssyncset.done $0x0  }
0xe5: {  	[sflag:s7] =	ssyncadd.s32 $0xFFFFD800  }
0xe6: {  	_ =	swait.ge [sflag:s8], $0x2800  }
0xe7: {  	[sflag:s8] =	ssyncset.done $0x0  }
0xe8: {  	[sflag:s8] =	ssyncadd.s32 $0xFFFFD800  }
0xe9: {  	_ =	swait.ge [sflag:s29], $0x50  }
0xea: {  	[sflag:s29] =	ssyncset.done $0x0  }
0xeb: {  	[sflag:s29] =	ssyncadd.s32 $0xFFFFFFB0  }
0xec: {  	[spmem:s2] =	stream.indirect.scatter.add.f32 [tilespmem:s4], [sflag:$0x4], $0x80, s9, s10, $0xb8;
	[tilespmem:$0x1D980] =	vst v63  }
0xed: {  	_ =	swait.ge [sflag:s5], $0x2800  }
0xee: {  	[sflag:s5] =	ssyncset.done $0x0  }
0xef: {  	[sflag:s5] =	ssyncadd.s32 $0xFFFFD800  }
0xf0: {  	_ =	swait.ge [sflag:s30], $0x2800  }
0xf1: {  	[sflag:s30] =	ssyncset.done $0x0  }
0xf2: {  	[sflag:s30] =	ssyncadd.s32 $0xFFFFD800  }
0xf3: {  	_ =	swait.ge [sflag:s31], $0x50  }
0xf4: {  	[sflag:s31] =	ssyncset.done $0x0  }
0xf5: {  	[sflag:s31] =	ssyncadd.s32 $0xFFFFFFB0  }
0xf6: {  	[spmem:s2] =	stream.indirect.scatter.add.f32 [tilespmem:s14], [sflag:$0x5], $0x80, s11, s10, $0xb8;
	[tilespmem:$0x1D980] =	vst v63  }
0xf7: {  	_ =	swait.ge [sflag:s6], $0x2800  }
0xf8: {  	[sflag:s6] =	ssyncset.done $0x0  }
0xf9: {  	[sflag:s6] =	ssyncadd.s32 $0xFFFFD800  }
0xfa: {  	[bflag:$0x0] =	sbarrier.arrive $0xFFFF  }
0xfb: {  	[tilespmem:s4], [sflag:$0x1] =	stream.linear.gather [spmem:s22], $0x2800, $0x38;
	[tilespmem:$0x1D980] =	vst v63  }
0xfc: {  	_ =	swait.ge [sflag:s8], $0x2800  }
0xfd: {  	[sflag:s8] =	ssyncset.done $0x0  }
0xfe: {  	s18 =	smov.u32 s22;
	s22 =	rddreg [dreg:$0x3];
	[sflag:s8] =	ssyncadd.s32 $0xFFFFD800  }
0xff: {  	[hbm4b:s22+s3] =	stream.linear.scatter [tilespmem:s4], [sflag:$0x4], $0x2800, $0x38;
	[tilespmem:$0x1D980] =	vst v63  }
0x100: {  	_ = 	snop  }
0x101: {  	[tilespmem:s14], [sflag:$0x2] =	stream.linear.gather [spmem:s25], $0x2800, $0x38;
	[tilespmem:$0x1D980] =	vst v63  }
0x102: {  	_ =	swait.ge [sflag:s30], $0x2800  }
0x103: {  	[sflag:s30] =	ssyncset.done $0x0  }
0x104: {  	s19 =	smov.u32 s25;
	s25 =	rddreg [dreg:$0x4];
	[sflag:s30] =	ssyncadd.s32 $0xFFFFD800  }
0x105: {  	[hbm4b:s25+s3] =	stream.linear.scatter [tilespmem:s14], [sflag:$0x5], $0x2800, $0x38;
	[tilespmem:$0x1D980] =	vst v63  }
0x106: {  	_ =	swait.ge [sflag:s5], $0x2800  }
0x107: {  	[sflag:s5] =	ssyncset.done $0x0  }
0x108: {  	[sflag:s5] =	ssyncadd.s32 $0xFFFFD800  }
0x109: {  	[tilespmem:s4], [sflag:$0x1] =	stream.linear.gather [spmem:s26], $0x2800, $0x38;
	[tilespmem:$0x1D980] =	vst v63  }
0x10a: {  	_ =	swait.ge [sflag:s8], $0x2800  }
0x10b: {  	[sflag:s8] =	ssyncset.done $0x0  }
0x10c: {  	s20 =	smov.u32 s26;
	s26 =	rddreg [dreg:$0x5];
	[sflag:s8] =	ssyncadd.s32 $0xFFFFD800  }
0x10d: {  	[hbm4b:s26+s3] =	stream.linear.scatter [tilespmem:s4], [sflag:$0x4], $0x2800, $0x38;
	[tilespmem:$0x1D980] =	vst v63  }
0x10e: {  	_ =	swait.ge [sflag:s6], $0x2800  }
0x10f: {  	[sflag:s6] =	ssyncset.done $0x0  }
0x110: {  	[sflag:s6] =	ssyncadd.s32 $0xFFFFD800  }
0x111: {  	[tilespmem:s14], [sflag:$0x2] =	stream.linear.gather [spmem:s28], $0x2800, $0x38;
	[tilespmem:$0x1D980] =	vst v63  }
0x112: {  	_ =	swait.ge [sflag:s30], $0x2800  }
0x113: {  	[sflag:s30] =	ssyncset.done $0x0  }
0x114: {  	s17 =	rddreg [dreg:$0x6];
	[sflag:s30] =	ssyncadd.s32 $0xFFFFD800  }
0x115: {  	[hbm4b:s17+s3] =	stream.linear.scatter [tilespmem:s14], [sflag:$0x5], $0x2800, $0x38;
	[tilespmem:$0x1D980] =	vst v63  }
0x116: {  	_ =	swait.ge [sflag:s5], $0x2800  }
0x117: {  	[sflag:s5] =	ssyncset.done $0x0  }
0x118: {  	s22 =	rddreg [dreg:$0xc];
	[sflag:s5] =	ssyncadd.s32 $0xFFFFD800  }
0x119: {  	[tilespmem:s4], [sflag:$0x1] =	stream.linear.gather [spmem:s22], $0x2800, $0x38;
	[tilespmem:$0x1D980] =	vst v63  }
0x11a: {  	_ =	swait.ge [sflag:s8], $0x2800  }
0x11b: {  	[sflag:s8] =	ssyncset.done $0x0  }
0x11c: {  	s25 =	rddreg [dreg:$0x7];
	[sflag:s8] =	ssyncadd.s32 $0xFFFFD800  }
0x11d: {  	[hbm4b:s25+s3] =	stream.linear.scatter [tilespmem:s4], [sflag:$0x4], $0x2800, $0x38;
	[tilespmem:$0x1D980] =	vst v63  }
0x11e: {  	_ =	swait.ge [sflag:s6], $0x2800  }
0x11f: {  	[sflag:s6] =	ssyncset.done $0x0  }
0x120: {  	s26 =	rddreg [dreg:$0xd];
	[sflag:s6] =	ssyncadd.s32 $0xFFFFD800  }
0x121: {  	[tilespmem:s14], [sflag:$0x2] =	stream.linear.gather [spmem:s26], $0x2800, $0x38;
	[tilespmem:$0x1D980] =	vst v63  }
0x122: {  	_ =	swait.ge [sflag:s30], $0x2800  }
0x123: {  	[sflag:s30] =	ssyncset.done $0x0  }
0x124: {  	s21 =	smov.u32 s28;
	s28 =	rddreg [dreg:$0x8];
	[sflag:s30] =	ssyncadd.s32 $0xFFFFD800  }
0x125: {  	[hbm4b:s28+s3] =	stream.linear.scatter [tilespmem:s14], [sflag:$0x5], $0x2800, $0x38;
	[tilespmem:$0x1D980] =	vst v63  }
0x126: {  	_ =	swait.ge [sflag:s5], $0x2800  }
0x127: {  	[sflag:s5] =	ssyncset.done $0x0  }
0x128: {  	s17 =	rddreg [dreg:$0xe];
	[sflag:s5] =	ssyncadd.s32 $0xFFFFD800  }
0x129: {  	[tilespmem:s4], [sflag:$0x1] =	stream.linear.gather [spmem:s17], $0x2800, $0x38;
	[tilespmem:$0x1D980] =	vst v63  }
0x12a: {  	_ =	swait.ge [sflag:s8], $0x2800  }
0x12b: {  	[sflag:s8] =	ssyncset.done $0x0  }
0x12c: {  	s22 =	rddreg [dreg:$0x9];
	[sflag:s8] =	ssyncadd.s32 $0xFFFFD800  }
0x12d: {  	[hbm4b:s22+s3] =	stream.linear.scatter [tilespmem:s4], [sflag:$0x4], $0x2800, $0x38;
	[tilespmem:$0x1D980] =	vst v63  }
0x12e: {  	_ =	swait.ge [sflag:s6], $0x2800  }
0x12f: {  	[sflag:s6] =	ssyncset.done $0x0  }
0x130: {  	s25 =	rddreg [dreg:$0xf];
	[sflag:s6] =	ssyncadd.s32 $0xFFFFD800  }
0x131: {  	[tilespmem:s14], [sflag:$0x2] =	stream.linear.gather [spmem:s25], $0x2800, $0x38;
	[tilespmem:$0x1D980] =	vst v63  }
0x132: {  	_ =	swait.ge [sflag:s30], $0x2800  }
0x133: {  	[sflag:s30] =	ssyncset.done $0x0  }
0x134: {  	s26 =	rddreg [dreg:$0xa];
	[sflag:s30] =	ssyncadd.s32 $0xFFFFD800  }
0x135: {  	[hbm4b:s26+s3] =	stream.linear.scatter [tilespmem:s14], [sflag:$0x5], $0x2800, $0x38;
	[tilespmem:$0x1D980] =	vst v63  }
0x136: {  	_ =	swait.ge [sflag:s5], $0x2800  }
0x137: {  	[sflag:s5] =	ssyncset.done $0x0  }
0x138: {  	[sflag:s5] =	ssyncadd.s32 $0xFFFFD800  }
0x139: {  	_ =	swait.ge [sflag:s6], $0x2800  }
0x13a: {  	s15 =	sadd.s32 $0x1, s15;
	s28 =	rddreg [dreg:$0x11]  }
0x13b: {  	p0 =	sne.s32 s15, s28  }
.Ltmp2:
0x13c: {  	_ = 	snop;
	(pc) =	sbr.rel @p0 .LBB2_1-.Ltmp2, $3  }
0x13d: {  	_ =	sdelay $0x1  }
0x13e: {  	[sflag:s6] =	ssyncset.done $0x0  }
0x13f: {  	[sflag:s6] =	ssyncadd.s32 $0xFFFFD800  }
0x140: {  	_ =	sfence.sel $0x180000  }
0x141: {  	[bflag:$0x0] =	sbarrier.arrive $0xFFFF  }
0x142: {  	_ =	strace $0x9000004A  }
0x143: {  	s0 =	stileid.u32;
	[bflag:$0x2] =	sbarrier.arrive $0xFFFF  }
0x144: {  	p0 =	sne.s32 s0, $0x0;
	s0 =	rddreg [dreg:$0x2]  }
0x145: {  	s0 =	sadd.s32 @!p0 $0x100000, s0  }
0x146: {  	[sflag:s0] =	ssyncadd.tile.s32 @!p0 $0x1;
	_ =	shalt  }
.Lfunc_end2:
_tile_overlayer_lowered:
.L_overlay_start_2:
0x147: {  	(tag) =	ssettag $0x2  }
0x148: {  	s0 =	rddreg [dreg:$0x0];
	s2 =	stileid.u32  }
0x149: {  	s1 =	rddreg [dreg:$0x1];
	p0 =	sne.s32 s2, $0x0  }
0x14a: {  	s3 =	rddreg [dreg:$0x2];
	[bflag:$0x3] =	sbarrier.arrive $0xFFFF;
	s2 =	simm.s32 @!p0 $0x1C0A  }
0x14b: {  	[timem:s3], [sflag:s2] =	dma.local @!p0 [hbm:s0], s1  }
0x14c: {  	s0 =	simm.s32 @!p0 $0xA  }
0x14d: {  	_ =	swait.ge @!p0 [sflag:s0], s1  }
0x14e: {  	s1 =	ssub.s32 @!p0 $0x0, s1;
	[sflag:s0] =	ssyncset.done @!p0 $0x0  }
0x14f: {  	[sflag:s0] =	ssyncadd.s32 @!p0 s1  }
0x150: {  	[bflag:$0x3] =	sbarrier.arrive $0xFFFF  }
0x151: {  	_ =	shalt  }

// kernel: kernel.14.cloned.1.call-start
scs
__scs_entry_jumppad:
0x0: {  	(pc) =	sbr.rel $0x88, $3  }
0x1: {  	(tag) =	ssettag $0x0;
	lr =	simm.s32 $0x1  }
0x2: {  	[smem:$0x3F98] =	sst lr;
	_ =	strace $0xD0000000  }
0x3: {  	_ = 	snop  }
0x4: {  	_ = 	snop  }
0x5: {  	_ = 	snop  }
0x6: {  	_ = 	snop  }
0x7: {  	_ = 	snop  }
__scs_overlays_trampoline_lowered:
0x8: {  	[smem:$0x3FA7] =	sst s0  }
0x9: {  	[smem:$0x3FA8] =	sst s1  }
0xa: {  	[smem:$0x3FA9] =	sst s2  }
0xb: {  	[smem:$0x3FAA] =	sst s3  }
0xc: {  	[smem:$0x3FAB] =	sst s4  }
0xd: {  	[smem:$0x3FAC] =	sst s5  }
0xe: {  	[smem:$0x3FAD] =	sst s6  }
0xf: {  	[smem:$0x3FAE] =	sst s7  }
0x10: {  	[smem:$0x3FAF] =	sst s8  }
0x11: {  	[smem:$0x3FB0] =	sst s9;
	s0 =	simm.s32 @!p0 $0x0  }
0x12: {  	s1 =	sld [smem:$0x3F96];
	s0 =	simm.s32 @p0 $0x1  }
0x13: {  	[smem:$0x3FB1] =	sst s0;
	s0 =	simm.s32 @!p1 $0x0  }
0x14: {  	s2 =	sld [smem:$0x3F95];
	s0 =	simm.s32 @p1 $0x1  }
0x15: {  	[smem:$0x3FB2] =	sst s0;
	s0 =	simm.s32 @!p2 $0x0  }
0x16: {  	s3 =	sld [smem:$0x3FDB];
	s0 =	simm.s32 @p2 $0x1  }
0x17: {  	s4 =	simm.s32 $0x1BF5;
	[smem:$0x3FB4] =	sst s0  }
0x18: {  	s0 =	sld [smem:$0x3F97];
	_ =	swait.ge [sflag:s4], $0x0  }
0x19: {  	s7 =	sld [smem:$0x3F98]  }
0x1a: {  	s8 =	sadd.s32 $0xFFFFE003, lr  }
0x1b: {  	s9 =	sadd.s32 $0xFFFFFEF7, lr;
	s5 =	simm.s32 $0xFFFFFFFF;
	p2 =	slt.u32 s8, $0xFFFFF086  }
0x1c: {  	p1 =	slt.u32 s9, $0xF7A;
	s5 =	simm.s32 @!p2 $0x0  }
0x1d: {  	s5 =	simm.s32 @p1 $0x1;
	p0 =	seq.s32 s7, s2  }
0x1e: {  	s7 =	smul.u32 @!p0 $0xF7A, s2;
	p2 =	seq.s32 @!p0 s5, $0x0  }
0x1f: {  	s9 =	smul.u32 $0xF7A, s1;
	s8 =	simm.s32 @!p0 $0x1BF5;
	p2 =	por !p2, p0  }
0x20: {  	[sflag:s8] =	ssyncset.s32 @!p0 $0xFFFFF086;
	s6 =	sadd.s32 @!p0 s3, s7;
	s7 =	simm.s32 @!p0 $0x108  }
0x21: {  	s3 =	sadd.s32 s3, s9;
	s6 =	sadd.s32 @!p0 $0x88, s6;
	s7 =	simm.s32 @p2 $0x1082  }
0x22: {  	[simem:s7], [sflag:s8] =	dma.local @!p0 [hbm:s6], $0xF7A  }
0x23: {  	s9 =	sor.u32 $0xD0000000, s2;
	s6 =	simm.s32 $0x108;
	_ =	swait.ge @!p0 [sflag:s8], $0x0  }
0x24: {  	s3 =	sadd.s32 $0x88, s3;
	s6 =	simm.s32 @!p1 $0x1082;
	[sflag:s4] =	ssyncset.s32 $0xFFFFF086  }
0x25: {  	[simem:s6], [sflag:s4] =	dma.local [hbm:s3], $0xF7A  }
0x26: {  	[smem:$0x3F98] =	sst s1;
	(tag) =	ssettag s2;
	_ =	strace s9  }
0x27: {  	s1 =	sld [smem:$0x3FA8]  }
0x28: {  	s2 =	sld [smem:$0x3FA9]  }
0x29: {  	s4 =	sld [smem:$0x3FAB]  }
0x2a: {  	p0 =	seq.s32 s5, $0x0;
	s5 =	sld [smem:$0x3FAC]  }
0x2b: {  	s6 =	sld [smem:$0x3FAD]  }
0x2c: {  	s7 =	sld [smem:$0x3FAE]  }
0x2d: {  	s3 =	simm.s32 $0x108;
	s8 =	sld [smem:$0x3FAF]  }
0x2e: {  	s3 =	simm.s32 @!p0 $0x1082;
	s9 =	sld [smem:$0x3FB0]  }
0x2f: {  	lr =	sadd.s32 s0, s3;
	s0 =	sld [smem:$0x3FA7]  }
0x30: {  	s3 =	sld [smem:$0x3FAA]  }
0x31: {  	[smem:$0x3FB3] =	sst s10  }
0x32: {  	s10 =	sld [smem:$0x3FB1];
	_ =	sdelay $0x3  }
0x33: {  	p0 =	seq.s32 s10, $0x1;
	s10 =	sld [smem:$0x3FB3];
	_ =	sdelay $0x3  }
0x34: {  	[smem:$0x3FB3] =	sst s10  }
0x35: {  	s10 =	sld [smem:$0x3FB2];
	_ =	sdelay $0x3  }
0x36: {  	p1 =	seq.s32 s10, $0x1;
	s10 =	sld [smem:$0x3FB3];
	_ =	sdelay $0x3  }
0x37: {  	[smem:$0x3FB3] =	sst s10  }
0x38: {  	s10 =	sld [smem:$0x3FB4]  }
0x39: {  	_ = 	snop;
	(pc) =	sbr.ind lr, $3  }
0x3a: {  	_ = 	snop  }
0x3b: {  	_ = 	snop  }
0x3c: {  	p2 =	seq.s32 s10, $0x1;
	s10 =	sld [smem:$0x3FB3]  }
0x3d: {  	_ =	shalt  }
0x3e: {  	_ =	shalt  }
0x3f: {  	_ =	shalt  }
0x40: {  	_ =	shalt  }
0x41: {  	_ =	shalt  }
0x42: {  	_ =	shalt  }
0x43: {  	_ =	shalt  }
0x44: {  	_ =	shalt  }
0x45: {  	_ =	shalt  }
0x46: {  	_ =	shalt  }
0x47: {  	_ =	shalt  }
0x48: {  	_ =	shalt  }
0x49: {  	_ =	shalt  }
0x4a: {  	_ =	shalt  }
0x4b: {  	_ =	shalt  }
0x4c: {  	_ =	shalt  }
0x4d: {  	_ =	shalt  }
0x4e: {  	_ =	shalt  }
0x4f: {  	_ =	shalt  }
0x50: {  	_ =	shalt  }
0x51: {  	_ =	shalt  }
0x52: {  	_ =	shalt  }
0x53: {  	_ =	shalt  }
0x54: {  	_ =	shalt  }
0x55: {  	_ =	shalt  }
0x56: {  	_ =	shalt  }
0x57: {  	_ =	shalt  }
0x58: {  	_ =	shalt  }
0x59: {  	_ =	shalt  }
0x5a: {  	_ =	shalt  }
0x5b: {  	_ =	shalt  }
0x5c: {  	_ =	shalt  }
0x5d: {  	_ =	shalt  }
0x5e: {  	_ =	shalt  }
0x5f: {  	_ =	shalt  }
0x60: {  	_ =	shalt  }
0x61: {  	_ =	shalt  }
0x62: {  	_ =	shalt  }
0x63: {  	_ =	shalt  }
0x64: {  	_ =	shalt  }
0x65: {  	_ =	shalt  }
0x66: {  	_ =	shalt  }
0x67: {  	_ =	shalt  }
0x68: {  	_ =	shalt  }
0x69: {  	_ =	shalt  }
0x6a: {  	_ =	shalt  }
0x6b: {  	_ =	shalt  }
0x6c: {  	_ =	shalt  }
0x6d: {  	_ =	shalt  }
0x6e: {  	_ =	shalt  }
0x6f: {  	_ =	shalt  }
0x70: {  	_ =	shalt  }
0x71: {  	_ =	shalt  }
0x72: {  	_ =	shalt  }
0x73: {  	_ =	shalt  }
0x74: {  	_ =	shalt  }
0x75: {  	_ =	shalt  }
0x76: {  	_ =	shalt  }
0x77: {  	_ =	shalt  }
0x78: {  	_ =	shalt  }
0x79: {  	_ =	shalt  }
0x7a: {  	_ =	shalt  }
0x7b: {  	_ =	shalt  }
0x7c: {  	_ =	shalt  }
0x7d: {  	_ =	shalt  }
0x7e: {  	_ =	shalt  }
0x7f: {  	_ =	shalt  }
0x80: {  	_ =	shalt  }
0x81: {  	_ =	shalt  }
0x82: {  	_ =	shalt  }
0x83: {  	_ =	shalt  }
0x84: {  	_ =	shalt  }
0x85: {  	_ =	shalt  }
0x86: {  	_ =	shalt  }
0x87: {  	_ =	shalt  }
.Lfunc_end0:
.L_simem_size_0:
called_computation.2_lowered:
.L_overlay_start_0:
0x88: {  	s2 =	sld [smem:$0x3FD9]  }
0x89: {  	s3 =	sld [smem:$0x3FFE];
	_ =	sdelay $0x1  }
0x8a: {  	s1 =	srdreg.scid  }
0x8b: {  	s0 =	sand.u32 $0x1, s1  }
0x8c: {  	s16 =	sshll.u32 s0, $0xA;
	s2 =	sadd.s32 s3, s2  }
0x8d: {  	s2 =	sadd.s32 s2, s16  }
0x8e: {  	[smem:$0x3FBF] =	sst s2  }
0x8f: {  	_ = 	snop  }
0x90: {  	(tm) =	ssettm $0x1  }
0x91: {  	s17 =	sld [smem:$0x3FFB];
	_ =	sdelay $0x3  }
0x92: {  	_ =	strace s17  }
0x93: {  	s2 =	sld [smem:$0x3FFC];
	_ =	sdelay $0x3  }
0x94: {  	_ =	strace s2  }
0x95: {  	s2 =	sld [smem:$0x3FFD];
	_ =	sdelay $0x3  }
0x96: {  	_ =	strace s2  }
0x97: {  	_ =	strace $0x8FFFFFFF  }
0x98: {  	s18 =	sld [smem:$0x3FDB];
	_ =	sdelay $0x1  }
0x99: {  	s19 =	simm.s32 $_scs_section_size  }
0x9a: {  	s4 =	simm.s32 $_size__tile_overlayer_lowered;
	s5 =	simm.s32 $_tile_overlayer_lowered  }
0x9b: {  	s22 =	simm.s32 $0x1BFF;
	s21 =	sshll.u32 s5, $0x1;
	s2 =	sadd.s32 s19, s18  }
0x9c: {  	s6 =	simm.s32 $0x0;
	s20 =	sshll.u32 s4, $0x1;
	s4 =	sadd.s32 s21, s2  }
0x9d: {  	[timem:s6], [sflag:s22] =	dma.local [hbm:s4], s20  }
0x9e: {  	_ =	swait.ge [sflag:s22], s20  }
0x9f: {  	s3 =	ssub.s32 $0x0, s20;
	[sflag:s22] =	ssyncset.done $0x0  }
0xa0: {  	[sflag:s22] =	ssyncadd.s32 s3;
	_ =	sdelay $0x1  }
0xa1: {  	s23 =	simm.s32 $0x1B8B  }
0xa2: {  	_ =	swait.ge [sflag:s23], $0x1  }
0xa3: {  	[sflag:s23] =	ssyncset.done $0x0  }
0xa4: {  	s25 =	simm.s32 $0x1B8E;
	s24 =	sld [smem:$0x3FFE];
	[sflag:s23] =	ssyncadd.s32 $0xFFFFFFFF  }
0xa5: {  	s26 =	simm.s32 $execute0_lowered;
	[smem:$0x3FD2] =	sst s25  }
0xa6: {  	s4 =	sshll.u32 s26, $0x1;
	_ =	strace $0x8000004C;
	[dreg:$0x1] =	wrdreg $0xFFFFFFFF  }
0xa7: {  	s28 =	simm.s32 $_size_execute0_lowered;
	s2 =	sadd.s32 s2, s4;
	[dreg:$0x0] =	wrdreg $0x0  }
0xa8: {  	s4 =	sshll.u32 s28, $0x1;
	[dreg:$0x2] =	wrdreg s2  }
0xa9: {  	[dreg:$0x3] =	wrdreg s4  }
0xaa: {  	[dreg:$0x4] =	wrdreg $0xC0  }
0xab: {  	_ =	task [dreg:s6], $0x5FFFF  }
0xac: {  	[dreg:$0x1] =	wrdreg $0xFFFFFFFF  }
0xad: {  	[dreg:$0x0] =	wrdreg $0x60  }
0xae: {  	[dreg:$0x2] =	wrdreg s24  }
0xaf: {  	[dreg:$0x3] =	wrdreg $0x0  }
0xb0: {  	[dreg:$0x4] =	wrdreg $0x9  }
0xb1: {  	_ =	task.clear_ibuf [dreg:s6], $0x5FFFF;
	_ =	strace $0x9000004C  }
0xb2: {  	s29 =	simm.s32 $0x9;
	_ =	strace $0x8000004E  }
0xb3: {  	_ =	swait.ge [sflag:s29], $0x1  }
0xb4: {  	[sflag:s29] =	ssyncadd.s32 $0xFFFFFFFF  }
0xb5: {  	_ =	strace $0x9000004E  }
0xb6: {  	_ =	sfence  }
0xb7: {  	s30 =	sld [smem:$0x0];
	_ =	sdelay $0x2  }
0xb8: {  	s31 =	sshll.u32 s1, $0xD;
	s1 =	sshrl.u32 s1, $0x2  }
0xb9: {  	s3 =	sand.u32 $0x4000, s31;
	s1 =	sadd.s32 s1, s30  }
0xba: {  	s0 =	sor.u32 s3, s0;
	s1 =	sshll.u32 s1, $0x11  }
0xbb: {  	s0 =	sor.u32 s1, s0  }
0xbc: {  	s0 =	sadd.s32 $0x8F2B, s0  }
0xbd: {  	[sflag:s0] =	ssyncadd.remote.s32 $0x1  }
0xbe: {  	_ =	sfence.sel $0xFFFF  }
0xbf: {  	[dreg:$0x0] =	wrdreg $0xFFFFFFFF;
	(pc) =	sbr.abs _section_cstart, $3  }
0xc0: {  	[dreg:$0x1] =	wrdreg $0xFFFFFFFF  }
0xc1: {  	_ =	task.clear_ibuf [dreg:s6], $0x2FFFF;
	_ =	strace $0x9FFFFFFF  }
0xc2: {  	(tm) =	ssettm $0x7FFFFFFF  }
0xc3: {  	_ =	shalt  }
tec
execute0_lowered:
.L_overlay_start_1:
0x0: {  	(tag) =	ssettag $0x1  }
0x1: {  	s0 =	rddreg [dreg:$0x0]  }
0x2: {  	s2 =	rddreg [dreg:$0x1]  }
0x3: {  	s1 =	srdreg.scid;
	s19 =	stileid.u32  }
0x4: {  	s3 =	simm.s32 $0x0;
	s29 =	simm.s32 $0x7;
	s30 =	simm.s32 $0x2  }
0x5: {  	s31 =	simm.s32 $0x8;
	s1 =	sand.u32 $0x1, s1;
	s5 =	smul.u32 $0x280, s19  }
0x6: {  	s4 =	sshll.u32 s19, $0x1;
	[smem:$0x7FF] =	sst s3;
	s24 =	smul.u32 $0x4E20, s19  }
0x7: {  	s8 =	sadd.s32 $0x3DE00, s0;
	s4 =	sor.u32 s1, s4;
	s11 =	smul.u32 $0x138800, s1  }
0x8: {  	_ =	strace $0x8000004D;
	s6 =	ssub.s32 $0x2, s1;
	s1 =	smul.u32 $0x2710, s1  }
0x9: {  	s4 =	smul.u32 $0x2710, s4;
	s5 =	smin.u32 s5, $0x2490;
	s7 =	sshrl.u32 s6, $0x1  }
0xa: {  	s5 =	sshll.u32 s5, $0x7;
	s6 =	ssub.s32 s6, s7;
	s1 =	sadd.s32 s1, s24  }
0xb: {  	s4 =	sshrl.u32 s4, $0x3;
	s7 =	sadd.s32 $0x2800, s5;
	s9 =	sadd.s32 $0x5000, s5  }
0xc: {  	s10 =	sadd.s32 $0x7800, s5;
	s14 =	sadd.s32 $0xA000, s5;
	s15 =	sadd.s32 $0xC800, s5  }
0xd: {  	s16 =	sadd.s32 $0xF000, s5;
	s17 =	sadd.s32 $0x11800, s5;
	s12 =	sadd.s32 s11, s5  }
0xe: {  	s13 =	sadd.s32 s11, s7;
	s12 =	sshrl.u32 s12, $0x3;
	s18 =	sadd.s32 s11, s9  }
0xf: {  	s20 =	sadd.s32 s11, s15;
	s23 =	sadd.s32 s11, s16;
	s19 =	sadd.s32 s7, s2  }
0x10: {  	s7 =	sadd.s32 s14, s2;
	s13 =	sshrl.u32 s13, $0x3;
	s12 =	sadd.s32 s8, s12  }
0x11: {  	s28 =	sshrl.u32 s18, $0x3;
	s18 =	sadd.s32 s11, s14;
	s22 =	sshrl.u32 s20, $0x3  }
0x12: {  	s20 =	sadd.s32 s9, s2;
	[dreg:$0xc] =	wrdreg s7;
	s9 =	sadd.s32 s16, s2  }
0x13: {  	s14 =	sadd.s32 $0x140, s1;
	s7 =	simm.s32 $0x6;
	[dreg:$0x3] =	wrdreg s12  }
0x14: {  	s26 =	sadd.s32 s8, s13;
	s12 =	sadd.s32 s8, s28;
	s13 =	sadd.s32 s11, s10  }
0x15: {  	s11 =	sadd.s32 s11, s17;
	[dreg:$0xe] =	wrdreg s9;
	s16 =	sshrl.u32 s14, $0x3  }
0x16: {  	s9 =	simm.s32 $0x1D800;
	s14 =	simm.s32 $0x18800;
	[dreg:$0x4] =	wrdreg s26  }
0x17: {  	[dreg:$0x5] =	wrdreg s12;
	s12 =	sshrl.u32 s13, $0x3;
	s13 =	sshrl.u32 s18, $0x3  }
0x18: {  	s11 =	sshrl.u32 s11, $0x3;
	s26 =	sadd.s32 s4, s0;
	s12 =	sadd.s32 s8, s12  }
0x19: {  	s18 =	sadd.s32 s5, s2;
	s21 =	sadd.s32 s8, s13;
	[dreg:$0x6] =	wrdreg s12  }
0x1a: {  	s5 =	simm.s32 $0x4;
	s28 =	sadd.s32 $0x3000, s26;
	[dreg:$0x7] =	wrdreg s21  }
0x1b: {  	s13 =	sshrl.u32 s23, $0x3;
	s23 =	sadd.s32 $0xF0, s1;
	[dreg:$0xb] =	wrdreg s28  }
0x1c: {  	s12 =	sadd.s32 s8, s22;
	s25 =	sadd.s32 s8, s13;
	[dreg:$0x14] =	wrdreg s23  }
0x1d: {  	s8 =	sadd.s32 s8, s11;
	s13 =	sadd.s32 $0xCE00, s0;
	[dreg:$0x8] =	wrdreg s12  }
0x1e: {  	s21 =	sadd.s32 s10, s2;
	s10 =	sadd.s32 s17, s2;
	[dreg:$0x9] =	wrdreg s25  }
0x1f: {  	s11 =	sadd.s32 $0x190, s1;
	s17 =	smax.u32 s6, $0x1;
	[dreg:$0xa] =	wrdreg s8  }
0x20: {  	s6 =	simm.s32 $0x5;
	s1 =	simm.s32 $0x1B000;
	[dreg:$0xf] =	wrdreg s10  }
0x21: {  	s23 =	simm.s32 $0x9;
	s8 =	sadd.s32 s15, s2;
	[dreg:$0x11] =	wrdreg s17  }
0x22: {  	s12 =	sadd.s32 $0x16C00, s0;
	s22 =	sadd.s32 s16, s13;
	[dreg:$0xd] =	wrdreg s8  }
0x23: {  	s15 =	sadd.s32 s13, s4;
	s0 =	sshrl.u32 s11, $0x3;
	[dreg:$0x13] =	wrdreg s22  }
0x24: {  	s4 =	simm.s32 $0x16000;
	s0 =	sadd.s32 s0, s13;
	[dreg:$0x10] =	wrdreg s15  }
0x25: {  	s10 =	simm.s32 $0x50;
	s24 =	sadd.s32 $0xA, s15;
	[dreg:$0x12] =	wrdreg s0  }
0x26: {  	s11 =	simm.s32 $0x1D880;
	s25 =	sadd.s32 $0x14, s15;
	[dreg:$0x15] =	wrdreg s24  }
0x27: {  	s26 =	sadd.s32 $0x4CE, s15;
	s28 =	sadd.s32 $0x4D8, s15;
	[dreg:$0x16] =	wrdreg s25  }
0x28: {  	s8 =	simm.s32 $0x1;
	s15 =	simm.s32 $0x0;
	[dreg:$0x17] =	wrdreg s26  }
0x29: {  	v0 =	vimm.f32 $0.0e+00;
	[dreg:$0x18] =	wrdreg s28;
	s24 =	simm.s32 $0x1D900;
	s0 =	simm.s32 $0x3  }
.LBB2_1:
0x2a: {  	s16 =	rddreg [dreg:$0xb];
	s17 =	simm.s32 $0x13880  }
0x2b: {  	[tilespmem:s17], [sflag:$0x1] =	stream.linear.gather [hbm4b:s16+s3], $0x2710, $0x38;
	[tilespmem:$0x1D980] =	vst v63  }
0x2c: {  	s16 =	simm.s32 $0x0;
	s17 =	simm.s32 $0x200  }
.LBB2_2:
0x2d: {  	p0 =	sne.s32 s17, $0x9E00;
	[tilespmem:s16+$0x16070] =	vst v0  }
0x2e: {  	[tilespmem:s16+$0x16000] =	vst v0  }
0x2f: {  	[tilespmem:s16+$0x16010] =	vst v0  }
.Ltmp0:
0x30: {  	[tilespmem:s16+$0x16020] =	vst v0;
	(pc) =	sbr.rel @p0 .LBB2_2-.Ltmp0, $4  }
0x31: {  	[tilespmem:s16+$0x16030] =	vst v0  }
0x32: {  	[tilespmem:s16+$0x16040] =	vst v0  }
0x33: {  	[tilespmem:s16+$0x16050] =	vst v0  }
0x34: {  	[tilespmem:s16+$0x16060] =	vst v0;
	s16 =	sshra.s32 s17, $0x2;
	s17 =	sadd.s32 $0x200, s17  }
0x35: {  	[tilespmem:s16+$0x16070] =	vst v0  }
0x36: {  	[tilespmem:s16+$0x16000] =	vst v0  }
0x37: {  	[tilespmem:s16+$0x16010] =	vst v0  }
0x38: {  	[tilespmem:s16+$0x16020] =	vst v0  }
0x39: {  	[tilespmem:s16+$0x16030] =	vst v0  }
0x3a: {  	[tilespmem:s16+$0x16040] =	vst v0  }
0x3b: {  	[tilespmem:s16+$0x16050] =	vst v0  }
0x3c: {  	[tilespmem:s16+$0x16060] =	vst v0  }
0x3d: {  	[spmem:s18] =	stream.linear.scatter [tilespmem:s4], [sflag:$0x4], $0x2800, $0x38;
	[tilespmem:$0x1D980] =	vst v63  }
0x3e: {  	_ = 	snop  }
0x3f: {  	[spmem:s19] =	stream.linear.scatter [tilespmem:s4], [sflag:$0x5], $0x2800, $0x38;
	[tilespmem:$0x1D980] =	vst v63  }
0x40: {  	_ = 	snop  }
0x41: {  	[spmem:s20] =	stream.linear.scatter [tilespmem:s4], [sflag:$0x6], $0x2800, $0x38;
	[tilespmem:$0x1D980] =	vst v63  }
0x42: {  	_ = 	snop  }
0x43: {  	[spmem:s21] =	stream.linear.scatter [tilespmem:s4], [sflag:$0x4], $0x2800, $0x38;
	[tilespmem:$0x1D980] =	vst v63  }
0x44: {  	s25 =	smov.u32 s19;
	s19 =	rddreg [dreg:$0xc]  }
0x45: {  	[spmem:s19] =	stream.linear.scatter [tilespmem:s4], [sflag:$0x5], $0x2800, $0x38;
	[tilespmem:$0x1D980] =	vst v63  }
0x46: {  	s26 =	smov.u32 s20;
	s20 =	rddreg [dreg:$0xd]  }
0x47: {  	[spmem:s20] =	stream.linear.scatter [tilespmem:s4], [sflag:$0x6], $0x2800, $0x38;
	[tilespmem:$0x1D980] =	vst v63  }
0x48: {  	s28 =	smov.u32 s21;
	s21 =	rddreg [dreg:$0xe]  }
0x49: {  	[spmem:s21] =	stream.linear.scatter [tilespmem:s4], [sflag:$0x4], $0x2800, $0x38;
	[tilespmem:$0x1D980] =	vst v63  }
0x4a: {  	s17 =	rddreg [dreg:$0xf]  }
0x4b: {  	[spmem:s17] =	stream.linear.scatter [tilespmem:s4], [sflag:$0x5], $0x2800, $0x38;
	[tilespmem:$0x1D980] =	vst v63  }
0x4c: {  	_ =	swait.ge [sflag:s5], $0x2800  }
0x4d: {  	[sflag:s5] =	ssyncset.done $0x0  }
0x4e: {  	[sflag:s5] =	ssyncadd.s32 $0xFFFFD800  }
0x4f: {  	_ =	swait.ge [sflag:s6], $0x2800  }
0x50: {  	[sflag:s6] =	ssyncset.done $0x0  }
0x51: {  	[sflag:s6] =	ssyncadd.s32 $0xFFFFD800  }
0x52: {  	_ =	swait.ge [sflag:s7], $0x2800  }
0x53: {  	[sflag:s7] =	ssyncset.done $0x0  }
0x54: {  	[sflag:s7] =	ssyncadd.s32 $0xFFFFD800  }
0x55: {  	_ =	swait.ge [sflag:s5], $0x2800  }
0x56: {  	[sflag:s5] =	ssyncset.done $0x0  }
0x57: {  	[sflag:s5] =	ssyncadd.s32 $0xFFFFD800  }
0x58: {  	_ =	swait.ge [sflag:s6], $0x2800  }
0x59: {  	[sflag:s6] =	ssyncset.done $0x0  }
0x5a: {  	[sflag:s6] =	ssyncadd.s32 $0xFFFFD800  }
0x5b: {  	_ =	swait.ge [sflag:s7], $0x2800  }
0x5c: {  	[sflag:s7] =	ssyncset.done $0x0  }
0x5d: {  	[sflag:s7] =	ssyncadd.s32 $0xFFFFD800  }
0x5e: {  	_ =	swait.ge [sflag:s5], $0x2800  }
0x5f: {  	[sflag:s5] =	ssyncset.done $0x0  }
0x60: {  	[sflag:s5] =	ssyncadd.s32 $0xFFFFD800  }
0x61: {  	_ =	swait.ge [sflag:s6], $0x2800  }
0x62: {  	[sflag:s6] =	ssyncset.done $0x0  }
0x63: {  	[sflag:s6] =	ssyncadd.s32 $0xFFFFD800  }
0x64: {  	_ =	swait.ge [sflag:s8], $0x2710  }
0x65: {  	[sflag:s8] =	ssyncset.done $0x0  }
0x66: {  	s16 =	simm.s32 $0x0;
	s17 =	rddreg [dreg:$0x10];
	[sflag:s8] =	ssyncadd.s32 $0xFFFFD8F0  }
0x67: {  	[tilespmem:s9], [sflag:$0x7] =	stream.linear.gather [hbm4b:s17+s16], $0x50, $0x38;
	[tilespmem:$0x1D980] =	vst v63  }
0x68: {  	s22 =	smov.u32 s18;
	s18 =	simm.s32 $0x13880  }
0x69: {  	[tilespmem:s4], [sflag:$0x1] =	stream.indirect.gather [hbm4b:s12+s10], $0x80, s18, s10, $0xb8;
	[tilespmem:$0x1D980] =	vst v63  }
0x6a: {  	s19 =	rddreg [dreg:$0x15]  }
0x6b: {  	[tilespmem:s11], [sflag:$0x8] =	stream.linear.gather [hbm4b:s19+s16], $0x50, $0x38;
	[tilespmem:$0x1D980] =	vst v63  }
0x6c: {  	s20 =	simm.s32 $0x138D0  }
0x6d: {  	[tilespmem:s14], [sflag:$0x2] =	stream.indirect.gather [hbm4b:s12+s10], $0x80, s20, s10, $0xb8;
	[tilespmem:$0x1D980] =	vst v63  }
0x6e: {  	s21 =	rddreg [dreg:$0x16]  }
0x6f: {  	[tilespmem:s24], [sflag:$0x9] =	stream.linear.gather [hbm4b:s21+s16], $0x50, $0x38;
	[tilespmem:$0x1D980] =	vst v63  }
0x70: {  	s17 =	simm.s32 $0x13920  }
0x71: {  	[tilespmem:s1], [sflag:$0x3] =	stream.indirect.gather [hbm4b:s12+s10], $0x80, s17, s10, $0xb8;
	[tilespmem:$0x1D980] =	vst v63  }
0x72: {  	[bflag:$0x0] =	sbarrier.arrive $0xFFFF  }
0x73: {  	_ =	swait.ge [sflag:s8], $0x2800  }
0x74: {  	[sflag:s8] =	ssyncset.done $0x0  }
0x75: {  	[sflag:s8] =	ssyncadd.s32 $0xFFFFD800  }
0x76: {  	_ =	swait.ge [sflag:s29], $0x50  }
0x77: {  	[sflag:s29] =	ssyncset.done $0x0  }
0x78: {  	[sflag:s29] =	ssyncadd.s32 $0xFFFFFFB0  }
0x79: {  	[spmem:s2] =	stream.indirect.scatter.add.f32 [tilespmem:s4], [sflag:$0x4], $0x80, s9, s10, $0xb8;
	[tilespmem:$0x1D980] =	vst v63  }
0x7a: {  	_ =	swait.ge [sflag:s5], $0x2800  }
0x7b: {  	s17 =	rddreg [dreg:$0x14]  }
0x7c: {  	[sflag:s5] =	ssyncset.done $0x0;
	s18 =	sshrl.u32 s17, $0x3  }
0x7d: {  	[sflag:s5] =	ssyncadd.s32 $0xFFFFD800;
	s16 =	sadd.s32 s13, s18  }
0x7e: {  	[tilespmem:s9], [sflag:$0x7] =	stream.linear.gather [hbm4b:s16+s3], $0x50, $0x38;
	[tilespmem:$0x1D980] =	vst v63  }
0x7f: {  	s19 =	simm.s32 $0x13970  }
0x80: {  	[tilespmem:s4], [sflag:$0x1] =	stream.indirect.gather [hbm4b:s12+s10], $0x80, s19, s10, $0xb8;
	[tilespmem:$0x1D980] =	vst v63  }
0x81: {  	_ =	swait.ge [sflag:s30], $0x2800  }
0x82: {  	[sflag:s30] =	ssyncset.done $0x0  }
0x83: {  	[sflag:s30] =	ssyncadd.s32 $0xFFFFD800  }
0x84: {  	_ =	swait.ge [sflag:s31], $0x50  }
0x85: {  	[sflag:s31] =	ssyncset.done $0x0  }
0x86: {  	[sflag:s31] =	ssyncadd.s32 $0xFFFFFFB0  }
0x87: {  	[spmem:s2] =	stream.indirect.scatter.add.f32 [tilespmem:s14], [sflag:$0x5], $0x80, s11, s10, $0xb8;
	[tilespmem:$0x1D980] =	vst v63  }
0x88: {  	_ =	swait.ge [sflag:s6], $0x2800  }
0x89: {  	[sflag:s6] =	ssyncset.done $0x0  }
0x8a: {  	s19 =	rddreg [dreg:$0x13];
	[sflag:s6] =	ssyncadd.s32 $0xFFFFD800  }
0x8b: {  	[tilespmem:s11], [sflag:$0x8] =	stream.linear.gather [hbm4b:s19+s3], $0x50, $0x38;
	[tilespmem:$0x1D980] =	vst v63  }
0x8c: {  	s20 =	simm.s32 $0x139C0  }
0x8d: {  	[tilespmem:s14], [sflag:$0x2] =	stream.indirect.gather [hbm4b:s12+s10], $0x80, s20, s10, $0xb8;
	[tilespmem:$0x1D980] =	vst v63  }
0x8e: {  	_ =	swait.ge [sflag:s0], $0x2800  }
0x8f: {  	[sflag:s0] =	ssyncset.done $0x0  }
0x90: {  	[sflag:s0] =	ssyncadd.s32 $0xFFFFD800  }
0x91: {  	_ =	swait.ge [sflag:s23], $0x50  }
0x92: {  	[sflag:s23] =	ssyncset.done $0x0  }
0x93: {  	[sflag:s23] =	ssyncadd.s32 $0xFFFFFFB0  }
0x94: {  	[spmem:s2] =	stream.indirect.scatter.add.f32 [tilespmem:s1], [sflag:$0x6], $0x80, s24, s10, $0xb8;
	[tilespmem:$0x1D980] =	vst v63  }
0x95: {  	s17 =	sadd.s32 $0xF0, s17;
	s16 =	simm.s32 $0x3C0;
	_ =	swait.ge [sflag:s7], $0x2800  }
0x96: {  	s19 =	sadd.s32 $0x1E, s19;
	[sflag:s7] =	ssyncset.done $0x0;
	s21 =	rddreg [dreg:$0x12]  }
0x97: {  	s20 =	simm.s32 $0x13A10;
	[sflag:s7] =	ssyncadd.s32 $0xFFFFD800;
	s18 =	sadd.s32 $0x1E, s21  }
0x98: {  	[tilespmem:s24], [sflag:$0x9] =	stream.linear.gather [hbm4b:s21+s3], $0x50, $0x38;
	[tilespmem:$0x1D980] =	vst v63  }
.LBB2_4:
0x99: {  	[tilespmem:s1], [sflag:$0x3] =	stream.indirect.gather [hbm4b:s12+s10], $0x80, s20, s10, $0xb8;
	[tilespmem:$0x1D980] =	vst v63  }
0x9a: {  	s20 =	smov.u32 s16  }
0x9b: {  	p0 =	sne.s32 s16, $0x9240;
	s16 =	sadd.s32 $0x3C0, s16;
	_ =	swait.ge [sflag:s8], $0x2800  }
0x9c: {  	[sflag:s8] =	ssyncset.done $0x0  }
0x9d: {  	[sflag:s8] =	ssyncadd.s32 $0xFFFFD800  }
0x9e: {  	_ =	swait.ge [sflag:s29], $0x50  }
0x9f: {  	[sflag:s29] =	ssyncset.done $0x0  }
0xa0: {  	[sflag:s29] =	ssyncadd.s32 $0xFFFFFFB0  }
0xa1: {  	[spmem:s2] =	stream.indirect.scatter.add.f32 [tilespmem:s4], [sflag:$0x4], $0x80, s9, s10, $0xb8;
	[tilespmem:$0x1D980] =	vst v63  }
0xa2: {  	_ =	swait.ge [sflag:s5], $0x2800  }
0xa3: {  	s21 =	sshrl.u32 s17, $0x3;
	[sflag:s5] =	ssyncset.done $0x0  }
0xa4: {  	s21 =	sadd.s32 s13, s21;
	s20 =	sshra.s32 s20, $0x2;
	[sflag:s5] =	ssyncadd.s32 $0xFFFFD800  }
0xa5: {  	[tilespmem:s9], [sflag:$0x7] =	stream.linear.gather [hbm4b:s21+s3], $0x50, $0x38;
	[tilespmem:$0x1D980] =	vst v63  }
0xa6: {  	s21 =	sadd.s32 $0x13970, s20  }
0xa7: {  	[tilespmem:s4], [sflag:$0x1] =	stream.indirect.gather [hbm4b:s12+s10], $0x80, s21, s10, $0xb8;
	[tilespmem:$0x1D980] =	vst v63  }
0xa8: {  	_ =	swait.ge [sflag:s30], $0x2800  }
0xa9: {  	[sflag:s30] =	ssyncset.done $0x0  }
0xaa: {  	[sflag:s30] =	ssyncadd.s32 $0xFFFFD800  }
0xab: {  	_ =	swait.ge [sflag:s31], $0x50  }
0xac: {  	[sflag:s31] =	ssyncset.done $0x0  }
0xad: {  	[sflag:s31] =	ssyncadd.s32 $0xFFFFFFB0  }
0xae: {  	[spmem:s2] =	stream.indirect.scatter.add.f32 [tilespmem:s14], [sflag:$0x5], $0x80, s11, s10, $0xb8;
	[tilespmem:$0x1D980] =	vst v63  }
0xaf: {  	_ =	swait.ge [sflag:s6], $0x2800  }
0xb0: {  	[sflag:s6] =	ssyncset.done $0x0  }
0xb1: {  	[sflag:s6] =	ssyncadd.s32 $0xFFFFD800  }
0xb2: {  	[tilespmem:s11], [sflag:$0x8] =	stream.linear.gather [hbm4b:s19+s3], $0x50, $0x38;
	[tilespmem:$0x1D980] =	vst v63  }
0xb3: {  	s21 =	sadd.s32 $0x139C0, s20  }
0xb4: {  	[tilespmem:s14], [sflag:$0x2] =	stream.indirect.gather [hbm4b:s12+s10], $0x80, s21, s10, $0xb8;
	[tilespmem:$0x1D980] =	vst v63  }
0xb5: {  	_ =	swait.ge [sflag:s0], $0x2800  }
0xb6: {  	[sflag:s0] =	ssyncset.done $0x0  }
0xb7: {  	[sflag:s0] =	ssyncadd.s32 $0xFFFFD800  }
0xb8: {  	_ =	swait.ge [sflag:s23], $0x50  }
0xb9: {  	[sflag:s23] =	ssyncset.done $0x0  }
0xba: {  	[sflag:s23] =	ssyncadd.s32 $0xFFFFFFB0  }
0xbb: {  	[spmem:s2] =	stream.indirect.scatter.add.f32 [tilespmem:s1], [sflag:$0x6], $0x80, s24, s10, $0xb8;
	[tilespmem:$0x1D980] =	vst v63  }
.Ltmp1:
0xbc: {  	_ =	swait.ge [sflag:s7], $0x2800;
	(pc) =	sbr.rel @p0 .LBB2_4-.Ltmp1, $4  }
0xbd: {  	[sflag:s7] =	ssyncset.done $0x0  }
0xbe: {  	s17 =	sadd.s32 $0xF0, s17;
	[sflag:s7] =	ssyncadd.s32 $0xFFFFD800  }
0xbf: {  	[tilespmem:s24], [sflag:$0x9] =	stream.linear.gather [hbm4b:s18+s3], $0x50, $0x38;
	[tilespmem:$0x1D980] =	vst v63  }
0xc0: {  	s20 =	sadd.s32 $0x13A10, s20;
	s19 =	sadd.s32 $0x1E, s19;
	s18 =	sadd.s32 $0x1E, s18  }
0xc1: {  	[tilespmem:s1], [sflag:$0x3] =	stream.indirect.gather [hbm4b:s12+s10], $0x80, s20, s10, $0xb8;
	[tilespmem:$0x1D980] =	vst v63  }
0xc2: {  	_ =	swait.ge [sflag:s8], $0x2800  }
0xc3: {  	[sflag:s8] =	ssyncset.done $0x0  }
0xc4: {  	[sflag:s8] =	ssyncadd.s32 $0xFFFFD800  }
0xc5: {  	_ =	swait.ge [sflag:s29], $0x50  }
0xc6: {  	[sflag:s29] =	ssyncset.done $0x0  }
0xc7: {  	[sflag:s29] =	ssyncadd.s32 $0xFFFFFFB0  }
0xc8: {  	[spmem:s2] =	stream.indirect.scatter.add.f32 [tilespmem:s4], [sflag:$0x4], $0x80, s9, s10, $0xb8;
	[tilespmem:$0x1D980] =	vst v63  }
0xc9: {  	_ =	swait.ge [sflag:s5], $0x2800  }
0xca: {  	[sflag:s5] =	ssyncset.done $0x0  }
0xcb: {  	s16 =	rddreg [dreg:$0x17];
	[sflag:s5] =	ssyncadd.s32 $0xFFFFD800  }
0xcc: {  	[tilespmem:s9], [sflag:$0x7] =	stream.linear.gather [hbm4b:s16+s3], $0x50, $0x38;
	[tilespmem:$0x1D980] =	vst v63  }
0xcd: {  	s19 =	simm.s32 $0x15EF0  }
0xce: {  	[tilespmem:s4], [sflag:$0x1] =	stream.indirect.gather [hbm4b:s12+s10], $0x80, s19, s10, $0xb8;
	[tilespmem:$0x1D980] =	vst v63  }
0xcf: {  	_ =	swait.ge [sflag:s30], $0x2800  }
0xd0: {  	[sflag:s30] =	ssyncset.done $0x0  }
0xd1: {  	[sflag:s30] =	ssyncadd.s32 $0xFFFFD800  }
0xd2: {  	_ =	swait.ge [sflag:s31], $0x50  }
0xd3: {  	[sflag:s31] =	ssyncset.done $0x0  }
0xd4: {  	[sflag:s31] =	ssyncadd.s32 $0xFFFFFFB0  }
0xd5: {  	[spmem:s2] =	stream.indirect.scatter.add.f32 [tilespmem:s14], [sflag:$0x5], $0x80, s11, s10, $0xb8;
	[tilespmem:$0x1D980] =	vst v63  }
0xd6: {  	_ =	swait.ge [sflag:s6], $0x2800  }
0xd7: {  	[sflag:s6] =	ssyncset.done $0x0  }
0xd8: {  	s20 =	rddreg [dreg:$0x18];
	[sflag:s6] =	ssyncadd.s32 $0xFFFFD800  }
0xd9: {  	[tilespmem:s11], [sflag:$0x8] =	stream.linear.gather [hbm4b:s20+s3], $0x50, $0x38;
	[tilespmem:$0x1D980] =	vst v63  }
0xda: {  	s21 =	simm.s32 $0x15F40  }
0xdb: {  	[tilespmem:s14], [sflag:$0x2] =	stream.indirect.gather [hbm4b:s12+s10], $0x80, s21, s10, $0xb8;
	[tilespmem:$0x1D980] =	vst v63  }
0xdc: {  	_ =	swait.ge [sflag:s0], $0x2800  }
0xdd: {  	[sflag:s0] =	ssyncset.done $0x0  }
0xde: {  	[sflag:s0] =	ssyncadd.s32 $0xFFFFD800  }
0xdf: {  	_ =	swait.ge [sflag:s23], $0x50  }
0xe0: {  	[sflag:s23] =	ssyncset.done $0x0  }
0xe1: {  	[sflag:s23] =	ssyncadd.s32 $0xFFFFFFB0  }
0xe2: {  	[spmem:s2] =	stream.indirect.scatter.add.f32 [tilespmem:s1], [sflag:$0x6], $0x80, s24, s10, $0xb8;
	[tilespmem:$0x1D980] =	vst v63  }
0xe3: {  	_ =	swait.ge [sflag:s7], $0x2800  }
0xe4: {  	[sflag:s7] =	ssyncset.done $0x0  }
0xe5: {  	[sflag:s7] =	ssyncadd.s32 $0xFFFFD800  }
0xe6: {  	_ =	swait.ge [sflag:s8], $0x2800  }
0xe7: {  	[sflag:s8] =	ssyncset.done $0x0  }
0xe8: {  	[sflag:s8] =	ssyncadd.s32 $0xFFFFD800  }
0xe9: {  	_ =	swait.ge [sflag:s29], $0x50  }
0xea: {  	[sflag:s29] =	ssyncset.done $0x0  }
0xeb: {  	[sflag:s29] =	ssyncadd.s32 $0xFFFFFFB0  }
0xec: {  	[spmem:s2] =	stream.indirect.scatter.add.f32 [tilespmem:s4], [sflag:$0x4], $0x80, s9, s10, $0xb8;
	[tilespmem:$0x1D980] =	vst v63  }
0xed: {  	_ =	swait.ge [sflag:s5], $0x2800  }
0xee: {  	[sflag:s5] =	ssyncset.done $0x0  }
0xef: {  	[sflag:s5] =	ssyncadd.s32 $0xFFFFD800  }
0xf0: {  	_ =	swait.ge [sflag:s30], $0x2800  }
0xf1: {  	[sflag:s30] =	ssyncset.done $0x0  }
0xf2: {  	[sflag:s30] =	ssyncadd.s32 $0xFFFFD800  }
0xf3: {  	_ =	swait.ge [sflag:s31], $0x50  }
0xf4: {  	[sflag:s31] =	ssyncset.done $0x0  }
0xf5: {  	[sflag:s31] =	ssyncadd.s32 $0xFFFFFFB0  }
0xf6: {  	[spmem:s2] =	stream.indirect.scatter.add.f32 [tilespmem:s14], [sflag:$0x5], $0x80, s11, s10, $0xb8;
	[tilespmem:$0x1D980] =	vst v63  }
0xf7: {  	_ =	swait.ge [sflag:s6], $0x2800  }
0xf8: {  	[sflag:s6] =	ssyncset.done $0x0  }
0xf9: {  	[sflag:s6] =	ssyncadd.s32 $0xFFFFD800  }
0xfa: {  	[bflag:$0x0] =	sbarrier.arrive $0xFFFF  }
0xfb: {  	[tilespmem:s4], [sflag:$0x1] =	stream.linear.gather [spmem:s22], $0x2800, $0x38;
	[tilespmem:$0x1D980] =	vst v63  }
0xfc: {  	_ =	swait.ge [sflag:s8], $0x2800  }
0xfd: {  	[sflag:s8] =	ssyncset.done $0x0  }
0xfe: {  	s18 =	smov.u32 s22;
	s22 =	rddreg [dreg:$0x3];
	[sflag:s8] =	ssyncadd.s32 $0xFFFFD800  }
0xff: {  	[hbm4b:s22+s3] =	stream.linear.scatter [tilespmem:s4], [sflag:$0x4], $0x2800, $0x38;
	[tilespmem:$0x1D980] =	vst v63  }
0x100: {  	_ = 	snop  }
0x101: {  	[tilespmem:s14], [sflag:$0x2] =	stream.linear.gather [spmem:s25], $0x2800, $0x38;
	[tilespmem:$0x1D980] =	vst v63  }
0x102: {  	_ =	swait.ge [sflag:s30], $0x2800  }
0x103: {  	[sflag:s30] =	ssyncset.done $0x0  }
0x104: {  	s19 =	smov.u32 s25;
	s25 =	rddreg [dreg:$0x4];
	[sflag:s30] =	ssyncadd.s32 $0xFFFFD800  }
0x105: {  	[hbm4b:s25+s3] =	stream.linear.scatter [tilespmem:s14], [sflag:$0x5], $0x2800, $0x38;
	[tilespmem:$0x1D980] =	vst v63  }
0x106: {  	_ =	swait.ge [sflag:s5], $0x2800  }
0x107: {  	[sflag:s5] =	ssyncset.done $0x0  }
0x108: {  	[sflag:s5] =	ssyncadd.s32 $0xFFFFD800  }
0x109: {  	[tilespmem:s4], [sflag:$0x1] =	stream.linear.gather [spmem:s26], $0x2800, $0x38;
	[tilespmem:$0x1D980] =	vst v63  }
0x10a: {  	_ =	swait.ge [sflag:s8], $0x2800  }
0x10b: {  	[sflag:s8] =	ssyncset.done $0x0  }
0x10c: {  	s20 =	smov.u32 s26;
	s26 =	rddreg [dreg:$0x5];
	[sflag:s8] =	ssyncadd.s32 $0xFFFFD800  }
0x10d: {  	[hbm4b:s26+s3] =	stream.linear.scatter [tilespmem:s4], [sflag:$0x4], $0x2800, $0x38;
	[tilespmem:$0x1D980] =	vst v63  }
0x10e: {  	_ =	swait.ge [sflag:s6], $0x2800  }
0x10f: {  	[sflag:s6] =	ssyncset.done $0x0  }
0x110: {  	[sflag:s6] =	ssyncadd.s32 $0xFFFFD800  }
0x111: {  	[tilespmem:s14], [sflag:$0x2] =	stream.linear.gather [spmem:s28], $0x2800, $0x38;
	[tilespmem:$0x1D980] =	vst v63  }
0x112: {  	_ =	swait.ge [sflag:s30], $0x2800  }
0x113: {  	[sflag:s30] =	ssyncset.done $0x0  }
0x114: {  	s17 =	rddreg [dreg:$0x6];
	[sflag:s30] =	ssyncadd.s32 $0xFFFFD800  }
0x115: {  	[hbm4b:s17+s3] =	stream.linear.scatter [tilespmem:s14], [sflag:$0x5], $0x2800, $0x38;
	[tilespmem:$0x1D980] =	vst v63  }
0x116: {  	_ =	swait.ge [sflag:s5], $0x2800  }
0x117: {  	[sflag:s5] =	ssyncset.done $0x0  }
0x118: {  	s22 =	rddreg [dreg:$0xc];
	[sflag:s5] =	ssyncadd.s32 $0xFFFFD800  }
0x119: {  	[tilespmem:s4], [sflag:$0x1] =	stream.linear.gather [spmem:s22], $0x2800, $0x38;
	[tilespmem:$0x1D980] =	vst v63  }
0x11a: {  	_ =	swait.ge [sflag:s8], $0x2800  }
0x11b: {  	[sflag:s8] =	ssyncset.done $0x0  }
0x11c: {  	s25 =	rddreg [dreg:$0x7];
	[sflag:s8] =	ssyncadd.s32 $0xFFFFD800  }
0x11d: {  	[hbm4b:s25+s3] =	stream.linear.scatter [tilespmem:s4], [sflag:$0x4], $0x2800, $0x38;
	[tilespmem:$0x1D980] =	vst v63  }
0x11e: {  	_ =	swait.ge [sflag:s6], $0x2800  }
0x11f: {  	[sflag:s6] =	ssyncset.done $0x0  }
0x120: {  	s26 =	rddreg [dreg:$0xd];
	[sflag:s6] =	ssyncadd.s32 $0xFFFFD800  }
0x121: {  	[tilespmem:s14], [sflag:$0x2] =	stream.linear.gather [spmem:s26], $0x2800, $0x38;
	[tilespmem:$0x1D980] =	vst v63  }
0x122: {  	_ =	swait.ge [sflag:s30], $0x2800  }
0x123: {  	[sflag:s30] =	ssyncset.done $0x0  }
0x124: {  	s21 =	smov.u32 s28;
	s28 =	rddreg [dreg:$0x8];
	[sflag:s30] =	ssyncadd.s32 $0xFFFFD800  }
0x125: {  	[hbm4b:s28+s3] =	stream.linear.scatter [tilespmem:s14], [sflag:$0x5], $0x2800, $0x38;
	[tilespmem:$0x1D980] =	vst v63  }
0x126: {  	_ =	swait.ge [sflag:s5], $0x2800  }
0x127: {  	[sflag:s5] =	ssyncset.done $0x0  }
0x128: {  	s17 =	rddreg [dreg:$0xe];
	[sflag:s5] =	ssyncadd.s32 $0xFFFFD800  }
0x129: {  	[tilespmem:s4], [sflag:$0x1] =	stream.linear.gather [spmem:s17], $0x2800, $0x38;
	[tilespmem:$0x1D980] =	vst v63  }
0x12a: {  	_ =	swait.ge [sflag:s8], $0x2800  }
0x12b: {  	[sflag:s8] =	ssyncset.done $0x0  }
0x12c: {  	s22 =	rddreg [dreg:$0x9];
	[sflag:s8] =	ssyncadd.s32 $0xFFFFD800  }
0x12d: {  	[hbm4b:s22+s3] =	stream.linear.scatter [tilespmem:s4], [sflag:$0x4], $0x2800, $0x38;
	[tilespmem:$0x1D980] =	vst v63  }
0x12e: {  	_ =	swait.ge [sflag:s6], $0x2800  }
0x12f: {  	[sflag:s6] =	ssyncset.done $0x0  }
0x130: {  	s25 =	rddreg [dreg:$0xf];
	[sflag:s6] =	ssyncadd.s32 $0xFFFFD800  }
0x131: {  	[tilespmem:s14], [sflag:$0x2] =	stream.linear.gather [spmem:s25], $0x2800, $0x38;
	[tilespmem:$0x1D980] =	vst v63  }
0x132: {  	_ =	swait.ge [sflag:s30], $0x2800  }
0x133: {  	[sflag:s30] =	ssyncset.done $0x0  }
0x134: {  	s26 =	rddreg [dreg:$0xa];
	[sflag:s30] =	ssyncadd.s32 $0xFFFFD800  }
0x135: {  	[hbm4b:s26+s3] =	stream.linear.scatter [tilespmem:s14], [sflag:$0x5], $0x2800, $0x38;
	[tilespmem:$0x1D980] =	vst v63  }
0x136: {  	_ =	swait.ge [sflag:s5], $0x2800  }
0x137: {  	[sflag:s5] =	ssyncset.done $0x0  }
0x138: {  	[sflag:s5] =	ssyncadd.s32 $0xFFFFD800  }
0x139: {  	_ =	swait.ge [sflag:s6], $0x2800  }
0x13a: {  	s15 =	sadd.s32 $0x1, s15;
	s28 =	rddreg [dreg:$0x11]  }
0x13b: {  	p0 =	sne.s32 s15, s28  }
.Ltmp2:
0x13c: {  	_ = 	snop;
	(pc) =	sbr.rel @p0 .LBB2_1-.Ltmp2, $3  }
0x13d: {  	_ =	sdelay $0x1  }
0x13e: {  	[sflag:s6] =	ssyncset.done $0x0  }
0x13f: {  	[sflag:s6] =	ssyncadd.s32 $0xFFFFD800  }
0x140: {  	_ =	sfence.sel $0x180000  }
0x141: {  	[bflag:$0x0] =	sbarrier.arrive $0xFFFF  }
0x142: {  	_ =	strace $0x9000004D  }
0x143: {  	s0 =	stileid.u32;
	[bflag:$0x2] =	sbarrier.arrive $0xFFFF  }
0x144: {  	p0 =	sne.s32 s0, $0x0;
	s0 =	rddreg [dreg:$0x2]  }
0x145: {  	s0 =	sadd.s32 @!p0 $0x100000, s0  }
0x146: {  	[sflag:s0] =	ssyncadd.tile.s32 @!p0 $0x1;
	_ =	shalt  }
.Lfunc_end2:
_tile_overlayer_lowered:
.L_overlay_start_2:
0x147: {  	(tag) =	ssettag $0x2  }
0x148: {  	s0 =	rddreg [dreg:$0x0];
	s2 =	stileid.u32  }
0x149: {  	s1 =	rddreg [dreg:$0x1];
	p0 =	sne.s32 s2, $0x0  }
0x14a: {  	s3 =	rddreg [dreg:$0x2];
	[bflag:$0x3] =	sbarrier.arrive $0xFFFF;
	s2 =	simm.s32 @!p0 $0x1C0A  }
0x14b: {  	[timem:s3], [sflag:s2] =	dma.local @!p0 [hbm:s0], s1  }
0x14c: {  	s0 =	simm.s32 @!p0 $0xA  }
0x14d: {  	_ =	swait.ge @!p0 [sflag:s0], s1  }
0x14e: {  	s1 =	ssub.s32 @!p0 $0x0, s1;
	[sflag:s0] =	ssyncset.done @!p0 $0x0  }
0x14f: {  	[sflag:s0] =	ssyncadd.s32 @!p0 s1  }
0x150: {  	[bflag:$0x3] =	sbarrier.arrive $0xFFFF  }
0x151: {  	_ =	shalt  }

// kernel: kernel.8.cloned.1.call-start
scs
__scs_entry_jumppad:
0x0: {  	(pc) =	sbr.rel $0x88, $3  }
0x1: {  	(tag) =	ssettag $0x0;
	lr =	simm.s32 $0x1  }
0x2: {  	[smem:$0x3F98] =	sst lr;
	_ =	strace $0xD0000000  }
0x3: {  	_ = 	snop  }
0x4: {  	_ = 	snop  }
0x5: {  	_ = 	snop  }
0x6: {  	_ = 	snop  }
0x7: {  	_ = 	snop  }
__scs_overlays_trampoline_lowered:
0x8: {  	[smem:$0x3FA7] =	sst s0  }
0x9: {  	[smem:$0x3FA8] =	sst s1  }
0xa: {  	[smem:$0x3FA9] =	sst s2  }
0xb: {  	[smem:$0x3FAA] =	sst s3  }
0xc: {  	[smem:$0x3FAB] =	sst s4  }
0xd: {  	[smem:$0x3FAC] =	sst s5  }
0xe: {  	[smem:$0x3FAD] =	sst s6  }
0xf: {  	[smem:$0x3FAE] =	sst s7  }
0x10: {  	[smem:$0x3FAF] =	sst s8  }
0x11: {  	[smem:$0x3FB0] =	sst s9;
	s0 =	simm.s32 @!p0 $0x0  }
0x12: {  	s1 =	sld [smem:$0x3F96];
	s0 =	simm.s32 @p0 $0x1  }
0x13: {  	[smem:$0x3FB1] =	sst s0;
	s0 =	simm.s32 @!p1 $0x0  }
0x14: {  	s2 =	sld [smem:$0x3F95];
	s0 =	simm.s32 @p1 $0x1  }
0x15: {  	[smem:$0x3FB2] =	sst s0;
	s0 =	simm.s32 @!p2 $0x0  }
0x16: {  	s3 =	sld [smem:$0x3FDB];
	s0 =	simm.s32 @p2 $0x1  }
0x17: {  	s4 =	simm.s32 $0x1BF5;
	[smem:$0x3FB4] =	sst s0  }
0x18: {  	s0 =	sld [smem:$0x3F97];
	_ =	swait.ge [sflag:s4], $0x0  }
0x19: {  	s7 =	sld [smem:$0x3F98]  }
0x1a: {  	s8 =	sadd.s32 $0xFFFFE003, lr  }
0x1b: {  	s9 =	sadd.s32 $0xFFFFFEF7, lr;
	s5 =	simm.s32 $0xFFFFFFFF;
	p2 =	slt.u32 s8, $0xFFFFF086  }
0x1c: {  	p1 =	slt.u32 s9, $0xF7A;
	s5 =	simm.s32 @!p2 $0x0  }
0x1d: {  	s5 =	simm.s32 @p1 $0x1;
	p0 =	seq.s32 s7, s2  }
0x1e: {  	s7 =	smul.u32 @!p0 $0xF7A, s2;
	p2 =	seq.s32 @!p0 s5, $0x0  }
0x1f: {  	s9 =	smul.u32 $0xF7A, s1;
	s8 =	simm.s32 @!p0 $0x1BF5;
	p2 =	por !p2, p0  }
0x20: {  	[sflag:s8] =	ssyncset.s32 @!p0 $0xFFFFF086;
	s6 =	sadd.s32 @!p0 s3, s7;
	s7 =	simm.s32 @!p0 $0x108  }
0x21: {  	s3 =	sadd.s32 s3, s9;
	s6 =	sadd.s32 @!p0 $0x88, s6;
	s7 =	simm.s32 @p2 $0x1082  }
0x22: {  	[simem:s7], [sflag:s8] =	dma.local @!p0 [hbm:s6], $0xF7A  }
0x23: {  	s9 =	sor.u32 $0xD0000000, s2;
	s6 =	simm.s32 $0x108;
	_ =	swait.ge @!p0 [sflag:s8], $0x0  }
0x24: {  	s3 =	sadd.s32 $0x88, s3;
	s6 =	simm.s32 @!p1 $0x1082;
	[sflag:s4] =	ssyncset.s32 $0xFFFFF086  }
0x25: {  	[simem:s6], [sflag:s4] =	dma.local [hbm:s3], $0xF7A  }
0x26: {  	[smem:$0x3F98] =	sst s1;
	(tag) =	ssettag s2;
	_ =	strace s9  }
0x27: {  	s1 =	sld [smem:$0x3FA8]  }
0x28: {  	s2 =	sld [smem:$0x3FA9]  }
0x29: {  	s4 =	sld [smem:$0x3FAB]  }
0x2a: {  	p0 =	seq.s32 s5, $0x0;
	s5 =	sld [smem:$0x3FAC]  }
0x2b: {  	s6 =	sld [smem:$0x3FAD]  }
0x2c: {  	s7 =	sld [smem:$0x3FAE]  }
0x2d: {  	s3 =	simm.s32 $0x108;
	s8 =	sld [smem:$0x3FAF]  }
0x2e: {  	s3 =	simm.s32 @!p0 $0x1082;
	s9 =	sld [smem:$0x3FB0]  }
0x2f: {  	lr =	sadd.s32 s0, s3;
	s0 =	sld [smem:$0x3FA7]  }
0x30: {  	s3 =	sld [smem:$0x3FAA]  }
0x31: {  	[smem:$0x3FB3] =	sst s10  }
0x32: {  	s10 =	sld [smem:$0x3FB1];
	_ =	sdelay $0x3  }
0x33: {  	p0 =	seq.s32 s10, $0x1;
	s10 =	sld [smem:$0x3FB3];
	_ =	sdelay $0x3  }
0x34: {  	[smem:$0x3FB3] =	sst s10  }
0x35: {  	s10 =	sld [smem:$0x3FB2];
	_ =	sdelay $0x3  }
0x36: {  	p1 =	seq.s32 s10, $0x1;
	s10 =	sld [smem:$0x3FB3];
	_ =	sdelay $0x3  }
0x37: {  	[smem:$0x3FB3] =	sst s10  }
0x38: {  	s10 =	sld [smem:$0x3FB4]  }
0x39: {  	_ = 	snop;
	(pc) =	sbr.ind lr, $3  }
0x3a: {  	_ = 	snop  }
0x3b: {  	_ = 	snop  }
0x3c: {  	p2 =	seq.s32 s10, $0x1;
	s10 =	sld [smem:$0x3FB3]  }
0x3d: {  	_ =	shalt  }
0x3e: {  	_ =	shalt  }
0x3f: {  	_ =	shalt  }
0x40: {  	_ =	shalt  }
0x41: {  	_ =	shalt  }
0x42: {  	_ =	shalt  }
0x43: {  	_ =	shalt  }
0x44: {  	_ =	shalt  }
0x45: {  	_ =	shalt  }
0x46: {  	_ =	shalt  }
0x47: {  	_ =	shalt  }
0x48: {  	_ =	shalt  }
0x49: {  	_ =	shalt  }
0x4a: {  	_ =	shalt  }
0x4b: {  	_ =	shalt  }
0x4c: {  	_ =	shalt  }
0x4d: {  	_ =	shalt  }
0x4e: {  	_ =	shalt  }
0x4f: {  	_ =	shalt  }
0x50: {  	_ =	shalt  }
0x51: {  	_ =	shalt  }
0x52: {  	_ =	shalt  }
0x53: {  	_ =	shalt  }
0x54: {  	_ =	shalt  }
0x55: {  	_ =	shalt  }
0x56: {  	_ =	shalt  }
0x57: {  	_ =	shalt  }
0x58: {  	_ =	shalt  }
0x59: {  	_ =	shalt  }
0x5a: {  	_ =	shalt  }
0x5b: {  	_ =	shalt  }
0x5c: {  	_ =	shalt  }
0x5d: {  	_ =	shalt  }
0x5e: {  	_ =	shalt  }
0x5f: {  	_ =	shalt  }
0x60: {  	_ =	shalt  }
0x61: {  	_ =	shalt  }
0x62: {  	_ =	shalt  }
0x63: {  	_ =	shalt  }
0x64: {  	_ =	shalt  }
0x65: {  	_ =	shalt  }
0x66: {  	_ =	shalt  }
0x67: {  	_ =	shalt  }
0x68: {  	_ =	shalt  }
0x69: {  	_ =	shalt  }
0x6a: {  	_ =	shalt  }
0x6b: {  	_ =	shalt  }
0x6c: {  	_ =	shalt  }
0x6d: {  	_ =	shalt  }
0x6e: {  	_ =	shalt  }
0x6f: {  	_ =	shalt  }
0x70: {  	_ =	shalt  }
0x71: {  	_ =	shalt  }
0x72: {  	_ =	shalt  }
0x73: {  	_ =	shalt  }
0x74: {  	_ =	shalt  }
0x75: {  	_ =	shalt  }
0x76: {  	_ =	shalt  }
0x77: {  	_ =	shalt  }
0x78: {  	_ =	shalt  }
0x79: {  	_ =	shalt  }
0x7a: {  	_ =	shalt  }
0x7b: {  	_ =	shalt  }
0x7c: {  	_ =	shalt  }
0x7d: {  	_ =	shalt  }
0x7e: {  	_ =	shalt  }
0x7f: {  	_ =	shalt  }
0x80: {  	_ =	shalt  }
0x81: {  	_ =	shalt  }
0x82: {  	_ =	shalt  }
0x83: {  	_ =	shalt  }
0x84: {  	_ =	shalt  }
0x85: {  	_ =	shalt  }
0x86: {  	_ =	shalt  }
0x87: {  	_ =	shalt  }
.Lfunc_end0:
.L_simem_size_0:
called_computation_lowered:
.L_overlay_start_0:
0x88: {  	s2 =	sld [smem:$0x3FD9]  }
0x89: {  	s3 =	sld [smem:$0x3FFE];
	_ =	sdelay $0x1  }
0x8a: {  	s1 =	srdreg.scid  }
0x8b: {  	s0 =	sand.u32 $0x1, s1  }
0x8c: {  	s16 =	sshll.u32 s0, $0xA;
	s2 =	sadd.s32 s3, s2  }
0x8d: {  	s2 =	sadd.s32 s2, s16  }
0x8e: {  	[smem:$0x3FBF] =	sst s2  }
0x8f: {  	_ = 	snop  }
0x90: {  	(tm) =	ssettm $0x1  }
0x91: {  	s17 =	sld [smem:$0x3FFB];
	_ =	sdelay $0x3  }
0x92: {  	_ =	strace s17  }
0x93: {  	s2 =	sld [smem:$0x3FFC];
	_ =	sdelay $0x3  }
0x94: {  	_ =	strace s2  }
0x95: {  	s2 =	sld [smem:$0x3FFD];
	_ =	sdelay $0x3  }
0x96: {  	_ =	strace s2  }
0x97: {  	_ =	strace $0x8FFFFFFF  }
0x98: {  	s18 =	sld [smem:$0x3FDB];
	_ =	sdelay $0x1  }
0x99: {  	s19 =	simm.s32 $_scs_section_size  }
0x9a: {  	s4 =	simm.s32 $_size__tile_overlayer_lowered;
	s5 =	simm.s32 $_tile_overlayer_lowered  }
0x9b: {  	s22 =	simm.s32 $0x1BFF;
	s21 =	sshll.u32 s5, $0x1;
	s2 =	sadd.s32 s19, s18  }
0x9c: {  	s6 =	simm.s32 $0x0;
	s20 =	sshll.u32 s4, $0x1;
	s4 =	sadd.s32 s21, s2  }
0x9d: {  	[timem:s6], [sflag:s22] =	dma.local [hbm:s4], s20  }
0x9e: {  	_ =	swait.ge [sflag:s22], s20  }
0x9f: {  	s3 =	ssub.s32 $0x0, s20;
	[sflag:s22] =	ssyncset.done $0x0  }
0xa0: {  	[sflag:s22] =	ssyncadd.s32 s3;
	_ =	sdelay $0x1  }
0xa1: {  	s23 =	simm.s32 $0x1B8B  }
0xa2: {  	_ =	swait.ge [sflag:s23], $0x1  }
0xa3: {  	[sflag:s23] =	ssyncset.done $0x0  }
0xa4: {  	s25 =	simm.s32 $0x1B8E;
	s24 =	sld [smem:$0x3FFE];
	[sflag:s23] =	ssyncadd.s32 $0xFFFFFFFF  }
0xa5: {  	s26 =	simm.s32 $execute0_lowered;
	[smem:$0x3FD2] =	sst s25  }
0xa6: {  	s4 =	sshll.u32 s26, $0x1;
	_ =	strace $0x80000046;
	[dreg:$0x1] =	wrdreg $0xFFFFFFFF  }
0xa7: {  	s28 =	simm.s32 $_size_execute0_lowered;
	s2 =	sadd.s32 s2, s4;
	[dreg:$0x0] =	wrdreg $0x0  }
0xa8: {  	s4 =	sshll.u32 s28, $0x1;
	[dreg:$0x2] =	wrdreg s2  }
0xa9: {  	[dreg:$0x3] =	wrdreg s4  }
0xaa: {  	[dreg:$0x4] =	wrdreg $0xC0  }
0xab: {  	_ =	task [dreg:s6], $0x5FFFF  }
0xac: {  	[dreg:$0x1] =	wrdreg $0xFFFFFFFF  }
0xad: {  	[dreg:$0x0] =	wrdreg $0x60  }
0xae: {  	[dreg:$0x2] =	wrdreg s24  }
0xaf: {  	[dreg:$0x3] =	wrdreg $0x0  }
0xb0: {  	[dreg:$0x4] =	wrdreg $0x9  }
0xb1: {  	_ =	task.clear_ibuf [dreg:s6], $0x5FFFF;
	_ =	strace $0x90000046  }
0xb2: {  	s29 =	simm.s32 $0x9;
	_ =	strace $0x80000048  }
0xb3: {  	_ =	swait.ge [sflag:s29], $0x1  }
0xb4: {  	[sflag:s29] =	ssyncadd.s32 $0xFFFFFFFF  }
0xb5: {  	_ =	strace $0x90000048  }
0xb6: {  	_ =	sfence  }
0xb7: {  	s30 =	sld [smem:$0x0];
	_ =	sdelay $0x2  }
0xb8: {  	s31 =	sshll.u32 s1, $0xD;
	s1 =	sshrl.u32 s1, $0x2  }
0xb9: {  	s3 =	sand.u32 $0x4000, s31;
	s1 =	sadd.s32 s1, s30  }
0xba: {  	s0 =	sor.u32 s3, s0;
	s1 =	sshll.u32 s1, $0x11  }
0xbb: {  	s0 =	sor.u32 s1, s0  }
0xbc: {  	s0 =	sadd.s32 $0x8F2B, s0  }
0xbd: {  	[sflag:s0] =	ssyncadd.remote.s32 $0x1  }
0xbe: {  	_ =	sfence.sel $0xFFFF  }
0xbf: {  	[dreg:$0x0] =	wrdreg $0xFFFFFFFF;
	(pc) =	sbr.abs _section_cstart, $3  }
0xc0: {  	[dreg:$0x1] =	wrdreg $0xFFFFFFFF  }
0xc1: {  	_ =	task.clear_ibuf [dreg:s6], $0x2FFFF;
	_ =	strace $0x9FFFFFFF  }
0xc2: {  	(tm) =	ssettm $0x7FFFFFFF  }
0xc3: {  	_ =	shalt  }
tec
execute0_lowered:
.L_overlay_start_1:
0x0: {  	(tag) =	ssettag $0x1  }
0x1: {  	s7 =	rddreg [dreg:$0x0]  }
0x2: {  	s1 =	rddreg [dreg:$0x1]  }
0x3: {  	s0 =	rddreg [dreg:$0x2];
	s3 =	simm.s32 $0x0;
	s2 =	srdreg.scid  }
0x4: {  	s10 =	simm.s32 $0x278;
	s11 =	simm.s32 $0x50;
	s12 =	simm.s32 $0x44F8  }
0x5: {  	s13 =	simm.s32 $0x2F8;
	s14 =	simm.s32 $0x378;
	s15 =	simm.s32 $0x1  }
0x6: {  	s16 =	simm.s32 $0x2;
	s17 =	simm.s32 $0x3;
	s18 =	simm.s32 $0x4  }
0x7: {  	s19 =	simm.s32 $0x3FF8;
	s20 =	simm.s32 $0x4078;
	s21 =	simm.s32 $0x0  }
0x8: {  	[smem:$0x7FF] =	sst s3;
	s4 =	sand.u32 $0x1, s2;
	s2 =	stileid.u32  }
0x9: {  	s5 =	sshll.u32 s4, $0xB;
	s6 =	ssub.s32 $0x2, s4;
	s8 =	smul.u32 $0x280, s2  }
0xa: {  	_ =	strace $0x80000047;
	s31 =	sshll.u32 s2, $0xC;
	s9 =	sshrl.u32 s6, $0x1  }
0xb: {  	p0 =	seq.s32 s4, $0x1;
	s5 =	sadd.s32 s5, s7;
	s6 =	ssub.s32 s6, s9  }
0xc: {  	s8 =	smin.u32 s8, $0x2490;
	s5 =	sadd.s32 s31, s5;
	s9 =	simm.s32 $0x27200  }
0xd: {  	s4 =	sadd.s32 s8, s1;
	s5 =	sadd.s32 $0x16C00, s5;
	s9 =	simm.s32 @!p0 $0x26C00  }
0xe: {  	s8 =	sshrl.u32 s8, $0x3;
	s6 =	smax.u32 s6, $0x1;
	s7 =	sadd.s32 s9, s7  }
0xf: {  	v0 =	vimm.f32 $0.0e+00;
	v1 =	vimm.f32 $1.000000000e+00;
	s9 =	simm.s32 $0x5;
	s7 =	sadd.s32 s7, s8;
	s8 =	simm.s32 $0x4278  }
.LBB2_1:
0x10: {  	[tilespmem:$0x4278] =	vst v0  }
0x11: {  	[tilespmem:$0x4288] =	vst v0  }
0x12: {  	[tilespmem:$0x4298] =	vst v0  }
0x13: {  	[tilespmem:$0x42A8] =	vst v0  }
0x14: {  	[tilespmem:$0x42B8] =	vst v0  }
0x15: {  	[tilespmem:$0x42C8] =	vst v0  }
0x16: {  	[tilespmem:$0x42D8] =	vst v0  }
0x17: {  	[tilespmem:$0x42E8] =	vst v0  }
0x18: {  	[tilespmem:$0x42F8] =	vst v0  }
0x19: {  	[tilespmem:$0x4308] =	vst v0  }
0x1a: {  	[tilespmem:$0x4318] =	vst v0  }
0x1b: {  	[tilespmem:$0x4328] =	vst v0  }
0x1c: {  	[tilespmem:$0x4338] =	vst v0  }
0x1d: {  	[tilespmem:$0x4348] =	vst v0  }
0x1e: {  	[tilespmem:$0x4358] =	vst v0  }
0x1f: {  	[tilespmem:$0x4368] =	vst v0  }
0x20: {  	[tilespmem:$0x4378] =	vst v0  }
0x21: {  	[tilespmem:$0x4388] =	vst v0  }
0x22: {  	[tilespmem:$0x4398] =	vst v0  }
0x23: {  	[tilespmem:$0x43A8] =	vst v0  }
0x24: {  	[tilespmem:$0x43B8] =	vst v0  }
0x25: {  	[tilespmem:$0x43C8] =	vst v0  }
0x26: {  	[tilespmem:$0x43D8] =	vst v0  }
0x27: {  	[tilespmem:$0x43E8] =	vst v0  }
0x28: {  	[tilespmem:$0x43F8] =	vst v0  }
0x29: {  	[tilespmem:$0x4408] =	vst v0  }
0x2a: {  	[tilespmem:$0x4418] =	vst v0  }
0x2b: {  	[tilespmem:$0x4428] =	vst v0  }
0x2c: {  	[tilespmem:$0x4438] =	vst v0  }
0x2d: {  	[tilespmem:$0x4448] =	vst v0  }
0x2e: {  	[tilespmem:$0x4458] =	vst v0  }
0x2f: {  	[tilespmem:$0x4468] =	vst v0  }
0x30: {  	[tilespmem:$0x4478] =	vst v0  }
0x31: {  	[tilespmem:$0x4488] =	vst v0  }
0x32: {  	[tilespmem:$0x4498] =	vst v0  }
0x33: {  	[tilespmem:$0x44A8] =	vst v0  }
0x34: {  	[tilespmem:$0x44B8] =	vst v0  }
0x35: {  	[tilespmem:$0x44C8] =	vst v0  }
0x36: {  	[tilespmem:$0x44D8] =	vst v0  }
0x37: {  	[tilespmem:$0x44E8] =	vst v0  }
0x38: {  	[tilespmem:$0x44F8] =	vst v1  }
0x39: {  	[tilespmem:$0x4508] =	vst v1  }
0x3a: {  	[tilespmem:$0x4518] =	vst v1  }
0x3b: {  	[tilespmem:$0x4528] =	vst v1  }
0x3c: {  	[tilespmem:$0x4538] =	vst v1  }
0x3d: {  	[spmem:s4] =	stream.linear.scatter [tilespmem:s8], [sflag:$0x5], $0x280, $0x38;
	[tilespmem:$0x4578] =	vst v63  }
0x3e: {  	_ =	swait.ge [sflag:s9], $0x280  }
0x3f: {  	[sflag:s9] =	ssyncset.done $0x0  }
0x40: {  	[sflag:s9] =	ssyncadd.s32 $0xFFFFFD80  }
0x41: {  	[tilespmem:s10], [sflag:$0x5] =	stream.linear.gather [hbm4b:s5+s3], $0x3E80, $0x38;
	[tilespmem:$0x4578] =	vst v63  }
0x42: {  	_ =	swait.ge [sflag:s9], $0x3E80  }
0x43: {  	[sflag:s9] =	ssyncset.done $0x0  }
0x44: {  	[sflag:s9] =	ssyncadd.s32 $0xFFFFC180  }
0x45: {  	[bflag:$0x0] =	sbarrier.arrive $0xFFFF  }
0x46: {  	[spmem:s1] =	stream.indirect.scatter.add.f32 [tilespmem:s12], [sflag:$0x1], $0x1, s10, s11, $0xb8;
	[tilespmem:$0x4578] =	vst v63  }
0x47: {  	_ = 	snop  }
0x48: {  	[spmem:s1] =	stream.indirect.scatter.add.f32 [tilespmem:s12], [sflag:$0x2], $0x1, s13, s11, $0xb8;
	[tilespmem:$0x4578] =	vst v63  }
0x49: {  	_ = 	snop  }
0x4a: {  	[spmem:s1] =	stream.indirect.scatter.add.f32 [tilespmem:s12], [sflag:$0x3], $0x1, s14, s11, $0xb8;
	[tilespmem:$0x4578] =	vst v63  }
0x4b: {  	s22 =	simm.s32 $0x3F8  }
0x4c: {  	[spmem:s1] =	stream.indirect.scatter.add.f32 [tilespmem:s12], [sflag:$0x4], $0x1, s22, s11, $0xb8;
	[tilespmem:$0x4578] =	vst v63  }
0x4d: {  	_ =	swait.ge [sflag:s15], $0x50  }
0x4e: {  	[sflag:s15] =	ssyncset.done $0x0  }
0x4f: {  	s29 =	simm.s32 $0x478;
	[sflag:s15] =	ssyncadd.s32 $0xFFFFFFB0  }
0x50: {  	[spmem:s1] =	stream.indirect.scatter.add.f32 [tilespmem:s12], [sflag:$0x1], $0x1, s29, s11, $0xb8;
	[tilespmem:$0x4578] =	vst v63  }
0x51: {  	_ =	swait.ge [sflag:s16], $0x50  }
0x52: {  	[sflag:s16] =	ssyncset.done $0x0  }
0x53: {  	s30 =	simm.s32 $0x4F8;
	[sflag:s16] =	ssyncadd.s32 $0xFFFFFFB0  }
0x54: {  	[spmem:s1] =	stream.indirect.scatter.add.f32 [tilespmem:s12], [sflag:$0x2], $0x1, s30, s11, $0xb8;
	[tilespmem:$0x4578] =	vst v63  }
0x55: {  	_ =	swait.ge [sflag:s17], $0x50  }
0x56: {  	[sflag:s17] =	ssyncset.done $0x0  }
0x57: {  	s31 =	simm.s32 $0x578;
	[sflag:s17] =	ssyncadd.s32 $0xFFFFFFB0  }
0x58: {  	[spmem:s1] =	stream.indirect.scatter.add.f32 [tilespmem:s12], [sflag:$0x3], $0x1, s31, s11, $0xb8;
	[tilespmem:$0x4578] =	vst v63  }
0x59: {  	_ =	swait.ge [sflag:s18], $0x50  }
0x5a: {  	s23 =	simm.s32 $0xFFFF2000;
	s22 =	simm.s32 $0xFFFFC600;
	[sflag:s18] =	ssyncset.done $0x0  }
.LBB2_2:
0x5b: {  	s24 =	sadd.s32 $0x3FF8, s22  }
0x5c: {  	[sflag:s18] =	ssyncadd.s32 $0xFFFFFFB0;
	s25 =	smov.u32 s23;
	s26 =	sadd.s32 $0x800, s23  }
0x5d: {  	[spmem:s1] =	stream.indirect.scatter.add.f32 [tilespmem:s12], [sflag:$0x4], $0x1, s24, s11, $0xb8;
	[tilespmem:$0x4578] =	vst v63  }
0x5e: {  	p0 =	sne.s32 s23, $0xFFFFF800;
	_ =	swait.ge [sflag:s15], $0x50  }
0x5f: {  	[sflag:s15] =	ssyncset.done $0x0  }
0x60: {  	s23 =	sadd.s32 $0x4078, s22;
	[sflag:s15] =	ssyncadd.s32 $0xFFFFFFB0  }
0x61: {  	[spmem:s1] =	stream.indirect.scatter.add.f32 [tilespmem:s12], [sflag:$0x1], $0x1, s23, s11, $0xb8;
	[tilespmem:$0x4578] =	vst v63  }
0x62: {  	_ =	swait.ge [sflag:s16], $0x50  }
0x63: {  	[sflag:s16] =	ssyncset.done $0x0  }
0x64: {  	s23 =	sadd.s32 $0x40F8, s22;
	[sflag:s16] =	ssyncadd.s32 $0xFFFFFFB0  }
0x65: {  	[spmem:s1] =	stream.indirect.scatter.add.f32 [tilespmem:s12], [sflag:$0x2], $0x1, s23, s11, $0xb8;
	[tilespmem:$0x4578] =	vst v63  }
0x66: {  	_ =	swait.ge [sflag:s17], $0x50  }
.Ltmp0:
0x67: {  	[sflag:s17] =	ssyncset.done $0x0;
	(pc) =	sbr.rel @p0 .LBB2_2-.Ltmp0, $4  }
0x68: {  	s22 =	sadd.s32 $0x4178, s22;
	[sflag:s17] =	ssyncadd.s32 $0xFFFFFFB0  }
0x69: {  	[spmem:s1] =	stream.indirect.scatter.add.f32 [tilespmem:s12], [sflag:$0x3], $0x1, s22, s11, $0xb8;
	[tilespmem:$0x4578] =	vst v63  }
0x6a: {  	_ =	swait.ge [sflag:s18], $0x50  }
0x6b: {  	s23 =	smov.u32 s26;
	s22 =	sshra.s32 s25, $0x2;
	[sflag:s18] =	ssyncset.done $0x0  }
0x6c: {  	s23 =	sadd.s32 $0x3FF8, s22;
	[sflag:s18] =	ssyncadd.s32 $0xFFFFFFB0  }
0x6d: {  	[spmem:s1] =	stream.indirect.scatter.add.f32 [tilespmem:s12], [sflag:$0x4], $0x1, s23, s11, $0xb8;
	[tilespmem:$0x4578] =	vst v63  }
0x6e: {  	_ =	swait.ge [sflag:s15], $0x50  }
0x6f: {  	[sflag:s15] =	ssyncset.done $0x0  }
0x70: {  	s29 =	sadd.s32 $0x4078, s22;
	[sflag:s15] =	ssyncadd.s32 $0xFFFFFFB0  }
0x71: {  	[spmem:s1] =	stream.indirect.scatter.add.f32 [tilespmem:s12], [sflag:$0x1], $0x1, s29, s11, $0xb8;
	[tilespmem:$0x4578] =	vst v63  }
0x72: {  	_ =	swait.ge [sflag:s16], $0x50  }
0x73: {  	[sflag:s16] =	ssyncset.done $0x0  }
0x74: {  	s30 =	sadd.s32 $0x40F8, s22;
	[sflag:s16] =	ssyncadd.s32 $0xFFFFFFB0  }
0x75: {  	[spmem:s1] =	stream.indirect.scatter.add.f32 [tilespmem:s12], [sflag:$0x2], $0x1, s30, s11, $0xb8;
	[tilespmem:$0x4578] =	vst v63  }
0x76: {  	_ =	swait.ge [sflag:s17], $0x50  }
0x77: {  	[sflag:s17] =	ssyncset.done $0x0  }
0x78: {  	s31 =	sadd.s32 $0x4178, s22;
	[sflag:s17] =	ssyncadd.s32 $0xFFFFFFB0  }
0x79: {  	[spmem:s1] =	stream.indirect.scatter.add.f32 [tilespmem:s12], [sflag:$0x3], $0x1, s31, s11, $0xb8;
	[tilespmem:$0x4578] =	vst v63  }
0x7a: {  	_ =	swait.ge [sflag:s18], $0x50  }
0x7b: {  	[sflag:s18] =	ssyncset.done $0x0  }
0x7c: {  	[sflag:s18] =	ssyncadd.s32 $0xFFFFFFB0  }
0x7d: {  	[spmem:s1] =	stream.indirect.scatter.add.f32 [tilespmem:s12], [sflag:$0x4], $0x1, s19, s11, $0xb8;
	[tilespmem:$0x4578] =	vst v63  }
0x7e: {  	_ =	swait.ge [sflag:s15], $0x50  }
0x7f: {  	[sflag:s15] =	ssyncset.done $0x0  }
0x80: {  	[sflag:s15] =	ssyncadd.s32 $0xFFFFFFB0  }
0x81: {  	[spmem:s1] =	stream.indirect.scatter.add.f32 [tilespmem:s12], [sflag:$0x1], $0x1, s20, s11, $0xb8;
	[tilespmem:$0x4578] =	vst v63  }
0x82: {  	_ =	swait.ge [sflag:s16], $0x50  }
0x83: {  	[sflag:s16] =	ssyncset.done $0x0  }
0x84: {  	[sflag:s16] =	ssyncadd.s32 $0xFFFFFFB0  }
0x85: {  	_ =	swait.ge [sflag:s17], $0x50  }
0x86: {  	[sflag:s17] =	ssyncset.done $0x0  }
0x87: {  	[sflag:s17] =	ssyncadd.s32 $0xFFFFFFB0  }
0x88: {  	_ =	swait.ge [sflag:s18], $0x50  }
0x89: {  	[sflag:s18] =	ssyncset.done $0x0  }
0x8a: {  	[sflag:s18] =	ssyncadd.s32 $0xFFFFFFB0  }
0x8b: {  	_ =	swait.ge [sflag:s15], $0x50  }
0x8c: {  	[sflag:s15] =	ssyncset.done $0x0  }
0x8d: {  	[sflag:s15] =	ssyncadd.s32 $0xFFFFFFB0  }
0x8e: {  	[bflag:$0x0] =	sbarrier.arrive $0xFFFF  }
0x8f: {  	[tilespmem:s8], [sflag:$0x5] =	stream.linear.gather [spmem:s4], $0x280, $0x38;
	[tilespmem:$0x4578] =	vst v63  }
0x90: {  	s21 =	sadd.s32 $0x1, s21;
	_ =	swait.ge [sflag:s9], $0x280  }
0x91: {  	p0 =	sne.s32 s21, s6;
	[sflag:s9] =	ssyncset.done $0x0  }
.Ltmp1:
0x92: {  	[sflag:s9] =	ssyncadd.s32 $0xFFFFFD80;
	(pc) =	sbr.rel @p0 .LBB2_1-.Ltmp1, $4  }
0x93: {  	[hbm4b:s7+s3] =	stream.linear.scatter [tilespmem:s8], [sflag:$0x5], $0x280, $0x38;
	[tilespmem:$0x4578] =	vst v63  }
0x94: {  	_ =	swait.ge [sflag:s9], $0x280  }
0x95: {  	[sflag:s9] =	ssyncset.done $0x0  }
0x96: {  	[sflag:s9] =	ssyncadd.s32 $0xFFFFFD80  }
0x97: {  	_ =	sfence.sel $0x180000  }
0x98: {  	[bflag:$0x0] =	sbarrier.arrive $0xFFFF  }
0x99: {  	p0 =	sne.s32 s2, $0x0;
	_ =	strace $0x90000047  }
0x9a: {  	s0 =	sadd.s32 @!p0 $0x100000, s0;
	[bflag:$0x2] =	sbarrier.arrive $0xFFFF  }
0x9b: {  	[sflag:s0] =	ssyncadd.tile.s32 @!p0 $0x1;
	_ =	shalt  }
.Lfunc_end2:
_tile_overlayer_lowered:
.L_overlay_start_2:
0x9c: {  	(tag) =	ssettag $0x2  }
0x9d: {  	s0 =	rddreg [dreg:$0x0];
	s2 =	stileid.u32  }
0x9e: {  	s1 =	rddreg [dreg:$0x1];
	p0 =	sne.s32 s2, $0x0  }
0x9f: {  	s3 =	rddreg [dreg:$0x2];
	[bflag:$0x3] =	sbarrier.arrive $0xFFFF;
	s2 =	simm.s32 @!p0 $0x1C05  }
0xa0: {  	[timem:s3], [sflag:s2] =	dma.local @!p0 [hbm:s0], s1  }
0xa1: {  	s0 =	simm.s32 @!p0 $0x5  }
0xa2: {  	_ =	swait.ge @!p0 [sflag:s0], s1  }
0xa3: {  	s1 =	ssub.s32 @!p0 $0x0, s1;
	[sflag:s0] =	ssyncset.done @!p0 $0x0  }
0xa4: {  	[sflag:s0] =	ssyncadd.s32 @!p0 s1  }
0xa5: {  	[bflag:$0x3] =	sbarrier.arrive $0xFFFF  }
0xa6: {  	_ =	shalt  }

</sc_bundles>
